<compile_context>
chip_gen: v7x
topology: tpu7x:2x2x1
jax: 0.10.2.dev20260603
libtpu: 0.0.44.dev20260713+nightly
codegen_flags: <defaults>
</compile_context>

<pallas_src>
import functools

import jax
import jax.numpy as jnp
from jax import lax
from jax.experimental import pallas as pl
from jax.experimental.pallas import tpu as pltpu
from jax.experimental.pallas import tpu_sc as plsc

_N = 10000
_E = 40000
_IN = 128
_HID = 32
_OUT = 128

_EP = 40960
_EPH = _EP // 2
_NW = 32
_CHUNK = 128
_JA = 9
_JB = 1
_SCH = _EPH // (_NW * _CHUNK)
_PER_W = _EPH // _NW
_NP = 10112
_ROWS_W = _NP // 16
_MCOLS = 128

_BE = 2560
_BN = 400
_GCOLS = 33 * _HID


def _sc_gather(src_a, src_b, x):
  mesh = plsc.VectorSubcoreMesh(core_axis_name="c", subcore_axis_name="s")

  @functools.partial(
      pl.kernel,
      mesh=mesh,
      out_type=jax.ShapeDtypeStruct((_EPH, _IN), jnp.float32),
      scratch_types=[
          pltpu.VMEM((_JA, _CHUNK), jnp.int32),
          pltpu.VMEM((_JB, _CHUNK), jnp.int32),
          pltpu.VMEM((2, _CHUNK, _IN), jnp.float32),
          pltpu.SemaphoreType.DMA,
          pltpu.SemaphoreType.DMA,
      ],
  )
  def k(srca_hbm, srcb_hbm, x_hbm, out_hbm, idxa_v, idxb_v, rows_v,
        gsem, wsem):
    c = lax.axis_index("c")
    s = lax.axis_index("s")

    def run(idx_v, nch, base):
      gathers = [None] * nch
      writes = [None] * nch
      gathers[0] = pltpu.async_copy(x_hbm.at[idx_v.at[0]], rows_v.at[0], gsem)
      for j in range(nch):
        gathers[j].wait()
        if j >= 1:
          writes[j - 1].wait()
        if j + 1 < nch:
          gathers[j + 1] = pltpu.async_copy(
              x_hbm.at[idx_v.at[j + 1]], rows_v.at[(j + 1) % 2], gsem)
        writes[j] = pltpu.async_copy(
            rows_v.at[j % 2], out_hbm.at[pl.ds(base + j * _CHUNK, _CHUNK)],
            wsem)
      writes[nch - 1].wait()

    @pl.when(c == 0)
    def _():
      pltpu.sync_copy(srca_hbm.at[s], idxa_v)
      run(idxa_v, _JA, s * _JA * _CHUNK)

    @pl.when(c == 1)
    def _():
      pltpu.sync_copy(srcb_hbm.at[s], idxb_v)
      run(idxb_v, _JB, (16 * _JA + s * _JB) * _CHUNK)

  return k(src_a, src_b, x)


def _sc_scatter(dst_h, msg, zer):
  mesh = plsc.VectorSubcoreMesh(core_axis_name="c", subcore_axis_name="s")

  @functools.partial(
      pl.kernel,
      mesh=mesh,
      out_type=jax.ShapeDtypeStruct((2, _NP, _MCOLS), jnp.float32),
      scratch_types=[
          pltpu.VMEM((_SCH, _CHUNK), jnp.int32),
          pltpu.VMEM((2, _CHUNK, _MCOLS), jnp.float32),
          pltpu.VMEM_SHARED((_NP, _MCOLS), jnp.float32),
          pltpu.SemaphoreType.DMA,
      ],
  )
  def k(dst_hbm, msg_hbm, zer_hbm, out_hbm, idx_v, msg_v, agg_sh, lsem):
    c = lax.axis_index("c")
    s = lax.axis_index("s")
    wid = s * 2 + c
    loads = [None] * _SCH
    loads[0] = pltpu.async_copy(
        msg_hbm.at[pl.ds(wid * _PER_W, _CHUNK)], msg_v.at[0], lsem)
    pltpu.sync_copy(zer_hbm.at[pl.ds(s * _ROWS_W, _ROWS_W)],
                    agg_sh.at[pl.ds(s * _ROWS_W, _ROWS_W)])
    pltpu.sync_copy(dst_hbm.at[wid], idx_v)
    plsc.subcore_barrier()
    for j in range(_SCH):
      loads[j].wait()
      if j + 1 < _SCH:
        loads[j + 1] = pltpu.async_copy(
            msg_hbm.at[pl.ds(wid * _PER_W + (j + 1) * _CHUNK, _CHUNK)],
            msg_v.at[(j + 1) % 2], lsem)
      pltpu.sync_copy(msg_v.at[j % 2], agg_sh.at[idx_v.at[j]], add=True)
    plsc.subcore_barrier()
    pltpu.sync_copy(agg_sh.at[pl.ds(s * _ROWS_W, _ROWS_W)],
                    out_hbm.at[c].at[pl.ds(s * _ROWS_W, _ROWS_W)])

  return k(dst_h, msg, zer)


def _msg_body(xj_ref, ea_ref, w1_ref, b1_ref, w2_ref, r_ref, s_ref, out_ref):
  xj = xj_ref[...]
  ea = ea_ref[...]
  h = jnp.maximum(
      jnp.dot(ea, w1_ref[...], preferred_element_type=jnp.float32)
      + b1_ref[...], 0.0)
  g = jnp.dot(xj, w2_ref[...], preferred_element_type=jnp.float32)
  hb = jnp.dot(h, r_ref[...], preferred_element_type=jnp.float32)
  msg = jnp.dot(g * hb, s_ref[...], preferred_element_type=jnp.float32)
  cnt = (lax.broadcasted_iota(jnp.int32, (_BE, _MCOLS), 1) == _HID)
  out_ref[...] = msg + cnt.astype(jnp.float32)


def _tc_msg(x_j, ea_h, w1aug, b1aug, w2cat, rmat, smat):
  grid = _EPH // _BE
  return pl.pallas_call(
      _msg_body,
      grid=(grid,),
      in_specs=[
          pl.BlockSpec((_BE, _IN), lambda i: (i, 0)),
          pl.BlockSpec((_BE, 3), lambda i: (i, 0)),
          pl.BlockSpec((3, 33), lambda i: (0, 0)),
          pl.BlockSpec((1, 33), lambda i: (0, 0)),
          pl.BlockSpec((_IN, _GCOLS), lambda i: (0, 0)),
          pl.BlockSpec((33, _GCOLS), lambda i: (0, 0)),
          pl.BlockSpec((_GCOLS, _MCOLS), lambda i: (0, 0)),
      ],
      out_specs=pl.BlockSpec((_BE, _MCOLS), lambda i: (i, 0)),
      out_shape=jax.ShapeDtypeStruct((_EPH, _MCOLS), jnp.float32),
  )(x_j, ea_h, w1aug, b1aug, w2cat, rmat, smat)


def _final_body(x_ref, agga_ref, aggb_ref, wr_ref, bc_ref, wfc_ref, bfc_ref,
                out_ref):
  x = x_ref[...]
  a = (agga_ref[0] + agga_ref[1]) + (aggb_ref[0] + aggb_ref[1])
  mean = a[:, :_HID] / jnp.maximum(a[:, _HID:_HID + 1], 1.0)
  conv = (jnp.dot(x, wr_ref[...], preferred_element_type=jnp.float32)
          + mean + bc_ref[...])
  out_ref[...] = (jnp.dot(jnp.maximum(conv, 0.0), wfc_ref[...],
                          preferred_element_type=jnp.float32) + bfc_ref[...])


def _tc_final(x, agg_a, agg_b, w_root, b_conv, wfc, bfc):
  grid = _N // _BN
  agg_spec = pl.BlockSpec((2, _BN, _MCOLS), lambda i: (0, i, 0))
  return pl.pallas_call(
      _final_body,
      grid=(grid,),
      in_specs=[
          pl.BlockSpec((_BN, _IN), lambda i: (i, 0)),
          agg_spec,
          agg_spec,
          pl.BlockSpec((_IN, _HID), lambda i: (0, 0)),
          pl.BlockSpec((1, _HID), lambda i: (0, 0)),
          pl.BlockSpec((_HID, _OUT), lambda i: (0, 0)),
          pl.BlockSpec((1, _OUT), lambda i: (0, 0)),
      ],
      out_specs=pl.BlockSpec((_BN, _OUT), lambda i: (i, 0)),
      out_shape=jax.ShapeDtypeStruct((_N, _OUT), jnp.float32),
  )(x, agg_a, agg_b, w_root, b_conv, wfc, bfc)


def kernel(x, edge_index, edge_attr, W1, b1, W2, b2, W_root, b_conv, Wfc, bfc):
  src = edge_index[0]
  dst = edge_index[1]
  src_p = jnp.pad(src, (0, _EP - _E))
  dst_p = jnp.pad(dst, (0, _EP - _E), constant_values=_N)
  def split_half(half):
    chunks = half.reshape(16 * (_JA + _JB), _CHUNK)
    return (chunks[:16 * _JA].reshape(16, _JA, _CHUNK),
            chunks[16 * _JA:].reshape(16, _JB, _CHUNK))

  src_a0, src_a1 = split_half(src_p[:_EPH])
  src_b0, src_b1 = split_half(src_p[_EPH:])
  dst_a = dst_p[:_EPH].reshape(_NW, _SCH, _CHUNK)
  dst_b = dst_p[_EPH:].reshape(_NW, _SCH, _CHUNK)
  ea_p = jnp.pad(edge_attr, ((0, _EP - _E), (0, 0)))
  w2cat = jnp.concatenate(
      [W2.reshape(_HID, _IN, _HID).transpose(1, 0, 2).reshape(_IN, _HID * _HID),
       b2.reshape(_IN, _HID)], axis=1)
  w1aug = jnp.concatenate([W1, jnp.zeros((3, 1), jnp.float32)], axis=1)
  b1aug = jnp.concatenate([b1, jnp.ones((1,), jnp.float32)]).reshape(1, 33)
  col = jnp.arange(_GCOLS)
  rmat = (col[None, :] // _HID == jnp.arange(33)[:, None]).astype(jnp.float32)
  smat = ((col % _HID)[:, None] == jnp.arange(_MCOLS)[None, :]
          ).astype(jnp.float32)
  zer = jnp.zeros((_NP, _MCOLS), jnp.float32)

  x_ja = _sc_gather(src_a0, src_a1, x)
  x_jb = _sc_gather(src_b0, src_b1, x)
  msg_a = _tc_msg(x_ja, ea_p[:_EPH], w1aug, b1aug, w2cat, rmat, smat)
  msg_b = _tc_msg(x_jb, ea_p[_EPH:], w1aug, b1aug, w2cat, rmat, smat)
  agg_a = _sc_scatter(dst_a, msg_a, zer)
  agg_b = _sc_scatter(dst_b, msg_b, zer)
  return _tc_final(x, agg_a, agg_b, W_root, b_conv.reshape(1, _HID), Wfc,
                   bfc.reshape(1, _OUT))

# --- scband reference (transcript-rebuilt; emitter-appended) ---
"""Pipeline reference for scband-spectral-corel-59614146068911 (READ-ONLY COPY).

The authoritative reference and input builder live on the scoring server;
editing this copy changes nothing except your own understanding.
"""

import jax, jax.numpy as jnp
import numpy as np

N = 10000
E = 40000
IN_DIM = 128
HID = 32
OUT_DIM = 128
EDGE_DIM = 3


def setup_inputs(seed: int = 0) -> dict:
    key = jax.random.key(seed)
    ks = jax.random.split(key, 12)
    x = jax.random.normal(ks[0], (N, IN_DIM), dtype=jnp.float32)
    edge_index = jax.random.randint(ks[1], (2, E), 0, N, dtype=jnp.int32)
    edge_attr = jax.random.uniform(ks[2], (E, EDGE_DIM), dtype=jnp.float32)
    # edge_nn: Linear(3, HID) -> ReLU -> Linear(HID, IN_DIM*HID)
    W1 = jax.random.normal(ks[3], (EDGE_DIM, HID), dtype=jnp.float32) * (1.0 / np.sqrt(EDGE_DIM))
    b1 = jnp.zeros((HID,), dtype=jnp.float32)
    W2 = jax.random.normal(ks[4], (HID, IN_DIM * HID), dtype=jnp.float32) * (1.0 / np.sqrt(HID))
    b2 = jnp.zeros((IN_DIM * HID,), dtype=jnp.float32)
    # NNConv root weight and bias
    W_root = jax.random.normal(ks[5], (IN_DIM, HID), dtype=jnp.float32) * (1.0 / np.sqrt(IN_DIM))
    b_conv = jnp.zeros((HID,), dtype=jnp.float32)
    # final fc: Linear(HID, OUT_DIM)
    Wfc = jax.random.normal(ks[6], (HID, OUT_DIM), dtype=jnp.float32) * (1.0 / np.sqrt(HID))
    bfc = jnp.zeros((OUT_DIM,), dtype=jnp.float32)
    return {
        "x": x,
        "edge_index": edge_index,
        "edge_attr": edge_attr,
        "W1": W1,
        "b1": b1,
        "W2": W2,
        "b2": b2,
        "W_root": W_root,
        "b_conv": b_conv,
        "Wfc": Wfc,
        "bfc": bfc,
    }


def reference(x, edge_index, edge_attr, W1, b1, W2, b2, W_root, b_conv, Wfc, bfc):
    src = edge_index[0]
    dst = edge_index[1]
    # edge_nn MLP producing per-edge weight matrices [E, IN_DIM, HID]
    h = jax.nn.relu(edge_attr @ W1 + b1)
    theta = (h @ W2 + b2).reshape(-1, IN_DIM, HID)
    # gather source node features and apply per-edge weight (message)
    x_j = jnp.take(x, src, axis=0)
    msg = jnp.einsum("ei,eio->eo", x_j, theta)
    # mean aggregation at destination nodes
    agg_sum = jax.ops.segment_sum(msg, dst, num_segments=N)
    cnt = jax.ops.segment_sum(jnp.ones((msg.shape[0],), dtype=jnp.float32), dst, num_segments=N)
    agg = agg_sum / jnp.maximum(cnt, 1.0)[:, None]
    # root transform + bias (PyG NNConv default root_weight=True, bias=True)
    conv_out = x @ W_root + agg + b_conv
    out = jax.nn.relu(conv_out)
    return out @ Wfc + bfc

if __name__ == "__main__":
    import jax
    _d = setup_inputs()
    print(jax.jit(kernel)(*tuple(_d.values())))

</pallas_src>

<mosaic_0001>
#map = affine_map<(d0, d1) -> (0, 0, 0)>
#map1 = affine_map<(d0, d1) -> (0, 0)>
module attributes {stable_mosaic.version = 14 : i64} {
  func.func @k(%arg0: i32, %arg1: i32, %arg2: memref<16x9x128xi32, #tpu.memory_space<hbm>>, %arg3: memref<16x1x128xi32, #tpu.memory_space<hbm>>, %arg4: memref<10000x128xf32, #tpu.memory_space<hbm>>, %arg5: memref<20480x128xf32, #tpu.memory_space<hbm>>, %arg6: memref<9x128xi32, #tpu.memory_space<vmem>>, %arg7: memref<1x128xi32, #tpu.memory_space<vmem>>, %arg8: memref<2x128x128xf32, #tpu.memory_space<vmem>>, %arg9: memref<!tpu.dma_semaphore, #tpu.memory_space<semaphore_mem>>, %arg10: memref<!tpu.dma_semaphore, #tpu.memory_space<semaphore_mem>>) attributes {dimension_semantics = [#tpu.dimension_semantics<core_parallel>, #tpu.dimension_semantics<subcore_parallel>], iteration_bounds = array<i64: 2, 16>, scalar_prefetch = 0 : i64, scratch_operands = 5 : i64, tpu.core_type = #tpu.core_type<sc_vector_subcore>, window_params = [{transform_indices = #map}, {transform_indices = #map}, {transform_indices = #map1}, {transform_indices = #map1}]} {
    %eq3A = arith.constant 0 : i32
    %eq3A_0 = arith.cmpi eq, %arg0, %eq3A : i32
    %convert_element_type3A = arith.extui %eq3A_0 : i1 to i32
    %cond3A = arith.constant 0 : i32
    %cond3A_1 = arith.cmpi ne, %convert_element_type3A, %cond3A : i32
    scf.if %cond3A_1 {
      "tpu.region"() ({
        %run_scoped3A = tpu.sem_alloc : memref<!tpu.dma_semaphore, #tpu.memory_space<semaphore_mem>>
        %dma_start3A_475 = arith.constant 0 : i32
        %dma_start3A_476 = arith.constant 0 : i32
        %dma_start3A_477 = tpu.memref_slice %arg2[%arg1, %dma_start3A_475, %dma_start3A_476] : memref<16x9x128xi32, #tpu.memory_space<hbm>> -> memref<1x9x128xi32, #tpu.memory_space<hbm>>
        %dma_start3A_478 = tpu.memref_squeeze %dma_start3A_477 : memref<1x9x128xi32, #tpu.memory_space<hbm>> -> memref<9x128xi32, #tpu.memory_space<hbm>>
        %dma_start3A_479 = arith.constant 0 : i32
        %dma_start3A_480 = arith.constant 0 : i32
        %dma_start3A_481 = tpu.memref_slice %arg2[%arg1, %dma_start3A_479, %dma_start3A_480] : memref<16x9x128xi32, #tpu.memory_space<hbm>> -> memref<1x9x128xi32, #tpu.memory_space<hbm>>
        %dma_start3A_482 = tpu.memref_squeeze %dma_start3A_481 : memref<1x9x128xi32, #tpu.memory_space<hbm>> -> memref<9x128xi32, #tpu.memory_space<hbm>>
        tpu.enqueue_dma source(%dma_start3A_482 : memref<9x128xi32, #tpu.memory_space<hbm>>) target(%arg6 : memref<9x128xi32, #tpu.memory_space<vmem>>) target_semaphore(%run_scoped3A : memref<!tpu.dma_semaphore, #tpu.memory_space<semaphore_mem>>)
        %dma_wait3A_483 = arith.constant 0 : i32
        %dma_wait3A_484 = arith.constant 0 : i32
        %dma_wait3A_485 = tpu.memref_slice %arg2[%arg1, %dma_wait3A_483, %dma_wait3A_484] : memref<16x9x128xi32, #tpu.memory_space<hbm>> -> memref<1x9x128xi32, #tpu.memory_space<hbm>>
        %dma_wait3A_486 = tpu.memref_squeeze %dma_wait3A_485 : memref<1x9x128xi32, #tpu.memory_space<hbm>> -> memref<9x128xi32, #tpu.memory_space<hbm>>
        %dma_wait3A_487 = arith.constant 0 : i32
        %dma_wait3A_488 = arith.constant 0 : i32
        %dma_wait3A_489 = tpu.memref_slice %arg2[%arg1, %dma_wait3A_487, %dma_wait3A_488] : memref<16x9x128xi32, #tpu.memory_space<hbm>> -> memref<1x9x128xi32, #tpu.memory_space<hbm>>
        %dma_wait3A_490 = tpu.memref_squeeze %dma_wait3A_489 : memref<1x9x128xi32, #tpu.memory_space<hbm>> -> memref<9x128xi32, #tpu.memory_space<hbm>>
        tpu.wait_dma2 semaphore(%run_scoped3A : memref<!tpu.dma_semaphore, #tpu.memory_space<semaphore_mem>>) src(%dma_wait3A_490 : memref<9x128xi32, #tpu.memory_space<hbm>>) dst(%arg6 : memref<9x128xi32, #tpu.memory_space<vmem>>)
        tpu.yield
      }) : () -> ()
      %mul3A = arith.constant 9 : i32
      %mul3A_7 = arith.muli %arg1, %mul3A : i32
      %mul3A_8 = arith.constant 128 : i32
      %mul3A_9 = arith.muli %mul3A_7, %mul3A_8 : i32
      %dma_start3A = arith.constant 0 : i32
      %dma_start3A_10 = arith.constant 0 : i32
      %dma_start3A_11 = arith.constant 0 : i32
      %dma_start3A_12 = arith.constant 0 : i32
      %dma_start3A_13 = tpu.memref_slice %arg8[%dma_start3A_10, %dma_start3A_11, %dma_start3A_12] : memref<2x128x128xf32, #tpu.memory_space<vmem>> -> memref<1x128x128xf32, #tpu.memory_space<vmem>>
      %dma_start3A_14 = tpu.memref_squeeze %dma_start3A_13 : memref<1x128x128xf32, #tpu.memory_space<vmem>> -> memref<128x128xf32, #tpu.memory_space<vmem>>
      %dma_start3A_15 = arith.constant 0 : i32
      %dma_start3A_16 = tpu.memref_slice %arg6[%dma_start3A, %dma_start3A_15] : memref<9x128xi32, #tpu.memory_space<vmem>> -> memref<1x128xi32, #tpu.memory_space<vmem>>
      %dma_start3A_17 = tpu.memref_squeeze %dma_start3A_16 : memref<1x128xi32, #tpu.memory_space<vmem>> -> memref<128xi32, #tpu.memory_space<vmem>>
      %dma_start3A_18 = arith.constant 0 : i32
      %dma_start3A_19 = arith.constant 0 : i32
      %dma_start3A_20 = tpu.memref_slice %arg4[%dma_start3A_18, %dma_start3A_19] : memref<10000x128xf32, #tpu.memory_space<hbm>> -> memref<10000x128xf32, #tpu.memory_space<hbm>>
      tpu.enqueue_indirect_dma source(%dma_start3A_20 : memref<10000x128xf32, #tpu.memory_space<hbm>>) target(%dma_start3A_14 : memref<128x128xf32, #tpu.memory_space<vmem>>) offsets(%dma_start3A_17 : memref<128xi32, #tpu.memory_space<vmem>>) semaphore(%arg9 : memref<!tpu.dma_semaphore, #tpu.memory_space<semaphore_mem>>)
      %dma_wait3A = arith.constant 0 : i32
      %dma_wait3A_21 = arith.constant 0 : i32
      %dma_wait3A_22 = arith.constant 0 : i32
      %dma_wait3A_23 = arith.constant 0 : i32
      %dma_wait3A_24 = tpu.memref_slice %arg8[%dma_wait3A_21, %dma_wait3A_22, %dma_wait3A_23] : memref<2x128x128xf32, #tpu.memory_space<vmem>> -> memref<1x128x128xf32, #tpu.memory_space<vmem>>
      %dma_wait3A_25 = tpu.memref_squeeze %dma_wait3A_24 : memref<1x128x128xf32, #tpu.memory_space<vmem>> -> memref<128x128xf32, #tpu.memory_space<vmem>>
      %dma_wait3A_26 = arith.constant 0 : i32
      %dma_wait3A_27 = tpu.memref_slice %arg6[%dma_wait3A, %dma_wait3A_26] : memref<9x128xi32, #tpu.memory_space<vmem>> -> memref<1x128xi32, #tpu.memory_space<vmem>>
      %dma_wait3A_28 = tpu.memref_squeeze %dma_wait3A_27 : memref<1x128xi32, #tpu.memory_space<vmem>> -> memref<128xi32, #tpu.memory_space<vmem>>
      %dma_wait3A_29 = arith.constant 0 : i32
      %dma_wait3A_30 = arith.constant 0 : i32
      %dma_wait3A_31 = tpu.memref_slice %arg4[%dma_wait3A_29, %dma_wait3A_30] : memref<10000x128xf32, #tpu.memory_space<hbm>> -> memref<10000x128xf32, #tpu.memory_space<hbm>>
      tpu.wait_indirect_dma semaphore(%arg9 : memref<!tpu.dma_semaphore, #tpu.memory_space<semaphore_mem>>) src(%dma_wait3A_31 : memref<10000x128xf32, #tpu.memory_space<hbm>>) dst(%dma_wait3A_25 : memref<128x128xf32, #tpu.memory_space<vmem>>)
      %dma_start3A_32 = arith.constant 1 : i32
      %dma_start3A_33 = arith.constant 1 : i32
      %dma_start3A_34 = arith.constant 0 : i32
      %dma_start3A_35 = arith.constant 0 : i32
      %dma_start3A_36 = tpu.memref_slice %arg8[%dma_start3A_33, %dma_start3A_34, %dma_start3A_35] : memref<2x128x128xf32, #tpu.memory_space<vmem>> -> memref<1x128x128xf32, #tpu.memory_space<vmem>>
      %dma_start3A_37 = tpu.memref_squeeze %dma_start3A_36 : memref<1x128x128xf32, #tpu.memory_space<vmem>> -> memref<128x128xf32, #tpu.memory_space<vmem>>
      %dma_start3A_38 = arith.constant 0 : i32
      %dma_start3A_39 = tpu.memref_slice %arg6[%dma_start3A_32, %dma_start3A_38] : memref<9x128xi32, #tpu.memory_space<vmem>> -> memref<1x128xi32, #tpu.memory_space<vmem>>
      %dma_start3A_40 = tpu.memref_squeeze %dma_start3A_39 : memref<1x128xi32, #tpu.memory_space<vmem>> -> memref<128xi32, #tpu.memory_space<vmem>>
      %dma_start3A_41 = arith.constant 0 : i32
      %dma_start3A_42 = arith.constant 0 : i32
      %dma_start3A_43 = tpu.memref_slice %arg4[%dma_start3A_41, %dma_start3A_42] : memref<10000x128xf32, #tpu.memory_space<hbm>> -> memref<10000x128xf32, #tpu.memory_space<hbm>>
      tpu.enqueue_indirect_dma source(%dma_start3A_43 : memref<10000x128xf32, #tpu.memory_space<hbm>>) target(%dma_start3A_37 : memref<128x128xf32, #tpu.memory_space<vmem>>) offsets(%dma_start3A_40 : memref<128xi32, #tpu.memory_space<vmem>>) semaphore(%arg9 : memref<!tpu.dma_semaphore, #tpu.memory_space<semaphore_mem>>)
      %add3A = arith.constant 0 : i32
      %add3A_44 = arith.addi %mul3A_9, %add3A : i32
      %dma_start3A_45 = arith.constant 0 : i32
      %dma_start3A_46 = arith.constant 0 : i32
      %dma_start3A_47 = arith.constant 0 : i32
      %dma_start3A_48 = tpu.memref_slice %arg8[%dma_start3A_45, %dma_start3A_46, %dma_start3A_47] : memref<2x128x128xf32, #tpu.memory_space<vmem>> -> memref<1x128x128xf32, #tpu.memory_space<vmem>>
      %dma_start3A_49 = tpu.memref_squeeze %dma_start3A_48 : memref<1x128x128xf32, #tpu.memory_space<vmem>> -> memref<128x128xf32, #tpu.memory_space<vmem>>
      %dma_start3A_50 = arith.constant 0 : i32
      %dma_start3A_51 = tpu.memref_slice %arg5[%add3A_44, %dma_start3A_50] : memref<20480x128xf32, #tpu.memory_space<hbm>> -> memref<128x128xf32, #tpu.memory_space<hbm>>
      %dma_start3A_52 = arith.constant 0 : i32
      %dma_start3A_53 = tpu.memref_slice %arg5[%add3A_44, %dma_start3A_52] : memref<20480x128xf32, #tpu.memory_space<hbm>> -> memref<128x128xf32, #tpu.memory_space<hbm>>
      %dma_start3A_54 = arith.constant 0 : i32
      %dma_start3A_55 = arith.constant 0 : i32
      %dma_start3A_56 = tpu.memref_slice %arg8[%dma_start3A_45, %dma_start3A_54, %dma_start3A_55] : memref<2x128x128xf32, #tpu.memory_space<vmem>> -> memref<1x128x128xf32, #tpu.memory_space<vmem>>
      %dma_start3A_57 = tpu.memref_squeeze %dma_start3A_56 : memref<1x128x128xf32, #tpu.memory_space<vmem>> -> memref<128x128xf32, #tpu.memory_space<vmem>>
      tpu.enqueue_dma source(%dma_start3A_57 : memref<128x128xf32, #tpu.memory_space<vmem>>) target(%dma_start3A_53 : memref<128x128xf32, #tpu.memory_space<hbm>>) target_semaphore(%arg10 : memref<!tpu.dma_semaphore, #tpu.memory_space<semaphore_mem>>)
      %dma_wait3A_58 = arith.constant 1 : i32
      %dma_wait3A_59 = arith.constant 1 : i32
      %dma_wait3A_60 = arith.constant 0 : i32
      %dma_wait3A_61 = arith.constant 0 : i32
      %dma_wait3A_62 = tpu.memref_slice %arg8[%dma_wait3A_59, %dma_wait3A_60, %dma_wait3A_61] : memref<2x128x128xf32, #tpu.memory_space<vmem>> -> memref<1x128x128xf32, #tpu.memory_space<vmem>>
      %dma_wait3A_63 = tpu.memref_squeeze %dma_wait3A_62 : memref<1x128x128xf32, #tpu.memory_space<vmem>> -> memref<128x128xf32, #tpu.memory_space<vmem>>
      %dma_wait3A_64 = arith.constant 0 : i32
      %dma_wait3A_65 = tpu.memref_slice %arg6[%dma_wait3A_58, %dma_wait3A_64] : memref<9x128xi32, #tpu.memory_space<vmem>> -> memref<1x128xi32, #tpu.memory_space<vmem>>
      %dma_wait3A_66 = tpu.memref_squeeze %dma_wait3A_65 : memref<1x128xi32, #tpu.memory_space<vmem>> -> memref<128xi32, #tpu.memory_space<vmem>>
      %dma_wait3A_67 = arith.constant 0 : i32
      %dma_wait3A_68 = arith.constant 0 : i32
      %dma_wait3A_69 = tpu.memref_slice %arg4[%dma_wait3A_67, %dma_wait3A_68] : memref<10000x128xf32, #tpu.memory_space<hbm>> -> memref<10000x128xf32, #tpu.memory_space<hbm>>
      tpu.wait_indirect_dma semaphore(%arg9 : memref<!tpu.dma_semaphore, #tpu.memory_space<semaphore_mem>>) src(%dma_wait3A_69 : memref<10000x128xf32, #tpu.memory_space<hbm>>) dst(%dma_wait3A_63 : memref<128x128xf32, #tpu.memory_space<vmem>>)
      %dma_wait3A_70 = arith.constant 0 : i32
      %dma_wait3A_71 = arith.constant 0 : i32
      %dma_wait3A_72 = arith.constant 0 : i32
      %dma_wait3A_73 = tpu.memref_slice %arg8[%dma_wait3A_70, %dma_wait3A_71, %dma_wait3A_72] : memref<2x128x128xf32, #tpu.memory_space<vmem>> -> memref<1x128x128xf32, #tpu.memory_space<vmem>>
      %dma_wait3A_74 = tpu.memref_squeeze %dma_wait3A_73 : memref<1x128x128xf32, #tpu.memory_space<vmem>> -> memref<128x128xf32, #tpu.memory_space<vmem>>
      %dma_wait3A_75 = arith.constant 0 : i32
      %dma_wait3A_76 = tpu.memref_slice %arg5[%add3A_44, %dma_wait3A_75] : memref<20480x128xf32, #tpu.memory_space<hbm>> -> memref<128x128xf32, #tpu.memory_space<hbm>>
      %dma_wait3A_77 = arith.constant 0 : i32
      %dma_wait3A_78 = tpu.memref_slice %arg5[%add3A_44, %dma_wait3A_77] : memref<20480x128xf32, #tpu.memory_space<hbm>> -> memref<128x128xf32, #tpu.memory_space<hbm>>
      %dma_wait3A_79 = arith.constant 0 : i32
      %dma_wait3A_80 = arith.constant 0 : i32
      %dma_wait3A_81 = tpu.memref_slice %arg8[%dma_wait3A_70, %dma_wait3A_79, %dma_wait3A_80] : memref<2x128x128xf32, #tpu.memory_space<vmem>> -> memref<1x128x128xf32, #tpu.memory_space<vmem>>
      %dma_wait3A_82 = tpu.memref_squeeze %dma_wait3A_81 : memref<1x128x128xf32, #tpu.memory_space<vmem>> -> memref<128x128xf32, #tpu.memory_space<vmem>>
      tpu.wait_dma2 semaphore(%arg10 : memref<!tpu.dma_semaphore, #tpu.memory_space<semaphore_mem>>) src(%dma_wait3A_82 : memref<128x128xf32, #tpu.memory_space<vmem>>) dst(%dma_wait3A_78 : memref<128x128xf32, #tpu.memory_space<hbm>>)
      %dma_start3A_83 = arith.constant 2 : i32
      %dma_start3A_84 = arith.constant 0 : i32
      %dma_start3A_85 = arith.constant 0 : i32
      %dma_start3A_86 = arith.constant 0 : i32
      %dma_start3A_87 = tpu.memref_slice %arg8[%dma_start3A_84, %dma_start3A_85, %dma_start3A_86] : memref<2x128x128xf32, #tpu.memory_space<vmem>> -> memref<1x128x128xf32, #tpu.memory_space<vmem>>
      %dma_start3A_88 = tpu.memref_squeeze %dma_start3A_87 : memref<1x128x128xf32, #tpu.memory_space<vmem>> -> memref<128x128xf32, #tpu.memory_space<vmem>>
      %dma_start3A_89 = arith.constant 0 : i32
      %dma_start3A_90 = tpu.memref_slice %arg6[%dma_start3A_83, %dma_start3A_89] : memref<9x128xi32, #tpu.memory_space<vmem>> -> memref<1x128xi32, #tpu.memory_space<vmem>>
      %dma_start3A_91 = tpu.memref_squeeze %dma_start3A_90 : memref<1x128xi32, #tpu.memory_space<vmem>> -> memref<128xi32, #tpu.memory_space<vmem>>
      %dma_start3A_92 = arith.constant 0 : i32
      %dma_start3A_93 = arith.constant 0 : i32
      %dma_start3A_94 = tpu.memref_slice %arg4[%dma_start3A_92, %dma_start3A_93] : memref<10000x128xf32, #tpu.memory_space<hbm>> -> memref<10000x128xf32, #tpu.memory_space<hbm>>
      tpu.enqueue_indirect_dma source(%dma_start3A_94 : memref<10000x128xf32, #tpu.memory_space<hbm>>) target(%dma_start3A_88 : memref<128x128xf32, #tpu.memory_space<vmem>>) offsets(%dma_start3A_91 : memref<128xi32, #tpu.memory_space<vmem>>) semaphore(%arg9 : memref<!tpu.dma_semaphore, #tpu.memory_space<semaphore_mem>>)
      %add3A_95 = arith.constant 128 : i32
      %add3A_96 = arith.addi %mul3A_9, %add3A_95 : i32
      %dma_start3A_97 = arith.constant 1 : i32
      %dma_start3A_98 = arith.constant 0 : i32
      %dma_start3A_99 = arith.constant 0 : i32
      %dma_start3A_100 = tpu.memref_slice %arg8[%dma_start3A_97, %dma_start3A_98, %dma_start3A_99] : memref<2x128x128xf32, #tpu.memory_space<vmem>> -> memref<1x128x128xf32, #tpu.memory_space<vmem>>
      %dma_start3A_101 = tpu.memref_squeeze %dma_start3A_100 : memref<1x128x128xf32, #tpu.memory_space<vmem>> -> memref<128x128xf32, #tpu.memory_space<vmem>>
      %dma_start3A_102 = arith.constant 0 : i32
      %dma_start3A_103 = tpu.memref_slice %arg5[%add3A_96, %dma_start3A_102] : memref<20480x128xf32, #tpu.memory_space<hbm>> -> memref<128x128xf32, #tpu.memory_space<hbm>>
      %dma_start3A_104 = arith.constant 0 : i32
      %dma_start3A_105 = tpu.memref_slice %arg5[%add3A_96, %dma_start3A_104] : memref<20480x128xf32, #tpu.memory_space<hbm>> -> memref<128x128xf32, #tpu.memory_space<hbm>>
      %dma_start3A_106 = arith.constant 0 : i32
      %dma_start3A_107 = arith.constant 0 : i32
      %dma_start3A_108 = tpu.memref_slice %arg8[%dma_start3A_97, %dma_start3A_106, %dma_start3A_107] : memref<2x128x128xf32, #tpu.memory_space<vmem>> -> memref<1x128x128xf32, #tpu.memory_space<vmem>>
      %dma_start3A_109 = tpu.memref_squeeze %dma_start3A_108 : memref<1x128x128xf32, #tpu.memory_space<vmem>> -> memref<128x128xf32, #tpu.memory_space<vmem>>
      tpu.enqueue_dma source(%dma_start3A_109 : memref<128x128xf32, #tpu.memory_space<vmem>>) target(%dma_start3A_105 : memref<128x128xf32, #tpu.memory_space<hbm>>) target_semaphore(%arg10 : memref<!tpu.dma_semaphore, #tpu.memory_space<semaphore_mem>>)
      %dma_wait3A_110 = arith.constant 2 : i32
      %dma_wait3A_111 = arith.constant 0 : i32
      %dma_wait3A_112 = arith.constant 0 : i32
      %dma_wait3A_113 = arith.constant 0 : i32
      %dma_wait3A_114 = tpu.memref_slice %arg8[%dma_wait3A_111, %dma_wait3A_112, %dma_wait3A_113] : memref<2x128x128xf32, #tpu.memory_space<vmem>> -> memref<1x128x128xf32, #tpu.memory_space<vmem>>
      %dma_wait3A_115 = tpu.memref_squeeze %dma_wait3A_114 : memref<1x128x128xf32, #tpu.memory_space<vmem>> -> memref<128x128xf32, #tpu.memory_space<vmem>>
      %dma_wait3A_116 = arith.constant 0 : i32
      %dma_wait3A_117 = tpu.memref_slice %arg6[%dma_wait3A_110, %dma_wait3A_116] : memref<9x128xi32, #tpu.memory_space<vmem>> -> memref<1x128xi32, #tpu.memory_space<vmem>>
      %dma_wait3A_118 = tpu.memref_squeeze %dma_wait3A_117 : memref<1x128xi32, #tpu.memory_space<vmem>> -> memref<128xi32, #tpu.memory_space<vmem>>
      %dma_wait3A_119 = arith.constant 0 : i32
      %dma_wait3A_120 = arith.constant 0 : i32
      %dma_wait3A_121 = tpu.memref_slice %arg4[%dma_wait3A_119, %dma_wait3A_120] : memref<10000x128xf32, #tpu.memory_space<hbm>> -> memref<10000x128xf32, #tpu.memory_space<hbm>>
      tpu.wait_indirect_dma semaphore(%arg9 : memref<!tpu.dma_semaphore, #tpu.memory_space<semaphore_mem>>) src(%dma_wait3A_121 : memref<10000x128xf32, #tpu.memory_space<hbm>>) dst(%dma_wait3A_115 : memref<128x128xf32, #tpu.memory_space<vmem>>)
      %dma_wait3A_122 = arith.constant 1 : i32
      %dma_wait3A_123 = arith.constant 0 : i32
      %dma_wait3A_124 = arith.constant 0 : i32
      %dma_wait3A_125 = tpu.memref_slice %arg8[%dma_wait3A_122, %dma_wait3A_123, %dma_wait3A_124] : memref<2x128x128xf32, #tpu.memory_space<vmem>> -> memref<1x128x128xf32, #tpu.memory_space<vmem>>
      %dma_wait3A_126 = tpu.memref_squeeze %dma_wait3A_125 : memref<1x128x128xf32, #tpu.memory_space<vmem>> -> memref<128x128xf32, #tpu.memory_space<vmem>>
      %dma_wait3A_127 = arith.constant 0 : i32
      %dma_wait3A_128 = tpu.memref_slice %arg5[%add3A_96, %dma_wait3A_127] : memref<20480x128xf32, #tpu.memory_space<hbm>> -> memref<128x128xf32, #tpu.memory_space<hbm>>
      %dma_wait3A_129 = arith.constant 0 : i32
      %dma_wait3A_130 = tpu.memref_slice %arg5[%add3A_96, %dma_wait3A_129] : memref<20480x128xf32, #tpu.memory_space<hbm>> -> memref<128x128xf32, #tpu.memory_space<hbm>>
      %dma_wait3A_131 = arith.constant 0 : i32
      %dma_wait3A_132 = arith.constant 0 : i32
      %dma_wait3A_133 = tpu.memref_slice %arg8[%dma_wait3A_122, %dma_wait3A_131, %dma_wait3A_132] : memref<2x128x128xf32, #tpu.memory_space<vmem>> -> memref<1x128x128xf32, #tpu.memory_space<vmem>>
      %dma_wait3A_134 = tpu.memref_squeeze %dma_wait3A_133 : memref<1x128x128xf32, #tpu.memory_space<vmem>> -> memref<128x128xf32, #tpu.memory_space<vmem>>
      tpu.wait_dma2 semaphore(%arg10 : memref<!tpu.dma_semaphore, #tpu.memory_space<semaphore_mem>>) src(%dma_wait3A_134 : memref<128x128xf32, #tpu.memory_space<vmem>>) dst(%dma_wait3A_130 : memref<128x128xf32, #tpu.memory_space<hbm>>)
      %dma_start3A_135 = arith.constant 3 : i32
      %dma_start3A_136 = arith.constant 1 : i32
      %dma_start3A_137 = arith.constant 0 : i32
      %dma_start3A_138 = arith.constant 0 : i32
      %dma_start3A_139 = tpu.memref_slice %arg8[%dma_start3A_136, %dma_start3A_137, %dma_start3A_138] : memref<2x128x128xf32, #tpu.memory_space<vmem>> -> memref<1x128x128xf32, #tpu.memory_space<vmem>>
      %dma_start3A_140 = tpu.memref_squeeze %dma_start3A_139 : memref<1x128x128xf32, #tpu.memory_space<vmem>> -> memref<128x128xf32, #tpu.memory_space<vmem>>
      %dma_start3A_141 = arith.constant 0 : i32
      %dma_start3A_142 = tpu.memref_slice %arg6[%dma_start3A_135, %dma_start3A_141] : memref<9x128xi32, #tpu.memory_space<vmem>> -> memref<1x128xi32, #tpu.memory_space<vmem>>
      %dma_start3A_143 = tpu.memref_squeeze %dma_start3A_142 : memref<1x128xi32, #tpu.memory_space<vmem>> -> memref<128xi32, #tpu.memory_space<vmem>>
      %dma_start3A_144 = arith.constant 0 : i32
      %dma_start3A_145 = arith.constant 0 : i32
      %dma_start3A_146 = tpu.memref_slice %arg4[%dma_start3A_144, %dma_start3A_145] : memref<10000x128xf32, #tpu.memory_space<hbm>> -> memref<10000x128xf32, #tpu.memory_space<hbm>>
      tpu.enqueue_indirect_dma source(%dma_start3A_146 : memref<10000x128xf32, #tpu.memory_space<hbm>>) target(%dma_start3A_140 : memref<128x128xf32, #tpu.memory_space<vmem>>) offsets(%dma_start3A_143 : memref<128xi32, #tpu.memory_space<vmem>>) semaphore(%arg9 : memref<!tpu.dma_semaphore, #tpu.memory_space<semaphore_mem>>)
      %add3A_147 = arith.constant 256 : i32
      %add3A_148 = arith.addi %mul3A_9, %add3A_147 : i32
      %dma_start3A_149 = arith.constant 0 : i32
      %dma_start3A_150 = arith.constant 0 : i32
      %dma_start3A_151 = arith.constant 0 : i32
      %dma_start3A_152 = tpu.memref_slice %arg8[%dma_start3A_149, %dma_start3A_150, %dma_start3A_151] : memref<2x128x128xf32, #tpu.memory_space<vmem>> -> memref<1x128x128xf32, #tpu.memory_space<vmem>>
      %dma_start3A_153 = tpu.memref_squeeze %dma_start3A_152 : memref<1x128x128xf32, #tpu.memory_space<vmem>> -> memref<128x128xf32, #tpu.memory_space<vmem>>
      %dma_start3A_154 = arith.constant 0 : i32
      %dma_start3A_155 = tpu.memref_slice %arg5[%add3A_148, %dma_start3A_154] : memref<20480x128xf32, #tpu.memory_space<hbm>> -> memref<128x128xf32, #tpu.memory_space<hbm>>
      %dma_start3A_156 = arith.constant 0 : i32
      %dma_start3A_157 = tpu.memref_slice %arg5[%add3A_148, %dma_start3A_156] : memref<20480x128xf32, #tpu.memory_space<hbm>> -> memref<128x128xf32, #tpu.memory_space<hbm>>
      %dma_start3A_158 = arith.constant 0 : i32
      %dma_start3A_159 = arith.constant 0 : i32
      %dma_start3A_160 = tpu.memref_slice %arg8[%dma_start3A_149, %dma_start3A_158, %dma_start3A_159] : memref<2x128x128xf32, #tpu.memory_space<vmem>> -> memref<1x128x128xf32, #tpu.memory_space<vmem>>
      %dma_start3A_161 = tpu.memref_squeeze %dma_start3A_160 : memref<1x128x128xf32, #tpu.memory_space<vmem>> -> memref<128x128xf32, #tpu.memory_space<vmem>>
      tpu.enqueue_dma source(%dma_start3A_161 : memref<128x128xf32, #tpu.memory_space<vmem>>) target(%dma_start3A_157 : memref<128x128xf32, #tpu.memory_space<hbm>>) target_semaphore(%arg10 : memref<!tpu.dma_semaphore, #tpu.memory_space<semaphore_mem>>)
      %dma_wait3A_162 = arith.constant 3 : i32
      %dma_wait3A_163 = arith.constant 1 : i32
      %dma_wait3A_164 = arith.constant 0 : i32
      %dma_wait3A_165 = arith.constant 0 : i32
      %dma_wait3A_166 = tpu.memref_slice %arg8[%dma_wait3A_163, %dma_wait3A_164, %dma_wait3A_165] : memref<2x128x128xf32, #tpu.memory_space<vmem>> -> memref<1x128x128xf32, #tpu.memory_space<vmem>>
      %dma_wait3A_167 = tpu.memref_squeeze %dma_wait3A_166 : memref<1x128x128xf32, #tpu.memory_space<vmem>> -> memref<128x128xf32, #tpu.memory_space<vmem>>
      %dma_wait3A_168 = arith.constant 0 : i32
      %dma_wait3A_169 = tpu.memref_slice %arg6[%dma_wait3A_162, %dma_wait3A_168] : memref<9x128xi32, #tpu.memory_space<vmem>> -> memref<1x128xi32, #tpu.memory_space<vmem>>
      %dma_wait3A_170 = tpu.memref_squeeze %dma_wait3A_169 : memref<1x128xi32, #tpu.memory_space<vmem>> -> memref<128xi32, #tpu.memory_space<vmem>>
      %dma_wait3A_171 = arith.constant 0 : i32
      %dma_wait3A_172 = arith.constant 0 : i32
      %dma_wait3A_173 = tpu.memref_slice %arg4[%dma_wait3A_171, %dma_wait3A_172] : memref<10000x128xf32, #tpu.memory_space<hbm>> -> memref<10000x128xf32, #tpu.memory_space<hbm>>
      tpu.wait_indirect_dma semaphore(%arg9 : memref<!tpu.dma_semaphore, #tpu.memory_space<semaphore_mem>>) src(%dma_wait3A_173 : memref<10000x128xf32, #tpu.memory_space<hbm>>) dst(%dma_wait3A_167 : memref<128x128xf32, #tpu.memory_space<vmem>>)
      %dma_wait3A_174 = arith.constant 0 : i32
      %dma_wait3A_175 = arith.constant 0 : i32
      %dma_wait3A_176 = arith.constant 0 : i32
      %dma_wait3A_177 = tpu.memref_slice %arg8[%dma_wait3A_174, %dma_wait3A_175, %dma_wait3A_176] : memref<2x128x128xf32, #tpu.memory_space<vmem>> -> memref<1x128x128xf32, #tpu.memory_space<vmem>>
      %dma_wait3A_178 = tpu.memref_squeeze %dma_wait3A_177 : memref<1x128x128xf32, #tpu.memory_space<vmem>> -> memref<128x128xf32, #tpu.memory_space<vmem>>
      %dma_wait3A_179 = arith.constant 0 : i32
      %dma_wait3A_180 = tpu.memref_slice %arg5[%add3A_148, %dma_wait3A_179] : memref<20480x128xf32, #tpu.memory_space<hbm>> -> memref<128x128xf32, #tpu.memory_space<hbm>>
      %dma_wait3A_181 = arith.constant 0 : i32
      %dma_wait3A_182 = tpu.memref_slice %arg5[%add3A_148, %dma_wait3A_181] : memref<20480x128xf32, #tpu.memory_space<hbm>> -> memref<128x128xf32, #tpu.memory_space<hbm>>
      %dma_wait3A_183 = arith.constant 0 : i32
      %dma_wait3A_184 = arith.constant 0 : i32
      %dma_wait3A_185 = tpu.memref_slice %arg8[%dma_wait3A_174, %dma_wait3A_183, %dma_wait3A_184] : memref<2x128x128xf32, #tpu.memory_space<vmem>> -> memref<1x128x128xf32, #tpu.memory_space<vmem>>
      %dma_wait3A_186 = tpu.memref_squeeze %dma_wait3A_185 : memref<1x128x128xf32, #tpu.memory_space<vmem>> -> memref<128x128xf32, #tpu.memory_space<vmem>>
      tpu.wait_dma2 semaphore(%arg10 : memref<!tpu.dma_semaphore, #tpu.memory_space<semaphore_mem>>) src(%dma_wait3A_186 : memref<128x128xf32, #tpu.memory_space<vmem>>) dst(%dma_wait3A_182 : memref<128x128xf32, #tpu.memory_space<hbm>>)
      %dma_start3A_187 = arith.constant 4 : i32
      %dma_start3A_188 = arith.constant 0 : i32
      %dma_start3A_189 = arith.constant 0 : i32
      %dma_start3A_190 = arith.constant 0 : i32
      %dma_start3A_191 = tpu.memref_slice %arg8[%dma_start3A_188, %dma_start3A_189, %dma_start3A_190] : memref<2x128x128xf32, #tpu.memory_space<vmem>> -> memref<1x128x128xf32, #tpu.memory_space<vmem>>
      %dma_start3A_192 = tpu.memref_squeeze %dma_start3A_191 : memref<1x128x128xf32, #tpu.memory_space<vmem>> -> memref<128x128xf32, #tpu.memory_space<vmem>>
      %dma_start3A_193 = arith.constant 0 : i32
      %dma_start3A_194 = tpu.memref_slice %arg6[%dma_start3A_187, %dma_start3A_193] : memref<9x128xi32, #tpu.memory_space<vmem>> -> memref<1x128xi32, #tpu.memory_space<vmem>>
      %dma_start3A_195 = tpu.memref_squeeze %dma_start3A_194 : memref<1x128xi32, #tpu.memory_space<vmem>> -> memref<128xi32, #tpu.memory_space<vmem>>
      %dma_start3A_196 = arith.constant 0 : i32
      %dma_start3A_197 = arith.constant 0 : i32
      %dma_start3A_198 = tpu.memref_slice %arg4[%dma_start3A_196, %dma_start3A_197] : memref<10000x128xf32, #tpu.memory_space<hbm>> -> memref<10000x128xf32, #tpu.memory_space<hbm>>
      tpu.enqueue_indirect_dma source(%dma_start3A_198 : memref<10000x128xf32, #tpu.memory_space<hbm>>) target(%dma_start3A_192 : memref<128x128xf32, #tpu.memory_space<vmem>>) offsets(%dma_start3A_195 : memref<128xi32, #tpu.memory_space<vmem>>) semaphore(%arg9 : memref<!tpu.dma_semaphore, #tpu.memory_space<semaphore_mem>>)
      %add3A_199 = arith.constant 384 : i32
      %add3A_200 = arith.addi %mul3A_9, %add3A_199 : i32
      %dma_start3A_201 = arith.constant 1 : i32
      %dma_start3A_202 = arith.constant 0 : i32
      %dma_start3A_203 = arith.constant 0 : i32
      %dma_start3A_204 = tpu.memref_slice %arg8[%dma_start3A_201, %dma_start3A_202, %dma_start3A_203] : memref<2x128x128xf32, #tpu.memory_space<vmem>> -> memref<1x128x128xf32, #tpu.memory_space<vmem>>
      %dma_start3A_205 = tpu.memref_squeeze %dma_start3A_204 : memref<1x128x128xf32, #tpu.memory_space<vmem>> -> memref<128x128xf32, #tpu.memory_space<vmem>>
      %dma_start3A_206 = arith.constant 0 : i32
      %dma_start3A_207 = tpu.memref_slice %arg5[%add3A_200, %dma_start3A_206] : memref<20480x128xf32, #tpu.memory_space<hbm>> -> memref<128x128xf32, #tpu.memory_space<hbm>>
      %dma_start3A_208 = arith.constant 0 : i32
      %dma_start3A_209 = tpu.memref_slice %arg5[%add3A_200, %dma_start3A_208] : memref<20480x128xf32, #tpu.memory_space<hbm>> -> memref<128x128xf32, #tpu.memory_space<hbm>>
      %dma_start3A_210 = arith.constant 0 : i32
      %dma_start3A_211 = arith.constant 0 : i32
      %dma_start3A_212 = tpu.memref_slice %arg8[%dma_start3A_201, %dma_start3A_210, %dma_start3A_211] : memref<2x128x128xf32, #tpu.memory_space<vmem>> -> memref<1x128x128xf32, #tpu.memory_space<vmem>>
      %dma_start3A_213 = tpu.memref_squeeze %dma_start3A_212 : memref<1x128x128xf32, #tpu.memory_space<vmem>> -> memref<128x128xf32, #tpu.memory_space<vmem>>
      tpu.enqueue_dma source(%dma_start3A_213 : memref<128x128xf32, #tpu.memory_space<vmem>>) target(%dma_start3A_209 : memref<128x128xf32, #tpu.memory_space<hbm>>) target_semaphore(%arg10 : memref<!tpu.dma_semaphore, #tpu.memory_space<semaphore_mem>>)
      %dma_wait3A_214 = arith.constant 4 : i32
      %dma_wait3A_215 = arith.constant 0 : i32
      %dma_wait3A_216 = arith.constant 0 : i32
      %dma_wait3A_217 = arith.constant 0 : i32
      %dma_wait3A_218 = tpu.memref_slice %arg8[%dma_wait3A_215, %dma_wait3A_216, %dma_wait3A_217] : memref<2x128x128xf32, #tpu.memory_space<vmem>> -> memref<1x128x128xf32, #tpu.memory_space<vmem>>
      %dma_wait3A_219 = tpu.memref_squeeze %dma_wait3A_218 : memref<1x128x128xf32, #tpu.memory_space<vmem>> -> memref<128x128xf32, #tpu.memory_space<vmem>>
      %dma_wait3A_220 = arith.constant 0 : i32
      %dma_wait3A_221 = tpu.memref_slice %arg6[%dma_wait3A_214, %dma_wait3A_220] : memref<9x128xi32, #tpu.memory_space<vmem>> -> memref<1x128xi32, #tpu.memory_space<vmem>>
      %dma_wait3A_222 = tpu.memref_squeeze %dma_wait3A_221 : memref<1x128xi32, #tpu.memory_space<vmem>> -> memref<128xi32, #tpu.memory_space<vmem>>
      %dma_wait3A_223 = arith.constant 0 : i32
      %dma_wait3A_224 = arith.constant 0 : i32
      %dma_wait3A_225 = tpu.memref_slice %arg4[%dma_wait3A_223, %dma_wait3A_224] : memref<10000x128xf32, #tpu.memory_space<hbm>> -> memref<10000x128xf32, #tpu.memory_space<hbm>>
      tpu.wait_indirect_dma semaphore(%arg9 : memref<!tpu.dma_semaphore, #tpu.memory_space<semaphore_mem>>) src(%dma_wait3A_225 : memref<10000x128xf32, #tpu.memory_space<hbm>>) dst(%dma_wait3A_219 : memref<128x128xf32, #tpu.memory_space<vmem>>)
      %dma_wait3A_226 = arith.constant 1 : i32
      %dma_wait3A_227 = arith.constant 0 : i32
      %dma_wait3A_228 = arith.constant 0 : i32
      %dma_wait3A_229 = tpu.memref_slice %arg8[%dma_wait3A_226, %dma_wait3A_227, %dma_wait3A_228] : memref<2x128x128xf32, #tpu.memory_space<vmem>> -> memref<1x128x128xf32, #tpu.memory_space<vmem>>
      %dma_wait3A_230 = tpu.memref_squeeze %dma_wait3A_229 : memref<1x128x128xf32, #tpu.memory_space<vmem>> -> memref<128x128xf32, #tpu.memory_space<vmem>>
      %dma_wait3A_231 = arith.constant 0 : i32
      %dma_wait3A_232 = tpu.memref_slice %arg5[%add3A_200, %dma_wait3A_231] : memref<20480x128xf32, #tpu.memory_space<hbm>> -> memref<128x128xf32, #tpu.memory_space<hbm>>
      %dma_wait3A_233 = arith.constant 0 : i32
      %dma_wait3A_234 = tpu.memref_slice %arg5[%add3A_200, %dma_wait3A_233] : memref<20480x128xf32, #tpu.memory_space<hbm>> -> memref<128x128xf32, #tpu.memory_space<hbm>>
      %dma_wait3A_235 = arith.constant 0 : i32
      %dma_wait3A_236 = arith.constant 0 : i32
      %dma_wait3A_237 = tpu.memref_slice %arg8[%dma_wait3A_226, %dma_wait3A_235, %dma_wait3A_236] : memref<2x128x128xf32, #tpu.memory_space<vmem>> -> memref<1x128x128xf32, #tpu.memory_space<vmem>>
      %dma_wait3A_238 = tpu.memref_squeeze %dma_wait3A_237 : memref<1x128x128xf32, #tpu.memory_space<vmem>> -> memref<128x128xf32, #tpu.memory_space<vmem>>
      tpu.wait_dma2 semaphore(%arg10 : memref<!tpu.dma_semaphore, #tpu.memory_space<semaphore_mem>>) src(%dma_wait3A_238 : memref<128x128xf32, #tpu.memory_space<vmem>>) dst(%dma_wait3A_234 : memref<128x128xf32, #tpu.memory_space<hbm>>)
      %dma_start3A_239 = arith.constant 5 : i32
      %dma_start3A_240 = arith.constant 1 : i32
      %dma_start3A_241 = arith.constant 0 : i32
      %dma_start3A_242 = arith.constant 0 : i32
      %dma_start3A_243 = tpu.memref_slice %arg8[%dma_start3A_240, %dma_start3A_241, %dma_start3A_242] : memref<2x128x128xf32, #tpu.memory_space<vmem>> -> memref<1x128x128xf32, #tpu.memory_space<vmem>>
      %dma_start3A_244 = tpu.memref_squeeze %dma_start3A_243 : memref<1x128x128xf32, #tpu.memory_space<vmem>> -> memref<128x128xf32, #tpu.memory_space<vmem>>
      %dma_start3A_245 = arith.constant 0 : i32
      %dma_start3A_246 = tpu.memref_slice %arg6[%dma_start3A_239, %dma_start3A_245] : memref<9x128xi32, #tpu.memory_space<vmem>> -> memref<1x128xi32, #tpu.memory_space<vmem>>
      %dma_start3A_247 = tpu.memref_squeeze %dma_start3A_246 : memref<1x128xi32, #tpu.memory_space<vmem>> -> memref<128xi32, #tpu.memory_space<vmem>>
      %dma_start3A_248 = arith.constant 0 : i32
      %dma_start3A_249 = arith.constant 0 : i32
      %dma_start3A_250 = tpu.memref_slice %arg4[%dma_start3A_248, %dma_start3A_249] : memref<10000x128xf32, #tpu.memory_space<hbm>> -> memref<10000x128xf32, #tpu.memory_space<hbm>>
      tpu.enqueue_indirect_dma source(%dma_start3A_250 : memref<10000x128xf32, #tpu.memory_space<hbm>>) target(%dma_start3A_244 : memref<128x128xf32, #tpu.memory_space<vmem>>) offsets(%dma_start3A_247 : memref<128xi32, #tpu.memory_space<vmem>>) semaphore(%arg9 : memref<!tpu.dma_semaphore, #tpu.memory_space<semaphore_mem>>)
      %add3A_251 = arith.constant 512 : i32
      %add3A_252 = arith.addi %mul3A_9, %add3A_251 : i32
      %dma_start3A_253 = arith.constant 0 : i32
      %dma_start3A_254 = arith.constant 0 : i32
      %dma_start3A_255 = arith.constant 0 : i32
      %dma_start3A_256 = tpu.memref_slice %arg8[%dma_start3A_253, %dma_start3A_254, %dma_start3A_255] : memref<2x128x128xf32, #tpu.memory_space<vmem>> -> memref<1x128x128xf32, #tpu.memory_space<vmem>>
      %dma_start3A_257 = tpu.memref_squeeze %dma_start3A_256 : memref<1x128x128xf32, #tpu.memory_space<vmem>> -> memref<128x128xf32, #tpu.memory_space<vmem>>
      %dma_start3A_258 = arith.constant 0 : i32
      %dma_start3A_259 = tpu.memref_slice %arg5[%add3A_252, %dma_start3A_258] : memref<20480x128xf32, #tpu.memory_space<hbm>> -> memref<128x128xf32, #tpu.memory_space<hbm>>
      %dma_start3A_260 = arith.constant 0 : i32
      %dma_start3A_261 = tpu.memref_slice %arg5[%add3A_252, %dma_start3A_260] : memref<20480x128xf32, #tpu.memory_space<hbm>> -> memref<128x128xf32, #tpu.memory_space<hbm>>
      %dma_start3A_262 = arith.constant 0 : i32
      %dma_start3A_263 = arith.constant 0 : i32
      %dma_start3A_264 = tpu.memref_slice %arg8[%dma_start3A_253, %dma_start3A_262, %dma_start3A_263] : memref<2x128x128xf32, #tpu.memory_space<vmem>> -> memref<1x128x128xf32, #tpu.memory_space<vmem>>
      %dma_start3A_265 = tpu.memref_squeeze %dma_start3A_264 : memref<1x128x128xf32, #tpu.memory_space<vmem>> -> memref<128x128xf32, #tpu.memory_space<vmem>>
      tpu.enqueue_dma source(%dma_start3A_265 : memref<128x128xf32, #tpu.memory_space<vmem>>) target(%dma_start3A_261 : memref<128x128xf32, #tpu.memory_space<hbm>>) target_semaphore(%arg10 : memref<!tpu.dma_semaphore, #tpu.memory_space<semaphore_mem>>)
      %dma_wait3A_266 = arith.constant 5 : i32
      %dma_wait3A_267 = arith.constant 1 : i32
      %dma_wait3A_268 = arith.constant 0 : i32
      %dma_wait3A_269 = arith.constant 0 : i32
      %dma_wait3A_270 = tpu.memref_slice %arg8[%dma_wait3A_267, %dma_wait3A_268, %dma_wait3A_269] : memref<2x128x128xf32, #tpu.memory_space<vmem>> -> memref<1x128x128xf32, #tpu.memory_space<vmem>>
      %dma_wait3A_271 = tpu.memref_squeeze %dma_wait3A_270 : memref<1x128x128xf32, #tpu.memory_space<vmem>> -> memref<128x128xf32, #tpu.memory_space<vmem>>
      %dma_wait3A_272 = arith.constant 0 : i32
      %dma_wait3A_273 = tpu.memref_slice %arg6[%dma_wait3A_266, %dma_wait3A_272] : memref<9x128xi32, #tpu.memory_space<vmem>> -> memref<1x128xi32, #tpu.memory_space<vmem>>
      %dma_wait3A_274 = tpu.memref_squeeze %dma_wait3A_273 : memref<1x128xi32, #tpu.memory_space<vmem>> -> memref<128xi32, #tpu.memory_space<vmem>>
      %dma_wait3A_275 = arith.constant 0 : i32
      %dma_wait3A_276 = arith.constant 0 : i32
      %dma_wait3A_277 = tpu.memref_slice %arg4[%dma_wait3A_275, %dma_wait3A_276] : memref<10000x128xf32, #tpu.memory_space<hbm>> -> memref<10000x128xf32, #tpu.memory_space<hbm>>
      tpu.wait_indirect_dma semaphore(%arg9 : memref<!tpu.dma_semaphore, #tpu.memory_space<semaphore_mem>>) src(%dma_wait3A_277 : memref<10000x128xf32, #tpu.memory_space<hbm>>) dst(%dma_wait3A_271 : memref<128x128xf32, #tpu.memory_space<vmem>>)
      %dma_wait3A_278 = arith.constant 0 : i32
      %dma_wait3A_279 = arith.constant 0 : i32
      %dma_wait3A_280 = arith.constant 0 : i32
      %dma_wait3A_281 = tpu.memref_slice %arg8[%dma_wait3A_278, %dma_wait3A_279, %dma_wait3A_280] : memref<2x128x128xf32, #tpu.memory_space<vmem>> -> memref<1x128x128xf32, #tpu.memory_space<vmem>>
      %dma_wait3A_282 = tpu.memref_squeeze %dma_wait3A_281 : memref<1x128x128xf32, #tpu.memory_space<vmem>> -> memref<128x128xf32, #tpu.memory_space<vmem>>
      %dma_wait3A_283 = arith.constant 0 : i32
      %dma_wait3A_284 = tpu.memref_slice %arg5[%add3A_252, %dma_wait3A_283] : memref<20480x128xf32, #tpu.memory_space<hbm>> -> memref<128x128xf32, #tpu.memory_space<hbm>>
      %dma_wait3A_285 = arith.constant 0 : i32
      %dma_wait3A_286 = tpu.memref_slice %arg5[%add3A_252, %dma_wait3A_285] : memref<20480x128xf32, #tpu.memory_space<hbm>> -> memref<128x128xf32, #tpu.memory_space<hbm>>
      %dma_wait3A_287 = arith.constant 0 : i32
      %dma_wait3A_288 = arith.constant 0 : i32
      %dma_wait3A_289 = tpu.memref_slice %arg8[%dma_wait3A_278, %dma_wait3A_287, %dma_wait3A_288] : memref<2x128x128xf32, #tpu.memory_space<vmem>> -> memref<1x128x128xf32, #tpu.memory_space<vmem>>
      %dma_wait3A_290 = tpu.memref_squeeze %dma_wait3A_289 : memref<1x128x128xf32, #tpu.memory_space<vmem>> -> memref<128x128xf32, #tpu.memory_space<vmem>>
      tpu.wait_dma2 semaphore(%arg10 : memref<!tpu.dma_semaphore, #tpu.memory_space<semaphore_mem>>) src(%dma_wait3A_290 : memref<128x128xf32, #tpu.memory_space<vmem>>) dst(%dma_wait3A_286 : memref<128x128xf32, #tpu.memory_space<hbm>>)
      %dma_start3A_291 = arith.constant 6 : i32
      %dma_start3A_292 = arith.constant 0 : i32
      %dma_start3A_293 = arith.constant 0 : i32
      %dma_start3A_294 = arith.constant 0 : i32
      %dma_start3A_295 = tpu.memref_slice %arg8[%dma_start3A_292, %dma_start3A_293, %dma_start3A_294] : memref<2x128x128xf32, #tpu.memory_space<vmem>> -> memref<1x128x128xf32, #tpu.memory_space<vmem>>
      %dma_start3A_296 = tpu.memref_squeeze %dma_start3A_295 : memref<1x128x128xf32, #tpu.memory_space<vmem>> -> memref<128x128xf32, #tpu.memory_space<vmem>>
      %dma_start3A_297 = arith.constant 0 : i32
      %dma_start3A_298 = tpu.memref_slice %arg6[%dma_start3A_291, %dma_start3A_297] : memref<9x128xi32, #tpu.memory_space<vmem>> -> memref<1x128xi32, #tpu.memory_space<vmem>>
      %dma_start3A_299 = tpu.memref_squeeze %dma_start3A_298 : memref<1x128xi32, #tpu.memory_space<vmem>> -> memref<128xi32, #tpu.memory_space<vmem>>
      %dma_start3A_300 = arith.constant 0 : i32
      %dma_start3A_301 = arith.constant 0 : i32
      %dma_start3A_302 = tpu.memref_slice %arg4[%dma_start3A_300, %dma_start3A_301] : memref<10000x128xf32, #tpu.memory_space<hbm>> -> memref<10000x128xf32, #tpu.memory_space<hbm>>
      tpu.enqueue_indirect_dma source(%dma_start3A_302 : memref<10000x128xf32, #tpu.memory_space<hbm>>) target(%dma_start3A_296 : memref<128x128xf32, #tpu.memory_space<vmem>>) offsets(%dma_start3A_299 : memref<128xi32, #tpu.memory_space<vmem>>) semaphore(%arg9 : memref<!tpu.dma_semaphore, #tpu.memory_space<semaphore_mem>>)
      %add3A_303 = arith.constant 640 : i32
      %add3A_304 = arith.addi %mul3A_9, %add3A_303 : i32
      %dma_start3A_305 = arith.constant 1 : i32
      %dma_start3A_306 = arith.constant 0 : i32
      %dma_start3A_307 = arith.constant 0 : i32
      %dma_start3A_308 = tpu.memref_slice %arg8[%dma_start3A_305, %dma_start3A_306, %dma_start3A_307] : memref<2x128x128xf32, #tpu.memory_space<vmem>> -> memref<1x128x128xf32, #tpu.memory_space<vmem>>
      %dma_start3A_309 = tpu.memref_squeeze %dma_start3A_308 : memref<1x128x128xf32, #tpu.memory_space<vmem>> -> memref<128x128xf32, #tpu.memory_space<vmem>>
      %dma_start3A_310 = arith.constant 0 : i32
      %dma_start3A_311 = tpu.memref_slice %arg5[%add3A_304, %dma_start3A_310] : memref<20480x128xf32, #tpu.memory_space<hbm>> -> memref<128x128xf32, #tpu.memory_space<hbm>>
      %dma_start3A_312 = arith.constant 0 : i32
      %dma_start3A_313 = tpu.memref_slice %arg5[%add3A_304, %dma_start3A_312] : memref<20480x128xf32, #tpu.memory_space<hbm>> -> memref<128x128xf32, #tpu.memory_space<hbm>>
      %dma_start3A_314 = arith.constant 0 : i32
      %dma_start3A_315 = arith.constant 0 : i32
      %dma_start3A_316 = tpu.memref_slice %arg8[%dma_start3A_305, %dma_start3A_314, %dma_start3A_315] : memref<2x128x128xf32, #tpu.memory_space<vmem>> -> memref<1x128x128xf32, #tpu.memory_space<vmem>>
      %dma_start3A_317 = tpu.memref_squeeze %dma_start3A_316 : memref<1x128x128xf32, #tpu.memory_space<vmem>> -> memref<128x128xf32, #tpu.memory_space<vmem>>
      tpu.enqueue_dma source(%dma_start3A_317 : memref<128x128xf32, #tpu.memory_space<vmem>>) target(%dma_start3A_313 : memref<128x128xf32, #tpu.memory_space<hbm>>) target_semaphore(%arg10 : memref<!tpu.dma_semaphore, #tpu.memory_space<semaphore_mem>>)
      %dma_wait3A_318 = arith.constant 6 : i32
      %dma_wait3A_319 = arith.constant 0 : i32
      %dma_wait3A_320 = arith.constant 0 : i32
      %dma_wait3A_321 = arith.constant 0 : i32
      %dma_wait3A_322 = tpu.memref_slice %arg8[%dma_wait3A_319, %dma_wait3A_320, %dma_wait3A_321] : memref<2x128x128xf32, #tpu.memory_space<vmem>> -> memref<1x128x128xf32, #tpu.memory_space<vmem>>
      %dma_wait3A_323 = tpu.memref_squeeze %dma_wait3A_322 : memref<1x128x128xf32, #tpu.memory_space<vmem>> -> memref<128x128xf32, #tpu.memory_space<vmem>>
      %dma_wait3A_324 = arith.constant 0 : i32
      %dma_wait3A_325 = tpu.memref_slice %arg6[%dma_wait3A_318, %dma_wait3A_324] : memref<9x128xi32, #tpu.memory_space<vmem>> -> memref<1x128xi32, #tpu.memory_space<vmem>>
      %dma_wait3A_326 = tpu.memref_squeeze %dma_wait3A_325 : memref<1x128xi32, #tpu.memory_space<vmem>> -> memref<128xi32, #tpu.memory_space<vmem>>
      %dma_wait3A_327 = arith.constant 0 : i32
      %dma_wait3A_328 = arith.constant 0 : i32
      %dma_wait3A_329 = tpu.memref_slice %arg4[%dma_wait3A_327, %dma_wait3A_328] : memref<10000x128xf32, #tpu.memory_space<hbm>> -> memref<10000x128xf32, #tpu.memory_space<hbm>>
      tpu.wait_indirect_dma semaphore(%arg9 : memref<!tpu.dma_semaphore, #tpu.memory_space<semaphore_mem>>) src(%dma_wait3A_329 : memref<10000x128xf32, #tpu.memory_space<hbm>>) dst(%dma_wait3A_323 : memref<128x128xf32, #tpu.memory_space<vmem>>)
      %dma_wait3A_330 = arith.constant 1 : i32
      %dma_wait3A_331 = arith.constant 0 : i32
      %dma_wait3A_332 = arith.constant 0 : i32
      %dma_wait3A_333 = tpu.memref_slice %arg8[%dma_wait3A_330, %dma_wait3A_331, %dma_wait3A_332] : memref<2x128x128xf32, #tpu.memory_space<vmem>> -> memref<1x128x128xf32, #tpu.memory_space<vmem>>
      %dma_wait3A_334 = tpu.memref_squeeze %dma_wait3A_333 : memref<1x128x128xf32, #tpu.memory_space<vmem>> -> memref<128x128xf32, #tpu.memory_space<vmem>>
      %dma_wait3A_335 = arith.constant 0 : i32
      %dma_wait3A_336 = tpu.memref_slice %arg5[%add3A_304, %dma_wait3A_335] : memref<20480x128xf32, #tpu.memory_space<hbm>> -> memref<128x128xf32, #tpu.memory_space<hbm>>
      %dma_wait3A_337 = arith.constant 0 : i32
      %dma_wait3A_338 = tpu.memref_slice %arg5[%add3A_304, %dma_wait3A_337] : memref<20480x128xf32, #tpu.memory_space<hbm>> -> memref<128x128xf32, #tpu.memory_space<hbm>>
      %dma_wait3A_339 = arith.constant 0 : i32
      %dma_wait3A_340 = arith.constant 0 : i32
      %dma_wait3A_341 = tpu.memref_slice %arg8[%dma_wait3A_330, %dma_wait3A_339, %dma_wait3A_340] : memref<2x128x128xf32, #tpu.memory_space<vmem>> -> memref<1x128x128xf32, #tpu.memory_space<vmem>>
      %dma_wait3A_342 = tpu.memref_squeeze %dma_wait3A_341 : memref<1x128x128xf32, #tpu.memory_space<vmem>> -> memref<128x128xf32, #tpu.memory_space<vmem>>
      tpu.wait_dma2 semaphore(%arg10 : memref<!tpu.dma_semaphore, #tpu.memory_space<semaphore_mem>>) src(%dma_wait3A_342 : memref<128x128xf32, #tpu.memory_space<vmem>>) dst(%dma_wait3A_338 : memref<128x128xf32, #tpu.memory_space<hbm>>)
      %dma_start3A_343 = arith.constant 7 : i32
      %dma_start3A_344 = arith.constant 1 : i32
      %dma_start3A_345 = arith.constant 0 : i32
      %dma_start3A_346 = arith.constant 0 : i32
      %dma_start3A_347 = tpu.memref_slice %arg8[%dma_start3A_344, %dma_start3A_345, %dma_start3A_346] : memref<2x128x128xf32, #tpu.memory_space<vmem>> -> memref<1x128x128xf32, #tpu.memory_space<vmem>>
      %dma_start3A_348 = tpu.memref_squeeze %dma_start3A_347 : memref<1x128x128xf32, #tpu.memory_space<vmem>> -> memref<128x128xf32, #tpu.memory_space<vmem>>
      %dma_start3A_349 = arith.constant 0 : i32
      %dma_start3A_350 = tpu.memref_slice %arg6[%dma_start3A_343, %dma_start3A_349] : memref<9x128xi32, #tpu.memory_space<vmem>> -> memref<1x128xi32, #tpu.memory_space<vmem>>
      %dma_start3A_351 = tpu.memref_squeeze %dma_start3A_350 : memref<1x128xi32, #tpu.memory_space<vmem>> -> memref<128xi32, #tpu.memory_space<vmem>>
      %dma_start3A_352 = arith.constant 0 : i32
      %dma_start3A_353 = arith.constant 0 : i32
      %dma_start3A_354 = tpu.memref_slice %arg4[%dma_start3A_352, %dma_start3A_353] : memref<10000x128xf32, #tpu.memory_space<hbm>> -> memref<10000x128xf32, #tpu.memory_space<hbm>>
      tpu.enqueue_indirect_dma source(%dma_start3A_354 : memref<10000x128xf32, #tpu.memory_space<hbm>>) target(%dma_start3A_348 : memref<128x128xf32, #tpu.memory_space<vmem>>) offsets(%dma_start3A_351 : memref<128xi32, #tpu.memory_space<vmem>>) semaphore(%arg9 : memref<!tpu.dma_semaphore, #tpu.memory_space<semaphore_mem>>)
      %add3A_355 = arith.constant 768 : i32
      %add3A_356 = arith.addi %mul3A_9, %add3A_355 : i32
      %dma_start3A_357 = arith.constant 0 : i32
      %dma_start3A_358 = arith.constant 0 : i32
      %dma_start3A_359 = arith.constant 0 : i32
      %dma_start3A_360 = tpu.memref_slice %arg8[%dma_start3A_357, %dma_start3A_358, %dma_start3A_359] : memref<2x128x128xf32, #tpu.memory_space<vmem>> -> memref<1x128x128xf32, #tpu.memory_space<vmem>>
      %dma_start3A_361 = tpu.memref_squeeze %dma_start3A_360 : memref<1x128x128xf32, #tpu.memory_space<vmem>> -> memref<128x128xf32, #tpu.memory_space<vmem>>
      %dma_start3A_362 = arith.constant 0 : i32
      %dma_start3A_363 = tpu.memref_slice %arg5[%add3A_356, %dma_start3A_362] : memref<20480x128xf32, #tpu.memory_space<hbm>> -> memref<128x128xf32, #tpu.memory_space<hbm>>
      %dma_start3A_364 = arith.constant 0 : i32
      %dma_start3A_365 = tpu.memref_slice %arg5[%add3A_356, %dma_start3A_364] : memref<20480x128xf32, #tpu.memory_space<hbm>> -> memref<128x128xf32, #tpu.memory_space<hbm>>
      %dma_start3A_366 = arith.constant 0 : i32
      %dma_start3A_367 = arith.constant 0 : i32
      %dma_start3A_368 = tpu.memref_slice %arg8[%dma_start3A_357, %dma_start3A_366, %dma_start3A_367] : memref<2x128x128xf32, #tpu.memory_space<vmem>> -> memref<1x128x128xf32, #tpu.memory_space<vmem>>
      %dma_start3A_369 = tpu.memref_squeeze %dma_start3A_368 : memref<1x128x128xf32, #tpu.memory_space<vmem>> -> memref<128x128xf32, #tpu.memory_space<vmem>>
      tpu.enqueue_dma source(%dma_start3A_369 : memref<128x128xf32, #tpu.memory_space<vmem>>) target(%dma_start3A_365 : memref<128x128xf32, #tpu.memory_space<hbm>>) target_semaphore(%arg10 : memref<!tpu.dma_semaphore, #tpu.memory_space<semaphore_mem>>)
      %dma_wait3A_370 = arith.constant 7 : i32
      %dma_wait3A_371 = arith.constant 1 : i32
      %dma_wait3A_372 = arith.constant 0 : i32
      %dma_wait3A_373 = arith.constant 0 : i32
      %dma_wait3A_374 = tpu.memref_slice %arg8[%dma_wait3A_371, %dma_wait3A_372, %dma_wait3A_373] : memref<2x128x128xf32, #tpu.memory_space<vmem>> -> memref<1x128x128xf32, #tpu.memory_space<vmem>>
      %dma_wait3A_375 = tpu.memref_squeeze %dma_wait3A_374 : memref<1x128x128xf32, #tpu.memory_space<vmem>> -> memref<128x128xf32, #tpu.memory_space<vmem>>
      %dma_wait3A_376 = arith.constant 0 : i32
      %dma_wait3A_377 = tpu.memref_slice %arg6[%dma_wait3A_370, %dma_wait3A_376] : memref<9x128xi32, #tpu.memory_space<vmem>> -> memref<1x128xi32, #tpu.memory_space<vmem>>
      %dma_wait3A_378 = tpu.memref_squeeze %dma_wait3A_377 : memref<1x128xi32, #tpu.memory_space<vmem>> -> memref<128xi32, #tpu.memory_space<vmem>>
      %dma_wait3A_379 = arith.constant 0 : i32
      %dma_wait3A_380 = arith.constant 0 : i32
      %dma_wait3A_381 = tpu.memref_slice %arg4[%dma_wait3A_379, %dma_wait3A_380] : memref<10000x128xf32, #tpu.memory_space<hbm>> -> memref<10000x128xf32, #tpu.memory_space<hbm>>
      tpu.wait_indirect_dma semaphore(%arg9 : memref<!tpu.dma_semaphore, #tpu.memory_space<semaphore_mem>>) src(%dma_wait3A_381 : memref<10000x128xf32, #tpu.memory_space<hbm>>) dst(%dma_wait3A_375 : memref<128x128xf32, #tpu.memory_space<vmem>>)
      %dma_wait3A_382 = arith.constant 0 : i32
      %dma_wait3A_383 = arith.constant 0 : i32
      %dma_wait3A_384 = arith.constant 0 : i32
      %dma_wait3A_385 = tpu.memref_slice %arg8[%dma_wait3A_382, %dma_wait3A_383, %dma_wait3A_384] : memref<2x128x128xf32, #tpu.memory_space<vmem>> -> memref<1x128x128xf32, #tpu.memory_space<vmem>>
      %dma_wait3A_386 = tpu.memref_squeeze %dma_wait3A_385 : memref<1x128x128xf32, #tpu.memory_space<vmem>> -> memref<128x128xf32, #tpu.memory_space<vmem>>
      %dma_wait3A_387 = arith.constant 0 : i32
      %dma_wait3A_388 = tpu.memref_slice %arg5[%add3A_356, %dma_wait3A_387] : memref<20480x128xf32, #tpu.memory_space<hbm>> -> memref<128x128xf32, #tpu.memory_space<hbm>>
      %dma_wait3A_389 = arith.constant 0 : i32
      %dma_wait3A_390 = tpu.memref_slice %arg5[%add3A_356, %dma_wait3A_389] : memref<20480x128xf32, #tpu.memory_space<hbm>> -> memref<128x128xf32, #tpu.memory_space<hbm>>
      %dma_wait3A_391 = arith.constant 0 : i32
      %dma_wait3A_392 = arith.constant 0 : i32
      %dma_wait3A_393 = tpu.memref_slice %arg8[%dma_wait3A_382, %dma_wait3A_391, %dma_wait3A_392] : memref<2x128x128xf32, #tpu.memory_space<vmem>> -> memref<1x128x128xf32, #tpu.memory_space<vmem>>
      %dma_wait3A_394 = tpu.memref_squeeze %dma_wait3A_393 : memref<1x128x128xf32, #tpu.memory_space<vmem>> -> memref<128x128xf32, #tpu.memory_space<vmem>>
      tpu.wait_dma2 semaphore(%arg10 : memref<!tpu.dma_semaphore, #tpu.memory_space<semaphore_mem>>) src(%dma_wait3A_394 : memref<128x128xf32, #tpu.memory_space<vmem>>) dst(%dma_wait3A_390 : memref<128x128xf32, #tpu.memory_space<hbm>>)
      %dma_start3A_395 = arith.constant 8 : i32
      %dma_start3A_396 = arith.constant 0 : i32
      %dma_start3A_397 = arith.constant 0 : i32
      %dma_start3A_398 = arith.constant 0 : i32
      %dma_start3A_399 = tpu.memref_slice %arg8[%dma_start3A_396, %dma_start3A_397, %dma_start3A_398] : memref<2x128x128xf32, #tpu.memory_space<vmem>> -> memref<1x128x128xf32, #tpu.memory_space<vmem>>
      %dma_start3A_400 = tpu.memref_squeeze %dma_start3A_399 : memref<1x128x128xf32, #tpu.memory_space<vmem>> -> memref<128x128xf32, #tpu.memory_space<vmem>>
      %dma_start3A_401 = arith.constant 0 : i32
      %dma_start3A_402 = tpu.memref_slice %arg6[%dma_start3A_395, %dma_start3A_401] : memref<9x128xi32, #tpu.memory_space<vmem>> -> memref<1x128xi32, #tpu.memory_space<vmem>>
      %dma_start3A_403 = tpu.memref_squeeze %dma_start3A_402 : memref<1x128xi32, #tpu.memory_space<vmem>> -> memref<128xi32, #tpu.memory_space<vmem>>
      %dma_start3A_404 = arith.constant 0 : i32
      %dma_start3A_405 = arith.constant 0 : i32
      %dma_start3A_406 = tpu.memref_slice %arg4[%dma_start3A_404, %dma_start3A_405] : memref<10000x128xf32, #tpu.memory_space<hbm>> -> memref<10000x128xf32, #tpu.memory_space<hbm>>
      tpu.enqueue_indirect_dma source(%dma_start3A_406 : memref<10000x128xf32, #tpu.memory_space<hbm>>) target(%dma_start3A_400 : memref<128x128xf32, #tpu.memory_space<vmem>>) offsets(%dma_start3A_403 : memref<128xi32, #tpu.memory_space<vmem>>) semaphore(%arg9 : memref<!tpu.dma_semaphore, #tpu.memory_space<semaphore_mem>>)
      %add3A_407 = arith.constant 896 : i32
      %add3A_408 = arith.addi %mul3A_9, %add3A_407 : i32
      %dma_start3A_409 = arith.constant 1 : i32
      %dma_start3A_410 = arith.constant 0 : i32
      %dma_start3A_411 = arith.constant 0 : i32
      %dma_start3A_412 = tpu.memref_slice %arg8[%dma_start3A_409, %dma_start3A_410, %dma_start3A_411] : memref<2x128x128xf32, #tpu.memory_space<vmem>> -> memref<1x128x128xf32, #tpu.memory_space<vmem>>
      %dma_start3A_413 = tpu.memref_squeeze %dma_start3A_412 : memref<1x128x128xf32, #tpu.memory_space<vmem>> -> memref<128x128xf32, #tpu.memory_space<vmem>>
      %dma_start3A_414 = arith.constant 0 : i32
      %dma_start3A_415 = tpu.memref_slice %arg5[%add3A_408, %dma_start3A_414] : memref<20480x128xf32, #tpu.memory_space<hbm>> -> memref<128x128xf32, #tpu.memory_space<hbm>>
      %dma_start3A_416 = arith.constant 0 : i32
      %dma_start3A_417 = tpu.memref_slice %arg5[%add3A_408, %dma_start3A_416] : memref<20480x128xf32, #tpu.memory_space<hbm>> -> memref<128x128xf32, #tpu.memory_space<hbm>>
      %dma_start3A_418 = arith.constant 0 : i32
      %dma_start3A_419 = arith.constant 0 : i32
      %dma_start3A_420 = tpu.memref_slice %arg8[%dma_start3A_409, %dma_start3A_418, %dma_start3A_419] : memref<2x128x128xf32, #tpu.memory_space<vmem>> -> memref<1x128x128xf32, #tpu.memory_space<vmem>>
      %dma_start3A_421 = tpu.memref_squeeze %dma_start3A_420 : memref<1x128x128xf32, #tpu.memory_space<vmem>> -> memref<128x128xf32, #tpu.memory_space<vmem>>
      tpu.enqueue_dma source(%dma_start3A_421 : memref<128x128xf32, #tpu.memory_space<vmem>>) target(%dma_start3A_417 : memref<128x128xf32, #tpu.memory_space<hbm>>) target_semaphore(%arg10 : memref<!tpu.dma_semaphore, #tpu.memory_space<semaphore_mem>>)
      %dma_wait3A_422 = arith.constant 8 : i32
      %dma_wait3A_423 = arith.constant 0 : i32
      %dma_wait3A_424 = arith.constant 0 : i32
      %dma_wait3A_425 = arith.constant 0 : i32
      %dma_wait3A_426 = tpu.memref_slice %arg8[%dma_wait3A_423, %dma_wait3A_424, %dma_wait3A_425] : memref<2x128x128xf32, #tpu.memory_space<vmem>> -> memref<1x128x128xf32, #tpu.memory_space<vmem>>
      %dma_wait3A_427 = tpu.memref_squeeze %dma_wait3A_426 : memref<1x128x128xf32, #tpu.memory_space<vmem>> -> memref<128x128xf32, #tpu.memory_space<vmem>>
      %dma_wait3A_428 = arith.constant 0 : i32
      %dma_wait3A_429 = tpu.memref_slice %arg6[%dma_wait3A_422, %dma_wait3A_428] : memref<9x128xi32, #tpu.memory_space<vmem>> -> memref<1x128xi32, #tpu.memory_space<vmem>>
      %dma_wait3A_430 = tpu.memref_squeeze %dma_wait3A_429 : memref<1x128xi32, #tpu.memory_space<vmem>> -> memref<128xi32, #tpu.memory_space<vmem>>
      %dma_wait3A_431 = arith.constant 0 : i32
      %dma_wait3A_432 = arith.constant 0 : i32
      %dma_wait3A_433 = tpu.memref_slice %arg4[%dma_wait3A_431, %dma_wait3A_432] : memref<10000x128xf32, #tpu.memory_space<hbm>> -> memref<10000x128xf32, #tpu.memory_space<hbm>>
      tpu.wait_indirect_dma semaphore(%arg9 : memref<!tpu.dma_semaphore, #tpu.memory_space<semaphore_mem>>) src(%dma_wait3A_433 : memref<10000x128xf32, #tpu.memory_space<hbm>>) dst(%dma_wait3A_427 : memref<128x128xf32, #tpu.memory_space<vmem>>)
      %dma_wait3A_434 = arith.constant 1 : i32
      %dma_wait3A_435 = arith.constant 0 : i32
      %dma_wait3A_436 = arith.constant 0 : i32
      %dma_wait3A_437 = tpu.memref_slice %arg8[%dma_wait3A_434, %dma_wait3A_435, %dma_wait3A_436] : memref<2x128x128xf32, #tpu.memory_space<vmem>> -> memref<1x128x128xf32, #tpu.memory_space<vmem>>
      %dma_wait3A_438 = tpu.memref_squeeze %dma_wait3A_437 : memref<1x128x128xf32, #tpu.memory_space<vmem>> -> memref<128x128xf32, #tpu.memory_space<vmem>>
      %dma_wait3A_439 = arith.constant 0 : i32
      %dma_wait3A_440 = tpu.memref_slice %arg5[%add3A_408, %dma_wait3A_439] : memref<20480x128xf32, #tpu.memory_space<hbm>> -> memref<128x128xf32, #tpu.memory_space<hbm>>
      %dma_wait3A_441 = arith.constant 0 : i32
      %dma_wait3A_442 = tpu.memref_slice %arg5[%add3A_408, %dma_wait3A_441] : memref<20480x128xf32, #tpu.memory_space<hbm>> -> memref<128x128xf32, #tpu.memory_space<hbm>>
      %dma_wait3A_443 = arith.constant 0 : i32
      %dma_wait3A_444 = arith.constant 0 : i32
      %dma_wait3A_445 = tpu.memref_slice %arg8[%dma_wait3A_434, %dma_wait3A_443, %dma_wait3A_444] : memref<2x128x128xf32, #tpu.memory_space<vmem>> -> memref<1x128x128xf32, #tpu.memory_space<vmem>>
      %dma_wait3A_446 = tpu.memref_squeeze %dma_wait3A_445 : memref<1x128x128xf32, #tpu.memory_space<vmem>> -> memref<128x128xf32, #tpu.memory_space<vmem>>
      tpu.wait_dma2 semaphore(%arg10 : memref<!tpu.dma_semaphore, #tpu.memory_space<semaphore_mem>>) src(%dma_wait3A_446 : memref<128x128xf32, #tpu.memory_space<vmem>>) dst(%dma_wait3A_442 : memref<128x128xf32, #tpu.memory_space<hbm>>)
      %add3A_447 = arith.constant 1024 : i32
      %add3A_448 = arith.addi %mul3A_9, %add3A_447 : i32
      %dma_start3A_449 = arith.constant 0 : i32
      %dma_start3A_450 = arith.constant 0 : i32
      %dma_start3A_451 = arith.constant 0 : i32
      %dma_start3A_452 = tpu.memref_slice %arg8[%dma_start3A_449, %dma_start3A_450, %dma_start3A_451] : memref<2x128x128xf32, #tpu.memory_space<vmem>> -> memref<1x128x128xf32, #tpu.memory_space<vmem>>
      %dma_start3A_453 = tpu.memref_squeeze %dma_start3A_452 : memref<1x128x128xf32, #tpu.memory_space<vmem>> -> memref<128x128xf32, #tpu.memory_space<vmem>>
      %dma_start3A_454 = arith.constant 0 : i32
      %dma_start3A_455 = tpu.memref_slice %arg5[%add3A_448, %dma_start3A_454] : memref<20480x128xf32, #tpu.memory_space<hbm>> -> memref<128x128xf32, #tpu.memory_space<hbm>>
      %dma_start3A_456 = arith.constant 0 : i32
      %dma_start3A_457 = tpu.memref_slice %arg5[%add3A_448, %dma_start3A_456] : memref<20480x128xf32, #tpu.memory_space<hbm>> -> memref<128x128xf32, #tpu.memory_space<hbm>>
      %dma_start3A_458 = arith.constant 0 : i32
      %dma_start3A_459 = arith.constant 0 : i32
      %dma_start3A_460 = tpu.memref_slice %arg8[%dma_start3A_449, %dma_start3A_458, %dma_start3A_459] : memref<2x128x128xf32, #tpu.memory_space<vmem>> -> memref<1x128x128xf32, #tpu.memory_space<vmem>>
      %dma_start3A_461 = tpu.memref_squeeze %dma_start3A_460 : memref<1x128x128xf32, #tpu.memory_space<vmem>> -> memref<128x128xf32, #tpu.memory_space<vmem>>
      tpu.enqueue_dma source(%dma_start3A_461 : memref<128x128xf32, #tpu.memory_space<vmem>>) target(%dma_start3A_457 : memref<128x128xf32, #tpu.memory_space<hbm>>) target_semaphore(%arg10 : memref<!tpu.dma_semaphore, #tpu.memory_space<semaphore_mem>>)
      %dma_wait3A_462 = arith.constant 0 : i32
      %dma_wait3A_463 = arith.constant 0 : i32
      %dma_wait3A_464 = arith.constant 0 : i32
      %dma_wait3A_465 = tpu.memref_slice %arg8[%dma_wait3A_462, %dma_wait3A_463, %dma_wait3A_464] : memref<2x128x128xf32, #tpu.memory_space<vmem>> -> memref<1x128x128xf32, #tpu.memory_space<vmem>>
      %dma_wait3A_466 = tpu.memref_squeeze %dma_wait3A_465 : memref<1x128x128xf32, #tpu.memory_space<vmem>> -> memref<128x128xf32, #tpu.memory_space<vmem>>
      %dma_wait3A_467 = arith.constant 0 : i32
      %dma_wait3A_468 = tpu.memref_slice %arg5[%add3A_448, %dma_wait3A_467] : memref<20480x128xf32, #tpu.memory_space<hbm>> -> memref<128x128xf32, #tpu.memory_space<hbm>>
      %dma_wait3A_469 = arith.constant 0 : i32
      %dma_wait3A_470 = tpu.memref_slice %arg5[%add3A_448, %dma_wait3A_469] : memref<20480x128xf32, #tpu.memory_space<hbm>> -> memref<128x128xf32, #tpu.memory_space<hbm>>
      %dma_wait3A_471 = arith.constant 0 : i32
      %dma_wait3A_472 = arith.constant 0 : i32
      %dma_wait3A_473 = tpu.memref_slice %arg8[%dma_wait3A_462, %dma_wait3A_471, %dma_wait3A_472] : memref<2x128x128xf32, #tpu.memory_space<vmem>> -> memref<1x128x128xf32, #tpu.memory_space<vmem>>
      %dma_wait3A_474 = tpu.memref_squeeze %dma_wait3A_473 : memref<1x128x128xf32, #tpu.memory_space<vmem>> -> memref<128x128xf32, #tpu.memory_space<vmem>>
      tpu.wait_dma2 semaphore(%arg10 : memref<!tpu.dma_semaphore, #tpu.memory_space<semaphore_mem>>) src(%dma_wait3A_474 : memref<128x128xf32, #tpu.memory_space<vmem>>) dst(%dma_wait3A_470 : memref<128x128xf32, #tpu.memory_space<hbm>>)
    } else {
    }
    %eq3A_2 = arith.constant 1 : i32
    %eq3A_3 = arith.cmpi eq, %arg0, %eq3A_2 : i32
    %convert_element_type3A_4 = arith.extui %eq3A_3 : i1 to i32
    %cond3A_5 = arith.constant 0 : i32
    %cond3A_6 = arith.cmpi ne, %convert_element_type3A_4, %cond3A_5 : i32
    scf.if %cond3A_6 {
      "tpu.region"() ({
        %run_scoped3A = tpu.sem_alloc : memref<!tpu.dma_semaphore, #tpu.memory_space<semaphore_mem>>
        %dma_start3A_61 = arith.constant 0 : i32
        %dma_start3A_62 = arith.constant 0 : i32
        %dma_start3A_63 = tpu.memref_slice %arg3[%arg1, %dma_start3A_61, %dma_start3A_62] : memref<16x1x128xi32, #tpu.memory_space<hbm>> -> memref<1x1x128xi32, #tpu.memory_space<hbm>>
        %dma_start3A_64 = tpu.memref_squeeze %dma_start3A_63 : memref<1x1x128xi32, #tpu.memory_space<hbm>> -> memref<1x128xi32, #tpu.memory_space<hbm>>
        %dma_start3A_65 = arith.constant 0 : i32
        %dma_start3A_66 = arith.constant 0 : i32
        %dma_start3A_67 = tpu.memref_slice %arg3[%arg1, %dma_start3A_65, %dma_start3A_66] : memref<16x1x128xi32, #tpu.memory_space<hbm>> -> memref<1x1x128xi32, #tpu.memory_space<hbm>>
        %dma_start3A_68 = tpu.memref_squeeze %dma_start3A_67 : memref<1x1x128xi32, #tpu.memory_space<hbm>> -> memref<1x128xi32, #tpu.memory_space<hbm>>
        tpu.enqueue_dma source(%dma_start3A_68 : memref<1x128xi32, #tpu.memory_space<hbm>>) target(%arg7 : memref<1x128xi32, #tpu.memory_space<vmem>>) target_semaphore(%run_scoped3A : memref<!tpu.dma_semaphore, #tpu.memory_space<semaphore_mem>>)
        %dma_wait3A_69 = arith.constant 0 : i32
        %dma_wait3A_70 = arith.constant 0 : i32
        %dma_wait3A_71 = tpu.memref_slice %arg3[%arg1, %dma_wait3A_69, %dma_wait3A_70] : memref<16x1x128xi32, #tpu.memory_space<hbm>> -> memref<1x1x128xi32, #tpu.memory_space<hbm>>
        %dma_wait3A_72 = tpu.memref_squeeze %dma_wait3A_71 : memref<1x1x128xi32, #tpu.memory_space<hbm>> -> memref<1x128xi32, #tpu.memory_space<hbm>>
        %dma_wait3A_73 = arith.constant 0 : i32
        %dma_wait3A_74 = arith.constant 0 : i32
        %dma_wait3A_75 = tpu.memref_slice %arg3[%arg1, %dma_wait3A_73, %dma_wait3A_74] : memref<16x1x128xi32, #tpu.memory_space<hbm>> -> memref<1x1x128xi32, #tpu.memory_space<hbm>>
        %dma_wait3A_76 = tpu.memref_squeeze %dma_wait3A_75 : memref<1x1x128xi32, #tpu.memory_space<hbm>> -> memref<1x128xi32, #tpu.memory_space<hbm>>
        tpu.wait_dma2 semaphore(%run_scoped3A : memref<!tpu.dma_semaphore, #tpu.memory_space<semaphore_mem>>) src(%dma_wait3A_76 : memref<1x128xi32, #tpu.memory_space<hbm>>) dst(%arg7 : memref<1x128xi32, #tpu.memory_space<vmem>>)
        tpu.yield
      }) : () -> ()
      %mul3A = arith.constant 1 : i32
      %mul3A_7 = arith.muli %arg1, %mul3A : i32
      %add3A = arith.constant 144 : i32
      %add3A_8 = arith.addi %add3A, %mul3A_7 : i32
      %mul3A_9 = arith.constant 128 : i32
      %mul3A_10 = arith.muli %add3A_8, %mul3A_9 : i32
      %dma_start3A = arith.constant 0 : i32
      %dma_start3A_11 = arith.constant 0 : i32
      %dma_start3A_12 = arith.constant 0 : i32
      %dma_start3A_13 = arith.constant 0 : i32
      %dma_start3A_14 = tpu.memref_slice %arg8[%dma_start3A_11, %dma_start3A_12, %dma_start3A_13] : memref<2x128x128xf32, #tpu.memory_space<vmem>> -> memref<1x128x128xf32, #tpu.memory_space<vmem>>
      %dma_start3A_15 = tpu.memref_squeeze %dma_start3A_14 : memref<1x128x128xf32, #tpu.memory_space<vmem>> -> memref<128x128xf32, #tpu.memory_space<vmem>>
      %dma_start3A_16 = arith.constant 0 : i32
      %dma_start3A_17 = tpu.memref_slice %arg7[%dma_start3A, %dma_start3A_16] : memref<1x128xi32, #tpu.memory_space<vmem>> -> memref<1x128xi32, #tpu.memory_space<vmem>>
      %dma_start3A_18 = tpu.memref_squeeze %dma_start3A_17 : memref<1x128xi32, #tpu.memory_space<vmem>> -> memref<128xi32, #tpu.memory_space<vmem>>
      %dma_start3A_19 = arith.constant 0 : i32
      %dma_start3A_20 = arith.constant 0 : i32
      %dma_start3A_21 = tpu.memref_slice %arg4[%dma_start3A_19, %dma_start3A_20] : memref<10000x128xf32, #tpu.memory_space<hbm>> -> memref<10000x128xf32, #tpu.memory_space<hbm>>
      tpu.enqueue_indirect_dma source(%dma_start3A_21 : memref<10000x128xf32, #tpu.memory_space<hbm>>) target(%dma_start3A_15 : memref<128x128xf32, #tpu.memory_space<vmem>>) offsets(%dma_start3A_18 : memref<128xi32, #tpu.memory_space<vmem>>) semaphore(%arg9 : memref<!tpu.dma_semaphore, #tpu.memory_space<semaphore_mem>>)
      %dma_wait3A = arith.constant 0 : i32
      %dma_wait3A_22 = arith.constant 0 : i32
      %dma_wait3A_23 = arith.constant 0 : i32
      %dma_wait3A_24 = arith.constant 0 : i32
      %dma_wait3A_25 = tpu.memref_slice %arg8[%dma_wait3A_22, %dma_wait3A_23, %dma_wait3A_24] : memref<2x128x128xf32, #tpu.memory_space<vmem>> -> memref<1x128x128xf32, #tpu.memory_space<vmem>>
      %dma_wait3A_26 = tpu.memref_squeeze %dma_wait3A_25 : memref<1x128x128xf32, #tpu.memory_space<vmem>> -> memref<128x128xf32, #tpu.memory_space<vmem>>
      %dma_wait3A_27 = arith.constant 0 : i32
      %dma_wait3A_28 = tpu.memref_slice %arg7[%dma_wait3A, %dma_wait3A_27] : memref<1x128xi32, #tpu.memory_space<vmem>> -> memref<1x128xi32, #tpu.memory_space<vmem>>
      %dma_wait3A_29 = tpu.memref_squeeze %dma_wait3A_28 : memref<1x128xi32, #tpu.memory_space<vmem>> -> memref<128xi32, #tpu.memory_space<vmem>>
      %dma_wait3A_30 = arith.constant 0 : i32
      %dma_wait3A_31 = arith.constant 0 : i32
      %dma_wait3A_32 = tpu.memref_slice %arg4[%dma_wait3A_30, %dma_wait3A_31] : memref<10000x128xf32, #tpu.memory_space<hbm>> -> memref<10000x128xf32, #tpu.memory_space<hbm>>
      tpu.wait_indirect_dma semaphore(%arg9 : memref<!tpu.dma_semaphore, #tpu.memory_space<semaphore_mem>>) src(%dma_wait3A_32 : memref<10000x128xf32, #tpu.memory_space<hbm>>) dst(%dma_wait3A_26 : memref<128x128xf32, #tpu.memory_space<vmem>>)
      %add3A_33 = arith.constant 0 : i32
      %add3A_34 = arith.addi %mul3A_10, %add3A_33 : i32
      %dma_start3A_35 = arith.constant 0 : i32
      %dma_start3A_36 = arith.constant 0 : i32
      %dma_start3A_37 = arith.constant 0 : i32
      %dma_start3A_38 = tpu.memref_slice %arg8[%dma_start3A_35, %dma_start3A_36, %dma_start3A_37] : memref<2x128x128xf32, #tpu.memory_space<vmem>> -> memref<1x128x128xf32, #tpu.memory_space<vmem>>
      %dma_start3A_39 = tpu.memref_squeeze %dma_start3A_38 : memref<1x128x128xf32, #tpu.memory_space<vmem>> -> memref<128x128xf32, #tpu.memory_space<vmem>>
      %dma_start3A_40 = arith.constant 0 : i32
      %dma_start3A_41 = tpu.memref_slice %arg5[%add3A_34, %dma_start3A_40] : memref<20480x128xf32, #tpu.memory_space<hbm>> -> memref<128x128xf32, #tpu.memory_space<hbm>>
      %dma_start3A_42 = arith.constant 0 : i32
      %dma_start3A_43 = tpu.memref_slice %arg5[%add3A_34, %dma_start3A_42] : memref<20480x128xf32, #tpu.memory_space<hbm>> -> memref<128x128xf32, #tpu.memory_space<hbm>>
      %dma_start3A_44 = arith.constant 0 : i32
      %dma_start3A_45 = arith.constant 0 : i32
      %dma_start3A_46 = tpu.memref_slice %arg8[%dma_start3A_35, %dma_start3A_44, %dma_start3A_45] : memref<2x128x128xf32, #tpu.memory_space<vmem>> -> memref<1x128x128xf32, #tpu.memory_space<vmem>>
      %dma_start3A_47 = tpu.memref_squeeze %dma_start3A_46 : memref<1x128x128xf32, #tpu.memory_space<vmem>> -> memref<128x128xf32, #tpu.memory_space<vmem>>
      tpu.enqueue_dma source(%dma_start3A_47 : memref<128x128xf32, #tpu.memory_space<vmem>>) target(%dma_start3A_43 : memref<128x128xf32, #tpu.memory_space<hbm>>) target_semaphore(%arg10 : memref<!tpu.dma_semaphore, #tpu.memory_space<semaphore_mem>>)
      %dma_wait3A_48 = arith.constant 0 : i32
      %dma_wait3A_49 = arith.constant 0 : i32
      %dma_wait3A_50 = arith.constant 0 : i32
      %dma_wait3A_51 = tpu.memref_slice %arg8[%dma_wait3A_48, %dma_wait3A_49, %dma_wait3A_50] : memref<2x128x128xf32, #tpu.memory_space<vmem>> -> memref<1x128x128xf32, #tpu.memory_space<vmem>>
      %dma_wait3A_52 = tpu.memref_squeeze %dma_wait3A_51 : memref<1x128x128xf32, #tpu.memory_space<vmem>> -> memref<128x128xf32, #tpu.memory_space<vmem>>
      %dma_wait3A_53 = arith.constant 0 : i32
      %dma_wait3A_54 = tpu.memref_slice %arg5[%add3A_34, %dma_wait3A_53] : memref<20480x128xf32, #tpu.memory_space<hbm>> -> memref<128x128xf32, #tpu.memory_space<hbm>>
      %dma_wait3A_55 = arith.constant 0 : i32
      %dma_wait3A_56 = tpu.memref_slice %arg5[%add3A_34, %dma_wait3A_55] : memref<20480x128xf32, #tpu.memory_space<hbm>> -> memref<128x128xf32, #tpu.memory_space<hbm>>
      %dma_wait3A_57 = arith.constant 0 : i32
      %dma_wait3A_58 = arith.constant 0 : i32
      %dma_wait3A_59 = tpu.memref_slice %arg8[%dma_wait3A_48, %dma_wait3A_57, %dma_wait3A_58] : memref<2x128x128xf32, #tpu.memory_space<vmem>> -> memref<1x128x128xf32, #tpu.memory_space<vmem>>
      %dma_wait3A_60 = tpu.memref_squeeze %dma_wait3A_59 : memref<1x128x128xf32, #tpu.memory_space<vmem>> -> memref<128x128xf32, #tpu.memory_space<vmem>>
      tpu.wait_dma2 semaphore(%arg10 : memref<!tpu.dma_semaphore, #tpu.memory_space<semaphore_mem>>) src(%dma_wait3A_60 : memref<128x128xf32, #tpu.memory_space<vmem>>) dst(%dma_wait3A_56 : memref<128x128xf32, #tpu.memory_space<hbm>>)
    } else {
    }
    return
  }
}

#map = affine_map<(d0, d1) -> (0, 0, 0)>
#map1 = affine_map<(d0, d1) -> (0, 0)>
module attributes {stable_mosaic.version = 14 : i64} {
  func.func @k(%arg0: i32, %arg1: i32, %arg2: memref<32x5x128xi32, #tpu.memory_space<hbm>>, %arg3: memref<20480x128xf32, #tpu.memory_space<hbm>>, %arg4: memref<10112x128xf32, #tpu.memory_space<hbm>>, %arg5: memref<2x10112x128xf32, #tpu.memory_space<hbm>>, %arg6: memref<5x128xi32, #tpu.memory_space<vmem>>, %arg7: memref<2x128x128xf32, #tpu.memory_space<vmem>>, %arg8: memref<10112x128xf32, #tpu.memory_space<vmem_shared>>, %arg9: memref<!tpu.dma_semaphore, #tpu.memory_space<semaphore_mem>>) attributes {dimension_semantics = [#tpu.dimension_semantics<core_parallel>, #tpu.dimension_semantics<subcore_parallel>], iteration_bounds = array<i64: 2, 16>, scalar_prefetch = 0 : i64, scratch_operands = 4 : i64, tpu.core_type = #tpu.core_type<sc_vector_subcore>, window_params = [{transform_indices = #map}, {transform_indices = #map1}, {transform_indices = #map1}, {transform_indices = #map}]} {
    %mul3A = arith.constant 2 : i32
    %mul3A_0 = arith.muli %arg1, %mul3A : i32
    %add3A = arith.addi %mul3A_0, %arg0 : i32
    %mul3A_1 = arith.constant 640 : i32
    %mul3A_2 = arith.muli %add3A, %mul3A_1 : i32
    %dma_start3A = arith.constant 0 : i32
    %dma_start3A_3 = arith.constant 0 : i32
    %dma_start3A_4 = arith.constant 0 : i32
    %dma_start3A_5 = tpu.memref_slice %arg7[%dma_start3A, %dma_start3A_3, %dma_start3A_4] : memref<2x128x128xf32, #tpu.memory_space<vmem>> -> memref<1x128x128xf32, #tpu.memory_space<vmem>>
    %dma_start3A_6 = tpu.memref_squeeze %dma_start3A_5 : memref<1x128x128xf32, #tpu.memory_space<vmem>> -> memref<128x128xf32, #tpu.memory_space<vmem>>
    %dma_start3A_7 = arith.constant 0 : i32
    %dma_start3A_8 = tpu.memref_slice %arg3[%mul3A_2, %dma_start3A_7] : memref<20480x128xf32, #tpu.memory_space<hbm>> -> memref<128x128xf32, #tpu.memory_space<hbm>>
    %dma_start3A_9 = arith.constant 0 : i32
    %dma_start3A_10 = arith.constant 0 : i32
    %dma_start3A_11 = tpu.memref_slice %arg7[%dma_start3A, %dma_start3A_9, %dma_start3A_10] : memref<2x128x128xf32, #tpu.memory_space<vmem>> -> memref<1x128x128xf32, #tpu.memory_space<vmem>>
    %dma_start3A_12 = tpu.memref_squeeze %dma_start3A_11 : memref<1x128x128xf32, #tpu.memory_space<vmem>> -> memref<128x128xf32, #tpu.memory_space<vmem>>
    %dma_start3A_13 = arith.constant 0 : i32
    %dma_start3A_14 = tpu.memref_slice %arg3[%mul3A_2, %dma_start3A_13] : memref<20480x128xf32, #tpu.memory_space<hbm>> -> memref<128x128xf32, #tpu.memory_space<hbm>>
    tpu.enqueue_dma source(%dma_start3A_14 : memref<128x128xf32, #tpu.memory_space<hbm>>) target(%dma_start3A_12 : memref<128x128xf32, #tpu.memory_space<vmem>>) target_semaphore(%arg9 : memref<!tpu.dma_semaphore, #tpu.memory_space<semaphore_mem>>)
    %mul3A_15 = arith.constant 632 : i32
    %mul3A_16 = arith.muli %arg1, %mul3A_15 : i32
    %mul3A_17 = arith.constant 632 : i32
    %mul3A_18 = arith.muli %arg1, %mul3A_17 : i32
    "tpu.region"() ({
      %run_scoped3A_165 = tpu.sem_alloc : memref<!tpu.dma_semaphore, #tpu.memory_space<semaphore_mem>>
      %dma_start3A_166 = arith.constant 0 : i32
      %dma_start3A_167 = tpu.memref_slice %arg8[%mul3A_18, %dma_start3A_166] : memref<10112x128xf32, #tpu.memory_space<vmem_shared>> -> memref<632x128xf32, #tpu.memory_space<vmem_shared>>
      %dma_start3A_168 = arith.constant 0 : i32
      %dma_start3A_169 = tpu.memref_slice %arg4[%mul3A_16, %dma_start3A_168] : memref<10112x128xf32, #tpu.memory_space<hbm>> -> memref<632x128xf32, #tpu.memory_space<hbm>>
      tpu.enqueue_dma source(%dma_start3A_169 : memref<632x128xf32, #tpu.memory_space<hbm>>) target(%dma_start3A_167 : memref<632x128xf32, #tpu.memory_space<vmem_shared>>) target_semaphore(%run_scoped3A_165 : memref<!tpu.dma_semaphore, #tpu.memory_space<semaphore_mem>>)
      %dma_wait3A_170 = arith.constant 0 : i32
      %dma_wait3A_171 = tpu.memref_slice %arg8[%mul3A_18, %dma_wait3A_170] : memref<10112x128xf32, #tpu.memory_space<vmem_shared>> -> memref<632x128xf32, #tpu.memory_space<vmem_shared>>
      %dma_wait3A_172 = arith.constant 0 : i32
      %dma_wait3A_173 = tpu.memref_slice %arg4[%mul3A_16, %dma_wait3A_172] : memref<10112x128xf32, #tpu.memory_space<hbm>> -> memref<632x128xf32, #tpu.memory_space<hbm>>
      tpu.wait_dma2 semaphore(%run_scoped3A_165 : memref<!tpu.dma_semaphore, #tpu.memory_space<semaphore_mem>>) src(%dma_wait3A_173 : memref<632x128xf32, #tpu.memory_space<hbm>>) dst(%dma_wait3A_171 : memref<632x128xf32, #tpu.memory_space<vmem_shared>>)
      tpu.yield
    }) : () -> ()
    "tpu.region"() ({
      %run_scoped3A_165 = tpu.sem_alloc : memref<!tpu.dma_semaphore, #tpu.memory_space<semaphore_mem>>
      %dma_start3A_166 = arith.constant 0 : i32
      %dma_start3A_167 = arith.constant 0 : i32
      %dma_start3A_168 = tpu.memref_slice %arg2[%add3A, %dma_start3A_166, %dma_start3A_167] : memref<32x5x128xi32, #tpu.memory_space<hbm>> -> memref<1x5x128xi32, #tpu.memory_space<hbm>>
      %dma_start3A_169 = tpu.memref_squeeze %dma_start3A_168 : memref<1x5x128xi32, #tpu.memory_space<hbm>> -> memref<5x128xi32, #tpu.memory_space<hbm>>
      %dma_start3A_170 = arith.constant 0 : i32
      %dma_start3A_171 = arith.constant 0 : i32
      %dma_start3A_172 = tpu.memref_slice %arg2[%add3A, %dma_start3A_170, %dma_start3A_171] : memref<32x5x128xi32, #tpu.memory_space<hbm>> -> memref<1x5x128xi32, #tpu.memory_space<hbm>>
      %dma_start3A_173 = tpu.memref_squeeze %dma_start3A_172 : memref<1x5x128xi32, #tpu.memory_space<hbm>> -> memref<5x128xi32, #tpu.memory_space<hbm>>
      tpu.enqueue_dma source(%dma_start3A_173 : memref<5x128xi32, #tpu.memory_space<hbm>>) target(%arg6 : memref<5x128xi32, #tpu.memory_space<vmem>>) target_semaphore(%run_scoped3A_165 : memref<!tpu.dma_semaphore, #tpu.memory_space<semaphore_mem>>)
      %dma_wait3A_174 = arith.constant 0 : i32
      %dma_wait3A_175 = arith.constant 0 : i32
      %dma_wait3A_176 = tpu.memref_slice %arg2[%add3A, %dma_wait3A_174, %dma_wait3A_175] : memref<32x5x128xi32, #tpu.memory_space<hbm>> -> memref<1x5x128xi32, #tpu.memory_space<hbm>>
      %dma_wait3A_177 = tpu.memref_squeeze %dma_wait3A_176 : memref<1x5x128xi32, #tpu.memory_space<hbm>> -> memref<5x128xi32, #tpu.memory_space<hbm>>
      %dma_wait3A_178 = arith.constant 0 : i32
      %dma_wait3A_179 = arith.constant 0 : i32
      %dma_wait3A_180 = tpu.memref_slice %arg2[%add3A, %dma_wait3A_178, %dma_wait3A_179] : memref<32x5x128xi32, #tpu.memory_space<hbm>> -> memref<1x5x128xi32, #tpu.memory_space<hbm>>
      %dma_wait3A_181 = tpu.memref_squeeze %dma_wait3A_180 : memref<1x5x128xi32, #tpu.memory_space<hbm>> -> memref<5x128xi32, #tpu.memory_space<hbm>>
      tpu.wait_dma2 semaphore(%run_scoped3A_165 : memref<!tpu.dma_semaphore, #tpu.memory_space<semaphore_mem>>) src(%dma_wait3A_181 : memref<5x128xi32, #tpu.memory_space<hbm>>) dst(%arg6 : memref<5x128xi32, #tpu.memory_space<vmem>>)
      tpu.yield
    }) : () -> ()
    %barrier3A = arith.constant 0 : index
    tpu.barrier barrier_id(%barrier3A)
    %dma_wait3A = arith.constant 0 : i32
    %dma_wait3A_19 = arith.constant 0 : i32
    %dma_wait3A_20 = arith.constant 0 : i32
    %dma_wait3A_21 = tpu.memref_slice %arg7[%dma_wait3A, %dma_wait3A_19, %dma_wait3A_20] : memref<2x128x128xf32, #tpu.memory_space<vmem>> -> memref<1x128x128xf32, #tpu.memory_space<vmem>>
    %dma_wait3A_22 = tpu.memref_squeeze %dma_wait3A_21 : memref<1x128x128xf32, #tpu.memory_space<vmem>> -> memref<128x128xf32, #tpu.memory_space<vmem>>
    %dma_wait3A_23 = arith.constant 0 : i32
    %dma_wait3A_24 = tpu.memref_slice %arg3[%mul3A_2, %dma_wait3A_23] : memref<20480x128xf32, #tpu.memory_space<hbm>> -> memref<128x128xf32, #tpu.memory_space<hbm>>
    %dma_wait3A_25 = arith.constant 0 : i32
    %dma_wait3A_26 = arith.constant 0 : i32
    %dma_wait3A_27 = tpu.memref_slice %arg7[%dma_wait3A, %dma_wait3A_25, %dma_wait3A_26] : memref<2x128x128xf32, #tpu.memory_space<vmem>> -> memref<1x128x128xf32, #tpu.memory_space<vmem>>
    %dma_wait3A_28 = tpu.memref_squeeze %dma_wait3A_27 : memref<1x128x128xf32, #tpu.memory_space<vmem>> -> memref<128x128xf32, #tpu.memory_space<vmem>>
    %dma_wait3A_29 = arith.constant 0 : i32
    %dma_wait3A_30 = tpu.memref_slice %arg3[%mul3A_2, %dma_wait3A_29] : memref<20480x128xf32, #tpu.memory_space<hbm>> -> memref<128x128xf32, #tpu.memory_space<hbm>>
    tpu.wait_dma2 semaphore(%arg9 : memref<!tpu.dma_semaphore, #tpu.memory_space<semaphore_mem>>) src(%dma_wait3A_30 : memref<128x128xf32, #tpu.memory_space<hbm>>) dst(%dma_wait3A_28 : memref<128x128xf32, #tpu.memory_space<vmem>>)
    %mul3A_31 = arith.constant 640 : i32
    %mul3A_32 = arith.muli %add3A, %mul3A_31 : i32
    %add3A_33 = arith.constant 128 : i32
    %add3A_34 = arith.addi %mul3A_32, %add3A_33 : i32
    %dma_start3A_35 = arith.constant 1 : i32
    %dma_start3A_36 = arith.constant 0 : i32
    %dma_start3A_37 = arith.constant 0 : i32
    %dma_start3A_38 = tpu.memref_slice %arg7[%dma_start3A_35, %dma_start3A_36, %dma_start3A_37] : memref<2x128x128xf32, #tpu.memory_space<vmem>> -> memref<1x128x128xf32, #tpu.memory_space<vmem>>
    %dma_start3A_39 = tpu.memref_squeeze %dma_start3A_38 : memref<1x128x128xf32, #tpu.memory_space<vmem>> -> memref<128x128xf32, #tpu.memory_space<vmem>>
    %dma_start3A_40 = arith.constant 0 : i32
    %dma_start3A_41 = tpu.memref_slice %arg3[%add3A_34, %dma_start3A_40] : memref<20480x128xf32, #tpu.memory_space<hbm>> -> memref<128x128xf32, #tpu.memory_space<hbm>>
    %dma_start3A_42 = arith.constant 0 : i32
    %dma_start3A_43 = arith.constant 0 : i32
    %dma_start3A_44 = tpu.memref_slice %arg7[%dma_start3A_35, %dma_start3A_42, %dma_start3A_43] : memref<2x128x128xf32, #tpu.memory_space<vmem>> -> memref<1x128x128xf32, #tpu.memory_space<vmem>>
    %dma_start3A_45 = tpu.memref_squeeze %dma_start3A_44 : memref<1x128x128xf32, #tpu.memory_space<vmem>> -> memref<128x128xf32, #tpu.memory_space<vmem>>
    %dma_start3A_46 = arith.constant 0 : i32
    %dma_start3A_47 = tpu.memref_slice %arg3[%add3A_34, %dma_start3A_46] : memref<20480x128xf32, #tpu.memory_space<hbm>> -> memref<128x128xf32, #tpu.memory_space<hbm>>
    tpu.enqueue_dma source(%dma_start3A_47 : memref<128x128xf32, #tpu.memory_space<hbm>>) target(%dma_start3A_45 : memref<128x128xf32, #tpu.memory_space<vmem>>) target_semaphore(%arg9 : memref<!tpu.dma_semaphore, #tpu.memory_space<semaphore_mem>>)
    %run_scoped3A = arith.constant 0 : i32
    %run_scoped3A_48 = arith.constant 0 : i32
    "tpu.region"() ({
      %run_scoped3A_165 = tpu.sem_alloc : memref<!tpu.dma_semaphore, #tpu.memory_space<semaphore_mem>>
      %dma_start3A_166 = arith.constant 0 : i32
      %dma_start3A_167 = arith.constant 0 : i32
      %dma_start3A_168 = tpu.memref_slice %arg7[%run_scoped3A, %dma_start3A_166, %dma_start3A_167] : memref<2x128x128xf32, #tpu.memory_space<vmem>> -> memref<1x128x128xf32, #tpu.memory_space<vmem>>
      %dma_start3A_169 = tpu.memref_squeeze %dma_start3A_168 : memref<1x128x128xf32, #tpu.memory_space<vmem>> -> memref<128x128xf32, #tpu.memory_space<vmem>>
      %dma_start3A_170 = arith.constant 0 : i32
      %dma_start3A_171 = tpu.memref_slice %arg6[%run_scoped3A_48, %dma_start3A_170] : memref<5x128xi32, #tpu.memory_space<vmem>> -> memref<1x128xi32, #tpu.memory_space<vmem>>
      %dma_start3A_172 = tpu.memref_squeeze %dma_start3A_171 : memref<1x128xi32, #tpu.memory_space<vmem>> -> memref<128xi32, #tpu.memory_space<vmem>>
      %dma_start3A_173 = arith.constant 0 : i32
      %dma_start3A_174 = arith.constant 0 : i32
      %dma_start3A_175 = tpu.memref_slice %arg8[%dma_start3A_173, %dma_start3A_174] : memref<10112x128xf32, #tpu.memory_space<vmem_shared>> -> memref<10112x128xf32, #tpu.memory_space<vmem_shared>>
      tpu.enqueue_indirect_dma source(%dma_start3A_169 : memref<128x128xf32, #tpu.memory_space<vmem>>) target(%dma_start3A_175 : memref<10112x128xf32, #tpu.memory_space<vmem_shared>>) offsets(%dma_start3A_172 : memref<128xi32, #tpu.memory_space<vmem>>) semaphore(%run_scoped3A_165 : memref<!tpu.dma_semaphore, #tpu.memory_space<semaphore_mem>>) {add = true}
      %dma_wait3A_176 = arith.constant 0 : i32
      %dma_wait3A_177 = arith.constant 0 : i32
      %dma_wait3A_178 = tpu.memref_slice %arg7[%run_scoped3A, %dma_wait3A_176, %dma_wait3A_177] : memref<2x128x128xf32, #tpu.memory_space<vmem>> -> memref<1x128x128xf32, #tpu.memory_space<vmem>>
      %dma_wait3A_179 = tpu.memref_squeeze %dma_wait3A_178 : memref<1x128x128xf32, #tpu.memory_space<vmem>> -> memref<128x128xf32, #tpu.memory_space<vmem>>
      %dma_wait3A_180 = arith.constant 0 : i32
      %dma_wait3A_181 = tpu.memref_slice %arg6[%run_scoped3A_48, %dma_wait3A_180] : memref<5x128xi32, #tpu.memory_space<vmem>> -> memref<1x128xi32, #tpu.memory_space<vmem>>
      %dma_wait3A_182 = tpu.memref_squeeze %dma_wait3A_181 : memref<1x128xi32, #tpu.memory_space<vmem>> -> memref<128xi32, #tpu.memory_space<vmem>>
      %dma_wait3A_183 = arith.constant 0 : i32
      %dma_wait3A_184 = arith.constant 0 : i32
      %dma_wait3A_185 = tpu.memref_slice %arg8[%dma_wait3A_183, %dma_wait3A_184] : memref<10112x128xf32, #tpu.memory_space<vmem_shared>> -> memref<10112x128xf32, #tpu.memory_space<vmem_shared>>
      tpu.wait_indirect_dma semaphore(%run_scoped3A_165 : memref<!tpu.dma_semaphore, #tpu.memory_space<semaphore_mem>>) src(%dma_wait3A_179 : memref<128x128xf32, #tpu.memory_space<vmem>>) dst(%dma_wait3A_185 : memref<10112x128xf32, #tpu.memory_space<vmem_shared>>)
      tpu.yield
    }) : () -> ()
    %dma_wait3A_49 = arith.constant 1 : i32
    %dma_wait3A_50 = arith.constant 0 : i32
    %dma_wait3A_51 = arith.constant 0 : i32
    %dma_wait3A_52 = tpu.memref_slice %arg7[%dma_wait3A_49, %dma_wait3A_50, %dma_wait3A_51] : memref<2x128x128xf32, #tpu.memory_space<vmem>> -> memref<1x128x128xf32, #tpu.memory_space<vmem>>
    %dma_wait3A_53 = tpu.memref_squeeze %dma_wait3A_52 : memref<1x128x128xf32, #tpu.memory_space<vmem>> -> memref<128x128xf32, #tpu.memory_space<vmem>>
    %dma_wait3A_54 = arith.constant 0 : i32
    %dma_wait3A_55 = tpu.memref_slice %arg3[%add3A_34, %dma_wait3A_54] : memref<20480x128xf32, #tpu.memory_space<hbm>> -> memref<128x128xf32, #tpu.memory_space<hbm>>
    %dma_wait3A_56 = arith.constant 0 : i32
    %dma_wait3A_57 = arith.constant 0 : i32
    %dma_wait3A_58 = tpu.memref_slice %arg7[%dma_wait3A_49, %dma_wait3A_56, %dma_wait3A_57] : memref<2x128x128xf32, #tpu.memory_space<vmem>> -> memref<1x128x128xf32, #tpu.memory_space<vmem>>
    %dma_wait3A_59 = tpu.memref_squeeze %dma_wait3A_58 : memref<1x128x128xf32, #tpu.memory_space<vmem>> -> memref<128x128xf32, #tpu.memory_space<vmem>>
    %dma_wait3A_60 = arith.constant 0 : i32
    %dma_wait3A_61 = tpu.memref_slice %arg3[%add3A_34, %dma_wait3A_60] : memref<20480x128xf32, #tpu.memory_space<hbm>> -> memref<128x128xf32, #tpu.memory_space<hbm>>
    tpu.wait_dma2 semaphore(%arg9 : memref<!tpu.dma_semaphore, #tpu.memory_space<semaphore_mem>>) src(%dma_wait3A_61 : memref<128x128xf32, #tpu.memory_space<hbm>>) dst(%dma_wait3A_59 : memref<128x128xf32, #tpu.memory_space<vmem>>)
    %mul3A_62 = arith.constant 640 : i32
    %mul3A_63 = arith.muli %add3A, %mul3A_62 : i32
    %add3A_64 = arith.constant 256 : i32
    %add3A_65 = arith.addi %mul3A_63, %add3A_64 : i32
    %dma_start3A_66 = arith.constant 0 : i32
    %dma_start3A_67 = arith.constant 0 : i32
    %dma_start3A_68 = arith.constant 0 : i32
    %dma_start3A_69 = tpu.memref_slice %arg7[%dma_start3A_66, %dma_start3A_67, %dma_start3A_68] : memref<2x128x128xf32, #tpu.memory_space<vmem>> -> memref<1x128x128xf32, #tpu.memory_space<vmem>>
    %dma_start3A_70 = tpu.memref_squeeze %dma_start3A_69 : memref<1x128x128xf32, #tpu.memory_space<vmem>> -> memref<128x128xf32, #tpu.memory_space<vmem>>
    %dma_start3A_71 = arith.constant 0 : i32
    %dma_start3A_72 = tpu.memref_slice %arg3[%add3A_65, %dma_start3A_71] : memref<20480x128xf32, #tpu.memory_space<hbm>> -> memref<128x128xf32, #tpu.memory_space<hbm>>
    %dma_start3A_73 = arith.constant 0 : i32
    %dma_start3A_74 = arith.constant 0 : i32
    %dma_start3A_75 = tpu.memref_slice %arg7[%dma_start3A_66, %dma_start3A_73, %dma_start3A_74] : memref<2x128x128xf32, #tpu.memory_space<vmem>> -> memref<1x128x128xf32, #tpu.memory_space<vmem>>
    %dma_start3A_76 = tpu.memref_squeeze %dma_start3A_75 : memref<1x128x128xf32, #tpu.memory_space<vmem>> -> memref<128x128xf32, #tpu.memory_space<vmem>>
    %dma_start3A_77 = arith.constant 0 : i32
    %dma_start3A_78 = tpu.memref_slice %arg3[%add3A_65, %dma_start3A_77] : memref<20480x128xf32, #tpu.memory_space<hbm>> -> memref<128x128xf32, #tpu.memory_space<hbm>>
    tpu.enqueue_dma source(%dma_start3A_78 : memref<128x128xf32, #tpu.memory_space<hbm>>) target(%dma_start3A_76 : memref<128x128xf32, #tpu.memory_space<vmem>>) target_semaphore(%arg9 : memref<!tpu.dma_semaphore, #tpu.memory_space<semaphore_mem>>)
    %run_scoped3A_79 = arith.constant 1 : i32
    %run_scoped3A_80 = arith.constant 1 : i32
    "tpu.region"() ({
      %run_scoped3A_165 = tpu.sem_alloc : memref<!tpu.dma_semaphore, #tpu.memory_space<semaphore_mem>>
      %dma_start3A_166 = arith.constant 0 : i32
      %dma_start3A_167 = arith.constant 0 : i32
      %dma_start3A_168 = tpu.memref_slice %arg7[%run_scoped3A_79, %dma_start3A_166, %dma_start3A_167] : memref<2x128x128xf32, #tpu.memory_space<vmem>> -> memref<1x128x128xf32, #tpu.memory_space<vmem>>
      %dma_start3A_169 = tpu.memref_squeeze %dma_start3A_168 : memref<1x128x128xf32, #tpu.memory_space<vmem>> -> memref<128x128xf32, #tpu.memory_space<vmem>>
      %dma_start3A_170 = arith.constant 0 : i32
      %dma_start3A_171 = tpu.memref_slice %arg6[%run_scoped3A_80, %dma_start3A_170] : memref<5x128xi32, #tpu.memory_space<vmem>> -> memref<1x128xi32, #tpu.memory_space<vmem>>
      %dma_start3A_172 = tpu.memref_squeeze %dma_start3A_171 : memref<1x128xi32, #tpu.memory_space<vmem>> -> memref<128xi32, #tpu.memory_space<vmem>>
      %dma_start3A_173 = arith.constant 0 : i32
      %dma_start3A_174 = arith.constant 0 : i32
      %dma_start3A_175 = tpu.memref_slice %arg8[%dma_start3A_173, %dma_start3A_174] : memref<10112x128xf32, #tpu.memory_space<vmem_shared>> -> memref<10112x128xf32, #tpu.memory_space<vmem_shared>>
      tpu.enqueue_indirect_dma source(%dma_start3A_169 : memref<128x128xf32, #tpu.memory_space<vmem>>) target(%dma_start3A_175 : memref<10112x128xf32, #tpu.memory_space<vmem_shared>>) offsets(%dma_start3A_172 : memref<128xi32, #tpu.memory_space<vmem>>) semaphore(%run_scoped3A_165 : memref<!tpu.dma_semaphore, #tpu.memory_space<semaphore_mem>>) {add = true}
      %dma_wait3A_176 = arith.constant 0 : i32
      %dma_wait3A_177 = arith.constant 0 : i32
      %dma_wait3A_178 = tpu.memref_slice %arg7[%run_scoped3A_79, %dma_wait3A_176, %dma_wait3A_177] : memref<2x128x128xf32, #tpu.memory_space<vmem>> -> memref<1x128x128xf32, #tpu.memory_space<vmem>>
      %dma_wait3A_179 = tpu.memref_squeeze %dma_wait3A_178 : memref<1x128x128xf32, #tpu.memory_space<vmem>> -> memref<128x128xf32, #tpu.memory_space<vmem>>
      %dma_wait3A_180 = arith.constant 0 : i32
      %dma_wait3A_181 = tpu.memref_slice %arg6[%run_scoped3A_80, %dma_wait3A_180] : memref<5x128xi32, #tpu.memory_space<vmem>> -> memref<1x128xi32, #tpu.memory_space<vmem>>
      %dma_wait3A_182 = tpu.memref_squeeze %dma_wait3A_181 : memref<1x128xi32, #tpu.memory_space<vmem>> -> memref<128xi32, #tpu.memory_space<vmem>>
      %dma_wait3A_183 = arith.constant 0 : i32
      %dma_wait3A_184 = arith.constant 0 : i32
      %dma_wait3A_185 = tpu.memref_slice %arg8[%dma_wait3A_183, %dma_wait3A_184] : memref<10112x128xf32, #tpu.memory_space<vmem_shared>> -> memref<10112x128xf32, #tpu.memory_space<vmem_shared>>
      tpu.wait_indirect_dma semaphore(%run_scoped3A_165 : memref<!tpu.dma_semaphore, #tpu.memory_space<semaphore_mem>>) src(%dma_wait3A_179 : memref<128x128xf32, #tpu.memory_space<vmem>>) dst(%dma_wait3A_185 : memref<10112x128xf32, #tpu.memory_space<vmem_shared>>)
      tpu.yield
    }) : () -> ()
    %dma_wait3A_81 = arith.constant 0 : i32
    %dma_wait3A_82 = arith.constant 0 : i32
    %dma_wait3A_83 = arith.constant 0 : i32
    %dma_wait3A_84 = tpu.memref_slice %arg7[%dma_wait3A_81, %dma_wait3A_82, %dma_wait3A_83] : memref<2x128x128xf32, #tpu.memory_space<vmem>> -> memref<1x128x128xf32, #tpu.memory_space<vmem>>
    %dma_wait3A_85 = tpu.memref_squeeze %dma_wait3A_84 : memref<1x128x128xf32, #tpu.memory_space<vmem>> -> memref<128x128xf32, #tpu.memory_space<vmem>>
    %dma_wait3A_86 = arith.constant 0 : i32
    %dma_wait3A_87 = tpu.memref_slice %arg3[%add3A_65, %dma_wait3A_86] : memref<20480x128xf32, #tpu.memory_space<hbm>> -> memref<128x128xf32, #tpu.memory_space<hbm>>
    %dma_wait3A_88 = arith.constant 0 : i32
    %dma_wait3A_89 = arith.constant 0 : i32
    %dma_wait3A_90 = tpu.memref_slice %arg7[%dma_wait3A_81, %dma_wait3A_88, %dma_wait3A_89] : memref<2x128x128xf32, #tpu.memory_space<vmem>> -> memref<1x128x128xf32, #tpu.memory_space<vmem>>
    %dma_wait3A_91 = tpu.memref_squeeze %dma_wait3A_90 : memref<1x128x128xf32, #tpu.memory_space<vmem>> -> memref<128x128xf32, #tpu.memory_space<vmem>>
    %dma_wait3A_92 = arith.constant 0 : i32
    %dma_wait3A_93 = tpu.memref_slice %arg3[%add3A_65, %dma_wait3A_92] : memref<20480x128xf32, #tpu.memory_space<hbm>> -> memref<128x128xf32, #tpu.memory_space<hbm>>
    tpu.wait_dma2 semaphore(%arg9 : memref<!tpu.dma_semaphore, #tpu.memory_space<semaphore_mem>>) src(%dma_wait3A_93 : memref<128x128xf32, #tpu.memory_space<hbm>>) dst(%dma_wait3A_91 : memref<128x128xf32, #tpu.memory_space<vmem>>)
    %mul3A_94 = arith.constant 640 : i32
    %mul3A_95 = arith.muli %add3A, %mul3A_94 : i32
    %add3A_96 = arith.constant 384 : i32
    %add3A_97 = arith.addi %mul3A_95, %add3A_96 : i32
    %dma_start3A_98 = arith.constant 1 : i32
    %dma_start3A_99 = arith.constant 0 : i32
    %dma_start3A_100 = arith.constant 0 : i32
    %dma_start3A_101 = tpu.memref_slice %arg7[%dma_start3A_98, %dma_start3A_99, %dma_start3A_100] : memref<2x128x128xf32, #tpu.memory_space<vmem>> -> memref<1x128x128xf32, #tpu.memory_space<vmem>>
    %dma_start3A_102 = tpu.memref_squeeze %dma_start3A_101 : memref<1x128x128xf32, #tpu.memory_space<vmem>> -> memref<128x128xf32, #tpu.memory_space<vmem>>
    %dma_start3A_103 = arith.constant 0 : i32
    %dma_start3A_104 = tpu.memref_slice %arg3[%add3A_97, %dma_start3A_103] : memref<20480x128xf32, #tpu.memory_space<hbm>> -> memref<128x128xf32, #tpu.memory_space<hbm>>
    %dma_start3A_105 = arith.constant 0 : i32
    %dma_start3A_106 = arith.constant 0 : i32
    %dma_start3A_107 = tpu.memref_slice %arg7[%dma_start3A_98, %dma_start3A_105, %dma_start3A_106] : memref<2x128x128xf32, #tpu.memory_space<vmem>> -> memref<1x128x128xf32, #tpu.memory_space<vmem>>
    %dma_start3A_108 = tpu.memref_squeeze %dma_start3A_107 : memref<1x128x128xf32, #tpu.memory_space<vmem>> -> memref<128x128xf32, #tpu.memory_space<vmem>>
    %dma_start3A_109 = arith.constant 0 : i32
    %dma_start3A_110 = tpu.memref_slice %arg3[%add3A_97, %dma_start3A_109] : memref<20480x128xf32, #tpu.memory_space<hbm>> -> memref<128x128xf32, #tpu.memory_space<hbm>>
    tpu.enqueue_dma source(%dma_start3A_110 : memref<128x128xf32, #tpu.memory_space<hbm>>) target(%dma_start3A_108 : memref<128x128xf32, #tpu.memory_space<vmem>>) target_semaphore(%arg9 : memref<!tpu.dma_semaphore, #tpu.memory_space<semaphore_mem>>)
    %run_scoped3A_111 = arith.constant 0 : i32
    %run_scoped3A_112 = arith.constant 2 : i32
    "tpu.region"() ({
      %run_scoped3A_165 = tpu.sem_alloc : memref<!tpu.dma_semaphore, #tpu.memory_space<semaphore_mem>>
      %dma_start3A_166 = arith.constant 0 : i32
      %dma_start3A_167 = arith.constant 0 : i32
      %dma_start3A_168 = tpu.memref_slice %arg7[%run_scoped3A_111, %dma_start3A_166, %dma_start3A_167] : memref<2x128x128xf32, #tpu.memory_space<vmem>> -> memref<1x128x128xf32, #tpu.memory_space<vmem>>
      %dma_start3A_169 = tpu.memref_squeeze %dma_start3A_168 : memref<1x128x128xf32, #tpu.memory_space<vmem>> -> memref<128x128xf32, #tpu.memory_space<vmem>>
      %dma_start3A_170 = arith.constant 0 : i32
      %dma_start3A_171 = tpu.memref_slice %arg6[%run_scoped3A_112, %dma_start3A_170] : memref<5x128xi32, #tpu.memory_space<vmem>> -> memref<1x128xi32, #tpu.memory_space<vmem>>
      %dma_start3A_172 = tpu.memref_squeeze %dma_start3A_171 : memref<1x128xi32, #tpu.memory_space<vmem>> -> memref<128xi32, #tpu.memory_space<vmem>>
      %dma_start3A_173 = arith.constant 0 : i32
      %dma_start3A_174 = arith.constant 0 : i32
      %dma_start3A_175 = tpu.memref_slice %arg8[%dma_start3A_173, %dma_start3A_174] : memref<10112x128xf32, #tpu.memory_space<vmem_shared>> -> memref<10112x128xf32, #tpu.memory_space<vmem_shared>>
      tpu.enqueue_indirect_dma source(%dma_start3A_169 : memref<128x128xf32, #tpu.memory_space<vmem>>) target(%dma_start3A_175 : memref<10112x128xf32, #tpu.memory_space<vmem_shared>>) offsets(%dma_start3A_172 : memref<128xi32, #tpu.memory_space<vmem>>) semaphore(%run_scoped3A_165 : memref<!tpu.dma_semaphore, #tpu.memory_space<semaphore_mem>>) {add = true}
      %dma_wait3A_176 = arith.constant 0 : i32
      %dma_wait3A_177 = arith.constant 0 : i32
      %dma_wait3A_178 = tpu.memref_slice %arg7[%run_scoped3A_111, %dma_wait3A_176, %dma_wait3A_177] : memref<2x128x128xf32, #tpu.memory_space<vmem>> -> memref<1x128x128xf32, #tpu.memory_space<vmem>>
      %dma_wait3A_179 = tpu.memref_squeeze %dma_wait3A_178 : memref<1x128x128xf32, #tpu.memory_space<vmem>> -> memref<128x128xf32, #tpu.memory_space<vmem>>
      %dma_wait3A_180 = arith.constant 0 : i32
      %dma_wait3A_181 = tpu.memref_slice %arg6[%run_scoped3A_112, %dma_wait3A_180] : memref<5x128xi32, #tpu.memory_space<vmem>> -> memref<1x128xi32, #tpu.memory_space<vmem>>
      %dma_wait3A_182 = tpu.memref_squeeze %dma_wait3A_181 : memref<1x128xi32, #tpu.memory_space<vmem>> -> memref<128xi32, #tpu.memory_space<vmem>>
      %dma_wait3A_183 = arith.constant 0 : i32
      %dma_wait3A_184 = arith.constant 0 : i32
      %dma_wait3A_185 = tpu.memref_slice %arg8[%dma_wait3A_183, %dma_wait3A_184] : memref<10112x128xf32, #tpu.memory_space<vmem_shared>> -> memref<10112x128xf32, #tpu.memory_space<vmem_shared>>
      tpu.wait_indirect_dma semaphore(%run_scoped3A_165 : memref<!tpu.dma_semaphore, #tpu.memory_space<semaphore_mem>>) src(%dma_wait3A_179 : memref<128x128xf32, #tpu.memory_space<vmem>>) dst(%dma_wait3A_185 : memref<10112x128xf32, #tpu.memory_space<vmem_shared>>)
      tpu.yield
    }) : () -> ()
    %dma_wait3A_113 = arith.constant 1 : i32
    %dma_wait3A_114 = arith.constant 0 : i32
    %dma_wait3A_115 = arith.constant 0 : i32
    %dma_wait3A_116 = tpu.memref_slice %arg7[%dma_wait3A_113, %dma_wait3A_114, %dma_wait3A_115] : memref<2x128x128xf32, #tpu.memory_space<vmem>> -> memref<1x128x128xf32, #tpu.memory_space<vmem>>
    %dma_wait3A_117 = tpu.memref_squeeze %dma_wait3A_116 : memref<1x128x128xf32, #tpu.memory_space<vmem>> -> memref<128x128xf32, #tpu.memory_space<vmem>>
    %dma_wait3A_118 = arith.constant 0 : i32
    %dma_wait3A_119 = tpu.memref_slice %arg3[%add3A_97, %dma_wait3A_118] : memref<20480x128xf32, #tpu.memory_space<hbm>> -> memref<128x128xf32, #tpu.memory_space<hbm>>
    %dma_wait3A_120 = arith.constant 0 : i32
    %dma_wait3A_121 = arith.constant 0 : i32
    %dma_wait3A_122 = tpu.memref_slice %arg7[%dma_wait3A_113, %dma_wait3A_120, %dma_wait3A_121] : memref<2x128x128xf32, #tpu.memory_space<vmem>> -> memref<1x128x128xf32, #tpu.memory_space<vmem>>
    %dma_wait3A_123 = tpu.memref_squeeze %dma_wait3A_122 : memref<1x128x128xf32, #tpu.memory_space<vmem>> -> memref<128x128xf32, #tpu.memory_space<vmem>>
    %dma_wait3A_124 = arith.constant 0 : i32
    %dma_wait3A_125 = tpu.memref_slice %arg3[%add3A_97, %dma_wait3A_124] : memref<20480x128xf32, #tpu.memory_space<hbm>> -> memref<128x128xf32, #tpu.memory_space<hbm>>
    tpu.wait_dma2 semaphore(%arg9 : memref<!tpu.dma_semaphore, #tpu.memory_space<semaphore_mem>>) src(%dma_wait3A_125 : memref<128x128xf32, #tpu.memory_space<hbm>>) dst(%dma_wait3A_123 : memref<128x128xf32, #tpu.memory_space<vmem>>)
    %mul3A_126 = arith.constant 640 : i32
    %mul3A_127 = arith.muli %add3A, %mul3A_126 : i32
    %add3A_128 = arith.constant 512 : i32
    %add3A_129 = arith.addi %mul3A_127, %add3A_128 : i32
    %dma_start3A_130 = arith.constant 0 : i32
    %dma_start3A_131 = arith.constant 0 : i32
    %dma_start3A_132 = arith.constant 0 : i32
    %dma_start3A_133 = tpu.memref_slice %arg7[%dma_start3A_130, %dma_start3A_131, %dma_start3A_132] : memref<2x128x128xf32, #tpu.memory_space<vmem>> -> memref<1x128x128xf32, #tpu.memory_space<vmem>>
    %dma_start3A_134 = tpu.memref_squeeze %dma_start3A_133 : memref<1x128x128xf32, #tpu.memory_space<vmem>> -> memref<128x128xf32, #tpu.memory_space<vmem>>
    %dma_start3A_135 = arith.constant 0 : i32
    %dma_start3A_136 = tpu.memref_slice %arg3[%add3A_129, %dma_start3A_135] : memref<20480x128xf32, #tpu.memory_space<hbm>> -> memref<128x128xf32, #tpu.memory_space<hbm>>
    %dma_start3A_137 = arith.constant 0 : i32
    %dma_start3A_138 = arith.constant 0 : i32
    %dma_start3A_139 = tpu.memref_slice %arg7[%dma_start3A_130, %dma_start3A_137, %dma_start3A_138] : memref<2x128x128xf32, #tpu.memory_space<vmem>> -> memref<1x128x128xf32, #tpu.memory_space<vmem>>
    %dma_start3A_140 = tpu.memref_squeeze %dma_start3A_139 : memref<1x128x128xf32, #tpu.memory_space<vmem>> -> memref<128x128xf32, #tpu.memory_space<vmem>>
    %dma_start3A_141 = arith.constant 0 : i32
    %dma_start3A_142 = tpu.memref_slice %arg3[%add3A_129, %dma_start3A_141] : memref<20480x128xf32, #tpu.memory_space<hbm>> -> memref<128x128xf32, #tpu.memory_space<hbm>>
    tpu.enqueue_dma source(%dma_start3A_142 : memref<128x128xf32, #tpu.memory_space<hbm>>) target(%dma_start3A_140 : memref<128x128xf32, #tpu.memory_space<vmem>>) target_semaphore(%arg9 : memref<!tpu.dma_semaphore, #tpu.memory_space<semaphore_mem>>)
    %run_scoped3A_143 = arith.constant 1 : i32
    %run_scoped3A_144 = arith.constant 3 : i32
    "tpu.region"() ({
      %run_scoped3A_165 = tpu.sem_alloc : memref<!tpu.dma_semaphore, #tpu.memory_space<semaphore_mem>>
      %dma_start3A_166 = arith.constant 0 : i32
      %dma_start3A_167 = arith.constant 0 : i32
      %dma_start3A_168 = tpu.memref_slice %arg7[%run_scoped3A_143, %dma_start3A_166, %dma_start3A_167] : memref<2x128x128xf32, #tpu.memory_space<vmem>> -> memref<1x128x128xf32, #tpu.memory_space<vmem>>
      %dma_start3A_169 = tpu.memref_squeeze %dma_start3A_168 : memref<1x128x128xf32, #tpu.memory_space<vmem>> -> memref<128x128xf32, #tpu.memory_space<vmem>>
      %dma_start3A_170 = arith.constant 0 : i32
      %dma_start3A_171 = tpu.memref_slice %arg6[%run_scoped3A_144, %dma_start3A_170] : memref<5x128xi32, #tpu.memory_space<vmem>> -> memref<1x128xi32, #tpu.memory_space<vmem>>
      %dma_start3A_172 = tpu.memref_squeeze %dma_start3A_171 : memref<1x128xi32, #tpu.memory_space<vmem>> -> memref<128xi32, #tpu.memory_space<vmem>>
      %dma_start3A_173 = arith.constant 0 : i32
      %dma_start3A_174 = arith.constant 0 : i32
      %dma_start3A_175 = tpu.memref_slice %arg8[%dma_start3A_173, %dma_start3A_174] : memref<10112x128xf32, #tpu.memory_space<vmem_shared>> -> memref<10112x128xf32, #tpu.memory_space<vmem_shared>>
      tpu.enqueue_indirect_dma source(%dma_start3A_169 : memref<128x128xf32, #tpu.memory_space<vmem>>) target(%dma_start3A_175 : memref<10112x128xf32, #tpu.memory_space<vmem_shared>>) offsets(%dma_start3A_172 : memref<128xi32, #tpu.memory_space<vmem>>) semaphore(%run_scoped3A_165 : memref<!tpu.dma_semaphore, #tpu.memory_space<semaphore_mem>>) {add = true}
      %dma_wait3A_176 = arith.constant 0 : i32
      %dma_wait3A_177 = arith.constant 0 : i32
      %dma_wait3A_178 = tpu.memref_slice %arg7[%run_scoped3A_143, %dma_wait3A_176, %dma_wait3A_177] : memref<2x128x128xf32, #tpu.memory_space<vmem>> -> memref<1x128x128xf32, #tpu.memory_space<vmem>>
      %dma_wait3A_179 = tpu.memref_squeeze %dma_wait3A_178 : memref<1x128x128xf32, #tpu.memory_space<vmem>> -> memref<128x128xf32, #tpu.memory_space<vmem>>
      %dma_wait3A_180 = arith.constant 0 : i32
      %dma_wait3A_181 = tpu.memref_slice %arg6[%run_scoped3A_144, %dma_wait3A_180] : memref<5x128xi32, #tpu.memory_space<vmem>> -> memref<1x128xi32, #tpu.memory_space<vmem>>
      %dma_wait3A_182 = tpu.memref_squeeze %dma_wait3A_181 : memref<1x128xi32, #tpu.memory_space<vmem>> -> memref<128xi32, #tpu.memory_space<vmem>>
      %dma_wait3A_183 = arith.constant 0 : i32
      %dma_wait3A_184 = arith.constant 0 : i32
      %dma_wait3A_185 = tpu.memref_slice %arg8[%dma_wait3A_183, %dma_wait3A_184] : memref<10112x128xf32, #tpu.memory_space<vmem_shared>> -> memref<10112x128xf32, #tpu.memory_space<vmem_shared>>
      tpu.wait_indirect_dma semaphore(%run_scoped3A_165 : memref<!tpu.dma_semaphore, #tpu.memory_space<semaphore_mem>>) src(%dma_wait3A_179 : memref<128x128xf32, #tpu.memory_space<vmem>>) dst(%dma_wait3A_185 : memref<10112x128xf32, #tpu.memory_space<vmem_shared>>)
      tpu.yield
    }) : () -> ()
    %dma_wait3A_145 = arith.constant 0 : i32
    %dma_wait3A_146 = arith.constant 0 : i32
    %dma_wait3A_147 = arith.constant 0 : i32
    %dma_wait3A_148 = tpu.memref_slice %arg7[%dma_wait3A_145, %dma_wait3A_146, %dma_wait3A_147] : memref<2x128x128xf32, #tpu.memory_space<vmem>> -> memref<1x128x128xf32, #tpu.memory_space<vmem>>
    %dma_wait3A_149 = tpu.memref_squeeze %dma_wait3A_148 : memref<1x128x128xf32, #tpu.memory_space<vmem>> -> memref<128x128xf32, #tpu.memory_space<vmem>>
    %dma_wait3A_150 = arith.constant 0 : i32
    %dma_wait3A_151 = tpu.memref_slice %arg3[%add3A_129, %dma_wait3A_150] : memref<20480x128xf32, #tpu.memory_space<hbm>> -> memref<128x128xf32, #tpu.memory_space<hbm>>
    %dma_wait3A_152 = arith.constant 0 : i32
    %dma_wait3A_153 = arith.constant 0 : i32
    %dma_wait3A_154 = tpu.memref_slice %arg7[%dma_wait3A_145, %dma_wait3A_152, %dma_wait3A_153] : memref<2x128x128xf32, #tpu.memory_space<vmem>> -> memref<1x128x128xf32, #tpu.memory_space<vmem>>
    %dma_wait3A_155 = tpu.memref_squeeze %dma_wait3A_154 : memref<1x128x128xf32, #tpu.memory_space<vmem>> -> memref<128x128xf32, #tpu.memory_space<vmem>>
    %dma_wait3A_156 = arith.constant 0 : i32
    %dma_wait3A_157 = tpu.memref_slice %arg3[%add3A_129, %dma_wait3A_156] : memref<20480x128xf32, #tpu.memory_space<hbm>> -> memref<128x128xf32, #tpu.memory_space<hbm>>
    tpu.wait_dma2 semaphore(%arg9 : memref<!tpu.dma_semaphore, #tpu.memory_space<semaphore_mem>>) src(%dma_wait3A_157 : memref<128x128xf32, #tpu.memory_space<hbm>>) dst(%dma_wait3A_155 : memref<128x128xf32, #tpu.memory_space<vmem>>)
    %run_scoped3A_158 = arith.constant 0 : i32
    %run_scoped3A_159 = arith.constant 4 : i32
    "tpu.region"() ({
      %run_scoped3A_165 = tpu.sem_alloc : memref<!tpu.dma_semaphore, #tpu.memory_space<semaphore_mem>>
      %dma_start3A_166 = arith.constant 0 : i32
      %dma_start3A_167 = arith.constant 0 : i32
      %dma_start3A_168 = tpu.memref_slice %arg7[%run_scoped3A_158, %dma_start3A_166, %dma_start3A_167] : memref<2x128x128xf32, #tpu.memory_space<vmem>> -> memref<1x128x128xf32, #tpu.memory_space<vmem>>
      %dma_start3A_169 = tpu.memref_squeeze %dma_start3A_168 : memref<1x128x128xf32, #tpu.memory_space<vmem>> -> memref<128x128xf32, #tpu.memory_space<vmem>>
      %dma_start3A_170 = arith.constant 0 : i32
      %dma_start3A_171 = tpu.memref_slice %arg6[%run_scoped3A_159, %dma_start3A_170] : memref<5x128xi32, #tpu.memory_space<vmem>> -> memref<1x128xi32, #tpu.memory_space<vmem>>
      %dma_start3A_172 = tpu.memref_squeeze %dma_start3A_171 : memref<1x128xi32, #tpu.memory_space<vmem>> -> memref<128xi32, #tpu.memory_space<vmem>>
      %dma_start3A_173 = arith.constant 0 : i32
      %dma_start3A_174 = arith.constant 0 : i32
      %dma_start3A_175 = tpu.memref_slice %arg8[%dma_start3A_173, %dma_start3A_174] : memref<10112x128xf32, #tpu.memory_space<vmem_shared>> -> memref<10112x128xf32, #tpu.memory_space<vmem_shared>>
      tpu.enqueue_indirect_dma source(%dma_start3A_169 : memref<128x128xf32, #tpu.memory_space<vmem>>) target(%dma_start3A_175 : memref<10112x128xf32, #tpu.memory_space<vmem_shared>>) offsets(%dma_start3A_172 : memref<128xi32, #tpu.memory_space<vmem>>) semaphore(%run_scoped3A_165 : memref<!tpu.dma_semaphore, #tpu.memory_space<semaphore_mem>>) {add = true}
      %dma_wait3A_176 = arith.constant 0 : i32
      %dma_wait3A_177 = arith.constant 0 : i32
      %dma_wait3A_178 = tpu.memref_slice %arg7[%run_scoped3A_158, %dma_wait3A_176, %dma_wait3A_177] : memref<2x128x128xf32, #tpu.memory_space<vmem>> -> memref<1x128x128xf32, #tpu.memory_space<vmem>>
      %dma_wait3A_179 = tpu.memref_squeeze %dma_wait3A_178 : memref<1x128x128xf32, #tpu.memory_space<vmem>> -> memref<128x128xf32, #tpu.memory_space<vmem>>
      %dma_wait3A_180 = arith.constant 0 : i32
      %dma_wait3A_181 = tpu.memref_slice %arg6[%run_scoped3A_159, %dma_wait3A_180] : memref<5x128xi32, #tpu.memory_space<vmem>> -> memref<1x128xi32, #tpu.memory_space<vmem>>
      %dma_wait3A_182 = tpu.memref_squeeze %dma_wait3A_181 : memref<1x128xi32, #tpu.memory_space<vmem>> -> memref<128xi32, #tpu.memory_space<vmem>>
      %dma_wait3A_183 = arith.constant 0 : i32
      %dma_wait3A_184 = arith.constant 0 : i32
      %dma_wait3A_185 = tpu.memref_slice %arg8[%dma_wait3A_183, %dma_wait3A_184] : memref<10112x128xf32, #tpu.memory_space<vmem_shared>> -> memref<10112x128xf32, #tpu.memory_space<vmem_shared>>
      tpu.wait_indirect_dma semaphore(%run_scoped3A_165 : memref<!tpu.dma_semaphore, #tpu.memory_space<semaphore_mem>>) src(%dma_wait3A_179 : memref<128x128xf32, #tpu.memory_space<vmem>>) dst(%dma_wait3A_185 : memref<10112x128xf32, #tpu.memory_space<vmem_shared>>)
      tpu.yield
    }) : () -> ()
    %barrier3A_160 = arith.constant 0 : index
    tpu.barrier barrier_id(%barrier3A_160)
    %mul3A_161 = arith.constant 632 : i32
    %mul3A_162 = arith.muli %arg1, %mul3A_161 : i32
    %mul3A_163 = arith.constant 632 : i32
    %mul3A_164 = arith.muli %arg1, %mul3A_163 : i32
    "tpu.region"() ({
      %run_scoped3A_165 = tpu.sem_alloc : memref<!tpu.dma_semaphore, #tpu.memory_space<semaphore_mem>>
      %dma_start3A_166 = arith.constant 0 : i32
      %dma_start3A_167 = arith.constant 0 : i32
      %dma_start3A_168 = tpu.memref_slice %arg5[%arg0, %dma_start3A_166, %dma_start3A_167] : memref<2x10112x128xf32, #tpu.memory_space<hbm>> -> memref<1x10112x128xf32, #tpu.memory_space<hbm>>
      %dma_start3A_169 = tpu.memref_squeeze %dma_start3A_168 : memref<1x10112x128xf32, #tpu.memory_space<hbm>> -> memref<10112x128xf32, #tpu.memory_space<hbm>>
      %dma_start3A_170 = arith.constant 0 : i32
      %dma_start3A_171 = tpu.memref_slice %dma_start3A_169[%mul3A_164, %dma_start3A_170] : memref<10112x128xf32, #tpu.memory_space<hbm>> -> memref<632x128xf32, #tpu.memory_space<hbm>>
      %dma_start3A_172 = arith.constant 0 : i32
      %dma_start3A_173 = tpu.memref_slice %arg8[%mul3A_162, %dma_start3A_172] : memref<10112x128xf32, #tpu.memory_space<vmem_shared>> -> memref<632x128xf32, #tpu.memory_space<vmem_shared>>
      tpu.enqueue_dma source(%dma_start3A_173 : memref<632x128xf32, #tpu.memory_space<vmem_shared>>) target(%dma_start3A_171 : memref<632x128xf32, #tpu.memory_space<hbm>>) target_semaphore(%run_scoped3A_165 : memref<!tpu.dma_semaphore, #tpu.memory_space<semaphore_mem>>)
      %dma_wait3A_174 = arith.constant 0 : i32
      %dma_wait3A_175 = arith.constant 0 : i32
      %dma_wait3A_176 = tpu.memref_slice %arg5[%arg0, %dma_wait3A_174, %dma_wait3A_175] : memref<2x10112x128xf32, #tpu.memory_space<hbm>> -> memref<1x10112x128xf32, #tpu.memory_space<hbm>>
      %dma_wait3A_177 = tpu.memref_squeeze %dma_wait3A_176 : memref<1x10112x128xf32, #tpu.memory_space<hbm>> -> memref<10112x128xf32, #tpu.memory_space<hbm>>
      %dma_wait3A_178 = arith.constant 0 : i32
      %dma_wait3A_179 = tpu.memref_slice %dma_wait3A_177[%mul3A_164, %dma_wait3A_178] : memref<10112x128xf32, #tpu.memory_space<hbm>> -> memref<632x128xf32, #tpu.memory_space<hbm>>
      %dma_wait3A_180 = arith.constant 0 : i32
      %dma_wait3A_181 = tpu.memref_slice %arg8[%mul3A_162, %dma_wait3A_180] : memref<10112x128xf32, #tpu.memory_space<vmem_shared>> -> memref<632x128xf32, #tpu.memory_space<vmem_shared>>
      tpu.wait_dma2 semaphore(%run_scoped3A_165 : memref<!tpu.dma_semaphore, #tpu.memory_space<semaphore_mem>>) src(%dma_wait3A_181 : memref<632x128xf32, #tpu.memory_space<vmem_shared>>) dst(%dma_wait3A_179 : memref<632x128xf32, #tpu.memory_space<hbm>>)
      tpu.yield
    }) : () -> ()
    return
  }
}

#map = affine_map<(d0, d1) -> (0, 0, 0)>
#map1 = affine_map<(d0, d1) -> (0, 0)>
module attributes {stable_mosaic.version = 14 : i64} {
  func.func @k(%arg0: i32, %arg1: i32, %arg2: memref<16x9x128xi32, #tpu.memory_space<hbm>>, %arg3: memref<16x1x128xi32, #tpu.memory_space<hbm>>, %arg4: memref<10000x128xf32, #tpu.memory_space<hbm>>, %arg5: memref<20480x128xf32, #tpu.memory_space<hbm>>, %arg6: memref<9x128xi32, #tpu.memory_space<vmem>>, %arg7: memref<1x128xi32, #tpu.memory_space<vmem>>, %arg8: memref<2x128x128xf32, #tpu.memory_space<vmem>>, %arg9: memref<!tpu.dma_semaphore, #tpu.memory_space<semaphore_mem>>, %arg10: memref<!tpu.dma_semaphore, #tpu.memory_space<semaphore_mem>>) attributes {dimension_semantics = [#tpu.dimension_semantics<core_parallel>, #tpu.dimension_semantics<subcore_parallel>], iteration_bounds = array<i64: 2, 16>, scalar_prefetch = 0 : i64, scratch_operands = 5 : i64, tpu.core_type = #tpu.core_type<sc_vector_subcore>, window_params = [{transform_indices = #map}, {transform_indices = #map}, {transform_indices = #map1}, {transform_indices = #map1}]} {
    %eq3A = arith.constant 0 : i32
    %eq3A_0 = arith.cmpi eq, %arg0, %eq3A : i32
    %convert_element_type3A = arith.extui %eq3A_0 : i1 to i32
    %cond3A = arith.constant 0 : i32
    %cond3A_1 = arith.cmpi ne, %convert_element_type3A, %cond3A : i32
    scf.if %cond3A_1 {
      "tpu.region"() ({
        %run_scoped3A = tpu.sem_alloc : memref<!tpu.dma_semaphore, #tpu.memory_space<semaphore_mem>>
        %dma_start3A_475 = arith.constant 0 : i32
        %dma_start3A_476 = arith.constant 0 : i32
        %dma_start3A_477 = tpu.memref_slice %arg2[%arg1, %dma_start3A_475, %dma_start3A_476] : memref<16x9x128xi32, #tpu.memory_space<hbm>> -> memref<1x9x128xi32, #tpu.memory_space<hbm>>
        %dma_start3A_478 = tpu.memref_squeeze %dma_start3A_477 : memref<1x9x128xi32, #tpu.memory_space<hbm>> -> memref<9x128xi32, #tpu.memory_space<hbm>>
        %dma_start3A_479 = arith.constant 0 : i32
        %dma_start3A_480 = arith.constant 0 : i32
        %dma_start3A_481 = tpu.memref_slice %arg2[%arg1, %dma_start3A_479, %dma_start3A_480] : memref<16x9x128xi32, #tpu.memory_space<hbm>> -> memref<1x9x128xi32, #tpu.memory_space<hbm>>
        %dma_start3A_482 = tpu.memref_squeeze %dma_start3A_481 : memref<1x9x128xi32, #tpu.memory_space<hbm>> -> memref<9x128xi32, #tpu.memory_space<hbm>>
        tpu.enqueue_dma source(%dma_start3A_482 : memref<9x128xi32, #tpu.memory_space<hbm>>) target(%arg6 : memref<9x128xi32, #tpu.memory_space<vmem>>) target_semaphore(%run_scoped3A : memref<!tpu.dma_semaphore, #tpu.memory_space<semaphore_mem>>)
        %dma_wait3A_483 = arith.constant 0 : i32
        %dma_wait3A_484 = arith.constant 0 : i32
        %dma_wait3A_485 = tpu.memref_slice %arg2[%arg1, %dma_wait3A_483, %dma_wait3A_484] : memref<16x9x128xi32, #tpu.memory_space<hbm>> -> memref<1x9x128xi32, #tpu.memory_space<hbm>>
        %dma_wait3A_486 = tpu.memref_squeeze %dma_wait3A_485 : memref<1x9x128xi32, #tpu.memory_space<hbm>> -> memref<9x128xi32, #tpu.memory_space<hbm>>
        %dma_wait3A_487 = arith.constant 0 : i32
        %dma_wait3A_488 = arith.constant 0 : i32
        %dma_wait3A_489 = tpu.memref_slice %arg2[%arg1, %dma_wait3A_487, %dma_wait3A_488] : memref<16x9x128xi32, #tpu.memory_space<hbm>> -> memref<1x9x128xi32, #tpu.memory_space<hbm>>
        %dma_wait3A_490 = tpu.memref_squeeze %dma_wait3A_489 : memref<1x9x128xi32, #tpu.memory_space<hbm>> -> memref<9x128xi32, #tpu.memory_space<hbm>>
        tpu.wait_dma2 semaphore(%run_scoped3A : memref<!tpu.dma_semaphore, #tpu.memory_space<semaphore_mem>>) src(%dma_wait3A_490 : memref<9x128xi32, #tpu.memory_space<hbm>>) dst(%arg6 : memref<9x128xi32, #tpu.memory_space<vmem>>)
        tpu.yield
      }) : () -> ()
      %mul3A = arith.constant 9 : i32
      %mul3A_7 = arith.muli %arg1, %mul3A : i32
      %mul3A_8 = arith.constant 128 : i32
      %mul3A_9 = arith.muli %mul3A_7, %mul3A_8 : i32
      %dma_start3A = arith.constant 0 : i32
      %dma_start3A_10 = arith.constant 0 : i32
      %dma_start3A_11 = arith.constant 0 : i32
      %dma_start3A_12 = arith.constant 0 : i32
      %dma_start3A_13 = tpu.memref_slice %arg8[%dma_start3A_10, %dma_start3A_11, %dma_start3A_12] : memref<2x128x128xf32, #tpu.memory_space<vmem>> -> memref<1x128x128xf32, #tpu.memory_space<vmem>>
      %dma_start3A_14 = tpu.memref_squeeze %dma_start3A_13 : memref<1x128x128xf32, #tpu.memory_space<vmem>> -> memref<128x128xf32, #tpu.memory_space<vmem>>
      %dma_start3A_15 = arith.constant 0 : i32
      %dma_start3A_16 = tpu.memref_slice %arg6[%dma_start3A, %dma_start3A_15] : memref<9x128xi32, #tpu.memory_space<vmem>> -> memref<1x128xi32, #tpu.memory_space<vmem>>
      %dma_start3A_17 = tpu.memref_squeeze %dma_start3A_16 : memref<1x128xi32, #tpu.memory_space<vmem>> -> memref<128xi32, #tpu.memory_space<vmem>>
      %dma_start3A_18 = arith.constant 0 : i32
      %dma_start3A_19 = arith.constant 0 : i32
      %dma_start3A_20 = tpu.memref_slice %arg4[%dma_start3A_18, %dma_start3A_19] : memref<10000x128xf32, #tpu.memory_space<hbm>> -> memref<10000x128xf32, #tpu.memory_space<hbm>>
      tpu.enqueue_indirect_dma source(%dma_start3A_20 : memref<10000x128xf32, #tpu.memory_space<hbm>>) target(%dma_start3A_14 : memref<128x128xf32, #tpu.memory_space<vmem>>) offsets(%dma_start3A_17 : memref<128xi32, #tpu.memory_space<vmem>>) semaphore(%arg9 : memref<!tpu.dma_semaphore, #tpu.memory_space<semaphore_mem>>)
      %dma_wait3A = arith.constant 0 : i32
      %dma_wait3A_21 = arith.constant 0 : i32
      %dma_wait3A_22 = arith.constant 0 : i32
      %dma_wait3A_23 = arith.constant 0 : i32
      %dma_wait3A_24 = tpu.memref_slice %arg8[%dma_wait3A_21, %dma_wait3A_22, %dma_wait3A_23] : memref<2x128x128xf32, #tpu.memory_space<vmem>> -> memref<1x128x128xf32, #tpu.memory_space<vmem>>
      %dma_wait3A_25 = tpu.memref_squeeze %dma_wait3A_24 : memref<1x128x128xf32, #tpu.memory_space<vmem>> -> memref<128x128xf32, #tpu.memory_space<vmem>>
      %dma_wait3A_26 = arith.constant 0 : i32
      %dma_wait3A_27 = tpu.memref_slice %arg6[%dma_wait3A, %dma_wait3A_26] : memref<9x128xi32, #tpu.memory_space<vmem>> -> memref<1x128xi32, #tpu.memory_space<vmem>>
      %dma_wait3A_28 = tpu.memref_squeeze %dma_wait3A_27 : memref<1x128xi32, #tpu.memory_space<vmem>> -> memref<128xi32, #tpu.memory_space<vmem>>
      %dma_wait3A_29 = arith.constant 0 : i32
      %dma_wait3A_30 = arith.constant 0 : i32
      %dma_wait3A_31 = tpu.memref_slice %arg4[%dma_wait3A_29, %dma_wait3A_30] : memref<10000x128xf32, #tpu.memory_space<hbm>> -> memref<10000x128xf32, #tpu.memory_space<hbm>>
      tpu.wait_indirect_dma semaphore(%arg9 : memref<!tpu.dma_semaphore, #tpu.memory_space<semaphore_mem>>) src(%dma_wait3A_31 : memref<10000x128xf32, #tpu.memory_space<hbm>>) dst(%dma_wait3A_25 : memref<128x128xf32, #tpu.memory_space<vmem>>)
      %dma_start3A_32 = arith.constant 1 : i32
      %dma_start3A_33 = arith.constant 1 : i32
      %dma_start3A_34 = arith.constant 0 : i32
      %dma_start3A_35 = arith.constant 0 : i32
      %dma_start3A_36 = tpu.memref_slice %arg8[%dma_start3A_33, %dma_start3A_34, %dma_start3A_35] : memref<2x128x128xf32, #tpu.memory_space<vmem>> -> memref<1x128x128xf32, #tpu.memory_space<vmem>>
      %dma_start3A_37 = tpu.memref_squeeze %dma_start3A_36 : memref<1x128x128xf32, #tpu.memory_space<vmem>> -> memref<128x128xf32, #tpu.memory_space<vmem>>
      %dma_start3A_38 = arith.constant 0 : i32
      %dma_start3A_39 = tpu.memref_slice %arg6[%dma_start3A_32, %dma_start3A_38] : memref<9x128xi32, #tpu.memory_space<vmem>> -> memref<1x128xi32, #tpu.memory_space<vmem>>
      %dma_start3A_40 = tpu.memref_squeeze %dma_start3A_39 : memref<1x128xi32, #tpu.memory_space<vmem>> -> memref<128xi32, #tpu.memory_space<vmem>>
      %dma_start3A_41 = arith.constant 0 : i32
      %dma_start3A_42 = arith.constant 0 : i32
      %dma_start3A_43 = tpu.memref_slice %arg4[%dma_start3A_41, %dma_start3A_42] : memref<10000x128xf32, #tpu.memory_space<hbm>> -> memref<10000x128xf32, #tpu.memory_space<hbm>>
      tpu.enqueue_indirect_dma source(%dma_start3A_43 : memref<10000x128xf32, #tpu.memory_space<hbm>>) target(%dma_start3A_37 : memref<128x128xf32, #tpu.memory_space<vmem>>) offsets(%dma_start3A_40 : memref<128xi32, #tpu.memory_space<vmem>>) semaphore(%arg9 : memref<!tpu.dma_semaphore, #tpu.memory_space<semaphore_mem>>)
      %add3A = arith.constant 0 : i32
      %add3A_44 = arith.addi %mul3A_9, %add3A : i32
      %dma_start3A_45 = arith.constant 0 : i32
      %dma_start3A_46 = arith.constant 0 : i32
      %dma_start3A_47 = arith.constant 0 : i32
      %dma_start3A_48 = tpu.memref_slice %arg8[%dma_start3A_45, %dma_start3A_46, %dma_start3A_47] : memref<2x128x128xf32, #tpu.memory_space<vmem>> -> memref<1x128x128xf32, #tpu.memory_space<vmem>>
      %dma_start3A_49 = tpu.memref_squeeze %dma_start3A_48 : memref<1x128x128xf32, #tpu.memory_space<vmem>> -> memref<128x128xf32, #tpu.memory_space<vmem>>
      %dma_start3A_50 = arith.constant 0 : i32
      %dma_start3A_51 = tpu.memref_slice %arg5[%add3A_44, %dma_start3A_50] : memref<20480x128xf32, #tpu.memory_space<hbm>> -> memref<128x128xf32, #tpu.memory_space<hbm>>
      %dma_start3A_52 = arith.constant 0 : i32
      %dma_start3A_53 = tpu.memref_slice %arg5[%add3A_44, %dma_start3A_52] : memref<20480x128xf32, #tpu.memory_space<hbm>> -> memref<128x128xf32, #tpu.memory_space<hbm>>
      %dma_start3A_54 = arith.constant 0 : i32
      %dma_start3A_55 = arith.constant 0 : i32
      %dma_start3A_56 = tpu.memref_slice %arg8[%dma_start3A_45, %dma_start3A_54, %dma_start3A_55] : memref<2x128x128xf32, #tpu.memory_space<vmem>> -> memref<1x128x128xf32, #tpu.memory_space<vmem>>
      %dma_start3A_57 = tpu.memref_squeeze %dma_start3A_56 : memref<1x128x128xf32, #tpu.memory_space<vmem>> -> memref<128x128xf32, #tpu.memory_space<vmem>>
      tpu.enqueue_dma source(%dma_start3A_57 : memref<128x128xf32, #tpu.memory_space<vmem>>) target(%dma_start3A_53 : memref<128x128xf32, #tpu.memory_space<hbm>>) target_semaphore(%arg10 : memref<!tpu.dma_semaphore, #tpu.memory_space<semaphore_mem>>)
      %dma_wait3A_58 = arith.constant 1 : i32
      %dma_wait3A_59 = arith.constant 1 : i32
      %dma_wait3A_60 = arith.constant 0 : i32
      %dma_wait3A_61 = arith.constant 0 : i32
      %dma_wait3A_62 = tpu.memref_slice %arg8[%dma_wait3A_59, %dma_wait3A_60, %dma_wait3A_61] : memref<2x128x128xf32, #tpu.memory_space<vmem>> -> memref<1x128x128xf32, #tpu.memory_space<vmem>>
      %dma_wait3A_63 = tpu.memref_squeeze %dma_wait3A_62 : memref<1x128x128xf32, #tpu.memory_space<vmem>> -> memref<128x128xf32, #tpu.memory_space<vmem>>
      %dma_wait3A_64 = arith.constant 0 : i32
      %dma_wait3A_65 = tpu.memref_slice %arg6[%dma_wait3A_58, %dma_wait3A_64] : memref<9x128xi32, #tpu.memory_space<vmem>> -> memref<1x128xi32, #tpu.memory_space<vmem>>
      %dma_wait3A_66 = tpu.memref_squeeze %dma_wait3A_65 : memref<1x128xi32, #tpu.memory_space<vmem>> -> memref<128xi32, #tpu.memory_space<vmem>>
      %dma_wait3A_67 = arith.constant 0 : i32
      %dma_wait3A_68 = arith.constant 0 : i32
      %dma_wait3A_69 = tpu.memref_slice %arg4[%dma_wait3A_67, %dma_wait3A_68] : memref<10000x128xf32, #tpu.memory_space<hbm>> -> memref<10000x128xf32, #tpu.memory_space<hbm>>
      tpu.wait_indirect_dma semaphore(%arg9 : memref<!tpu.dma_semaphore, #tpu.memory_space<semaphore_mem>>) src(%dma_wait3A_69 : memref<10000x128xf32, #tpu.memory_space<hbm>>) dst(%dma_wait3A_63 : memref<128x128xf32, #tpu.memory_space<vmem>>)
      %dma_wait3A_70 = arith.constant 0 : i32
      %dma_wait3A_71 = arith.constant 0 : i32
      %dma_wait3A_72 = arith.constant 0 : i32
      %dma_wait3A_73 = tpu.memref_slice %arg8[%dma_wait3A_70, %dma_wait3A_71, %dma_wait3A_72] : memref<2x128x128xf32, #tpu.memory_space<vmem>> -> memref<1x128x128xf32, #tpu.memory_space<vmem>>
      %dma_wait3A_74 = tpu.memref_squeeze %dma_wait3A_73 : memref<1x128x128xf32, #tpu.memory_space<vmem>> -> memref<128x128xf32, #tpu.memory_space<vmem>>
      %dma_wait3A_75 = arith.constant 0 : i32
      %dma_wait3A_76 = tpu.memref_slice %arg5[%add3A_44, %dma_wait3A_75] : memref<20480x128xf32, #tpu.memory_space<hbm>> -> memref<128x128xf32, #tpu.memory_space<hbm>>
      %dma_wait3A_77 = arith.constant 0 : i32
      %dma_wait3A_78 = tpu.memref_slice %arg5[%add3A_44, %dma_wait3A_77] : memref<20480x128xf32, #tpu.memory_space<hbm>> -> memref<128x128xf32, #tpu.memory_space<hbm>>
      %dma_wait3A_79 = arith.constant 0 : i32
      %dma_wait3A_80 = arith.constant 0 : i32
      %dma_wait3A_81 = tpu.memref_slice %arg8[%dma_wait3A_70, %dma_wait3A_79, %dma_wait3A_80] : memref<2x128x128xf32, #tpu.memory_space<vmem>> -> memref<1x128x128xf32, #tpu.memory_space<vmem>>
      %dma_wait3A_82 = tpu.memref_squeeze %dma_wait3A_81 : memref<1x128x128xf32, #tpu.memory_space<vmem>> -> memref<128x128xf32, #tpu.memory_space<vmem>>
      tpu.wait_dma2 semaphore(%arg10 : memref<!tpu.dma_semaphore, #tpu.memory_space<semaphore_mem>>) src(%dma_wait3A_82 : memref<128x128xf32, #tpu.memory_space<vmem>>) dst(%dma_wait3A_78 : memref<128x128xf32, #tpu.memory_space<hbm>>)
      %dma_start3A_83 = arith.constant 2 : i32
      %dma_start3A_84 = arith.constant 0 : i32
      %dma_start3A_85 = arith.constant 0 : i32
      %dma_start3A_86 = arith.constant 0 : i32
      %dma_start3A_87 = tpu.memref_slice %arg8[%dma_start3A_84, %dma_start3A_85, %dma_start3A_86] : memref<2x128x128xf32, #tpu.memory_space<vmem>> -> memref<1x128x128xf32, #tpu.memory_space<vmem>>
      %dma_start3A_88 = tpu.memref_squeeze %dma_start3A_87 : memref<1x128x128xf32, #tpu.memory_space<vmem>> -> memref<128x128xf32, #tpu.memory_space<vmem>>
      %dma_start3A_89 = arith.constant 0 : i32
      %dma_start3A_90 = tpu.memref_slice %arg6[%dma_start3A_83, %dma_start3A_89] : memref<9x128xi32, #tpu.memory_space<vmem>> -> memref<1x128xi32, #tpu.memory_space<vmem>>
      %dma_start3A_91 = tpu.memref_squeeze %dma_start3A_90 : memref<1x128xi32, #tpu.memory_space<vmem>> -> memref<128xi32, #tpu.memory_space<vmem>>
      %dma_start3A_92 = arith.constant 0 : i32
      %dma_start3A_93 = arith.constant 0 : i32
      %dma_start3A_94 = tpu.memref_slice %arg4[%dma_start3A_92, %dma_start3A_93] : memref<10000x128xf32, #tpu.memory_space<hbm>> -> memref<10000x128xf32, #tpu.memory_space<hbm>>
      tpu.enqueue_indirect_dma source(%dma_start3A_94 : memref<10000x128xf32, #tpu.memory_space<hbm>>) target(%dma_start3A_88 : memref<128x128xf32, #tpu.memory_space<vmem>>) offsets(%dma_start3A_91 : memref<128xi32, #tpu.memory_space<vmem>>) semaphore(%arg9 : memref<!tpu.dma_semaphore, #tpu.memory_space<semaphore_mem>>)
      %add3A_95 = arith.constant 128 : i32
      %add3A_96 = arith.addi %mul3A_9, %add3A_95 : i32
      %dma_start3A_97 = arith.constant 1 : i32
      %dma_start3A_98 = arith.constant 0 : i32
      %dma_start3A_99 = arith.constant 0 : i32
      %dma_start3A_100 = tpu.memref_slice %arg8[%dma_start3A_97, %dma_start3A_98, %dma_start3A_99] : memref<2x128x128xf32, #tpu.memory_space<vmem>> -> memref<1x128x128xf32, #tpu.memory_space<vmem>>
      %dma_start3A_101 = tpu.memref_squeeze %dma_start3A_100 : memref<1x128x128xf32, #tpu.memory_space<vmem>> -> memref<128x128xf32, #tpu.memory_space<vmem>>
      %dma_start3A_102 = arith.constant 0 : i32
      %dma_start3A_103 = tpu.memref_slice %arg5[%add3A_96, %dma_start3A_102] : memref<20480x128xf32, #tpu.memory_space<hbm>> -> memref<128x128xf32, #tpu.memory_space<hbm>>
      %dma_start3A_104 = arith.constant 0 : i32
      %dma_start3A_105 = tpu.memref_slice %arg5[%add3A_96, %dma_start3A_104] : memref<20480x128xf32, #tpu.memory_space<hbm>> -> memref<128x128xf32, #tpu.memory_space<hbm>>
      %dma_start3A_106 = arith.constant 0 : i32
      %dma_start3A_107 = arith.constant 0 : i32
      %dma_start3A_108 = tpu.memref_slice %arg8[%dma_start3A_97, %dma_start3A_106, %dma_start3A_107] : memref<2x128x128xf32, #tpu.memory_space<vmem>> -> memref<1x128x128xf32, #tpu.memory_space<vmem>>
      %dma_start3A_109 = tpu.memref_squeeze %dma_start3A_108 : memref<1x128x128xf32, #tpu.memory_space<vmem>> -> memref<128x128xf32, #tpu.memory_space<vmem>>
      tpu.enqueue_dma source(%dma_start3A_109 : memref<128x128xf32, #tpu.memory_space<vmem>>) target(%dma_start3A_105 : memref<128x128xf32, #tpu.memory_space<hbm>>) target_semaphore(%arg10 : memref<!tpu.dma_semaphore, #tpu.memory_space<semaphore_mem>>)
      %dma_wait3A_110 = arith.constant 2 : i32
      %dma_wait3A_111 = arith.constant 0 : i32
      %dma_wait3A_112 = arith.constant 0 : i32
      %dma_wait3A_113 = arith.constant 0 : i32
      %dma_wait3A_114 = tpu.memref_slice %arg8[%dma_wait3A_111, %dma_wait3A_112, %dma_wait3A_113] : memref<2x128x128xf32, #tpu.memory_space<vmem>> -> memref<1x128x128xf32, #tpu.memory_space<vmem>>
      %dma_wait3A_115 = tpu.memref_squeeze %dma_wait3A_114 : memref<1x128x128xf32, #tpu.memory_space<vmem>> -> memref<128x128xf32, #tpu.memory_space<vmem>>
      %dma_wait3A_116 = arith.constant 0 : i32
      %dma_wait3A_117 = tpu.memref_slice %arg6[%dma_wait3A_110, %dma_wait3A_116] : memref<9x128xi32, #tpu.memory_space<vmem>> -> memref<1x128xi32, #tpu.memory_space<vmem>>
      %dma_wait3A_118 = tpu.memref_squeeze %dma_wait3A_117 : memref<1x128xi32, #tpu.memory_space<vmem>> -> memref<128xi32, #tpu.memory_space<vmem>>
      %dma_wait3A_119 = arith.constant 0 : i32
      %dma_wait3A_120 = arith.constant 0 : i32
      %dma_wait3A_121 = tpu.memref_slice %arg4[%dma_wait3A_119, %dma_wait3A_120] : memref<10000x128xf32, #tpu.memory_space<hbm>> -> memref<10000x128xf32, #tpu.memory_space<hbm>>
      tpu.wait_indirect_dma semaphore(%arg9 : memref<!tpu.dma_semaphore, #tpu.memory_space<semaphore_mem>>) src(%dma_wait3A_121 : memref<10000x128xf32, #tpu.memory_space<hbm>>) dst(%dma_wait3A_115 : memref<128x128xf32, #tpu.memory_space<vmem>>)
      %dma_wait3A_122 = arith.constant 1 : i32
      %dma_wait3A_123 = arith.constant 0 : i32
      %dma_wait3A_124 = arith.constant 0 : i32
      %dma_wait3A_125 = tpu.memref_slice %arg8[%dma_wait3A_122, %dma_wait3A_123, %dma_wait3A_124] : memref<2x128x128xf32, #tpu.memory_space<vmem>> -> memref<1x128x128xf32, #tpu.memory_space<vmem>>
      %dma_wait3A_126 = tpu.memref_squeeze %dma_wait3A_125 : memref<1x128x128xf32, #tpu.memory_space<vmem>> -> memref<128x128xf32, #tpu.memory_space<vmem>>
      %dma_wait3A_127 = arith.constant 0 : i32
      %dma_wait3A_128 = tpu.memref_slice %arg5[%add3A_96, %dma_wait3A_127] : memref<20480x128xf32, #tpu.memory_space<hbm>> -> memref<128x128xf32, #tpu.memory_space<hbm>>
      %dma_wait3A_129 = arith.constant 0 : i32
      %dma_wait3A_130 = tpu.memref_slice %arg5[%add3A_96, %dma_wait3A_129] : memref<20480x128xf32, #tpu.memory_space<hbm>> -> memref<128x128xf32, #tpu.memory_space<hbm>>
      %dma_wait3A_131 = arith.constant 0 : i32
      %dma_wait3A_132 = arith.constant 0 : i32
      %dma_wait3A_133 = tpu.memref_slice %arg8[%dma_wait3A_122, %dma_wait3A_131, %dma_wait3A_132] : memref<2x128x128xf32, #tpu.memory_space<vmem>> -> memref<1x128x128xf32, #tpu.memory_space<vmem>>
      %dma_wait3A_134 = tpu.memref_squeeze %dma_wait3A_133 : memref<1x128x128xf32, #tpu.memory_space<vmem>> -> memref<128x128xf32, #tpu.memory_space<vmem>>
      tpu.wait_dma2 semaphore(%arg10 : memref<!tpu.dma_semaphore, #tpu.memory_space<semaphore_mem>>) src(%dma_wait3A_134 : memref<128x128xf32, #tpu.memory_space<vmem>>) dst(%dma_wait3A_130 : memref<128x128xf32, #tpu.memory_space<hbm>>)
      %dma_start3A_135 = arith.constant 3 : i32
      %dma_start3A_136 = arith.constant 1 : i32
      %dma_start3A_137 = arith.constant 0 : i32
      %dma_start3A_138 = arith.constant 0 : i32
      %dma_start3A_139 = tpu.memref_slice %arg8[%dma_start3A_136, %dma_start3A_137, %dma_start3A_138] : memref<2x128x128xf32, #tpu.memory_space<vmem>> -> memref<1x128x128xf32, #tpu.memory_space<vmem>>
      %dma_start3A_140 = tpu.memref_squeeze %dma_start3A_139 : memref<1x128x128xf32, #tpu.memory_space<vmem>> -> memref<128x128xf32, #tpu.memory_space<vmem>>
      %dma_start3A_141 = arith.constant 0 : i32
      %dma_start3A_142 = tpu.memref_slice %arg6[%dma_start3A_135, %dma_start3A_141] : memref<9x128xi32, #tpu.memory_space<vmem>> -> memref<1x128xi32, #tpu.memory_space<vmem>>
      %dma_start3A_143 = tpu.memref_squeeze %dma_start3A_142 : memref<1x128xi32, #tpu.memory_space<vmem>> -> memref<128xi32, #tpu.memory_space<vmem>>
      %dma_start3A_144 = arith.constant 0 : i32
      %dma_start3A_145 = arith.constant 0 : i32
      %dma_start3A_146 = tpu.memref_slice %arg4[%dma_start3A_144, %dma_start3A_145] : memref<10000x128xf32, #tpu.memory_space<hbm>> -> memref<10000x128xf32, #tpu.memory_space<hbm>>
      tpu.enqueue_indirect_dma source(%dma_start3A_146 : memref<10000x128xf32, #tpu.memory_space<hbm>>) target(%dma_start3A_140 : memref<128x128xf32, #tpu.memory_space<vmem>>) offsets(%dma_start3A_143 : memref<128xi32, #tpu.memory_space<vmem>>) semaphore(%arg9 : memref<!tpu.dma_semaphore, #tpu.memory_space<semaphore_mem>>)
      %add3A_147 = arith.constant 256 : i32
      %add3A_148 = arith.addi %mul3A_9, %add3A_147 : i32
      %dma_start3A_149 = arith.constant 0 : i32
      %dma_start3A_150 = arith.constant 0 : i32
      %dma_start3A_151 = arith.constant 0 : i32
      %dma_start3A_152 = tpu.memref_slice %arg8[%dma_start3A_149, %dma_start3A_150, %dma_start3A_151] : memref<2x128x128xf32, #tpu.memory_space<vmem>> -> memref<1x128x128xf32, #tpu.memory_space<vmem>>
      %dma_start3A_153 = tpu.memref_squeeze %dma_start3A_152 : memref<1x128x128xf32, #tpu.memory_space<vmem>> -> memref<128x128xf32, #tpu.memory_space<vmem>>
      %dma_start3A_154 = arith.constant 0 : i32
      %dma_start3A_155 = tpu.memref_slice %arg5[%add3A_148, %dma_start3A_154] : memref<20480x128xf32, #tpu.memory_space<hbm>> -> memref<128x128xf32, #tpu.memory_space<hbm>>
      %dma_start3A_156 = arith.constant 0 : i32
      %dma_start3A_157 = tpu.memref_slice %arg5[%add3A_148, %dma_start3A_156] : memref<20480x128xf32, #tpu.memory_space<hbm>> -> memref<128x128xf32, #tpu.memory_space<hbm>>
      %dma_start3A_158 = arith.constant 0 : i32
      %dma_start3A_159 = arith.constant 0 : i32
      %dma_start3A_160 = tpu.memref_slice %arg8[%dma_start3A_149, %dma_start3A_158, %dma_start3A_159] : memref<2x128x128xf32, #tpu.memory_space<vmem>> -> memref<1x128x128xf32, #tpu.memory_space<vmem>>
      %dma_start3A_161 = tpu.memref_squeeze %dma_start3A_160 : memref<1x128x128xf32, #tpu.memory_space<vmem>> -> memref<128x128xf32, #tpu.memory_space<vmem>>
      tpu.enqueue_dma source(%dma_start3A_161 : memref<128x128xf32, #tpu.memory_space<vmem>>) target(%dma_start3A_157 : memref<128x128xf32, #tpu.memory_space<hbm>>) target_semaphore(%arg10 : memref<!tpu.dma_semaphore, #tpu.memory_space<semaphore_mem>>)
      %dma_wait3A_162 = arith.constant 3 : i32
      %dma_wait3A_163 = arith.constant 1 : i32
      %dma_wait3A_164 = arith.constant 0 : i32
      %dma_wait3A_165 = arith.constant 0 : i32
      %dma_wait3A_166 = tpu.memref_slice %arg8[%dma_wait3A_163, %dma_wait3A_164, %dma_wait3A_165] : memref<2x128x128xf32, #tpu.memory_space<vmem>> -> memref<1x128x128xf32, #tpu.memory_space<vmem>>
      %dma_wait3A_167 = tpu.memref_squeeze %dma_wait3A_166 : memref<1x128x128xf32, #tpu.memory_space<vmem>> -> memref<128x128xf32, #tpu.memory_space<vmem>>
      %dma_wait3A_168 = arith.constant 0 : i32
      %dma_wait3A_169 = tpu.memref_slice %arg6[%dma_wait3A_162, %dma_wait3A_168] : memref<9x128xi32, #tpu.memory_space<vmem>> -> memref<1x128xi32, #tpu.memory_space<vmem>>
      %dma_wait3A_170 = tpu.memref_squeeze %dma_wait3A_169 : memref<1x128xi32, #tpu.memory_space<vmem>> -> memref<128xi32, #tpu.memory_space<vmem>>
      %dma_wait3A_171 = arith.constant 0 : i32
      %dma_wait3A_172 = arith.constant 0 : i32
      %dma_wait3A_173 = tpu.memref_slice %arg4[%dma_wait3A_171, %dma_wait3A_172] : memref<10000x128xf32, #tpu.memory_space<hbm>> -> memref<10000x128xf32, #tpu.memory_space<hbm>>
      tpu.wait_indirect_dma semaphore(%arg9 : memref<!tpu.dma_semaphore, #tpu.memory_space<semaphore_mem>>) src(%dma_wait3A_173 : memref<10000x128xf32, #tpu.memory_space<hbm>>) dst(%dma_wait3A_167 : memref<128x128xf32, #tpu.memory_space<vmem>>)
      %dma_wait3A_174 = arith.constant 0 : i32
      %dma_wait3A_175 = arith.constant 0 : i32
      %dma_wait3A_176 = arith.constant 0 : i32
      %dma_wait3A_177 = tpu.memref_slice %arg8[%dma_wait3A_174, %dma_wait3A_175, %dma_wait3A_176] : memref<2x128x128xf32, #tpu.memory_space<vmem>> -> memref<1x128x128xf32, #tpu.memory_space<vmem>>
      %dma_wait3A_178 = tpu.memref_squeeze %dma_wait3A_177 : memref<1x128x128xf32, #tpu.memory_space<vmem>> -> memref<128x128xf32, #tpu.memory_space<vmem>>
      %dma_wait3A_179 = arith.constant 0 : i32
      %dma_wait3A_180 = tpu.memref_slice %arg5[%add3A_148, %dma_wait3A_179] : memref<20480x128xf32, #tpu.memory_space<hbm>> -> memref<128x128xf32, #tpu.memory_space<hbm>>
      %dma_wait3A_181 = arith.constant 0 : i32
      %dma_wait3A_182 = tpu.memref_slice %arg5[%add3A_148, %dma_wait3A_181] : memref<20480x128xf32, #tpu.memory_space<hbm>> -> memref<128x128xf32, #tpu.memory_space<hbm>>
      %dma_wait3A_183 = arith.constant 0 : i32
      %dma_wait3A_184 = arith.constant 0 : i32
      %dma_wait3A_185 = tpu.memref_slice %arg8[%dma_wait3A_174, %dma_wait3A_183, %dma_wait3A_184] : memref<2x128x128xf32, #tpu.memory_space<vmem>> -> memref<1x128x128xf32, #tpu.memory_space<vmem>>
      %dma_wait3A_186 = tpu.memref_squeeze %dma_wait3A_185 : memref<1x128x128xf32, #tpu.memory_space<vmem>> -> memref<128x128xf32, #tpu.memory_space<vmem>>
      tpu.wait_dma2 semaphore(%arg10 : memref<!tpu.dma_semaphore, #tpu.memory_space<semaphore_mem>>) src(%dma_wait3A_186 : memref<128x128xf32, #tpu.memory_space<vmem>>) dst(%dma_wait3A_182 : memref<128x128xf32, #tpu.memory_space<hbm>>)
      %dma_start3A_187 = arith.constant 4 : i32
      %dma_start3A_188 = arith.constant 0 : i32
      %dma_start3A_189 = arith.constant 0 : i32
      %dma_start3A_190 = arith.constant 0 : i32
      %dma_start3A_191 = tpu.memref_slice %arg8[%dma_start3A_188, %dma_start3A_189, %dma_start3A_190] : memref<2x128x128xf32, #tpu.memory_space<vmem>> -> memref<1x128x128xf32, #tpu.memory_space<vmem>>
      %dma_start3A_192 = tpu.memref_squeeze %dma_start3A_191 : memref<1x128x128xf32, #tpu.memory_space<vmem>> -> memref<128x128xf32, #tpu.memory_space<vmem>>
      %dma_start3A_193 = arith.constant 0 : i32
      %dma_start3A_194 = tpu.memref_slice %arg6[%dma_start3A_187, %dma_start3A_193] : memref<9x128xi32, #tpu.memory_space<vmem>> -> memref<1x128xi32, #tpu.memory_space<vmem>>
      %dma_start3A_195 = tpu.memref_squeeze %dma_start3A_194 : memref<1x128xi32, #tpu.memory_space<vmem>> -> memref<128xi32, #tpu.memory_space<vmem>>
      %dma_start3A_196 = arith.constant 0 : i32
      %dma_start3A_197 = arith.constant 0 : i32
      %dma_start3A_198 = tpu.memref_slice %arg4[%dma_start3A_196, %dma_start3A_197] : memref<10000x128xf32, #tpu.memory_space<hbm>> -> memref<10000x128xf32, #tpu.memory_space<hbm>>
      tpu.enqueue_indirect_dma source(%dma_start3A_198 : memref<10000x128xf32, #tpu.memory_space<hbm>>) target(%dma_start3A_192 : memref<128x128xf32, #tpu.memory_space<vmem>>) offsets(%dma_start3A_195 : memref<128xi32, #tpu.memory_space<vmem>>) semaphore(%arg9 : memref<!tpu.dma_semaphore, #tpu.memory_space<semaphore_mem>>)
      %add3A_199 = arith.constant 384 : i32
      %add3A_200 = arith.addi %mul3A_9, %add3A_199 : i32
      %dma_start3A_201 = arith.constant 1 : i32
      %dma_start3A_202 = arith.constant 0 : i32
      %dma_start3A_203 = arith.constant 0 : i32
      %dma_start3A_204 = tpu.memref_slice %arg8[%dma_start3A_201, %dma_start3A_202, %dma_start3A_203] : memref<2x128x128xf32, #tpu.memory_space<vmem>> -> memref<1x128x128xf32, #tpu.memory_space<vmem>>
      %dma_start3A_205 = tpu.memref_squeeze %dma_start3A_204 : memref<1x128x128xf32, #tpu.memory_space<vmem>> -> memref<128x128xf32, #tpu.memory_space<vmem>>
      %dma_start3A_206 = arith.constant 0 : i32
      %dma_start3A_207 = tpu.memref_slice %arg5[%add3A_200, %dma_start3A_206] : memref<20480x128xf32, #tpu.memory_space<hbm>> -> memref<128x128xf32, #tpu.memory_space<hbm>>
      %dma_start3A_208 = arith.constant 0 : i32
      %dma_start3A_209 = tpu.memref_slice %arg5[%add3A_200, %dma_start3A_208] : memref<20480x128xf32, #tpu.memory_space<hbm>> -> memref<128x128xf32, #tpu.memory_space<hbm>>
      %dma_start3A_210 = arith.constant 0 : i32
      %dma_start3A_211 = arith.constant 0 : i32
      %dma_start3A_212 = tpu.memref_slice %arg8[%dma_start3A_201, %dma_start3A_210, %dma_start3A_211] : memref<2x128x128xf32, #tpu.memory_space<vmem>> -> memref<1x128x128xf32, #tpu.memory_space<vmem>>
      %dma_start3A_213 = tpu.memref_squeeze %dma_start3A_212 : memref<1x128x128xf32, #tpu.memory_space<vmem>> -> memref<128x128xf32, #tpu.memory_space<vmem>>
      tpu.enqueue_dma source(%dma_start3A_213 : memref<128x128xf32, #tpu.memory_space<vmem>>) target(%dma_start3A_209 : memref<128x128xf32, #tpu.memory_space<hbm>>) target_semaphore(%arg10 : memref<!tpu.dma_semaphore, #tpu.memory_space<semaphore_mem>>)
      %dma_wait3A_214 = arith.constant 4 : i32
      %dma_wait3A_215 = arith.constant 0 : i32
      %dma_wait3A_216 = arith.constant 0 : i32
      %dma_wait3A_217 = arith.constant 0 : i32
      %dma_wait3A_218 = tpu.memref_slice %arg8[%dma_wait3A_215, %dma_wait3A_216, %dma_wait3A_217] : memref<2x128x128xf32, #tpu.memory_space<vmem>> -> memref<1x128x128xf32, #tpu.memory_space<vmem>>
      %dma_wait3A_219 = tpu.memref_squeeze %dma_wait3A_218 : memref<1x128x128xf32, #tpu.memory_space<vmem>> -> memref<128x128xf32, #tpu.memory_space<vmem>>
      %dma_wait3A_220 = arith.constant 0 : i32
      %dma_wait3A_221 = tpu.memref_slice %arg6[%dma_wait3A_214, %dma_wait3A_220] : memref<9x128xi32, #tpu.memory_space<vmem>> -> memref<1x128xi32, #tpu.memory_space<vmem>>
      %dma_wait3A_222 = tpu.memref_squeeze %dma_wait3A_221 : memref<1x128xi32, #tpu.memory_space<vmem>> -> memref<128xi32, #tpu.memory_space<vmem>>
      %dma_wait3A_223 = arith.constant 0 : i32
      %dma_wait3A_224 = arith.constant 0 : i32
      %dma_wait3A_225 = tpu.memref_slice %arg4[%dma_wait3A_223, %dma_wait3A_224] : memref<10000x128xf32, #tpu.memory_space<hbm>> -> memref<10000x128xf32, #tpu.memory_space<hbm>>
      tpu.wait_indirect_dma semaphore(%arg9 : memref<!tpu.dma_semaphore, #tpu.memory_space<semaphore_mem>>) src(%dma_wait3A_225 : memref<10000x128xf32, #tpu.memory_space<hbm>>) dst(%dma_wait3A_219 : memref<128x128xf32, #tpu.memory_space<vmem>>)
      %dma_wait3A_226 = arith.constant 1 : i32
      %dma_wait3A_227 = arith.constant 0 : i32
      %dma_wait3A_228 = arith.constant 0 : i32
      %dma_wait3A_229 = tpu.memref_slice %arg8[%dma_wait3A_226, %dma_wait3A_227, %dma_wait3A_228] : memref<2x128x128xf32, #tpu.memory_space<vmem>> -> memref<1x128x128xf32, #tpu.memory_space<vmem>>
      %dma_wait3A_230 = tpu.memref_squeeze %dma_wait3A_229 : memref<1x128x128xf32, #tpu.memory_space<vmem>> -> memref<128x128xf32, #tpu.memory_space<vmem>>
      %dma_wait3A_231 = arith.constant 0 : i32
      %dma_wait3A_232 = tpu.memref_slice %arg5[%add3A_200, %dma_wait3A_231] : memref<20480x128xf32, #tpu.memory_space<hbm>> -> memref<128x128xf32, #tpu.memory_space<hbm>>
      %dma_wait3A_233 = arith.constant 0 : i32
      %dma_wait3A_234 = tpu.memref_slice %arg5[%add3A_200, %dma_wait3A_233] : memref<20480x128xf32, #tpu.memory_space<hbm>> -> memref<128x128xf32, #tpu.memory_space<hbm>>
      %dma_wait3A_235 = arith.constant 0 : i32
      %dma_wait3A_236 = arith.constant 0 : i32
      %dma_wait3A_237 = tpu.memref_slice %arg8[%dma_wait3A_226, %dma_wait3A_235, %dma_wait3A_236] : memref<2x128x128xf32, #tpu.memory_space<vmem>> -> memref<1x128x128xf32, #tpu.memory_space<vmem>>
      %dma_wait3A_238 = tpu.memref_squeeze %dma_wait3A_237 : memref<1x128x128xf32, #tpu.memory_space<vmem>> -> memref<128x128xf32, #tpu.memory_space<vmem>>
      tpu.wait_dma2 semaphore(%arg10 : memref<!tpu.dma_semaphore, #tpu.memory_space<semaphore_mem>>) src(%dma_wait3A_238 : memref<128x128xf32, #tpu.memory_space<vmem>>) dst(%dma_wait3A_234 : memref<128x128xf32, #tpu.memory_space<hbm>>)
      %dma_start3A_239 = arith.constant 5 : i32
      %dma_start3A_240 = arith.constant 1 : i32
      %dma_start3A_241 = arith.constant 0 : i32
      %dma_start3A_242 = arith.constant 0 : i32
      %dma_start3A_243 = tpu.memref_slice %arg8[%dma_start3A_240, %dma_start3A_241, %dma_start3A_242] : memref<2x128x128xf32, #tpu.memory_space<vmem>> -> memref<1x128x128xf32, #tpu.memory_space<vmem>>
      %dma_start3A_244 = tpu.memref_squeeze %dma_start3A_243 : memref<1x128x128xf32, #tpu.memory_space<vmem>> -> memref<128x128xf32, #tpu.memory_space<vmem>>
      %dma_start3A_245 = arith.constant 0 : i32
      %dma_start3A_246 = tpu.memref_slice %arg6[%dma_start3A_239, %dma_start3A_245] : memref<9x128xi32, #tpu.memory_space<vmem>> -> memref<1x128xi32, #tpu.memory_space<vmem>>
      %dma_start3A_247 = tpu.memref_squeeze %dma_start3A_246 : memref<1x128xi32, #tpu.memory_space<vmem>> -> memref<128xi32, #tpu.memory_space<vmem>>
      %dma_start3A_248 = arith.constant 0 : i32
      %dma_start3A_249 = arith.constant 0 : i32
      %dma_start3A_250 = tpu.memref_slice %arg4[%dma_start3A_248, %dma_start3A_249] : memref<10000x128xf32, #tpu.memory_space<hbm>> -> memref<10000x128xf32, #tpu.memory_space<hbm>>
      tpu.enqueue_indirect_dma source(%dma_start3A_250 : memref<10000x128xf32, #tpu.memory_space<hbm>>) target(%dma_start3A_244 : memref<128x128xf32, #tpu.memory_space<vmem>>) offsets(%dma_start3A_247 : memref<128xi32, #tpu.memory_space<vmem>>) semaphore(%arg9 : memref<!tpu.dma_semaphore, #tpu.memory_space<semaphore_mem>>)
      %add3A_251 = arith.constant 512 : i32
      %add3A_252 = arith.addi %mul3A_9, %add3A_251 : i32
      %dma_start3A_253 = arith.constant 0 : i32
      %dma_start3A_254 = arith.constant 0 : i32
      %dma_start3A_255 = arith.constant 0 : i32
      %dma_start3A_256 = tpu.memref_slice %arg8[%dma_start3A_253, %dma_start3A_254, %dma_start3A_255] : memref<2x128x128xf32, #tpu.memory_space<vmem>> -> memref<1x128x128xf32, #tpu.memory_space<vmem>>
      %dma_start3A_257 = tpu.memref_squeeze %dma_start3A_256 : memref<1x128x128xf32, #tpu.memory_space<vmem>> -> memref<128x128xf32, #tpu.memory_space<vmem>>
      %dma_start3A_258 = arith.constant 0 : i32
      %dma_start3A_259 = tpu.memref_slice %arg5[%add3A_252, %dma_start3A_258] : memref<20480x128xf32, #tpu.memory_space<hbm>> -> memref<128x128xf32, #tpu.memory_space<hbm>>
      %dma_start3A_260 = arith.constant 0 : i32
      %dma_start3A_261 = tpu.memref_slice %arg5[%add3A_252, %dma_start3A_260] : memref<20480x128xf32, #tpu.memory_space<hbm>> -> memref<128x128xf32, #tpu.memory_space<hbm>>
      %dma_start3A_262 = arith.constant 0 : i32
      %dma_start3A_263 = arith.constant 0 : i32
      %dma_start3A_264 = tpu.memref_slice %arg8[%dma_start3A_253, %dma_start3A_262, %dma_start3A_263] : memref<2x128x128xf32, #tpu.memory_space<vmem>> -> memref<1x128x128xf32, #tpu.memory_space<vmem>>
      %dma_start3A_265 = tpu.memref_squeeze %dma_start3A_264 : memref<1x128x128xf32, #tpu.memory_space<vmem>> -> memref<128x128xf32, #tpu.memory_space<vmem>>
      tpu.enqueue_dma source(%dma_start3A_265 : memref<128x128xf32, #tpu.memory_space<vmem>>) target(%dma_start3A_261 : memref<128x128xf32, #tpu.memory_space<hbm>>) target_semaphore(%arg10 : memref<!tpu.dma_semaphore, #tpu.memory_space<semaphore_mem>>)
      %dma_wait3A_266 = arith.constant 5 : i32
      %dma_wait3A_267 = arith.constant 1 : i32
      %dma_wait3A_268 = arith.constant 0 : i32
      %dma_wait3A_269 = arith.constant 0 : i32
      %dma_wait3A_270 = tpu.memref_slice %arg8[%dma_wait3A_267, %dma_wait3A_268, %dma_wait3A_269] : memref<2x128x128xf32, #tpu.memory_space<vmem>> -> memref<1x128x128xf32, #tpu.memory_space<vmem>>
      %dma_wait3A_271 = tpu.memref_squeeze %dma_wait3A_270 : memref<1x128x128xf32, #tpu.memory_space<vmem>> -> memref<128x128xf32, #tpu.memory_space<vmem>>
      %dma_wait3A_272 = arith.constant 0 : i32
      %dma_wait3A_273 = tpu.memref_slice %arg6[%dma_wait3A_266, %dma_wait3A_272] : memref<9x128xi32, #tpu.memory_space<vmem>> -> memref<1x128xi32, #tpu.memory_space<vmem>>
      %dma_wait3A_274 = tpu.memref_squeeze %dma_wait3A_273 : memref<1x128xi32, #tpu.memory_space<vmem>> -> memref<128xi32, #tpu.memory_space<vmem>>
      %dma_wait3A_275 = arith.constant 0 : i32
      %dma_wait3A_276 = arith.constant 0 : i32
      %dma_wait3A_277 = tpu.memref_slice %arg4[%dma_wait3A_275, %dma_wait3A_276] : memref<10000x128xf32, #tpu.memory_space<hbm>> -> memref<10000x128xf32, #tpu.memory_space<hbm>>
      tpu.wait_indirect_dma semaphore(%arg9 : memref<!tpu.dma_semaphore, #tpu.memory_space<semaphore_mem>>) src(%dma_wait3A_277 : memref<10000x128xf32, #tpu.memory_space<hbm>>) dst(%dma_wait3A_271 : memref<128x128xf32, #tpu.memory_space<vmem>>)
      %dma_wait3A_278 = arith.constant 0 : i32
      %dma_wait3A_279 = arith.constant 0 : i32
      %dma_wait3A_280 = arith.constant 0 : i32
      %dma_wait3A_281 = tpu.memref_slice %arg8[%dma_wait3A_278, %dma_wait3A_279, %dma_wait3A_280] : memref<2x128x128xf32, #tpu.memory_space<vmem>> -> memref<1x128x128xf32, #tpu.memory_space<vmem>>
      %dma_wait3A_282 = tpu.memref_squeeze %dma_wait3A_281 : memref<1x128x128xf32, #tpu.memory_space<vmem>> -> memref<128x128xf32, #tpu.memory_space<vmem>>
      %dma_wait3A_283 = arith.constant 0 : i32
      %dma_wait3A_284 = tpu.memref_slice %arg5[%add3A_252, %dma_wait3A_283] : memref<20480x128xf32, #tpu.memory_space<hbm>> -> memref<128x128xf32, #tpu.memory_space<hbm>>
      %dma_wait3A_285 = arith.constant 0 : i32
      %dma_wait3A_286 = tpu.memref_slice %arg5[%add3A_252, %dma_wait3A_285] : memref<20480x128xf32, #tpu.memory_space<hbm>> -> memref<128x128xf32, #tpu.memory_space<hbm>>
      %dma_wait3A_287 = arith.constant 0 : i32
      %dma_wait3A_288 = arith.constant 0 : i32
      %dma_wait3A_289 = tpu.memref_slice %arg8[%dma_wait3A_278, %dma_wait3A_287, %dma_wait3A_288] : memref<2x128x128xf32, #tpu.memory_space<vmem>> -> memref<1x128x128xf32, #tpu.memory_space<vmem>>
      %dma_wait3A_290 = tpu.memref_squeeze %dma_wait3A_289 : memref<1x128x128xf32, #tpu.memory_space<vmem>> -> memref<128x128xf32, #tpu.memory_space<vmem>>
      tpu.wait_dma2 semaphore(%arg10 : memref<!tpu.dma_semaphore, #tpu.memory_space<semaphore_mem>>) src(%dma_wait3A_290 : memref<128x128xf32, #tpu.memory_space<vmem>>) dst(%dma_wait3A_286 : memref<128x128xf32, #tpu.memory_space<hbm>>)
      %dma_start3A_291 = arith.constant 6 : i32
      %dma_start3A_292 = arith.constant 0 : i32
      %dma_start3A_293 = arith.constant 0 : i32
      %dma_start3A_294 = arith.constant 0 : i32
      %dma_start3A_295 = tpu.memref_slice %arg8[%dma_start3A_292, %dma_start3A_293, %dma_start3A_294] : memref<2x128x128xf32, #tpu.memory_space<vmem>> -> memref<1x128x128xf32, #tpu.memory_space<vmem>>
      %dma_start3A_296 = tpu.memref_squeeze %dma_start3A_295 : memref<1x128x128xf32, #tpu.memory_space<vmem>> -> memref<128x128xf32, #tpu.memory_space<vmem>>
      %dma_start3A_297 = arith.constant 0 : i32
      %dma_start3A_298 = tpu.memref_slice %arg6[%dma_start3A_291, %dma_start3A_297] : memref<9x128xi32, #tpu.memory_space<vmem>> -> memref<1x128xi32, #tpu.memory_space<vmem>>
      %dma_start3A_299 = tpu.memref_squeeze %dma_start3A_298 : memref<1x128xi32, #tpu.memory_space<vmem>> -> memref<128xi32, #tpu.memory_space<vmem>>
      %dma_start3A_300 = arith.constant 0 : i32
      %dma_start3A_301 = arith.constant 0 : i32
      %dma_start3A_302 = tpu.memref_slice %arg4[%dma_start3A_300, %dma_start3A_301] : memref<10000x128xf32, #tpu.memory_space<hbm>> -> memref<10000x128xf32, #tpu.memory_space<hbm>>
      tpu.enqueue_indirect_dma source(%dma_start3A_302 : memref<10000x128xf32, #tpu.memory_space<hbm>>) target(%dma_start3A_296 : memref<128x128xf32, #tpu.memory_space<vmem>>) offsets(%dma_start3A_299 : memref<128xi32, #tpu.memory_space<vmem>>) semaphore(%arg9 : memref<!tpu.dma_semaphore, #tpu.memory_space<semaphore_mem>>)
      %add3A_303 = arith.constant 640 : i32
      %add3A_304 = arith.addi %mul3A_9, %add3A_303 : i32
      %dma_start3A_305 = arith.constant 1 : i32
      %dma_start3A_306 = arith.constant 0 : i32
      %dma_start3A_307 = arith.constant 0 : i32
      %dma_start3A_308 = tpu.memref_slice %arg8[%dma_start3A_305, %dma_start3A_306, %dma_start3A_307] : memref<2x128x128xf32, #tpu.memory_space<vmem>> -> memref<1x128x128xf32, #tpu.memory_space<vmem>>
      %dma_start3A_309 = tpu.memref_squeeze %dma_start3A_308 : memref<1x128x128xf32, #tpu.memory_space<vmem>> -> memref<128x128xf32, #tpu.memory_space<vmem>>
      %dma_start3A_310 = arith.constant 0 : i32
      %dma_start3A_311 = tpu.memref_slice %arg5[%add3A_304, %dma_start3A_310] : memref<20480x128xf32, #tpu.memory_space<hbm>> -> memref<128x128xf32, #tpu.memory_space<hbm>>
      %dma_start3A_312 = arith.constant 0 : i32
      %dma_start3A_313 = tpu.memref_slice %arg5[%add3A_304, %dma_start3A_312] : memref<20480x128xf32, #tpu.memory_space<hbm>> -> memref<128x128xf32, #tpu.memory_space<hbm>>
      %dma_start3A_314 = arith.constant 0 : i32
      %dma_start3A_315 = arith.constant 0 : i32
      %dma_start3A_316 = tpu.memref_slice %arg8[%dma_start3A_305, %dma_start3A_314, %dma_start3A_315] : memref<2x128x128xf32, #tpu.memory_space<vmem>> -> memref<1x128x128xf32, #tpu.memory_space<vmem>>
      %dma_start3A_317 = tpu.memref_squeeze %dma_start3A_316 : memref<1x128x128xf32, #tpu.memory_space<vmem>> -> memref<128x128xf32, #tpu.memory_space<vmem>>
      tpu.enqueue_dma source(%dma_start3A_317 : memref<128x128xf32, #tpu.memory_space<vmem>>) target(%dma_start3A_313 : memref<128x128xf32, #tpu.memory_space<hbm>>) target_semaphore(%arg10 : memref<!tpu.dma_semaphore, #tpu.memory_space<semaphore_mem>>)
      %dma_wait3A_318 = arith.constant 6 : i32
      %dma_wait3A_319 = arith.constant 0 : i32
      %dma_wait3A_320 = arith.constant 0 : i32
      %dma_wait3A_321 = arith.constant 0 : i32
      %dma_wait3A_322 = tpu.memref_slice %arg8[%dma_wait3A_319, %dma_wait3A_320, %dma_wait3A_321] : memref<2x128x128xf32, #tpu.memory_space<vmem>> -> memref<1x128x128xf32, #tpu.memory_space<vmem>>
      %dma_wait3A_323 = tpu.memref_squeeze %dma_wait3A_322 : memref<1x128x128xf32, #tpu.memory_space<vmem>> -> memref<128x128xf32, #tpu.memory_space<vmem>>
      %dma_wait3A_324 = arith.constant 0 : i32
      %dma_wait3A_325 = tpu.memref_slice %arg6[%dma_wait3A_318, %dma_wait3A_324] : memref<9x128xi32, #tpu.memory_space<vmem>> -> memref<1x128xi32, #tpu.memory_space<vmem>>
      %dma_wait3A_326 = tpu.memref_squeeze %dma_wait3A_325 : memref<1x128xi32, #tpu.memory_space<vmem>> -> memref<128xi32, #tpu.memory_space<vmem>>
      %dma_wait3A_327 = arith.constant 0 : i32
      %dma_wait3A_328 = arith.constant 0 : i32
      %dma_wait3A_329 = tpu.memref_slice %arg4[%dma_wait3A_327, %dma_wait3A_328] : memref<10000x128xf32, #tpu.memory_space<hbm>> -> memref<10000x128xf32, #tpu.memory_space<hbm>>
      tpu.wait_indirect_dma semaphore(%arg9 : memref<!tpu.dma_semaphore, #tpu.memory_space<semaphore_mem>>) src(%dma_wait3A_329 : memref<10000x128xf32, #tpu.memory_space<hbm>>) dst(%dma_wait3A_323 : memref<128x128xf32, #tpu.memory_space<vmem>>)
      %dma_wait3A_330 = arith.constant 1 : i32
      %dma_wait3A_331 = arith.constant 0 : i32
      %dma_wait3A_332 = arith.constant 0 : i32
      %dma_wait3A_333 = tpu.memref_slice %arg8[%dma_wait3A_330, %dma_wait3A_331, %dma_wait3A_332] : memref<2x128x128xf32, #tpu.memory_space<vmem>> -> memref<1x128x128xf32, #tpu.memory_space<vmem>>
      %dma_wait3A_334 = tpu.memref_squeeze %dma_wait3A_333 : memref<1x128x128xf32, #tpu.memory_space<vmem>> -> memref<128x128xf32, #tpu.memory_space<vmem>>
      %dma_wait3A_335 = arith.constant 0 : i32
      %dma_wait3A_336 = tpu.memref_slice %arg5[%add3A_304, %dma_wait3A_335] : memref<20480x128xf32, #tpu.memory_space<hbm>> -> memref<128x128xf32, #tpu.memory_space<hbm>>
      %dma_wait3A_337 = arith.constant 0 : i32
      %dma_wait3A_338 = tpu.memref_slice %arg5[%add3A_304, %dma_wait3A_337] : memref<20480x128xf32, #tpu.memory_space<hbm>> -> memref<128x128xf32, #tpu.memory_space<hbm>>
      %dma_wait3A_339 = arith.constant 0 : i32
      %dma_wait3A_340 = arith.constant 0 : i32
      %dma_wait3A_341 = tpu.memref_slice %arg8[%dma_wait3A_330, %dma_wait3A_339, %dma_wait3A_340] : memref<2x128x128xf32, #tpu.memory_space<vmem>> -> memref<1x128x128xf32, #tpu.memory_space<vmem>>
      %dma_wait3A_342 = tpu.memref_squeeze %dma_wait3A_341 : memref<1x128x128xf32, #tpu.memory_space<vmem>> -> memref<128x128xf32, #tpu.memory_space<vmem>>
      tpu.wait_dma2 semaphore(%arg10 : memref<!tpu.dma_semaphore, #tpu.memory_space<semaphore_mem>>) src(%dma_wait3A_342 : memref<128x128xf32, #tpu.memory_space<vmem>>) dst(%dma_wait3A_338 : memref<128x128xf32, #tpu.memory_space<hbm>>)
      %dma_start3A_343 = arith.constant 7 : i32
      %dma_start3A_344 = arith.constant 1 : i32
      %dma_start3A_345 = arith.constant 0 : i32
      %dma_start3A_346 = arith.constant 0 : i32
      %dma_start3A_347 = tpu.memref_slice %arg8[%dma_start3A_344, %dma_start3A_345, %dma_start3A_346] : memref<2x128x128xf32, #tpu.memory_space<vmem>> -> memref<1x128x128xf32, #tpu.memory_space<vmem>>
      %dma_start3A_348 = tpu.memref_squeeze %dma_start3A_347 : memref<1x128x128xf32, #tpu.memory_space<vmem>> -> memref<128x128xf32, #tpu.memory_space<vmem>>
      %dma_start3A_349 = arith.constant 0 : i32
      %dma_start3A_350 = tpu.memref_slice %arg6[%dma_start3A_343, %dma_start3A_349] : memref<9x128xi32, #tpu.memory_space<vmem>> -> memref<1x128xi32, #tpu.memory_space<vmem>>
      %dma_start3A_351 = tpu.memref_squeeze %dma_start3A_350 : memref<1x128xi32, #tpu.memory_space<vmem>> -> memref<128xi32, #tpu.memory_space<vmem>>
      %dma_start3A_352 = arith.constant 0 : i32
      %dma_start3A_353 = arith.constant 0 : i32
      %dma_start3A_354 = tpu.memref_slice %arg4[%dma_start3A_352, %dma_start3A_353] : memref<10000x128xf32, #tpu.memory_space<hbm>> -> memref<10000x128xf32, #tpu.memory_space<hbm>>
      tpu.enqueue_indirect_dma source(%dma_start3A_354 : memref<10000x128xf32, #tpu.memory_space<hbm>>) target(%dma_start3A_348 : memref<128x128xf32, #tpu.memory_space<vmem>>) offsets(%dma_start3A_351 : memref<128xi32, #tpu.memory_space<vmem>>) semaphore(%arg9 : memref<!tpu.dma_semaphore, #tpu.memory_space<semaphore_mem>>)
      %add3A_355 = arith.constant 768 : i32
      %add3A_356 = arith.addi %mul3A_9, %add3A_355 : i32
      %dma_start3A_357 = arith.constant 0 : i32
      %dma_start3A_358 = arith.constant 0 : i32
      %dma_start3A_359 = arith.constant 0 : i32
      %dma_start3A_360 = tpu.memref_slice %arg8[%dma_start3A_357, %dma_start3A_358, %dma_start3A_359] : memref<2x128x128xf32, #tpu.memory_space<vmem>> -> memref<1x128x128xf32, #tpu.memory_space<vmem>>
      %dma_start3A_361 = tpu.memref_squeeze %dma_start3A_360 : memref<1x128x128xf32, #tpu.memory_space<vmem>> -> memref<128x128xf32, #tpu.memory_space<vmem>>
      %dma_start3A_362 = arith.constant 0 : i32
      %dma_start3A_363 = tpu.memref_slice %arg5[%add3A_356, %dma_start3A_362] : memref<20480x128xf32, #tpu.memory_space<hbm>> -> memref<128x128xf32, #tpu.memory_space<hbm>>
      %dma_start3A_364 = arith.constant 0 : i32
      %dma_start3A_365 = tpu.memref_slice %arg5[%add3A_356, %dma_start3A_364] : memref<20480x128xf32, #tpu.memory_space<hbm>> -> memref<128x128xf32, #tpu.memory_space<hbm>>
      %dma_start3A_366 = arith.constant 0 : i32
      %dma_start3A_367 = arith.constant 0 : i32
      %dma_start3A_368 = tpu.memref_slice %arg8[%dma_start3A_357, %dma_start3A_366, %dma_start3A_367] : memref<2x128x128xf32, #tpu.memory_space<vmem>> -> memref<1x128x128xf32, #tpu.memory_space<vmem>>
      %dma_start3A_369 = tpu.memref_squeeze %dma_start3A_368 : memref<1x128x128xf32, #tpu.memory_space<vmem>> -> memref<128x128xf32, #tpu.memory_space<vmem>>
      tpu.enqueue_dma source(%dma_start3A_369 : memref<128x128xf32, #tpu.memory_space<vmem>>) target(%dma_start3A_365 : memref<128x128xf32, #tpu.memory_space<hbm>>) target_semaphore(%arg10 : memref<!tpu.dma_semaphore, #tpu.memory_space<semaphore_mem>>)
      %dma_wait3A_370 = arith.constant 7 : i32
      %dma_wait3A_371 = arith.constant 1 : i32
      %dma_wait3A_372 = arith.constant 0 : i32
      %dma_wait3A_373 = arith.constant 0 : i32
      %dma_wait3A_374 = tpu.memref_slice %arg8[%dma_wait3A_371, %dma_wait3A_372, %dma_wait3A_373] : memref<2x128x128xf32, #tpu.memory_space<vmem>> -> memref<1x128x128xf32, #tpu.memory_space<vmem>>
      %dma_wait3A_375 = tpu.memref_squeeze %dma_wait3A_374 : memref<1x128x128xf32, #tpu.memory_space<vmem>> -> memref<128x128xf32, #tpu.memory_space<vmem>>
      %dma_wait3A_376 = arith.constant 0 : i32
      %dma_wait3A_377 = tpu.memref_slice %arg6[%dma_wait3A_370, %dma_wait3A_376] : memref<9x128xi32, #tpu.memory_space<vmem>> -> memref<1x128xi32, #tpu.memory_space<vmem>>
      %dma_wait3A_378 = tpu.memref_squeeze %dma_wait3A_377 : memref<1x128xi32, #tpu.memory_space<vmem>> -> memref<128xi32, #tpu.memory_space<vmem>>
      %dma_wait3A_379 = arith.constant 0 : i32
      %dma_wait3A_380 = arith.constant 0 : i32
      %dma_wait3A_381 = tpu.memref_slice %arg4[%dma_wait3A_379, %dma_wait3A_380] : memref<10000x128xf32, #tpu.memory_space<hbm>> -> memref<10000x128xf32, #tpu.memory_space<hbm>>
      tpu.wait_indirect_dma semaphore(%arg9 : memref<!tpu.dma_semaphore, #tpu.memory_space<semaphore_mem>>) src(%dma_wait3A_381 : memref<10000x128xf32, #tpu.memory_space<hbm>>) dst(%dma_wait3A_375 : memref<128x128xf32, #tpu.memory_space<vmem>>)
      %dma_wait3A_382 = arith.constant 0 : i32
      %dma_wait3A_383 = arith.constant 0 : i32
      %dma_wait3A_384 = arith.constant 0 : i32
      %dma_wait3A_385 = tpu.memref_slice %arg8[%dma_wait3A_382, %dma_wait3A_383, %dma_wait3A_384] : memref<2x128x128xf32, #tpu.memory_space<vmem>> -> memref<1x128x128xf32, #tpu.memory_space<vmem>>
      %dma_wait3A_386 = tpu.memref_squeeze %dma_wait3A_385 : memref<1x128x128xf32, #tpu.memory_space<vmem>> -> memref<128x128xf32, #tpu.memory_space<vmem>>
      %dma_wait3A_387 = arith.constant 0 : i32
      %dma_wait3A_388 = tpu.memref_slice %arg5[%add3A_356, %dma_wait3A_387] : memref<20480x128xf32, #tpu.memory_space<hbm>> -> memref<128x128xf32, #tpu.memory_space<hbm>>
      %dma_wait3A_389 = arith.constant 0 : i32
      %dma_wait3A_390 = tpu.memref_slice %arg5[%add3A_356, %dma_wait3A_389] : memref<20480x128xf32, #tpu.memory_space<hbm>> -> memref<128x128xf32, #tpu.memory_space<hbm>>
      %dma_wait3A_391 = arith.constant 0 : i32
      %dma_wait3A_392 = arith.constant 0 : i32
      %dma_wait3A_393 = tpu.memref_slice %arg8[%dma_wait3A_382, %dma_wait3A_391, %dma_wait3A_392] : memref<2x128x128xf32, #tpu.memory_space<vmem>> -> memref<1x128x128xf32, #tpu.memory_space<vmem>>
      %dma_wait3A_394 = tpu.memref_squeeze %dma_wait3A_393 : memref<1x128x128xf32, #tpu.memory_space<vmem>> -> memref<128x128xf32, #tpu.memory_space<vmem>>
      tpu.wait_dma2 semaphore(%arg10 : memref<!tpu.dma_semaphore, #tpu.memory_space<semaphore_mem>>) src(%dma_wait3A_394 : memref<128x128xf32, #tpu.memory_space<vmem>>) dst(%dma_wait3A_390 : memref<128x128xf32, #tpu.memory_space<hbm>>)
      %dma_start3A_395 = arith.constant 8 : i32
      %dma_start3A_396 = arith.constant 0 : i32
      %dma_start3A_397 = arith.constant 0 : i32
      %dma_start3A_398 = arith.constant 0 : i32
      %dma_start3A_399 = tpu.memref_slice %arg8[%dma_start3A_396, %dma_start3A_397, %dma_start3A_398] : memref<2x128x128xf32, #tpu.memory_space<vmem>> -> memref<1x128x128xf32, #tpu.memory_space<vmem>>
      %dma_start3A_400 = tpu.memref_squeeze %dma_start3A_399 : memref<1x128x128xf32, #tpu.memory_space<vmem>> -> memref<128x128xf32, #tpu.memory_space<vmem>>
      %dma_start3A_401 = arith.constant 0 : i32
      %dma_start3A_402 = tpu.memref_slice %arg6[%dma_start3A_395, %dma_start3A_401] : memref<9x128xi32, #tpu.memory_space<vmem>> -> memref<1x128xi32, #tpu.memory_space<vmem>>
      %dma_start3A_403 = tpu.memref_squeeze %dma_start3A_402 : memref<1x128xi32, #tpu.memory_space<vmem>> -> memref<128xi32, #tpu.memory_space<vmem>>
      %dma_start3A_404 = arith.constant 0 : i32
      %dma_start3A_405 = arith.constant 0 : i32
      %dma_start3A_406 = tpu.memref_slice %arg4[%dma_start3A_404, %dma_start3A_405] : memref<10000x128xf32, #tpu.memory_space<hbm>> -> memref<10000x128xf32, #tpu.memory_space<hbm>>
      tpu.enqueue_indirect_dma source(%dma_start3A_406 : memref<10000x128xf32, #tpu.memory_space<hbm>>) target(%dma_start3A_400 : memref<128x128xf32, #tpu.memory_space<vmem>>) offsets(%dma_start3A_403 : memref<128xi32, #tpu.memory_space<vmem>>) semaphore(%arg9 : memref<!tpu.dma_semaphore, #tpu.memory_space<semaphore_mem>>)
      %add3A_407 = arith.constant 896 : i32
      %add3A_408 = arith.addi %mul3A_9, %add3A_407 : i32
      %dma_start3A_409 = arith.constant 1 : i32
      %dma_start3A_410 = arith.constant 0 : i32
      %dma_start3A_411 = arith.constant 0 : i32
      %dma_start3A_412 = tpu.memref_slice %arg8[%dma_start3A_409, %dma_start3A_410, %dma_start3A_411] : memref<2x128x128xf32, #tpu.memory_space<vmem>> -> memref<1x128x128xf32, #tpu.memory_space<vmem>>
      %dma_start3A_413 = tpu.memref_squeeze %dma_start3A_412 : memref<1x128x128xf32, #tpu.memory_space<vmem>> -> memref<128x128xf32, #tpu.memory_space<vmem>>
      %dma_start3A_414 = arith.constant 0 : i32
      %dma_start3A_415 = tpu.memref_slice %arg5[%add3A_408, %dma_start3A_414] : memref<20480x128xf32, #tpu.memory_space<hbm>> -> memref<128x128xf32, #tpu.memory_space<hbm>>
      %dma_start3A_416 = arith.constant 0 : i32
      %dma_start3A_417 = tpu.memref_slice %arg5[%add3A_408, %dma_start3A_416] : memref<20480x128xf32, #tpu.memory_space<hbm>> -> memref<128x128xf32, #tpu.memory_space<hbm>>
      %dma_start3A_418 = arith.constant 0 : i32
      %dma_start3A_419 = arith.constant 0 : i32
      %dma_start3A_420 = tpu.memref_slice %arg8[%dma_start3A_409, %dma_start3A_418, %dma_start3A_419] : memref<2x128x128xf32, #tpu.memory_space<vmem>> -> memref<1x128x128xf32, #tpu.memory_space<vmem>>
      %dma_start3A_421 = tpu.memref_squeeze %dma_start3A_420 : memref<1x128x128xf32, #tpu.memory_space<vmem>> -> memref<128x128xf32, #tpu.memory_space<vmem>>
      tpu.enqueue_dma source(%dma_start3A_421 : memref<128x128xf32, #tpu.memory_space<vmem>>) target(%dma_start3A_417 : memref<128x128xf32, #tpu.memory_space<hbm>>) target_semaphore(%arg10 : memref<!tpu.dma_semaphore, #tpu.memory_space<semaphore_mem>>)
      %dma_wait3A_422 = arith.constant 8 : i32
      %dma_wait3A_423 = arith.constant 0 : i32
      %dma_wait3A_424 = arith.constant 0 : i32
      %dma_wait3A_425 = arith.constant 0 : i32
      %dma_wait3A_426 = tpu.memref_slice %arg8[%dma_wait3A_423, %dma_wait3A_424, %dma_wait3A_425] : memref<2x128x128xf32, #tpu.memory_space<vmem>> -> memref<1x128x128xf32, #tpu.memory_space<vmem>>
      %dma_wait3A_427 = tpu.memref_squeeze %dma_wait3A_426 : memref<1x128x128xf32, #tpu.memory_space<vmem>> -> memref<128x128xf32, #tpu.memory_space<vmem>>
      %dma_wait3A_428 = arith.constant 0 : i32
      %dma_wait3A_429 = tpu.memref_slice %arg6[%dma_wait3A_422, %dma_wait3A_428] : memref<9x128xi32, #tpu.memory_space<vmem>> -> memref<1x128xi32, #tpu.memory_space<vmem>>
      %dma_wait3A_430 = tpu.memref_squeeze %dma_wait3A_429 : memref<1x128xi32, #tpu.memory_space<vmem>> -> memref<128xi32, #tpu.memory_space<vmem>>
      %dma_wait3A_431 = arith.constant 0 : i32
      %dma_wait3A_432 = arith.constant 0 : i32
      %dma_wait3A_433 = tpu.memref_slice %arg4[%dma_wait3A_431, %dma_wait3A_432] : memref<10000x128xf32, #tpu.memory_space<hbm>> -> memref<10000x128xf32, #tpu.memory_space<hbm>>
      tpu.wait_indirect_dma semaphore(%arg9 : memref<!tpu.dma_semaphore, #tpu.memory_space<semaphore_mem>>) src(%dma_wait3A_433 : memref<10000x128xf32, #tpu.memory_space<hbm>>) dst(%dma_wait3A_427 : memref<128x128xf32, #tpu.memory_space<vmem>>)
      %dma_wait3A_434 = arith.constant 1 : i32
      %dma_wait3A_435 = arith.constant 0 : i32
      %dma_wait3A_436 = arith.constant 0 : i32
      %dma_wait3A_437 = tpu.memref_slice %arg8[%dma_wait3A_434, %dma_wait3A_435, %dma_wait3A_436] : memref<2x128x128xf32, #tpu.memory_space<vmem>> -> memref<1x128x128xf32, #tpu.memory_space<vmem>>
      %dma_wait3A_438 = tpu.memref_squeeze %dma_wait3A_437 : memref<1x128x128xf32, #tpu.memory_space<vmem>> -> memref<128x128xf32, #tpu.memory_space<vmem>>
      %dma_wait3A_439 = arith.constant 0 : i32
      %dma_wait3A_440 = tpu.memref_slice %arg5[%add3A_408, %dma_wait3A_439] : memref<20480x128xf32, #tpu.memory_space<hbm>> -> memref<128x128xf32, #tpu.memory_space<hbm>>
      %dma_wait3A_441 = arith.constant 0 : i32
      %dma_wait3A_442 = tpu.memref_slice %arg5[%add3A_408, %dma_wait3A_441] : memref<20480x128xf32, #tpu.memory_space<hbm>> -> memref<128x128xf32, #tpu.memory_space<hbm>>
      %dma_wait3A_443 = arith.constant 0 : i32
      %dma_wait3A_444 = arith.constant 0 : i32
      %dma_wait3A_445 = tpu.memref_slice %arg8[%dma_wait3A_434, %dma_wait3A_443, %dma_wait3A_444] : memref<2x128x128xf32, #tpu.memory_space<vmem>> -> memref<1x128x128xf32, #tpu.memory_space<vmem>>
      %dma_wait3A_446 = tpu.memref_squeeze %dma_wait3A_445 : memref<1x128x128xf32, #tpu.memory_space<vmem>> -> memref<128x128xf32, #tpu.memory_space<vmem>>
      tpu.wait_dma2 semaphore(%arg10 : memref<!tpu.dma_semaphore, #tpu.memory_space<semaphore_mem>>) src(%dma_wait3A_446 : memref<128x128xf32, #tpu.memory_space<vmem>>) dst(%dma_wait3A_442 : memref<128x128xf32, #tpu.memory_space<hbm>>)
      %add3A_447 = arith.constant 1024 : i32
      %add3A_448 = arith.addi %mul3A_9, %add3A_447 : i32
      %dma_start3A_449 = arith.constant 0 : i32
      %dma_start3A_450 = arith.constant 0 : i32
      %dma_start3A_451 = arith.constant 0 : i32
      %dma_start3A_452 = tpu.memref_slice %arg8[%dma_start3A_449, %dma_start3A_450, %dma_start3A_451] : memref<2x128x128xf32, #tpu.memory_space<vmem>> -> memref<1x128x128xf32, #tpu.memory_space<vmem>>
      %dma_start3A_453 = tpu.memref_squeeze %dma_start3A_452 : memref<1x128x128xf32, #tpu.memory_space<vmem>> -> memref<128x128xf32, #tpu.memory_space<vmem>>
      %dma_start3A_454 = arith.constant 0 : i32
      %dma_start3A_455 = tpu.memref_slice %arg5[%add3A_448, %dma_start3A_454] : memref<20480x128xf32, #tpu.memory_space<hbm>> -> memref<128x128xf32, #tpu.memory_space<hbm>>
      %dma_start3A_456 = arith.constant 0 : i32
      %dma_start3A_457 = tpu.memref_slice %arg5[%add3A_448, %dma_start3A_456] : memref<20480x128xf32, #tpu.memory_space<hbm>> -> memref<128x128xf32, #tpu.memory_space<hbm>>
      %dma_start3A_458 = arith.constant 0 : i32
      %dma_start3A_459 = arith.constant 0 : i32
      %dma_start3A_460 = tpu.memref_slice %arg8[%dma_start3A_449, %dma_start3A_458, %dma_start3A_459] : memref<2x128x128xf32, #tpu.memory_space<vmem>> -> memref<1x128x128xf32, #tpu.memory_space<vmem>>
      %dma_start3A_461 = tpu.memref_squeeze %dma_start3A_460 : memref<1x128x128xf32, #tpu.memory_space<vmem>> -> memref<128x128xf32, #tpu.memory_space<vmem>>
      tpu.enqueue_dma source(%dma_start3A_461 : memref<128x128xf32, #tpu.memory_space<vmem>>) target(%dma_start3A_457 : memref<128x128xf32, #tpu.memory_space<hbm>>) target_semaphore(%arg10 : memref<!tpu.dma_semaphore, #tpu.memory_space<semaphore_mem>>)
      %dma_wait3A_462 = arith.constant 0 : i32
      %dma_wait3A_463 = arith.constant 0 : i32
      %dma_wait3A_464 = arith.constant 0 : i32
      %dma_wait3A_465 = tpu.memref_slice %arg8[%dma_wait3A_462, %dma_wait3A_463, %dma_wait3A_464] : memref<2x128x128xf32, #tpu.memory_space<vmem>> -> memref<1x128x128xf32, #tpu.memory_space<vmem>>
      %dma_wait3A_466 = tpu.memref_squeeze %dma_wait3A_465 : memref<1x128x128xf32, #tpu.memory_space<vmem>> -> memref<128x128xf32, #tpu.memory_space<vmem>>
      %dma_wait3A_467 = arith.constant 0 : i32
      %dma_wait3A_468 = tpu.memref_slice %arg5[%add3A_448, %dma_wait3A_467] : memref<20480x128xf32, #tpu.memory_space<hbm>> -> memref<128x128xf32, #tpu.memory_space<hbm>>
      %dma_wait3A_469 = arith.constant 0 : i32
      %dma_wait3A_470 = tpu.memref_slice %arg5[%add3A_448, %dma_wait3A_469] : memref<20480x128xf32, #tpu.memory_space<hbm>> -> memref<128x128xf32, #tpu.memory_space<hbm>>
      %dma_wait3A_471 = arith.constant 0 : i32
      %dma_wait3A_472 = arith.constant 0 : i32
      %dma_wait3A_473 = tpu.memref_slice %arg8[%dma_wait3A_462, %dma_wait3A_471, %dma_wait3A_472] : memref<2x128x128xf32, #tpu.memory_space<vmem>> -> memref<1x128x128xf32, #tpu.memory_space<vmem>>
      %dma_wait3A_474 = tpu.memref_squeeze %dma_wait3A_473 : memref<1x128x128xf32, #tpu.memory_space<vmem>> -> memref<128x128xf32, #tpu.memory_space<vmem>>
      tpu.wait_dma2 semaphore(%arg10 : memref<!tpu.dma_semaphore, #tpu.memory_space<semaphore_mem>>) src(%dma_wait3A_474 : memref<128x128xf32, #tpu.memory_space<vmem>>) dst(%dma_wait3A_470 : memref<128x128xf32, #tpu.memory_space<hbm>>)
    } else {
    }
    %eq3A_2 = arith.constant 1 : i32
    %eq3A_3 = arith.cmpi eq, %arg0, %eq3A_2 : i32
    %convert_element_type3A_4 = arith.extui %eq3A_3 : i1 to i32
    %cond3A_5 = arith.constant 0 : i32
    %cond3A_6 = arith.cmpi ne, %convert_element_type3A_4, %cond3A_5 : i32
    scf.if %cond3A_6 {
      "tpu.region"() ({
        %run_scoped3A = tpu.sem_alloc : memref<!tpu.dma_semaphore, #tpu.memory_space<semaphore_mem>>
        %dma_start3A_61 = arith.constant 0 : i32
        %dma_start3A_62 = arith.constant 0 : i32
        %dma_start3A_63 = tpu.memref_slice %arg3[%arg1, %dma_start3A_61, %dma_start3A_62] : memref<16x1x128xi32, #tpu.memory_space<hbm>> -> memref<1x1x128xi32, #tpu.memory_space<hbm>>
        %dma_start3A_64 = tpu.memref_squeeze %dma_start3A_63 : memref<1x1x128xi32, #tpu.memory_space<hbm>> -> memref<1x128xi32, #tpu.memory_space<hbm>>
        %dma_start3A_65 = arith.constant 0 : i32
        %dma_start3A_66 = arith.constant 0 : i32
        %dma_start3A_67 = tpu.memref_slice %arg3[%arg1, %dma_start3A_65, %dma_start3A_66] : memref<16x1x128xi32, #tpu.memory_space<hbm>> -> memref<1x1x128xi32, #tpu.memory_space<hbm>>
        %dma_start3A_68 = tpu.memref_squeeze %dma_start3A_67 : memref<1x1x128xi32, #tpu.memory_space<hbm>> -> memref<1x128xi32, #tpu.memory_space<hbm>>
        tpu.enqueue_dma source(%dma_start3A_68 : memref<1x128xi32, #tpu.memory_space<hbm>>) target(%arg7 : memref<1x128xi32, #tpu.memory_space<vmem>>) target_semaphore(%run_scoped3A : memref<!tpu.dma_semaphore, #tpu.memory_space<semaphore_mem>>)
        %dma_wait3A_69 = arith.constant 0 : i32
        %dma_wait3A_70 = arith.constant 0 : i32
        %dma_wait3A_71 = tpu.memref_slice %arg3[%arg1, %dma_wait3A_69, %dma_wait3A_70] : memref<16x1x128xi32, #tpu.memory_space<hbm>> -> memref<1x1x128xi32, #tpu.memory_space<hbm>>
        %dma_wait3A_72 = tpu.memref_squeeze %dma_wait3A_71 : memref<1x1x128xi32, #tpu.memory_space<hbm>> -> memref<1x128xi32, #tpu.memory_space<hbm>>
        %dma_wait3A_73 = arith.constant 0 : i32
        %dma_wait3A_74 = arith.constant 0 : i32
        %dma_wait3A_75 = tpu.memref_slice %arg3[%arg1, %dma_wait3A_73, %dma_wait3A_74] : memref<16x1x128xi32, #tpu.memory_space<hbm>> -> memref<1x1x128xi32, #tpu.memory_space<hbm>>
        %dma_wait3A_76 = tpu.memref_squeeze %dma_wait3A_75 : memref<1x1x128xi32, #tpu.memory_space<hbm>> -> memref<1x128xi32, #tpu.memory_space<hbm>>
        tpu.wait_dma2 semaphore(%run_scoped3A : memref<!tpu.dma_semaphore, #tpu.memory_space<semaphore_mem>>) src(%dma_wait3A_76 : memref<1x128xi32, #tpu.memory_space<hbm>>) dst(%arg7 : memref<1x128xi32, #tpu.memory_space<vmem>>)
        tpu.yield
      }) : () -> ()
      %mul3A = arith.constant 1 : i32
      %mul3A_7 = arith.muli %arg1, %mul3A : i32
      %add3A = arith.constant 144 : i32
      %add3A_8 = arith.addi %add3A, %mul3A_7 : i32
      %mul3A_9 = arith.constant 128 : i32
      %mul3A_10 = arith.muli %add3A_8, %mul3A_9 : i32
      %dma_start3A = arith.constant 0 : i32
      %dma_start3A_11 = arith.constant 0 : i32
      %dma_start3A_12 = arith.constant 0 : i32
      %dma_start3A_13 = arith.constant 0 : i32
      %dma_start3A_14 = tpu.memref_slice %arg8[%dma_start3A_11, %dma_start3A_12, %dma_start3A_13] : memref<2x128x128xf32, #tpu.memory_space<vmem>> -> memref<1x128x128xf32, #tpu.memory_space<vmem>>
      %dma_start3A_15 = tpu.memref_squeeze %dma_start3A_14 : memref<1x128x128xf32, #tpu.memory_space<vmem>> -> memref<128x128xf32, #tpu.memory_space<vmem>>
      %dma_start3A_16 = arith.constant 0 : i32
      %dma_start3A_17 = tpu.memref_slice %arg7[%dma_start3A, %dma_start3A_16] : memref<1x128xi32, #tpu.memory_space<vmem>> -> memref<1x128xi32, #tpu.memory_space<vmem>>
      %dma_start3A_18 = tpu.memref_squeeze %dma_start3A_17 : memref<1x128xi32, #tpu.memory_space<vmem>> -> memref<128xi32, #tpu.memory_space<vmem>>
      %dma_start3A_19 = arith.constant 0 : i32
      %dma_start3A_20 = arith.constant 0 : i32
      %dma_start3A_21 = tpu.memref_slice %arg4[%dma_start3A_19, %dma_start3A_20] : memref<10000x128xf32, #tpu.memory_space<hbm>> -> memref<10000x128xf32, #tpu.memory_space<hbm>>
      tpu.enqueue_indirect_dma source(%dma_start3A_21 : memref<10000x128xf32, #tpu.memory_space<hbm>>) target(%dma_start3A_15 : memref<128x128xf32, #tpu.memory_space<vmem>>) offsets(%dma_start3A_18 : memref<128xi32, #tpu.memory_space<vmem>>) semaphore(%arg9 : memref<!tpu.dma_semaphore, #tpu.memory_space<semaphore_mem>>)
      %dma_wait3A = arith.constant 0 : i32
      %dma_wait3A_22 = arith.constant 0 : i32
      %dma_wait3A_23 = arith.constant 0 : i32
      %dma_wait3A_24 = arith.constant 0 : i32
      %dma_wait3A_25 = tpu.memref_slice %arg8[%dma_wait3A_22, %dma_wait3A_23, %dma_wait3A_24] : memref<2x128x128xf32, #tpu.memory_space<vmem>> -> memref<1x128x128xf32, #tpu.memory_space<vmem>>
      %dma_wait3A_26 = tpu.memref_squeeze %dma_wait3A_25 : memref<1x128x128xf32, #tpu.memory_space<vmem>> -> memref<128x128xf32, #tpu.memory_space<vmem>>
      %dma_wait3A_27 = arith.constant 0 : i32
      %dma_wait3A_28 = tpu.memref_slice %arg7[%dma_wait3A, %dma_wait3A_27] : memref<1x128xi32, #tpu.memory_space<vmem>> -> memref<1x128xi32, #tpu.memory_space<vmem>>
      %dma_wait3A_29 = tpu.memref_squeeze %dma_wait3A_28 : memref<1x128xi32, #tpu.memory_space<vmem>> -> memref<128xi32, #tpu.memory_space<vmem>>
      %dma_wait3A_30 = arith.constant 0 : i32
      %dma_wait3A_31 = arith.constant 0 : i32
      %dma_wait3A_32 = tpu.memref_slice %arg4[%dma_wait3A_30, %dma_wait3A_31] : memref<10000x128xf32, #tpu.memory_space<hbm>> -> memref<10000x128xf32, #tpu.memory_space<hbm>>
      tpu.wait_indirect_dma semaphore(%arg9 : memref<!tpu.dma_semaphore, #tpu.memory_space<semaphore_mem>>) src(%dma_wait3A_32 : memref<10000x128xf32, #tpu.memory_space<hbm>>) dst(%dma_wait3A_26 : memref<128x128xf32, #tpu.memory_space<vmem>>)
      %add3A_33 = arith.constant 0 : i32
      %add3A_34 = arith.addi %mul3A_10, %add3A_33 : i32
      %dma_start3A_35 = arith.constant 0 : i32
      %dma_start3A_36 = arith.constant 0 : i32
      %dma_start3A_37 = arith.constant 0 : i32
      %dma_start3A_38 = tpu.memref_slice %arg8[%dma_start3A_35, %dma_start3A_36, %dma_start3A_37] : memref<2x128x128xf32, #tpu.memory_space<vmem>> -> memref<1x128x128xf32, #tpu.memory_space<vmem>>
      %dma_start3A_39 = tpu.memref_squeeze %dma_start3A_38 : memref<1x128x128xf32, #tpu.memory_space<vmem>> -> memref<128x128xf32, #tpu.memory_space<vmem>>
      %dma_start3A_40 = arith.constant 0 : i32
      %dma_start3A_41 = tpu.memref_slice %arg5[%add3A_34, %dma_start3A_40] : memref<20480x128xf32, #tpu.memory_space<hbm>> -> memref<128x128xf32, #tpu.memory_space<hbm>>
      %dma_start3A_42 = arith.constant 0 : i32
      %dma_start3A_43 = tpu.memref_slice %arg5[%add3A_34, %dma_start3A_42] : memref<20480x128xf32, #tpu.memory_space<hbm>> -> memref<128x128xf32, #tpu.memory_space<hbm>>
      %dma_start3A_44 = arith.constant 0 : i32
      %dma_start3A_45 = arith.constant 0 : i32
      %dma_start3A_46 = tpu.memref_slice %arg8[%dma_start3A_35, %dma_start3A_44, %dma_start3A_45] : memref<2x128x128xf32, #tpu.memory_space<vmem>> -> memref<1x128x128xf32, #tpu.memory_space<vmem>>
      %dma_start3A_47 = tpu.memref_squeeze %dma_start3A_46 : memref<1x128x128xf32, #tpu.memory_space<vmem>> -> memref<128x128xf32, #tpu.memory_space<vmem>>
      tpu.enqueue_dma source(%dma_start3A_47 : memref<128x128xf32, #tpu.memory_space<vmem>>) target(%dma_start3A_43 : memref<128x128xf32, #tpu.memory_space<hbm>>) target_semaphore(%arg10 : memref<!tpu.dma_semaphore, #tpu.memory_space<semaphore_mem>>)
      %dma_wait3A_48 = arith.constant 0 : i32
      %dma_wait3A_49 = arith.constant 0 : i32
      %dma_wait3A_50 = arith.constant 0 : i32
      %dma_wait3A_51 = tpu.memref_slice %arg8[%dma_wait3A_48, %dma_wait3A_49, %dma_wait3A_50] : memref<2x128x128xf32, #tpu.memory_space<vmem>> -> memref<1x128x128xf32, #tpu.memory_space<vmem>>
      %dma_wait3A_52 = tpu.memref_squeeze %dma_wait3A_51 : memref<1x128x128xf32, #tpu.memory_space<vmem>> -> memref<128x128xf32, #tpu.memory_space<vmem>>
      %dma_wait3A_53 = arith.constant 0 : i32
      %dma_wait3A_54 = tpu.memref_slice %arg5[%add3A_34, %dma_wait3A_53] : memref<20480x128xf32, #tpu.memory_space<hbm>> -> memref<128x128xf32, #tpu.memory_space<hbm>>
      %dma_wait3A_55 = arith.constant 0 : i32
      %dma_wait3A_56 = tpu.memref_slice %arg5[%add3A_34, %dma_wait3A_55] : memref<20480x128xf32, #tpu.memory_space<hbm>> -> memref<128x128xf32, #tpu.memory_space<hbm>>
      %dma_wait3A_57 = arith.constant 0 : i32
      %dma_wait3A_58 = arith.constant 0 : i32
      %dma_wait3A_59 = tpu.memref_slice %arg8[%dma_wait3A_48, %dma_wait3A_57, %dma_wait3A_58] : memref<2x128x128xf32, #tpu.memory_space<vmem>> -> memref<1x128x128xf32, #tpu.memory_space<vmem>>
      %dma_wait3A_60 = tpu.memref_squeeze %dma_wait3A_59 : memref<1x128x128xf32, #tpu.memory_space<vmem>> -> memref<128x128xf32, #tpu.memory_space<vmem>>
      tpu.wait_dma2 semaphore(%arg10 : memref<!tpu.dma_semaphore, #tpu.memory_space<semaphore_mem>>) src(%dma_wait3A_60 : memref<128x128xf32, #tpu.memory_space<vmem>>) dst(%dma_wait3A_56 : memref<128x128xf32, #tpu.memory_space<hbm>>)
    } else {
    }
    return
  }
}

#map = affine_map<(d0, d1) -> (0, 0, 0)>
#map1 = affine_map<(d0, d1) -> (0, 0)>
module attributes {stable_mosaic.version = 14 : i64} {
  func.func @k(%arg0: i32, %arg1: i32, %arg2: memref<32x5x128xi32, #tpu.memory_space<hbm>>, %arg3: memref<20480x128xf32, #tpu.memory_space<hbm>>, %arg4: memref<10112x128xf32, #tpu.memory_space<hbm>>, %arg5: memref<2x10112x128xf32, #tpu.memory_space<hbm>>, %arg6: memref<5x128xi32, #tpu.memory_space<vmem>>, %arg7: memref<2x128x128xf32, #tpu.memory_space<vmem>>, %arg8: memref<10112x128xf32, #tpu.memory_space<vmem_shared>>, %arg9: memref<!tpu.dma_semaphore, #tpu.memory_space<semaphore_mem>>) attributes {dimension_semantics = [#tpu.dimension_semantics<core_parallel>, #tpu.dimension_semantics<subcore_parallel>], iteration_bounds = array<i64: 2, 16>, scalar_prefetch = 0 : i64, scratch_operands = 4 : i64, tpu.core_type = #tpu.core_type<sc_vector_subcore>, window_params = [{transform_indices = #map}, {transform_indices = #map1}, {transform_indices = #map1}, {transform_indices = #map}]} {
    %mul3A = arith.constant 2 : i32
    %mul3A_0 = arith.muli %arg1, %mul3A : i32
    %add3A = arith.addi %mul3A_0, %arg0 : i32
    %mul3A_1 = arith.constant 640 : i32
    %mul3A_2 = arith.muli %add3A, %mul3A_1 : i32
    %dma_start3A = arith.constant 0 : i32
    %dma_start3A_3 = arith.constant 0 : i32
    %dma_start3A_4 = arith.constant 0 : i32
    %dma_start3A_5 = tpu.memref_slice %arg7[%dma_start3A, %dma_start3A_3, %dma_start3A_4] : memref<2x128x128xf32, #tpu.memory_space<vmem>> -> memref<1x128x128xf32, #tpu.memory_space<vmem>>
    %dma_start3A_6 = tpu.memref_squeeze %dma_start3A_5 : memref<1x128x128xf32, #tpu.memory_space<vmem>> -> memref<128x128xf32, #tpu.memory_space<vmem>>
    %dma_start3A_7 = arith.constant 0 : i32
    %dma_start3A_8 = tpu.memref_slice %arg3[%mul3A_2, %dma_start3A_7] : memref<20480x128xf32, #tpu.memory_space<hbm>> -> memref<128x128xf32, #tpu.memory_space<hbm>>
    %dma_start3A_9 = arith.constant 0 : i32
    %dma_start3A_10 = arith.constant 0 : i32
    %dma_start3A_11 = tpu.memref_slice %arg7[%dma_start3A, %dma_start3A_9, %dma_start3A_10] : memref<2x128x128xf32, #tpu.memory_space<vmem>> -> memref<1x128x128xf32, #tpu.memory_space<vmem>>
    %dma_start3A_12 = tpu.memref_squeeze %dma_start3A_11 : memref<1x128x128xf32, #tpu.memory_space<vmem>> -> memref<128x128xf32, #tpu.memory_space<vmem>>
    %dma_start3A_13 = arith.constant 0 : i32
    %dma_start3A_14 = tpu.memref_slice %arg3[%mul3A_2, %dma_start3A_13] : memref<20480x128xf32, #tpu.memory_space<hbm>> -> memref<128x128xf32, #tpu.memory_space<hbm>>
    tpu.enqueue_dma source(%dma_start3A_14 : memref<128x128xf32, #tpu.memory_space<hbm>>) target(%dma_start3A_12 : memref<128x128xf32, #tpu.memory_space<vmem>>) target_semaphore(%arg9 : memref<!tpu.dma_semaphore, #tpu.memory_space<semaphore_mem>>)
    %mul3A_15 = arith.constant 632 : i32
    %mul3A_16 = arith.muli %arg1, %mul3A_15 : i32
    %mul3A_17 = arith.constant 632 : i32
    %mul3A_18 = arith.muli %arg1, %mul3A_17 : i32
    "tpu.region"() ({
      %run_scoped3A_165 = tpu.sem_alloc : memref<!tpu.dma_semaphore, #tpu.memory_space<semaphore_mem>>
      %dma_start3A_166 = arith.constant 0 : i32
      %dma_start3A_167 = tpu.memref_slice %arg8[%mul3A_18, %dma_start3A_166] : memref<10112x128xf32, #tpu.memory_space<vmem_shared>> -> memref<632x128xf32, #tpu.memory_space<vmem_shared>>
      %dma_start3A_168 = arith.constant 0 : i32
      %dma_start3A_169 = tpu.memref_slice %arg4[%mul3A_16, %dma_start3A_168] : memref<10112x128xf32, #tpu.memory_space<hbm>> -> memref<632x128xf32, #tpu.memory_space<hbm>>
      tpu.enqueue_dma source(%dma_start3A_169 : memref<632x128xf32, #tpu.memory_space<hbm>>) target(%dma_start3A_167 : memref<632x128xf32, #tpu.memory_space<vmem_shared>>) target_semaphore(%run_scoped3A_165 : memref<!tpu.dma_semaphore, #tpu.memory_space<semaphore_mem>>)
      %dma_wait3A_170 = arith.constant 0 : i32
      %dma_wait3A_171 = tpu.memref_slice %arg8[%mul3A_18, %dma_wait3A_170] : memref<10112x128xf32, #tpu.memory_space<vmem_shared>> -> memref<632x128xf32, #tpu.memory_space<vmem_shared>>
      %dma_wait3A_172 = arith.constant 0 : i32
      %dma_wait3A_173 = tpu.memref_slice %arg4[%mul3A_16, %dma_wait3A_172] : memref<10112x128xf32, #tpu.memory_space<hbm>> -> memref<632x128xf32, #tpu.memory_space<hbm>>
      tpu.wait_dma2 semaphore(%run_scoped3A_165 : memref<!tpu.dma_semaphore, #tpu.memory_space<semaphore_mem>>) src(%dma_wait3A_173 : memref<632x128xf32, #tpu.memory_space<hbm>>) dst(%dma_wait3A_171 : memref<632x128xf32, #tpu.memory_space<vmem_shared>>)
      tpu.yield
    }) : () -> ()
    "tpu.region"() ({
      %run_scoped3A_165 = tpu.sem_alloc : memref<!tpu.dma_semaphore, #tpu.memory_space<semaphore_mem>>
      %dma_start3A_166 = arith.constant 0 : i32
      %dma_start3A_167 = arith.constant 0 : i32
      %dma_start3A_168 = tpu.memref_slice %arg2[%add3A, %dma_start3A_166, %dma_start3A_167] : memref<32x5x128xi32, #tpu.memory_space<hbm>> -> memref<1x5x128xi32, #tpu.memory_space<hbm>>
      %dma_start3A_169 = tpu.memref_squeeze %dma_start3A_168 : memref<1x5x128xi32, #tpu.memory_space<hbm>> -> memref<5x128xi32, #tpu.memory_space<hbm>>
      %dma_start3A_170 = arith.constant 0 : i32
      %dma_start3A_171 = arith.constant 0 : i32
      %dma_start3A_172 = tpu.memref_slice %arg2[%add3A, %dma_start3A_170, %dma_start3A_171] : memref<32x5x128xi32, #tpu.memory_space<hbm>> -> memref<1x5x128xi32, #tpu.memory_space<hbm>>
      %dma_start3A_173 = tpu.memref_squeeze %dma_start3A_172 : memref<1x5x128xi32, #tpu.memory_space<hbm>> -> memref<5x128xi32, #tpu.memory_space<hbm>>
      tpu.enqueue_dma source(%dma_start3A_173 : memref<5x128xi32, #tpu.memory_space<hbm>>) target(%arg6 : memref<5x128xi32, #tpu.memory_space<vmem>>) target_semaphore(%run_scoped3A_165 : memref<!tpu.dma_semaphore, #tpu.memory_space<semaphore_mem>>)
      %dma_wait3A_174 = arith.constant 0 : i32
      %dma_wait3A_175 = arith.constant 0 : i32
      %dma_wait3A_176 = tpu.memref_slice %arg2[%add3A, %dma_wait3A_174, %dma_wait3A_175] : memref<32x5x128xi32, #tpu.memory_space<hbm>> -> memref<1x5x128xi32, #tpu.memory_space<hbm>>
      %dma_wait3A_177 = tpu.memref_squeeze %dma_wait3A_176 : memref<1x5x128xi32, #tpu.memory_space<hbm>> -> memref<5x128xi32, #tpu.memory_space<hbm>>
      %dma_wait3A_178 = arith.constant 0 : i32
      %dma_wait3A_179 = arith.constant 0 : i32
      %dma_wait3A_180 = tpu.memref_slice %arg2[%add3A, %dma_wait3A_178, %dma_wait3A_179] : memref<32x5x128xi32, #tpu.memory_space<hbm>> -> memref<1x5x128xi32, #tpu.memory_space<hbm>>
      %dma_wait3A_181 = tpu.memref_squeeze %dma_wait3A_180 : memref<1x5x128xi32, #tpu.memory_space<hbm>> -> memref<5x128xi32, #tpu.memory_space<hbm>>
      tpu.wait_dma2 semaphore(%run_scoped3A_165 : memref<!tpu.dma_semaphore, #tpu.memory_space<semaphore_mem>>) src(%dma_wait3A_181 : memref<5x128xi32, #tpu.memory_space<hbm>>) dst(%arg6 : memref<5x128xi32, #tpu.memory_space<vmem>>)
      tpu.yield
    }) : () -> ()
    %barrier3A = arith.constant 0 : index
    tpu.barrier barrier_id(%barrier3A)
    %dma_wait3A = arith.constant 0 : i32
    %dma_wait3A_19 = arith.constant 0 : i32
    %dma_wait3A_20 = arith.constant 0 : i32
    %dma_wait3A_21 = tpu.memref_slice %arg7[%dma_wait3A, %dma_wait3A_19, %dma_wait3A_20] : memref<2x128x128xf32, #tpu.memory_space<vmem>> -> memref<1x128x128xf32, #tpu.memory_space<vmem>>
    %dma_wait3A_22 = tpu.memref_squeeze %dma_wait3A_21 : memref<1x128x128xf32, #tpu.memory_space<vmem>> -> memref<128x128xf32, #tpu.memory_space<vmem>>
    %dma_wait3A_23 = arith.constant 0 : i32
    %dma_wait3A_24 = tpu.memref_slice %arg3[%mul3A_2, %dma_wait3A_23] : memref<20480x128xf32, #tpu.memory_space<hbm>> -> memref<128x128xf32, #tpu.memory_space<hbm>>
    %dma_wait3A_25 = arith.constant 0 : i32
    %dma_wait3A_26 = arith.constant 0 : i32
    %dma_wait3A_27 = tpu.memref_slice %arg7[%dma_wait3A, %dma_wait3A_25, %dma_wait3A_26] : memref<2x128x128xf32, #tpu.memory_space<vmem>> -> memref<1x128x128xf32, #tpu.memory_space<vmem>>
    %dma_wait3A_28 = tpu.memref_squeeze %dma_wait3A_27 : memref<1x128x128xf32, #tpu.memory_space<vmem>> -> memref<128x128xf32, #tpu.memory_space<vmem>>
    %dma_wait3A_29 = arith.constant 0 : i32
    %dma_wait3A_30 = tpu.memref_slice %arg3[%mul3A_2, %dma_wait3A_29] : memref<20480x128xf32, #tpu.memory_space<hbm>> -> memref<128x128xf32, #tpu.memory_space<hbm>>
    tpu.wait_dma2 semaphore(%arg9 : memref<!tpu.dma_semaphore, #tpu.memory_space<semaphore_mem>>) src(%dma_wait3A_30 : memref<128x128xf32, #tpu.memory_space<hbm>>) dst(%dma_wait3A_28 : memref<128x128xf32, #tpu.memory_space<vmem>>)
    %mul3A_31 = arith.constant 640 : i32
    %mul3A_32 = arith.muli %add3A, %mul3A_31 : i32
    %add3A_33 = arith.constant 128 : i32
    %add3A_34 = arith.addi %mul3A_32, %add3A_33 : i32
    %dma_start3A_35 = arith.constant 1 : i32
    %dma_start3A_36 = arith.constant 0 : i32
    %dma_start3A_37 = arith.constant 0 : i32
    %dma_start3A_38 = tpu.memref_slice %arg7[%dma_start3A_35, %dma_start3A_36, %dma_start3A_37] : memref<2x128x128xf32, #tpu.memory_space<vmem>> -> memref<1x128x128xf32, #tpu.memory_space<vmem>>
    %dma_start3A_39 = tpu.memref_squeeze %dma_start3A_38 : memref<1x128x128xf32, #tpu.memory_space<vmem>> -> memref<128x128xf32, #tpu.memory_space<vmem>>
    %dma_start3A_40 = arith.constant 0 : i32
    %dma_start3A_41 = tpu.memref_slice %arg3[%add3A_34, %dma_start3A_40] : memref<20480x128xf32, #tpu.memory_space<hbm>> -> memref<128x128xf32, #tpu.memory_space<hbm>>
    %dma_start3A_42 = arith.constant 0 : i32
    %dma_start3A_43 = arith.constant 0 : i32
    %dma_start3A_44 = tpu.memref_slice %arg7[%dma_start3A_35, %dma_start3A_42, %dma_start3A_43] : memref<2x128x128xf32, #tpu.memory_space<vmem>> -> memref<1x128x128xf32, #tpu.memory_space<vmem>>
    %dma_start3A_45 = tpu.memref_squeeze %dma_start3A_44 : memref<1x128x128xf32, #tpu.memory_space<vmem>> -> memref<128x128xf32, #tpu.memory_space<vmem>>
    %dma_start3A_46 = arith.constant 0 : i32
    %dma_start3A_47 = tpu.memref_slice %arg3[%add3A_34, %dma_start3A_46] : memref<20480x128xf32, #tpu.memory_space<hbm>> -> memref<128x128xf32, #tpu.memory_space<hbm>>
    tpu.enqueue_dma source(%dma_start3A_47 : memref<128x128xf32, #tpu.memory_space<hbm>>) target(%dma_start3A_45 : memref<128x128xf32, #tpu.memory_space<vmem>>) target_semaphore(%arg9 : memref<!tpu.dma_semaphore, #tpu.memory_space<semaphore_mem>>)
    %run_scoped3A = arith.constant 0 : i32
    %run_scoped3A_48 = arith.constant 0 : i32
    "tpu.region"() ({
      %run_scoped3A_165 = tpu.sem_alloc : memref<!tpu.dma_semaphore, #tpu.memory_space<semaphore_mem>>
      %dma_start3A_166 = arith.constant 0 : i32
      %dma_start3A_167 = arith.constant 0 : i32
      %dma_start3A_168 = tpu.memref_slice %arg7[%run_scoped3A, %dma_start3A_166, %dma_start3A_167] : memref<2x128x128xf32, #tpu.memory_space<vmem>> -> memref<1x128x128xf32, #tpu.memory_space<vmem>>
      %dma_start3A_169 = tpu.memref_squeeze %dma_start3A_168 : memref<1x128x128xf32, #tpu.memory_space<vmem>> -> memref<128x128xf32, #tpu.memory_space<vmem>>
      %dma_start3A_170 = arith.constant 0 : i32
      %dma_start3A_171 = tpu.memref_slice %arg6[%run_scoped3A_48, %dma_start3A_170] : memref<5x128xi32, #tpu.memory_space<vmem>> -> memref<1x128xi32, #tpu.memory_space<vmem>>
      %dma_start3A_172 = tpu.memref_squeeze %dma_start3A_171 : memref<1x128xi32, #tpu.memory_space<vmem>> -> memref<128xi32, #tpu.memory_space<vmem>>
      %dma_start3A_173 = arith.constant 0 : i32
      %dma_start3A_174 = arith.constant 0 : i32
      %dma_start3A_175 = tpu.memref_slice %arg8[%dma_start3A_173, %dma_start3A_174] : memref<10112x128xf32, #tpu.memory_space<vmem_shared>> -> memref<10112x128xf32, #tpu.memory_space<vmem_shared>>
      tpu.enqueue_indirect_dma source(%dma_start3A_169 : memref<128x128xf32, #tpu.memory_space<vmem>>) target(%dma_start3A_175 : memref<10112x128xf32, #tpu.memory_space<vmem_shared>>) offsets(%dma_start3A_172 : memref<128xi32, #tpu.memory_space<vmem>>) semaphore(%run_scoped3A_165 : memref<!tpu.dma_semaphore, #tpu.memory_space<semaphore_mem>>) {add = true}
      %dma_wait3A_176 = arith.constant 0 : i32
      %dma_wait3A_177 = arith.constant 0 : i32
      %dma_wait3A_178 = tpu.memref_slice %arg7[%run_scoped3A, %dma_wait3A_176, %dma_wait3A_177] : memref<2x128x128xf32, #tpu.memory_space<vmem>> -> memref<1x128x128xf32, #tpu.memory_space<vmem>>
      %dma_wait3A_179 = tpu.memref_squeeze %dma_wait3A_178 : memref<1x128x128xf32, #tpu.memory_space<vmem>> -> memref<128x128xf32, #tpu.memory_space<vmem>>
      %dma_wait3A_180 = arith.constant 0 : i32
      %dma_wait3A_181 = tpu.memref_slice %arg6[%run_scoped3A_48, %dma_wait3A_180] : memref<5x128xi32, #tpu.memory_space<vmem>> -> memref<1x128xi32, #tpu.memory_space<vmem>>
      %dma_wait3A_182 = tpu.memref_squeeze %dma_wait3A_181 : memref<1x128xi32, #tpu.memory_space<vmem>> -> memref<128xi32, #tpu.memory_space<vmem>>
      %dma_wait3A_183 = arith.constant 0 : i32
      %dma_wait3A_184 = arith.constant 0 : i32
      %dma_wait3A_185 = tpu.memref_slice %arg8[%dma_wait3A_183, %dma_wait3A_184] : memref<10112x128xf32, #tpu.memory_space<vmem_shared>> -> memref<10112x128xf32, #tpu.memory_space<vmem_shared>>
      tpu.wait_indirect_dma semaphore(%run_scoped3A_165 : memref<!tpu.dma_semaphore, #tpu.memory_space<semaphore_mem>>) src(%dma_wait3A_179 : memref<128x128xf32, #tpu.memory_space<vmem>>) dst(%dma_wait3A_185 : memref<10112x128xf32, #tpu.memory_space<vmem_shared>>)
      tpu.yield
    }) : () -> ()
    %dma_wait3A_49 = arith.constant 1 : i32
    %dma_wait3A_50 = arith.constant 0 : i32
    %dma_wait3A_51 = arith.constant 0 : i32
    %dma_wait3A_52 = tpu.memref_slice %arg7[%dma_wait3A_49, %dma_wait3A_50, %dma_wait3A_51] : memref<2x128x128xf32, #tpu.memory_space<vmem>> -> memref<1x128x128xf32, #tpu.memory_space<vmem>>
    %dma_wait3A_53 = tpu.memref_squeeze %dma_wait3A_52 : memref<1x128x128xf32, #tpu.memory_space<vmem>> -> memref<128x128xf32, #tpu.memory_space<vmem>>
    %dma_wait3A_54 = arith.constant 0 : i32
    %dma_wait3A_55 = tpu.memref_slice %arg3[%add3A_34, %dma_wait3A_54] : memref<20480x128xf32, #tpu.memory_space<hbm>> -> memref<128x128xf32, #tpu.memory_space<hbm>>
    %dma_wait3A_56 = arith.constant 0 : i32
    %dma_wait3A_57 = arith.constant 0 : i32
    %dma_wait3A_58 = tpu.memref_slice %arg7[%dma_wait3A_49, %dma_wait3A_56, %dma_wait3A_57] : memref<2x128x128xf32, #tpu.memory_space<vmem>> -> memref<1x128x128xf32, #tpu.memory_space<vmem>>
    %dma_wait3A_59 = tpu.memref_squeeze %dma_wait3A_58 : memref<1x128x128xf32, #tpu.memory_space<vmem>> -> memref<128x128xf32, #tpu.memory_space<vmem>>
    %dma_wait3A_60 = arith.constant 0 : i32
    %dma_wait3A_61 = tpu.memref_slice %arg3[%add3A_34, %dma_wait3A_60] : memref<20480x128xf32, #tpu.memory_space<hbm>> -> memref<128x128xf32, #tpu.memory_space<hbm>>
    tpu.wait_dma2 semaphore(%arg9 : memref<!tpu.dma_semaphore, #tpu.memory_space<semaphore_mem>>) src(%dma_wait3A_61 : memref<128x128xf32, #tpu.memory_space<hbm>>) dst(%dma_wait3A_59 : memref<128x128xf32, #tpu.memory_space<vmem>>)
    %mul3A_62 = arith.constant 640 : i32
    %mul3A_63 = arith.muli %add3A, %mul3A_62 : i32
    %add3A_64 = arith.constant 256 : i32
    %add3A_65 = arith.addi %mul3A_63, %add3A_64 : i32
    %dma_start3A_66 = arith.constant 0 : i32
    %dma_start3A_67 = arith.constant 0 : i32
    %dma_start3A_68 = arith.constant 0 : i32
    %dma_start3A_69 = tpu.memref_slice %arg7[%dma_start3A_66, %dma_start3A_67, %dma_start3A_68] : memref<2x128x128xf32, #tpu.memory_space<vmem>> -> memref<1x128x128xf32, #tpu.memory_space<vmem>>
    %dma_start3A_70 = tpu.memref_squeeze %dma_start3A_69 : memref<1x128x128xf32, #tpu.memory_space<vmem>> -> memref<128x128xf32, #tpu.memory_space<vmem>>
    %dma_start3A_71 = arith.constant 0 : i32
    %dma_start3A_72 = tpu.memref_slice %arg3[%add3A_65, %dma_start3A_71] : memref<20480x128xf32, #tpu.memory_space<hbm>> -> memref<128x128xf32, #tpu.memory_space<hbm>>
    %dma_start3A_73 = arith.constant 0 : i32
    %dma_start3A_74 = arith.constant 0 : i32
    %dma_start3A_75 = tpu.memref_slice %arg7[%dma_start3A_66, %dma_start3A_73, %dma_start3A_74] : memref<2x128x128xf32, #tpu.memory_space<vmem>> -> memref<1x128x128xf32, #tpu.memory_space<vmem>>
    %dma_start3A_76 = tpu.memref_squeeze %dma_start3A_75 : memref<1x128x128xf32, #tpu.memory_space<vmem>> -> memref<128x128xf32, #tpu.memory_space<vmem>>
    %dma_start3A_77 = arith.constant 0 : i32
    %dma_start3A_78 = tpu.memref_slice %arg3[%add3A_65, %dma_start3A_77] : memref<20480x128xf32, #tpu.memory_space<hbm>> -> memref<128x128xf32, #tpu.memory_space<hbm>>
    tpu.enqueue_dma source(%dma_start3A_78 : memref<128x128xf32, #tpu.memory_space<hbm>>) target(%dma_start3A_76 : memref<128x128xf32, #tpu.memory_space<vmem>>) target_semaphore(%arg9 : memref<!tpu.dma_semaphore, #tpu.memory_space<semaphore_mem>>)
    %run_scoped3A_79 = arith.constant 1 : i32
    %run_scoped3A_80 = arith.constant 1 : i32
    "tpu.region"() ({
      %run_scoped3A_165 = tpu.sem_alloc : memref<!tpu.dma_semaphore, #tpu.memory_space<semaphore_mem>>
      %dma_start3A_166 = arith.constant 0 : i32
      %dma_start3A_167 = arith.constant 0 : i32
      %dma_start3A_168 = tpu.memref_slice %arg7[%run_scoped3A_79, %dma_start3A_166, %dma_start3A_167] : memref<2x128x128xf32, #tpu.memory_space<vmem>> -> memref<1x128x128xf32, #tpu.memory_space<vmem>>
      %dma_start3A_169 = tpu.memref_squeeze %dma_start3A_168 : memref<1x128x128xf32, #tpu.memory_space<vmem>> -> memref<128x128xf32, #tpu.memory_space<vmem>>
      %dma_start3A_170 = arith.constant 0 : i32
      %dma_start3A_171 = tpu.memref_slice %arg6[%run_scoped3A_80, %dma_start3A_170] : memref<5x128xi32, #tpu.memory_space<vmem>> -> memref<1x128xi32, #tpu.memory_space<vmem>>
      %dma_start3A_172 = tpu.memref_squeeze %dma_start3A_171 : memref<1x128xi32, #tpu.memory_space<vmem>> -> memref<128xi32, #tpu.memory_space<vmem>>
      %dma_start3A_173 = arith.constant 0 : i32
      %dma_start3A_174 = arith.constant 0 : i32
      %dma_start3A_175 = tpu.memref_slice %arg8[%dma_start3A_173, %dma_start3A_174] : memref<10112x128xf32, #tpu.memory_space<vmem_shared>> -> memref<10112x128xf32, #tpu.memory_space<vmem_shared>>
      tpu.enqueue_indirect_dma source(%dma_start3A_169 : memref<128x128xf32, #tpu.memory_space<vmem>>) target(%dma_start3A_175 : memref<10112x128xf32, #tpu.memory_space<vmem_shared>>) offsets(%dma_start3A_172 : memref<128xi32, #tpu.memory_space<vmem>>) semaphore(%run_scoped3A_165 : memref<!tpu.dma_semaphore, #tpu.memory_space<semaphore_mem>>) {add = true}
      %dma_wait3A_176 = arith.constant 0 : i32
      %dma_wait3A_177 = arith.constant 0 : i32
      %dma_wait3A_178 = tpu.memref_slice %arg7[%run_scoped3A_79, %dma_wait3A_176, %dma_wait3A_177] : memref<2x128x128xf32, #tpu.memory_space<vmem>> -> memref<1x128x128xf32, #tpu.memory_space<vmem>>
      %dma_wait3A_179 = tpu.memref_squeeze %dma_wait3A_178 : memref<1x128x128xf32, #tpu.memory_space<vmem>> -> memref<128x128xf32, #tpu.memory_space<vmem>>
      %dma_wait3A_180 = arith.constant 0 : i32
      %dma_wait3A_181 = tpu.memref_slice %arg6[%run_scoped3A_80, %dma_wait3A_180] : memref<5x128xi32, #tpu.memory_space<vmem>> -> memref<1x128xi32, #tpu.memory_space<vmem>>
      %dma_wait3A_182 = tpu.memref_squeeze %dma_wait3A_181 : memref<1x128xi32, #tpu.memory_space<vmem>> -> memref<128xi32, #tpu.memory_space<vmem>>
      %dma_wait3A_183 = arith.constant 0 : i32
      %dma_wait3A_184 = arith.constant 0 : i32
      %dma_wait3A_185 = tpu.memref_slice %arg8[%dma_wait3A_183, %dma_wait3A_184] : memref<10112x128xf32, #tpu.memory_space<vmem_shared>> -> memref<10112x128xf32, #tpu.memory_space<vmem_shared>>
      tpu.wait_indirect_dma semaphore(%run_scoped3A_165 : memref<!tpu.dma_semaphore, #tpu.memory_space<semaphore_mem>>) src(%dma_wait3A_179 : memref<128x128xf32, #tpu.memory_space<vmem>>) dst(%dma_wait3A_185 : memref<10112x128xf32, #tpu.memory_space<vmem_shared>>)
      tpu.yield
    }) : () -> ()
    %dma_wait3A_81 = arith.constant 0 : i32
    %dma_wait3A_82 = arith.constant 0 : i32
    %dma_wait3A_83 = arith.constant 0 : i32
    %dma_wait3A_84 = tpu.memref_slice %arg7[%dma_wait3A_81, %dma_wait3A_82, %dma_wait3A_83] : memref<2x128x128xf32, #tpu.memory_space<vmem>> -> memref<1x128x128xf32, #tpu.memory_space<vmem>>
    %dma_wait3A_85 = tpu.memref_squeeze %dma_wait3A_84 : memref<1x128x128xf32, #tpu.memory_space<vmem>> -> memref<128x128xf32, #tpu.memory_space<vmem>>
    %dma_wait3A_86 = arith.constant 0 : i32
    %dma_wait3A_87 = tpu.memref_slice %arg3[%add3A_65, %dma_wait3A_86] : memref<20480x128xf32, #tpu.memory_space<hbm>> -> memref<128x128xf32, #tpu.memory_space<hbm>>
    %dma_wait3A_88 = arith.constant 0 : i32
    %dma_wait3A_89 = arith.constant 0 : i32
    %dma_wait3A_90 = tpu.memref_slice %arg7[%dma_wait3A_81, %dma_wait3A_88, %dma_wait3A_89] : memref<2x128x128xf32, #tpu.memory_space<vmem>> -> memref<1x128x128xf32, #tpu.memory_space<vmem>>
    %dma_wait3A_91 = tpu.memref_squeeze %dma_wait3A_90 : memref<1x128x128xf32, #tpu.memory_space<vmem>> -> memref<128x128xf32, #tpu.memory_space<vmem>>
    %dma_wait3A_92 = arith.constant 0 : i32
    %dma_wait3A_93 = tpu.memref_slice %arg3[%add3A_65, %dma_wait3A_92] : memref<20480x128xf32, #tpu.memory_space<hbm>> -> memref<128x128xf32, #tpu.memory_space<hbm>>
    tpu.wait_dma2 semaphore(%arg9 : memref<!tpu.dma_semaphore, #tpu.memory_space<semaphore_mem>>) src(%dma_wait3A_93 : memref<128x128xf32, #tpu.memory_space<hbm>>) dst(%dma_wait3A_91 : memref<128x128xf32, #tpu.memory_space<vmem>>)
    %mul3A_94 = arith.constant 640 : i32
    %mul3A_95 = arith.muli %add3A, %mul3A_94 : i32
    %add3A_96 = arith.constant 384 : i32
    %add3A_97 = arith.addi %mul3A_95, %add3A_96 : i32
    %dma_start3A_98 = arith.constant 1 : i32
    %dma_start3A_99 = arith.constant 0 : i32
    %dma_start3A_100 = arith.constant 0 : i32
    %dma_start3A_101 = tpu.memref_slice %arg7[%dma_start3A_98, %dma_start3A_99, %dma_start3A_100] : memref<2x128x128xf32, #tpu.memory_space<vmem>> -> memref<1x128x128xf32, #tpu.memory_space<vmem>>
    %dma_start3A_102 = tpu.memref_squeeze %dma_start3A_101 : memref<1x128x128xf32, #tpu.memory_space<vmem>> -> memref<128x128xf32, #tpu.memory_space<vmem>>
    %dma_start3A_103 = arith.constant 0 : i32
    %dma_start3A_104 = tpu.memref_slice %arg3[%add3A_97, %dma_start3A_103] : memref<20480x128xf32, #tpu.memory_space<hbm>> -> memref<128x128xf32, #tpu.memory_space<hbm>>
    %dma_start3A_105 = arith.constant 0 : i32
    %dma_start3A_106 = arith.constant 0 : i32
    %dma_start3A_107 = tpu.memref_slice %arg7[%dma_start3A_98, %dma_start3A_105, %dma_start3A_106] : memref<2x128x128xf32, #tpu.memory_space<vmem>> -> memref<1x128x128xf32, #tpu.memory_space<vmem>>
    %dma_start3A_108 = tpu.memref_squeeze %dma_start3A_107 : memref<1x128x128xf32, #tpu.memory_space<vmem>> -> memref<128x128xf32, #tpu.memory_space<vmem>>
    %dma_start3A_109 = arith.constant 0 : i32
    %dma_start3A_110 = tpu.memref_slice %arg3[%add3A_97, %dma_start3A_109] : memref<20480x128xf32, #tpu.memory_space<hbm>> -> memref<128x128xf32, #tpu.memory_space<hbm>>
    tpu.enqueue_dma source(%dma_start3A_110 : memref<128x128xf32, #tpu.memory_space<hbm>>) target(%dma_start3A_108 : memref<128x128xf32, #tpu.memory_space<vmem>>) target_semaphore(%arg9 : memref<!tpu.dma_semaphore, #tpu.memory_space<semaphore_mem>>)
    %run_scoped3A_111 = arith.constant 0 : i32
    %run_scoped3A_112 = arith.constant 2 : i32
    "tpu.region"() ({
      %run_scoped3A_165 = tpu.sem_alloc : memref<!tpu.dma_semaphore, #tpu.memory_space<semaphore_mem>>
      %dma_start3A_166 = arith.constant 0 : i32
      %dma_start3A_167 = arith.constant 0 : i32
      %dma_start3A_168 = tpu.memref_slice %arg7[%run_scoped3A_111, %dma_start3A_166, %dma_start3A_167] : memref<2x128x128xf32, #tpu.memory_space<vmem>> -> memref<1x128x128xf32, #tpu.memory_space<vmem>>
      %dma_start3A_169 = tpu.memref_squeeze %dma_start3A_168 : memref<1x128x128xf32, #tpu.memory_space<vmem>> -> memref<128x128xf32, #tpu.memory_space<vmem>>
      %dma_start3A_170 = arith.constant 0 : i32
      %dma_start3A_171 = tpu.memref_slice %arg6[%run_scoped3A_112, %dma_start3A_170] : memref<5x128xi32, #tpu.memory_space<vmem>> -> memref<1x128xi32, #tpu.memory_space<vmem>>
      %dma_start3A_172 = tpu.memref_squeeze %dma_start3A_171 : memref<1x128xi32, #tpu.memory_space<vmem>> -> memref<128xi32, #tpu.memory_space<vmem>>
      %dma_start3A_173 = arith.constant 0 : i32
      %dma_start3A_174 = arith.constant 0 : i32
      %dma_start3A_175 = tpu.memref_slice %arg8[%dma_start3A_173, %dma_start3A_174] : memref<10112x128xf32, #tpu.memory_space<vmem_shared>> -> memref<10112x128xf32, #tpu.memory_space<vmem_shared>>
      tpu.enqueue_indirect_dma source(%dma_start3A_169 : memref<128x128xf32, #tpu.memory_space<vmem>>) target(%dma_start3A_175 : memref<10112x128xf32, #tpu.memory_space<vmem_shared>>) offsets(%dma_start3A_172 : memref<128xi32, #tpu.memory_space<vmem>>) semaphore(%run_scoped3A_165 : memref<!tpu.dma_semaphore, #tpu.memory_space<semaphore_mem>>) {add = true}
      %dma_wait3A_176 = arith.constant 0 : i32
      %dma_wait3A_177 = arith.constant 0 : i32
      %dma_wait3A_178 = tpu.memref_slice %arg7[%run_scoped3A_111, %dma_wait3A_176, %dma_wait3A_177] : memref<2x128x128xf32, #tpu.memory_space<vmem>> -> memref<1x128x128xf32, #tpu.memory_space<vmem>>
      %dma_wait3A_179 = tpu.memref_squeeze %dma_wait3A_178 : memref<1x128x128xf32, #tpu.memory_space<vmem>> -> memref<128x128xf32, #tpu.memory_space<vmem>>
      %dma_wait3A_180 = arith.constant 0 : i32
      %dma_wait3A_181 = tpu.memref_slice %arg6[%run_scoped3A_112, %dma_wait3A_180] : memref<5x128xi32, #tpu.memory_space<vmem>> -> memref<1x128xi32, #tpu.memory_space<vmem>>
      %dma_wait3A_182 = tpu.memref_squeeze %dma_wait3A_181 : memref<1x128xi32, #tpu.memory_space<vmem>> -> memref<128xi32, #tpu.memory_space<vmem>>
      %dma_wait3A_183 = arith.constant 0 : i32
      %dma_wait3A_184 = arith.constant 0 : i32
      %dma_wait3A_185 = tpu.memref_slice %arg8[%dma_wait3A_183, %dma_wait3A_184] : memref<10112x128xf32, #tpu.memory_space<vmem_shared>> -> memref<10112x128xf32, #tpu.memory_space<vmem_shared>>
      tpu.wait_indirect_dma semaphore(%run_scoped3A_165 : memref<!tpu.dma_semaphore, #tpu.memory_space<semaphore_mem>>) src(%dma_wait3A_179 : memref<128x128xf32, #tpu.memory_space<vmem>>) dst(%dma_wait3A_185 : memref<10112x128xf32, #tpu.memory_space<vmem_shared>>)
      tpu.yield
    }) : () -> ()
    %dma_wait3A_113 = arith.constant 1 : i32
    %dma_wait3A_114 = arith.constant 0 : i32
    %dma_wait3A_115 = arith.constant 0 : i32
    %dma_wait3A_116 = tpu.memref_slice %arg7[%dma_wait3A_113, %dma_wait3A_114, %dma_wait3A_115] : memref<2x128x128xf32, #tpu.memory_space<vmem>> -> memref<1x128x128xf32, #tpu.memory_space<vmem>>
    %dma_wait3A_117 = tpu.memref_squeeze %dma_wait3A_116 : memref<1x128x128xf32, #tpu.memory_space<vmem>> -> memref<128x128xf32, #tpu.memory_space<vmem>>
    %dma_wait3A_118 = arith.constant 0 : i32
    %dma_wait3A_119 = tpu.memref_slice %arg3[%add3A_97, %dma_wait3A_118] : memref<20480x128xf32, #tpu.memory_space<hbm>> -> memref<128x128xf32, #tpu.memory_space<hbm>>
    %dma_wait3A_120 = arith.constant 0 : i32
    %dma_wait3A_121 = arith.constant 0 : i32
    %dma_wait3A_122 = tpu.memref_slice %arg7[%dma_wait3A_113, %dma_wait3A_120, %dma_wait3A_121] : memref<2x128x128xf32, #tpu.memory_space<vmem>> -> memref<1x128x128xf32, #tpu.memory_space<vmem>>
    %dma_wait3A_123 = tpu.memref_squeeze %dma_wait3A_122 : memref<1x128x128xf32, #tpu.memory_space<vmem>> -> memref<128x128xf32, #tpu.memory_space<vmem>>
    %dma_wait3A_124 = arith.constant 0 : i32
    %dma_wait3A_125 = tpu.memref_slice %arg3[%add3A_97, %dma_wait3A_124] : memref<20480x128xf32, #tpu.memory_space<hbm>> -> memref<128x128xf32, #tpu.memory_space<hbm>>
    tpu.wait_dma2 semaphore(%arg9 : memref<!tpu.dma_semaphore, #tpu.memory_space<semaphore_mem>>) src(%dma_wait3A_125 : memref<128x128xf32, #tpu.memory_space<hbm>>) dst(%dma_wait3A_123 : memref<128x128xf32, #tpu.memory_space<vmem>>)
    %mul3A_126 = arith.constant 640 : i32
    %mul3A_127 = arith.muli %add3A, %mul3A_126 : i32
    %add3A_128 = arith.constant 512 : i32
    %add3A_129 = arith.addi %mul3A_127, %add3A_128 : i32
    %dma_start3A_130 = arith.constant 0 : i32
    %dma_start3A_131 = arith.constant 0 : i32
    %dma_start3A_132 = arith.constant 0 : i32
    %dma_start3A_133 = tpu.memref_slice %arg7[%dma_start3A_130, %dma_start3A_131, %dma_start3A_132] : memref<2x128x128xf32, #tpu.memory_space<vmem>> -> memref<1x128x128xf32, #tpu.memory_space<vmem>>
    %dma_start3A_134 = tpu.memref_squeeze %dma_start3A_133 : memref<1x128x128xf32, #tpu.memory_space<vmem>> -> memref<128x128xf32, #tpu.memory_space<vmem>>
    %dma_start3A_135 = arith.constant 0 : i32
    %dma_start3A_136 = tpu.memref_slice %arg3[%add3A_129, %dma_start3A_135] : memref<20480x128xf32, #tpu.memory_space<hbm>> -> memref<128x128xf32, #tpu.memory_space<hbm>>
    %dma_start3A_137 = arith.constant 0 : i32
    %dma_start3A_138 = arith.constant 0 : i32
    %dma_start3A_139 = tpu.memref_slice %arg7[%dma_start3A_130, %dma_start3A_137, %dma_start3A_138] : memref<2x128x128xf32, #tpu.memory_space<vmem>> -> memref<1x128x128xf32, #tpu.memory_space<vmem>>
    %dma_start3A_140 = tpu.memref_squeeze %dma_start3A_139 : memref<1x128x128xf32, #tpu.memory_space<vmem>> -> memref<128x128xf32, #tpu.memory_space<vmem>>
    %dma_start3A_141 = arith.constant 0 : i32
    %dma_start3A_142 = tpu.memref_slice %arg3[%add3A_129, %dma_start3A_141] : memref<20480x128xf32, #tpu.memory_space<hbm>> -> memref<128x128xf32, #tpu.memory_space<hbm>>
    tpu.enqueue_dma source(%dma_start3A_142 : memref<128x128xf32, #tpu.memory_space<hbm>>) target(%dma_start3A_140 : memref<128x128xf32, #tpu.memory_space<vmem>>) target_semaphore(%arg9 : memref<!tpu.dma_semaphore, #tpu.memory_space<semaphore_mem>>)
    %run_scoped3A_143 = arith.constant 1 : i32
    %run_scoped3A_144 = arith.constant 3 : i32
    "tpu.region"() ({
      %run_scoped3A_165 = tpu.sem_alloc : memref<!tpu.dma_semaphore, #tpu.memory_space<semaphore_mem>>
      %dma_start3A_166 = arith.constant 0 : i32
      %dma_start3A_167 = arith.constant 0 : i32
      %dma_start3A_168 = tpu.memref_slice %arg7[%run_scoped3A_143, %dma_start3A_166, %dma_start3A_167] : memref<2x128x128xf32, #tpu.memory_space<vmem>> -> memref<1x128x128xf32, #tpu.memory_space<vmem>>
      %dma_start3A_169 = tpu.memref_squeeze %dma_start3A_168 : memref<1x128x128xf32, #tpu.memory_space<vmem>> -> memref<128x128xf32, #tpu.memory_space<vmem>>
      %dma_start3A_170 = arith.constant 0 : i32
      %dma_start3A_171 = tpu.memref_slice %arg6[%run_scoped3A_144, %dma_start3A_170] : memref<5x128xi32, #tpu.memory_space<vmem>> -> memref<1x128xi32, #tpu.memory_space<vmem>>
      %dma_start3A_172 = tpu.memref_squeeze %dma_start3A_171 : memref<1x128xi32, #tpu.memory_space<vmem>> -> memref<128xi32, #tpu.memory_space<vmem>>
      %dma_start3A_173 = arith.constant 0 : i32
      %dma_start3A_174 = arith.constant 0 : i32
      %dma_start3A_175 = tpu.memref_slice %arg8[%dma_start3A_173, %dma_start3A_174] : memref<10112x128xf32, #tpu.memory_space<vmem_shared>> -> memref<10112x128xf32, #tpu.memory_space<vmem_shared>>
      tpu.enqueue_indirect_dma source(%dma_start3A_169 : memref<128x128xf32, #tpu.memory_space<vmem>>) target(%dma_start3A_175 : memref<10112x128xf32, #tpu.memory_space<vmem_shared>>) offsets(%dma_start3A_172 : memref<128xi32, #tpu.memory_space<vmem>>) semaphore(%run_scoped3A_165 : memref<!tpu.dma_semaphore, #tpu.memory_space<semaphore_mem>>) {add = true}
      %dma_wait3A_176 = arith.constant 0 : i32
      %dma_wait3A_177 = arith.constant 0 : i32
      %dma_wait3A_178 = tpu.memref_slice %arg7[%run_scoped3A_143, %dma_wait3A_176, %dma_wait3A_177] : memref<2x128x128xf32, #tpu.memory_space<vmem>> -> memref<1x128x128xf32, #tpu.memory_space<vmem>>
      %dma_wait3A_179 = tpu.memref_squeeze %dma_wait3A_178 : memref<1x128x128xf32, #tpu.memory_space<vmem>> -> memref<128x128xf32, #tpu.memory_space<vmem>>
      %dma_wait3A_180 = arith.constant 0 : i32
      %dma_wait3A_181 = tpu.memref_slice %arg6[%run_scoped3A_144, %dma_wait3A_180] : memref<5x128xi32, #tpu.memory_space<vmem>> -> memref<1x128xi32, #tpu.memory_space<vmem>>
      %dma_wait3A_182 = tpu.memref_squeeze %dma_wait3A_181 : memref<1x128xi32, #tpu.memory_space<vmem>> -> memref<128xi32, #tpu.memory_space<vmem>>
      %dma_wait3A_183 = arith.constant 0 : i32
      %dma_wait3A_184 = arith.constant 0 : i32
      %dma_wait3A_185 = tpu.memref_slice %arg8[%dma_wait3A_183, %dma_wait3A_184] : memref<10112x128xf32, #tpu.memory_space<vmem_shared>> -> memref<10112x128xf32, #tpu.memory_space<vmem_shared>>
      tpu.wait_indirect_dma semaphore(%run_scoped3A_165 : memref<!tpu.dma_semaphore, #tpu.memory_space<semaphore_mem>>) src(%dma_wait3A_179 : memref<128x128xf32, #tpu.memory_space<vmem>>) dst(%dma_wait3A_185 : memref<10112x128xf32, #tpu.memory_space<vmem_shared>>)
      tpu.yield
    }) : () -> ()
    %dma_wait3A_145 = arith.constant 0 : i32
    %dma_wait3A_146 = arith.constant 0 : i32
    %dma_wait3A_147 = arith.constant 0 : i32
    %dma_wait3A_148 = tpu.memref_slice %arg7[%dma_wait3A_145, %dma_wait3A_146, %dma_wait3A_147] : memref<2x128x128xf32, #tpu.memory_space<vmem>> -> memref<1x128x128xf32, #tpu.memory_space<vmem>>
    %dma_wait3A_149 = tpu.memref_squeeze %dma_wait3A_148 : memref<1x128x128xf32, #tpu.memory_space<vmem>> -> memref<128x128xf32, #tpu.memory_space<vmem>>
    %dma_wait3A_150 = arith.constant 0 : i32
    %dma_wait3A_151 = tpu.memref_slice %arg3[%add3A_129, %dma_wait3A_150] : memref<20480x128xf32, #tpu.memory_space<hbm>> -> memref<128x128xf32, #tpu.memory_space<hbm>>
    %dma_wait3A_152 = arith.constant 0 : i32
    %dma_wait3A_153 = arith.constant 0 : i32
    %dma_wait3A_154 = tpu.memref_slice %arg7[%dma_wait3A_145, %dma_wait3A_152, %dma_wait3A_153] : memref<2x128x128xf32, #tpu.memory_space<vmem>> -> memref<1x128x128xf32, #tpu.memory_space<vmem>>
    %dma_wait3A_155 = tpu.memref_squeeze %dma_wait3A_154 : memref<1x128x128xf32, #tpu.memory_space<vmem>> -> memref<128x128xf32, #tpu.memory_space<vmem>>
    %dma_wait3A_156 = arith.constant 0 : i32
    %dma_wait3A_157 = tpu.memref_slice %arg3[%add3A_129, %dma_wait3A_156] : memref<20480x128xf32, #tpu.memory_space<hbm>> -> memref<128x128xf32, #tpu.memory_space<hbm>>
    tpu.wait_dma2 semaphore(%arg9 : memref<!tpu.dma_semaphore, #tpu.memory_space<semaphore_mem>>) src(%dma_wait3A_157 : memref<128x128xf32, #tpu.memory_space<hbm>>) dst(%dma_wait3A_155 : memref<128x128xf32, #tpu.memory_space<vmem>>)
    %run_scoped3A_158 = arith.constant 0 : i32
    %run_scoped3A_159 = arith.constant 4 : i32
    "tpu.region"() ({
      %run_scoped3A_165 = tpu.sem_alloc : memref<!tpu.dma_semaphore, #tpu.memory_space<semaphore_mem>>
      %dma_start3A_166 = arith.constant 0 : i32
      %dma_start3A_167 = arith.constant 0 : i32
      %dma_start3A_168 = tpu.memref_slice %arg7[%run_scoped3A_158, %dma_start3A_166, %dma_start3A_167] : memref<2x128x128xf32, #tpu.memory_space<vmem>> -> memref<1x128x128xf32, #tpu.memory_space<vmem>>
      %dma_start3A_169 = tpu.memref_squeeze %dma_start3A_168 : memref<1x128x128xf32, #tpu.memory_space<vmem>> -> memref<128x128xf32, #tpu.memory_space<vmem>>
      %dma_start3A_170 = arith.constant 0 : i32
      %dma_start3A_171 = tpu.memref_slice %arg6[%run_scoped3A_159, %dma_start3A_170] : memref<5x128xi32, #tpu.memory_space<vmem>> -> memref<1x128xi32, #tpu.memory_space<vmem>>
      %dma_start3A_172 = tpu.memref_squeeze %dma_start3A_171 : memref<1x128xi32, #tpu.memory_space<vmem>> -> memref<128xi32, #tpu.memory_space<vmem>>
      %dma_start3A_173 = arith.constant 0 : i32
      %dma_start3A_174 = arith.constant 0 : i32
      %dma_start3A_175 = tpu.memref_slice %arg8[%dma_start3A_173, %dma_start3A_174] : memref<10112x128xf32, #tpu.memory_space<vmem_shared>> -> memref<10112x128xf32, #tpu.memory_space<vmem_shared>>
      tpu.enqueue_indirect_dma source(%dma_start3A_169 : memref<128x128xf32, #tpu.memory_space<vmem>>) target(%dma_start3A_175 : memref<10112x128xf32, #tpu.memory_space<vmem_shared>>) offsets(%dma_start3A_172 : memref<128xi32, #tpu.memory_space<vmem>>) semaphore(%run_scoped3A_165 : memref<!tpu.dma_semaphore, #tpu.memory_space<semaphore_mem>>) {add = true}
      %dma_wait3A_176 = arith.constant 0 : i32
      %dma_wait3A_177 = arith.constant 0 : i32
      %dma_wait3A_178 = tpu.memref_slice %arg7[%run_scoped3A_158, %dma_wait3A_176, %dma_wait3A_177] : memref<2x128x128xf32, #tpu.memory_space<vmem>> -> memref<1x128x128xf32, #tpu.memory_space<vmem>>
      %dma_wait3A_179 = tpu.memref_squeeze %dma_wait3A_178 : memref<1x128x128xf32, #tpu.memory_space<vmem>> -> memref<128x128xf32, #tpu.memory_space<vmem>>
      %dma_wait3A_180 = arith.constant 0 : i32
      %dma_wait3A_181 = tpu.memref_slice %arg6[%run_scoped3A_159, %dma_wait3A_180] : memref<5x128xi32, #tpu.memory_space<vmem>> -> memref<1x128xi32, #tpu.memory_space<vmem>>
      %dma_wait3A_182 = tpu.memref_squeeze %dma_wait3A_181 : memref<1x128xi32, #tpu.memory_space<vmem>> -> memref<128xi32, #tpu.memory_space<vmem>>
      %dma_wait3A_183 = arith.constant 0 : i32
      %dma_wait3A_184 = arith.constant 0 : i32
      %dma_wait3A_185 = tpu.memref_slice %arg8[%dma_wait3A_183, %dma_wait3A_184] : memref<10112x128xf32, #tpu.memory_space<vmem_shared>> -> memref<10112x128xf32, #tpu.memory_space<vmem_shared>>
      tpu.wait_indirect_dma semaphore(%run_scoped3A_165 : memref<!tpu.dma_semaphore, #tpu.memory_space<semaphore_mem>>) src(%dma_wait3A_179 : memref<128x128xf32, #tpu.memory_space<vmem>>) dst(%dma_wait3A_185 : memref<10112x128xf32, #tpu.memory_space<vmem_shared>>)
      tpu.yield
    }) : () -> ()
    %barrier3A_160 = arith.constant 0 : index
    tpu.barrier barrier_id(%barrier3A_160)
    %mul3A_161 = arith.constant 632 : i32
    %mul3A_162 = arith.muli %arg1, %mul3A_161 : i32
    %mul3A_163 = arith.constant 632 : i32
    %mul3A_164 = arith.muli %arg1, %mul3A_163 : i32
    "tpu.region"() ({
      %run_scoped3A_165 = tpu.sem_alloc : memref<!tpu.dma_semaphore, #tpu.memory_space<semaphore_mem>>
      %dma_start3A_166 = arith.constant 0 : i32
      %dma_start3A_167 = arith.constant 0 : i32
      %dma_start3A_168 = tpu.memref_slice %arg5[%arg0, %dma_start3A_166, %dma_start3A_167] : memref<2x10112x128xf32, #tpu.memory_space<hbm>> -> memref<1x10112x128xf32, #tpu.memory_space<hbm>>
      %dma_start3A_169 = tpu.memref_squeeze %dma_start3A_168 : memref<1x10112x128xf32, #tpu.memory_space<hbm>> -> memref<10112x128xf32, #tpu.memory_space<hbm>>
      %dma_start3A_170 = arith.constant 0 : i32
      %dma_start3A_171 = tpu.memref_slice %dma_start3A_169[%mul3A_164, %dma_start3A_170] : memref<10112x128xf32, #tpu.memory_space<hbm>> -> memref<632x128xf32, #tpu.memory_space<hbm>>
      %dma_start3A_172 = arith.constant 0 : i32
      %dma_start3A_173 = tpu.memref_slice %arg8[%mul3A_162, %dma_start3A_172] : memref<10112x128xf32, #tpu.memory_space<vmem_shared>> -> memref<632x128xf32, #tpu.memory_space<vmem_shared>>
      tpu.enqueue_dma source(%dma_start3A_173 : memref<632x128xf32, #tpu.memory_space<vmem_shared>>) target(%dma_start3A_171 : memref<632x128xf32, #tpu.memory_space<hbm>>) target_semaphore(%run_scoped3A_165 : memref<!tpu.dma_semaphore, #tpu.memory_space<semaphore_mem>>)
      %dma_wait3A_174 = arith.constant 0 : i32
      %dma_wait3A_175 = arith.constant 0 : i32
      %dma_wait3A_176 = tpu.memref_slice %arg5[%arg0, %dma_wait3A_174, %dma_wait3A_175] : memref<2x10112x128xf32, #tpu.memory_space<hbm>> -> memref<1x10112x128xf32, #tpu.memory_space<hbm>>
      %dma_wait3A_177 = tpu.memref_squeeze %dma_wait3A_176 : memref<1x10112x128xf32, #tpu.memory_space<hbm>> -> memref<10112x128xf32, #tpu.memory_space<hbm>>
      %dma_wait3A_178 = arith.constant 0 : i32
      %dma_wait3A_179 = tpu.memref_slice %dma_wait3A_177[%mul3A_164, %dma_wait3A_178] : memref<10112x128xf32, #tpu.memory_space<hbm>> -> memref<632x128xf32, #tpu.memory_space<hbm>>
      %dma_wait3A_180 = arith.constant 0 : i32
      %dma_wait3A_181 = tpu.memref_slice %arg8[%mul3A_162, %dma_wait3A_180] : memref<10112x128xf32, #tpu.memory_space<vmem_shared>> -> memref<632x128xf32, #tpu.memory_space<vmem_shared>>
      tpu.wait_dma2 semaphore(%run_scoped3A_165 : memref<!tpu.dma_semaphore, #tpu.memory_space<semaphore_mem>>) src(%dma_wait3A_181 : memref<632x128xf32, #tpu.memory_space<vmem_shared>>) dst(%dma_wait3A_179 : memref<632x128xf32, #tpu.memory_space<hbm>>)
      tpu.yield
    }) : () -> ()
    return
  }
}

module attributes {stable_mosaic.version = 14 : i64} {
  func.func @_msg_body(%arg0: i32, %arg1: memref<2560x128xf32, #tpu.memory_space<vmem>>, %arg2: memref<2560x3xf32, #tpu.memory_space<vmem>>, %arg3: memref<3x33xf32, #tpu.memory_space<vmem>>, %arg4: memref<1x33xf32, #tpu.memory_space<vmem>>, %arg5: memref<128x1056xf32, #tpu.memory_space<vmem>>, %arg6: memref<33x1056xf32, #tpu.memory_space<vmem>>, %arg7: memref<1056x128xf32, #tpu.memory_space<vmem>>, %arg8: memref<2560x128xf32, #tpu.memory_space<vmem>>) attributes {dimension_semantics = [#tpu.dimension_semantics<arbitrary>], iteration_bounds = array<i64: 8>, scalar_prefetch = 0 : i64, scratch_operands = 0 : i64, tpu.core_type = #tpu.core_type<tc>, window_params = [{transform_indices = @transform_0, window_bounds = array<i64: 2560, 128>}, {transform_indices = @transform_1, window_bounds = array<i64: 2560, 3>}, {pipeline_mode = #tpu.pipeline_mode<synchronous>, transform_indices = @transform_2, window_bounds = array<i64: 3, 33>}, {pipeline_mode = #tpu.pipeline_mode<synchronous>, transform_indices = @transform_3, window_bounds = array<i64: 1, 33>}, {pipeline_mode = #tpu.pipeline_mode<synchronous>, transform_indices = @transform_4, window_bounds = array<i64: 128, 1056>}, {pipeline_mode = #tpu.pipeline_mode<synchronous>, transform_indices = @transform_5, window_bounds = array<i64: 33, 1056>}, {pipeline_mode = #tpu.pipeline_mode<synchronous>, transform_indices = @transform_6, window_bounds = array<i64: 1056, 128>}, {transform_indices = @transform_7, window_bounds = array<i64: 2560, 128>}]} {
    %get3A = arith.constant 0 : index
    %get3A_0 = arith.constant 0 : index
    %get3A_1 = vector.load %arg1[%get3A, %get3A_0] : memref<2560x128xf32, #tpu.memory_space<vmem>>, vector<2560x128xf32>
    %get3A_2 = arith.constant 0 : index
    %get3A_3 = arith.constant 0 : index
    %get3A_4 = vector.load %arg2[%get3A_2, %get3A_3] : memref<2560x3xf32, #tpu.memory_space<vmem>>, vector<2560x3xf32>
    %get3A_5 = arith.constant 0 : index
    %get3A_6 = arith.constant 0 : index
    %get3A_7 = vector.load %arg3[%get3A_5, %get3A_6] : memref<3x33xf32, #tpu.memory_space<vmem>>, vector<3x33xf32>
    %dot_general3A = arith.constant dense<0.000000e+00> : vector<2560x33xf32>
    %dot_general3A_8 = tpu.matmul %get3A_4, %get3A_7, %dot_general3A {dimension_numbers = #tpu.dot_dimension_numbers<[1], [0], [0], [1], [0, 0, 1, 1], [], []>, transpose_lhs_hint = false} : vector<2560x3xf32>, vector<3x33xf32>, vector<2560x33xf32> -> vector<2560x33xf32>
    %get3A_9 = arith.constant 0 : index
    %get3A_10 = arith.constant 0 : index
    %get3A_11 = vector.load %arg4[%get3A_9, %get3A_10] : memref<1x33xf32, #tpu.memory_space<vmem>>, vector<1x33xf32>
    %add3A = vector.broadcast %get3A_11 : vector<1x33xf32> to vector<2560x33xf32>
    %add3A_12 = arith.addf %dot_general3A_8, %add3A : vector<2560x33xf32>
    %max3A = arith.constant 0.000000e+00 : f32
    %max3A_13 = vector.broadcast %max3A : f32 to vector<2560x33xf32>
    %max3A_14 = arith.maximumf %add3A_12, %max3A_13 : vector<2560x33xf32>
    %get3A_15 = arith.constant 0 : index
    %get3A_16 = arith.constant 0 : index
    %get3A_17 = vector.load %arg5[%get3A_15, %get3A_16] : memref<128x1056xf32, #tpu.memory_space<vmem>>, vector<128x1056xf32>
    %dot_general3A_18 = arith.constant dense<0.000000e+00> : vector<2560x1056xf32>
    %dot_general3A_19 = tpu.matmul %get3A_1, %get3A_17, %dot_general3A_18 {dimension_numbers = #tpu.dot_dimension_numbers<[1], [0], [0], [1], [0, 0, 1, 1], [], []>, transpose_lhs_hint = false} : vector<2560x128xf32>, vector<128x1056xf32>, vector<2560x1056xf32> -> vector<2560x1056xf32>
    %get3A_20 = arith.constant 0 : index
    %get3A_21 = arith.constant 0 : index
    %get3A_22 = vector.load %arg6[%get3A_20, %get3A_21] : memref<33x1056xf32, #tpu.memory_space<vmem>>, vector<33x1056xf32>
    %dot_general3A_23 = arith.constant dense<0.000000e+00> : vector<2560x1056xf32>
    %dot_general3A_24 = tpu.matmul %max3A_14, %get3A_22, %dot_general3A_23 {dimension_numbers = #tpu.dot_dimension_numbers<[1], [0], [0], [1], [0, 0, 1, 1], [], []>, transpose_lhs_hint = false} : vector<2560x33xf32>, vector<33x1056xf32>, vector<2560x1056xf32> -> vector<2560x1056xf32>
    %mul3A = arith.mulf %dot_general3A_19, %dot_general3A_24 : vector<2560x1056xf32>
    %get3A_25 = arith.constant 0 : index
    %get3A_26 = arith.constant 0 : index
    %get3A_27 = vector.load %arg7[%get3A_25, %get3A_26] : memref<1056x128xf32, #tpu.memory_space<vmem>>, vector<1056x128xf32>
    %dot_general3A_28 = arith.constant dense<0.000000e+00> : vector<2560x128xf32>
    %dot_general3A_29 = tpu.matmul %mul3A, %get3A_27, %dot_general3A_28 {dimension_numbers = #tpu.dot_dimension_numbers<[1], [0], [0], [1], [0, 0, 1, 1], [], []>, transpose_lhs_hint = false} : vector<2560x1056xf32>, vector<1056x128xf32>, vector<2560x128xf32> -> vector<2560x128xf32>
    %iota3A = tpu.iota {dimensions = array<i32: 1>} : vector<2560x128xi32>
    %eq3A = arith.constant 32 : i32
    %eq3A_30 = vector.broadcast %eq3A : i32 to vector<2560x128xi32>
    %eq3A_31 = arith.cmpi eq, %iota3A, %eq3A_30 : vector<2560x128xi32>
    %convert_element_type3A = arith.extui %eq3A_31 : vector<2560x128xi1> to vector<2560x128xi32>
    %convert_element_type3A_32 = arith.sitofp %convert_element_type3A : vector<2560x128xi32> to vector<2560x128xf32>
    %add3A_33 = arith.addf %dot_general3A_29, %convert_element_type3A_32 : vector<2560x128xf32>
    %swap3A = arith.constant 0 : index
    %swap3A_34 = arith.constant 0 : index
    %swap3A_35 = vector.load %arg8[%swap3A, %swap3A_34] : memref<2560x128xf32, #tpu.memory_space<vmem>>, vector<2560x128xf32>
    tpu.vector_store %arg8[%swap3A, %swap3A_34], %add3A_33 {strides = array<i32>} : memref<2560x128xf32, #tpu.memory_space<vmem>>, vector<2560x128xf32>,
    return
  }
  func.func @transform_0(%arg0: i32) -> (i32, i32) {
    %c0_i32 = arith.constant 0 : i32
    %c0_i32_0 = arith.constant 0 : i32
    return %arg0, %c0_i32 : i32, i32
  }
  func.func @transform_1(%arg0: i32) -> (i32, i32) {
    %c0_i32 = arith.constant 0 : i32
    %c0_i32_0 = arith.constant 0 : i32
    return %arg0, %c0_i32 : i32, i32
  }
  func.func @transform_2(%arg0: i32) -> (i32, i32) {
    %c0_i32 = arith.constant 0 : i32
    %c0_i32_0 = arith.constant 0 : i32
    %c0_i32_1 = arith.constant 0 : i32
    return %c0_i32, %c0_i32_0 : i32, i32
  }
  func.func @transform_3(%arg0: i32) -> (i32, i32) {
    %c0_i32 = arith.constant 0 : i32
    %c0_i32_0 = arith.constant 0 : i32
    %c0_i32_1 = arith.constant 0 : i32
    return %c0_i32, %c0_i32_0 : i32, i32
  }
  func.func @transform_4(%arg0: i32) -> (i32, i32) {
    %c0_i32 = arith.constant 0 : i32
    %c0_i32_0 = arith.constant 0 : i32
    %c0_i32_1 = arith.constant 0 : i32
    return %c0_i32, %c0_i32_0 : i32, i32
  }
  func.func @transform_5(%arg0: i32) -> (i32, i32) {
    %c0_i32 = arith.constant 0 : i32
    %c0_i32_0 = arith.constant 0 : i32
    %c0_i32_1 = arith.constant 0 : i32
    return %c0_i32, %c0_i32_0 : i32, i32
  }
  func.func @transform_6(%arg0: i32) -> (i32, i32) {
    %c0_i32 = arith.constant 0 : i32
    %c0_i32_0 = arith.constant 0 : i32
    %c0_i32_1 = arith.constant 0 : i32
    return %c0_i32, %c0_i32_0 : i32, i32
  }
  func.func @transform_7(%arg0: i32) -> (i32, i32) {
    %c0_i32 = arith.constant 0 : i32
    %c0_i32_0 = arith.constant 0 : i32
    return %arg0, %c0_i32 : i32, i32
  }
}

module attributes {stable_mosaic.version = 14 : i64} {
  func.func @_final_body(%arg0: i32, %arg1: memref<400x128xf32, #tpu.memory_space<vmem>>, %arg2: memref<2x400x128xf32, #tpu.memory_space<vmem>>, %arg3: memref<2x400x128xf32, #tpu.memory_space<vmem>>, %arg4: memref<128x32xf32, #tpu.memory_space<vmem>>, %arg5: memref<1x32xf32, #tpu.memory_space<vmem>>, %arg6: memref<32x128xf32, #tpu.memory_space<vmem>>, %arg7: memref<1x128xf32, #tpu.memory_space<vmem>>, %arg8: memref<400x128xf32, #tpu.memory_space<vmem>>) attributes {dimension_semantics = [#tpu.dimension_semantics<arbitrary>], iteration_bounds = array<i64: 25>, scalar_prefetch = 0 : i64, scratch_operands = 0 : i64, tpu.core_type = #tpu.core_type<tc>, window_params = [{transform_indices = @transform_0, window_bounds = array<i64: 400, 128>}, {transform_indices = @transform_1, window_bounds = array<i64: 2, 400, 128>}, {transform_indices = @transform_2, window_bounds = array<i64: 2, 400, 128>}, {pipeline_mode = #tpu.pipeline_mode<synchronous>, transform_indices = @transform_3, window_bounds = array<i64: 128, 32>}, {pipeline_mode = #tpu.pipeline_mode<synchronous>, transform_indices = @transform_4, window_bounds = array<i64: 1, 32>}, {pipeline_mode = #tpu.pipeline_mode<synchronous>, transform_indices = @transform_5, window_bounds = array<i64: 32, 128>}, {pipeline_mode = #tpu.pipeline_mode<synchronous>, transform_indices = @transform_6, window_bounds = array<i64: 1, 128>}, {transform_indices = @transform_7, window_bounds = array<i64: 400, 128>}]} {
    %get3A = arith.constant 0 : index
    %get3A_0 = arith.constant 0 : index
    %get3A_1 = vector.load %arg1[%get3A, %get3A_0] : memref<400x128xf32, #tpu.memory_space<vmem>>, vector<400x128xf32>
    %get3A_2 = arith.constant 0 : index
    %get3A_3 = arith.constant 0 : index
    %get3A_4 = arith.constant 0 : index
    %get3A_5 = vector.load %arg2[%get3A_2, %get3A_3, %get3A_4] : memref<2x400x128xf32, #tpu.memory_space<vmem>>, vector<1x400x128xf32>
    %get3A_6 = vector.shape_cast %get3A_5 : vector<1x400x128xf32> to vector<400x128xf32>
    %get3A_7 = arith.constant 1 : index
    %get3A_8 = arith.constant 0 : index
    %get3A_9 = arith.constant 0 : index
    %get3A_10 = vector.load %arg2[%get3A_7, %get3A_8, %get3A_9] : memref<2x400x128xf32, #tpu.memory_space<vmem>>, vector<1x400x128xf32>
    %get3A_11 = vector.shape_cast %get3A_10 : vector<1x400x128xf32> to vector<400x128xf32>
    %add3A = arith.addf %get3A_6, %get3A_11 : vector<400x128xf32>
    %get3A_12 = arith.constant 0 : index
    %get3A_13 = arith.constant 0 : index
    %get3A_14 = arith.constant 0 : index
    %get3A_15 = vector.load %arg3[%get3A_12, %get3A_13, %get3A_14] : memref<2x400x128xf32, #tpu.memory_space<vmem>>, vector<1x400x128xf32>
    %get3A_16 = vector.shape_cast %get3A_15 : vector<1x400x128xf32> to vector<400x128xf32>
    %get3A_17 = arith.constant 1 : index
    %get3A_18 = arith.constant 0 : index
    %get3A_19 = arith.constant 0 : index
    %get3A_20 = vector.load %arg3[%get3A_17, %get3A_18, %get3A_19] : memref<2x400x128xf32, #tpu.memory_space<vmem>>, vector<1x400x128xf32>
    %get3A_21 = vector.shape_cast %get3A_20 : vector<1x400x128xf32> to vector<400x128xf32>
    %add3A_22 = arith.addf %get3A_16, %get3A_21 : vector<400x128xf32>
    %add3A_23 = arith.addf %add3A, %add3A_22 : vector<400x128xf32>
    %slice3A = vector.extract_strided_slice %add3A_23 {offsets = [0, 0], sizes = [400, 32], strides = [1, 1]} : vector<400x128xf32> to vector<400x32xf32>
    %slice3A_24 = vector.extract_strided_slice %add3A_23 {offsets = [0, 32], sizes = [400, 1], strides = [1, 1]} : vector<400x128xf32> to vector<400x1xf32>
    %max3A = arith.constant 1.000000e+00 : f32
    %max3A_25 = vector.broadcast %max3A : f32 to vector<400x1xf32>
    %max3A_26 = arith.maximumf %slice3A_24, %max3A_25 : vector<400x1xf32>
    %div3A = vector.broadcast %max3A_26 : vector<400x1xf32> to vector<400x32xf32>
    %div3A_27 = arith.divf %slice3A, %div3A : vector<400x32xf32>
    %get3A_28 = arith.constant 0 : index
    %get3A_29 = arith.constant 0 : index
    %get3A_30 = vector.load %arg4[%get3A_28, %get3A_29] : memref<128x32xf32, #tpu.memory_space<vmem>>, vector<128x32xf32>
    %dot_general3A = arith.constant dense<0.000000e+00> : vector<400x32xf32>
    %dot_general3A_31 = tpu.matmul %get3A_1, %get3A_30, %dot_general3A {dimension_numbers = #tpu.dot_dimension_numbers<[1], [0], [0], [1], [0, 0, 1, 1], [], []>, transpose_lhs_hint = false} : vector<400x128xf32>, vector<128x32xf32>, vector<400x32xf32> -> vector<400x32xf32>
    %add3A_32 = arith.addf %dot_general3A_31, %div3A_27 : vector<400x32xf32>
    %get3A_33 = arith.constant 0 : index
    %get3A_34 = arith.constant 0 : index
    %get3A_35 = vector.load %arg5[%get3A_33, %get3A_34] : memref<1x32xf32, #tpu.memory_space<vmem>>, vector<1x32xf32>
    %add3A_36 = vector.broadcast %get3A_35 : vector<1x32xf32> to vector<400x32xf32>
    %add3A_37 = arith.addf %add3A_32, %add3A_36 : vector<400x32xf32>
    %max3A_38 = arith.constant 0.000000e+00 : f32
    %max3A_39 = vector.broadcast %max3A_38 : f32 to vector<400x32xf32>
    %max3A_40 = arith.maximumf %add3A_37, %max3A_39 : vector<400x32xf32>
    %get3A_41 = arith.constant 0 : index
    %get3A_42 = arith.constant 0 : index
    %get3A_43 = vector.load %arg6[%get3A_41, %get3A_42] : memref<32x128xf32, #tpu.memory_space<vmem>>, vector<32x128xf32>
    %dot_general3A_44 = arith.constant dense<0.000000e+00> : vector<400x128xf32>
    %dot_general3A_45 = tpu.matmul %max3A_40, %get3A_43, %dot_general3A_44 {dimension_numbers = #tpu.dot_dimension_numbers<[1], [0], [0], [1], [0, 0, 1, 1], [], []>, transpose_lhs_hint = false} : vector<400x32xf32>, vector<32x128xf32>, vector<400x128xf32> -> vector<400x128xf32>
    %get3A_46 = arith.constant 0 : index
    %get3A_47 = arith.constant 0 : index
    %get3A_48 = vector.load %arg7[%get3A_46, %get3A_47] : memref<1x128xf32, #tpu.memory_space<vmem>>, vector<1x128xf32>
    %add3A_49 = vector.broadcast %get3A_48 : vector<1x128xf32> to vector<400x128xf32>
    %add3A_50 = arith.addf %dot_general3A_45, %add3A_49 : vector<400x128xf32>
    %swap3A = arith.constant 0 : index
    %swap3A_51 = arith.constant 0 : index
    %swap3A_52 = vector.load %arg8[%swap3A, %swap3A_51] : memref<400x128xf32, #tpu.memory_space<vmem>>, vector<400x128xf32>
    tpu.vector_store %arg8[%swap3A, %swap3A_51], %add3A_50 {strides = array<i32>} : memref<400x128xf32, #tpu.memory_space<vmem>>, vector<400x128xf32>,
    return
  }
  func.func @transform_0(%arg0: i32) -> (i32, i32) {
    %c0_i32 = arith.constant 0 : i32
    %c0_i32_0 = arith.constant 0 : i32
    return %arg0, %c0_i32 : i32, i32
  }
  func.func @transform_1(%arg0: i32) -> (i32, i32, i32) {
    %c0_i32 = arith.constant 0 : i32
    %c0_i32_0 = arith.constant 0 : i32
    %c0_i32_1 = arith.constant 0 : i32
    return %c0_i32, %arg0, %c0_i32_0 : i32, i32, i32
  }
  func.func @transform_2(%arg0: i32) -> (i32, i32, i32) {
    %c0_i32 = arith.constant 0 : i32
    %c0_i32_0 = arith.constant 0 : i32
    %c0_i32_1 = arith.constant 0 : i32
    return %c0_i32, %arg0, %c0_i32_0 : i32, i32, i32
  }
  func.func @transform_3(%arg0: i32) -> (i32, i32) {
    %c0_i32 = arith.constant 0 : i32
    %c0_i32_0 = arith.constant 0 : i32
    %c0_i32_1 = arith.constant 0 : i32
    return %c0_i32, %c0_i32_0 : i32, i32
  }
  func.func @transform_4(%arg0: i32) -> (i32, i32) {
    %c0_i32 = arith.constant 0 : i32
    %c0_i32_0 = arith.constant 0 : i32
    %c0_i32_1 = arith.constant 0 : i32
    return %c0_i32, %c0_i32_0 : i32, i32
  }
  func.func @transform_5(%arg0: i32) -> (i32, i32) {
    %c0_i32 = arith.constant 0 : i32
    %c0_i32_0 = arith.constant 0 : i32
    %c0_i32_1 = arith.constant 0 : i32
    return %c0_i32, %c0_i32_0 : i32, i32
  }
  func.func @transform_6(%arg0: i32) -> (i32, i32) {
    %c0_i32 = arith.constant 0 : i32
    %c0_i32_0 = arith.constant 0 : i32
    %c0_i32_1 = arith.constant 0 : i32
    return %c0_i32, %c0_i32_0 : i32, i32
  }
  func.func @transform_7(%arg0: i32) -> (i32, i32) {
    %c0_i32 = arith.constant 0 : i32
    %c0_i32_0 = arith.constant 0 : i32
    return %arg0, %c0_i32 : i32, i32
  }
}

</mosaic_0001>

<sc_bundles>
// kernel: kernel.12.cloned.1.call-start
scs
__scs_entry_jumppad:
0x0: {  	(pc) =	sbr.rel $0x88, $3  }
0x1: {  	(tag) =	ssettag $0x0;
	lr =	simm.s32 $0x1  }
0x2: {  	[smem:$0x3F96] =	sst lr;
	_ =	strace $0xD0000000  }
0x3: {  	_ = 	snop  }
0x4: {  	_ = 	snop  }
0x5: {  	_ = 	snop  }
0x6: {  	_ = 	snop  }
0x7: {  	_ = 	snop  }
__scs_overlays_trampoline_lowered:
0x8: {  	[smem:$0x3FA5] =	sst s0  }
0x9: {  	[smem:$0x3FA6] =	sst s1  }
0xa: {  	[smem:$0x3FA7] =	sst s2  }
0xb: {  	[smem:$0x3FA8] =	sst s3  }
0xc: {  	[smem:$0x3FA9] =	sst s4  }
0xd: {  	[smem:$0x3FAA] =	sst s5  }
0xe: {  	[smem:$0x3FAB] =	sst s6  }
0xf: {  	[smem:$0x3FAC] =	sst s7  }
0x10: {  	[smem:$0x3FAD] =	sst s8  }
0x11: {  	[smem:$0x3FAE] =	sst s9;
	s0 =	simm.s32 @!p0 $0x0  }
0x12: {  	s1 =	sld [smem:$0x3F94];
	s0 =	simm.s32 @p0 $0x1  }
0x13: {  	[smem:$0x3FAF] =	sst s0;
	s0 =	simm.s32 @!p1 $0x0  }
0x14: {  	s2 =	sld [smem:$0x3F93];
	s0 =	simm.s32 @p1 $0x1  }
0x15: {  	[smem:$0x3FB0] =	sst s0;
	s0 =	simm.s32 @!p2 $0x0  }
0x16: {  	s3 =	sld [smem:$0x3FDB];
	s0 =	simm.s32 @p2 $0x1  }
0x17: {  	s4 =	simm.s32 $0x1BF5;
	[smem:$0x3FB2] =	sst s0  }
0x18: {  	s0 =	sld [smem:$0x3F95];
	_ =	swait.ge [sflag:s4], $0x0  }
0x19: {  	s7 =	sld [smem:$0x3F96]  }
0x1a: {  	s8 =	sadd.s32 $0xFFFFE003, lr  }
0x1b: {  	s9 =	sadd.s32 $0xFFFFFEF7, lr;
	s5 =	simm.s32 $0xFFFFFFFF;
	p2 =	slt.u32 s8, $0xFFFFF086  }
0x1c: {  	p1 =	slt.u32 s9, $0xF7A;
	s5 =	simm.s32 @!p2 $0x0  }
0x1d: {  	s5 =	simm.s32 @p1 $0x1;
	p0 =	seq.s32 s7, s2  }
0x1e: {  	s7 =	smul.u32 @!p0 $0xF7A, s2;
	p2 =	seq.s32 @!p0 s5, $0x0  }
0x1f: {  	s9 =	smul.u32 $0xF7A, s1;
	s8 =	simm.s32 @!p0 $0x1BF5;
	p2 =	por !p2, p0  }
0x20: {  	[sflag:s8] =	ssyncset.s32 @!p0 $0xFFFFF086;
	s6 =	sadd.s32 @!p0 s3, s7;
	s7 =	simm.s32 @!p0 $0x108  }
0x21: {  	s3 =	sadd.s32 s3, s9;
	s6 =	sadd.s32 @!p0 $0x88, s6;
	s7 =	simm.s32 @p2 $0x1082  }
0x22: {  	[simem:s7], [sflag:s8] =	dma.local @!p0 [hbm:s6], $0xF7A  }
0x23: {  	s9 =	sor.u32 $0xD0000000, s2;
	s6 =	simm.s32 $0x108;
	_ =	swait.ge @!p0 [sflag:s8], $0x0  }
0x24: {  	s3 =	sadd.s32 $0x88, s3;
	s6 =	simm.s32 @!p1 $0x1082;
	[sflag:s4] =	ssyncset.s32 $0xFFFFF086  }
0x25: {  	[simem:s6], [sflag:s4] =	dma.local [hbm:s3], $0xF7A  }
0x26: {  	[smem:$0x3F96] =	sst s1;
	(tag) =	ssettag s2;
	_ =	strace s9  }
0x27: {  	s1 =	sld [smem:$0x3FA6]  }
0x28: {  	s2 =	sld [smem:$0x3FA7]  }
0x29: {  	s4 =	sld [smem:$0x3FA9]  }
0x2a: {  	p0 =	seq.s32 s5, $0x0;
	s5 =	sld [smem:$0x3FAA]  }
0x2b: {  	s6 =	sld [smem:$0x3FAB]  }
0x2c: {  	s7 =	sld [smem:$0x3FAC]  }
0x2d: {  	s3 =	simm.s32 $0x108;
	s8 =	sld [smem:$0x3FAD]  }
0x2e: {  	s3 =	simm.s32 @!p0 $0x1082;
	s9 =	sld [smem:$0x3FAE]  }
0x2f: {  	lr =	sadd.s32 s0, s3;
	s0 =	sld [smem:$0x3FA5]  }
0x30: {  	s3 =	sld [smem:$0x3FA8]  }
0x31: {  	[smem:$0x3FB1] =	sst s10  }
0x32: {  	s10 =	sld [smem:$0x3FAF];
	_ =	sdelay $0x3  }
0x33: {  	p0 =	seq.s32 s10, $0x1;
	s10 =	sld [smem:$0x3FB1];
	_ =	sdelay $0x3  }
0x34: {  	[smem:$0x3FB1] =	sst s10  }
0x35: {  	s10 =	sld [smem:$0x3FB0];
	_ =	sdelay $0x3  }
0x36: {  	p1 =	seq.s32 s10, $0x1;
	s10 =	sld [smem:$0x3FB1];
	_ =	sdelay $0x3  }
0x37: {  	[smem:$0x3FB1] =	sst s10  }
0x38: {  	s10 =	sld [smem:$0x3FB2]  }
0x39: {  	_ = 	snop;
	(pc) =	sbr.ind lr, $3  }
0x3a: {  	_ = 	snop  }
0x3b: {  	_ = 	snop  }
0x3c: {  	p2 =	seq.s32 s10, $0x1;
	s10 =	sld [smem:$0x3FB1]  }
0x3d: {  	_ =	shalt  }
0x3e: {  	_ =	shalt  }
0x3f: {  	_ =	shalt  }
0x40: {  	_ =	shalt  }
0x41: {  	_ =	shalt  }
0x42: {  	_ =	shalt  }
0x43: {  	_ =	shalt  }
0x44: {  	_ =	shalt  }
0x45: {  	_ =	shalt  }
0x46: {  	_ =	shalt  }
0x47: {  	_ =	shalt  }
0x48: {  	_ =	shalt  }
0x49: {  	_ =	shalt  }
0x4a: {  	_ =	shalt  }
0x4b: {  	_ =	shalt  }
0x4c: {  	_ =	shalt  }
0x4d: {  	_ =	shalt  }
0x4e: {  	_ =	shalt  }
0x4f: {  	_ =	shalt  }
0x50: {  	_ =	shalt  }
0x51: {  	_ =	shalt  }
0x52: {  	_ =	shalt  }
0x53: {  	_ =	shalt  }
0x54: {  	_ =	shalt  }
0x55: {  	_ =	shalt  }
0x56: {  	_ =	shalt  }
0x57: {  	_ =	shalt  }
0x58: {  	_ =	shalt  }
0x59: {  	_ =	shalt  }
0x5a: {  	_ =	shalt  }
0x5b: {  	_ =	shalt  }
0x5c: {  	_ =	shalt  }
0x5d: {  	_ =	shalt  }
0x5e: {  	_ =	shalt  }
0x5f: {  	_ =	shalt  }
0x60: {  	_ =	shalt  }
0x61: {  	_ =	shalt  }
0x62: {  	_ =	shalt  }
0x63: {  	_ =	shalt  }
0x64: {  	_ =	shalt  }
0x65: {  	_ =	shalt  }
0x66: {  	_ =	shalt  }
0x67: {  	_ =	shalt  }
0x68: {  	_ =	shalt  }
0x69: {  	_ =	shalt  }
0x6a: {  	_ =	shalt  }
0x6b: {  	_ =	shalt  }
0x6c: {  	_ =	shalt  }
0x6d: {  	_ =	shalt  }
0x6e: {  	_ =	shalt  }
0x6f: {  	_ =	shalt  }
0x70: {  	_ =	shalt  }
0x71: {  	_ =	shalt  }
0x72: {  	_ =	shalt  }
0x73: {  	_ =	shalt  }
0x74: {  	_ =	shalt  }
0x75: {  	_ =	shalt  }
0x76: {  	_ =	shalt  }
0x77: {  	_ =	shalt  }
0x78: {  	_ =	shalt  }
0x79: {  	_ =	shalt  }
0x7a: {  	_ =	shalt  }
0x7b: {  	_ =	shalt  }
0x7c: {  	_ =	shalt  }
0x7d: {  	_ =	shalt  }
0x7e: {  	_ =	shalt  }
0x7f: {  	_ =	shalt  }
0x80: {  	_ =	shalt  }
0x81: {  	_ =	shalt  }
0x82: {  	_ =	shalt  }
0x83: {  	_ =	shalt  }
0x84: {  	_ =	shalt  }
0x85: {  	_ =	shalt  }
0x86: {  	_ =	shalt  }
0x87: {  	_ =	shalt  }
.Lfunc_end0:
.L_simem_size_0:
called_computation.1_lowered:
.L_overlay_start_0:
0x88: {  	s2 =	sld [smem:$0x3FD9]  }
0x89: {  	s3 =	sld [smem:$0x3FFE];
	_ =	sdelay $0x1  }
0x8a: {  	s1 =	srdreg.scid  }
0x8b: {  	s0 =	sand.u32 $0x1, s1  }
0x8c: {  	s17 =	sshll.u32 s0, $0xA;
	s2 =	sadd.s32 s3, s2  }
0x8d: {  	s2 =	sadd.s32 s2, s17  }
0x8e: {  	[smem:$0x3FBD] =	sst s2  }
0x8f: {  	_ = 	snop  }
0x90: {  	s18 =	sld [smem:$0x3FC9];
	(tm) =	ssettm $0x1  }
0x91: {  	s19 =	sld [smem:$0x3FFB];
	_ =	sdelay $0x3  }
0x92: {  	_ =	strace s19  }
0x93: {  	s2 =	sld [smem:$0x3FFC];
	_ =	sdelay $0x3  }
0x94: {  	_ =	strace s2  }
0x95: {  	s2 =	sld [smem:$0x3FFD];
	_ =	sdelay $0x3  }
0x96: {  	_ =	strace s2  }
0x97: {  	_ =	strace $0x8FFFFFFF  }
0x98: {  	s20 =	sld [smem:$0x3FDB];
	_ =	sdelay $0x1  }
0x99: {  	s4 =	simm.s32 $_scs_section_size  }
0x9a: {  	s5 =	simm.s32 $_size__tile_overlayer_lowered;
	s6 =	simm.s32 $_tile_overlayer_lowered  }
0x9b: {  	s7 =	simm.s32 $0x1BFF;
	s21 =	sshll.u32 s6, $0x1;
	s4 =	sadd.s32 s4, s20  }
0x9c: {  	s22 =	simm.s32 $0x0;
	s5 =	sshll.u32 s5, $0x1;
	s6 =	sadd.s32 s21, s4  }
0x9d: {  	[timem:s22], [sflag:s7] =	dma.local [hbm:s6], s5  }
0x9e: {  	_ =	swait.ge [sflag:s7], s5  }
0x9f: {  	s5 =	ssub.s32 $0x0, s5;
	[sflag:s7] =	ssyncset.done $0x0  }
0xa0: {  	[sflag:s7] =	ssyncadd.s32 s5;
	_ =	sdelay $0x1  }
0xa1: {  	s23 =	simm.s32 $0x1B8B  }
0xa2: {  	_ =	swait.ge [sflag:s23], $0x1  }
0xa3: {  	[sflag:s23] =	ssyncset.done $0x0  }
0xa4: {  	[sflag:s23] =	ssyncadd.s32 $0xFFFFFFFF  }
0xa5: {  	s5 =	sld [smem:$0x0]  }
0xa6: {  	s6 =	sand.u32 $0xFFFFFFFE, s1  }
0xa7: {  	p0 =	sne.s32 s1, s6  }
0xa8: {  	s6 =	sshll.u32 @p0 s6, $0xE  }
0xa9: {  	s6 =	sadd.s32 @p0 $0x11B8D, s6;
	s7 =	sshll.u32 @p0 s5, $0x11  }
0xaa: {  	s6 =	sor.u32 @p0 s7, s6  }
0xab: {  	[sflag:s6] =	ssyncadd.remote.s32 @p0 $0x1;
	_ =	sdelay $0x1  }
0xac: {  	s6 =	simm.s32 @p0 $0x1B8D  }
0xad: {  	_ =	swait.eq @p0 [sflag:s6], $0x1  }
0xae: {  	[sflag:s6] =	ssyncadd.s32 @p0 $0xFFFFFFFF  }
0xaf: {  	s7 =	sshll.u32 @!p0 s1, $0xE  }
0xb0: {  	s7 =	sor.u32 @!p0 $0x4000, s7;
	s6 =	simm.s32 @!p0 $0x1B8D  }
0xb1: {  	s5 =	sshll.u32 @!p0 s5, $0x11;
	s7 =	sadd.s32 @!p0 $0x11B8D, s7;
	_ =	swait.eq @!p0 [sflag:s6], $0x1  }
0xb2: {  	s5 =	sor.u32 @!p0 s5, s7;
	[sflag:s6] =	ssyncadd.s32 @!p0 $0xFFFFFFFF  }
0xb3: {  	s25 =	simm.s32 $0x1B8E;
	s24 =	sld [smem:$0x3FFE];
	[sflag:s5] =	ssyncadd.remote.s32 @!p0 $0x1  }
0xb4: {  	s26 =	simm.s32 $execute0_lowered;
	[smem:$0x3FD2] =	sst s25  }
0xb5: {  	s6 =	sshll.u32 s26, $0x1;
	_ =	strace $0x80000049;
	[dreg:$0x1] =	wrdreg $0xFFFFFFFF  }
0xb6: {  	s28 =	simm.s32 $_size_execute0_lowered;
	s4 =	sadd.s32 s4, s6;
	[dreg:$0x0] =	wrdreg $0x0  }
0xb7: {  	s6 =	sshll.u32 s28, $0x1;
	[dreg:$0x2] =	wrdreg s4  }
0xb8: {  	[dreg:$0x3] =	wrdreg s6  }
0xb9: {  	[dreg:$0x4] =	wrdreg $0xC0  }
0xba: {  	_ =	task [dreg:s22], $0x5FFFF  }
0xbb: {  	[dreg:$0x1] =	wrdreg $0xFFFFFFFF  }
0xbc: {  	[dreg:$0x0] =	wrdreg $0x60  }
0xbd: {  	[dreg:$0x2] =	wrdreg s24  }
0xbe: {  	[dreg:$0x3] =	wrdreg s18  }
0xbf: {  	[dreg:$0x4] =	wrdreg $0x9  }
0xc0: {  	_ =	task.clear_ibuf [dreg:s22], $0x5FFFF;
	_ =	strace $0x90000049  }
0xc1: {  	s29 =	simm.s32 $0x9;
	_ =	strace $0x8000004B  }
0xc2: {  	_ =	swait.ge [sflag:s29], $0x1  }
0xc3: {  	[sflag:s29] =	ssyncadd.s32 $0xFFFFFFFF  }
0xc4: {  	_ =	strace $0x9000004B  }
0xc5: {  	_ =	sfence  }
0xc6: {  	s30 =	sld [smem:$0x0];
	_ =	sdelay $0x2  }
0xc7: {  	s31 =	sshll.u32 s1, $0xD;
	s1 =	sshrl.u32 s1, $0x2  }
0xc8: {  	s4 =	sand.u32 $0x4000, s31;
	s1 =	sadd.s32 s1, s30  }
0xc9: {  	s0 =	sor.u32 s4, s0;
	s1 =	sshll.u32 s1, $0x11  }
0xca: {  	s0 =	sor.u32 s1, s0  }
0xcb: {  	s0 =	sadd.s32 $0x8F2B, s0  }
0xcc: {  	[sflag:s0] =	ssyncadd.remote.s32 $0x1  }
0xcd: {  	_ =	sfence.sel $0xFFFF  }
0xce: {  	[dreg:$0x0] =	wrdreg $0xFFFFFFFF;
	(pc) =	sbr.abs _section_cstart, $3  }
0xcf: {  	[dreg:$0x1] =	wrdreg $0xFFFFFFFF  }
0xd0: {  	_ =	task.clear_ibuf [dreg:s22], $0x2FFFF;
	_ =	strace $0x9FFFFFFF  }
0xd1: {  	(tm) =	ssettm $0x7FFFFFFF  }
tec
execute0_lowered:
.L_overlay_start_1:
0x0: {  	(tag) =	ssettag $0x1  }
0x1: {  	s0 =	rddreg [dreg:$0x0]  }
0x2: {  	s2 =	rddreg [dreg:$0x1];
	s3 =	simm.s32 $0x0  }
0x3: {  	s11 =	stileid.u32;
	s4 =	srdreg.scid;
	s17 =	simm.s32 $0x800  }
0x4: {  	s18 =	simm.s32 $0x3;
	s19 =	simm.s32 $0x80;
	s20 =	simm.s32 $0x880  }
0x5: {  	s21 =	simm.s32 $0x2;
	s22 =	simm.s32 $0x1;
	s23 =	simm.s32 $0x4880  }
0x6: {  	s24 =	simm.s32 $0x100;
	s28 =	simm.s32 $0x280;
	s29 =	simm.s32 $0x300  }
0x7: {  	s30 =	simm.s32 $0x380;
	s31 =	simm.s32 $0x400;
	[smem:$0x7FF] =	sst s3  }
0x8: {  	s1 =	sshll.u32 s11, $0x8;
	s5 =	sshll.u32 s11, $0x4;
	s6 =	smul.u32 $0x24000, s11  }
0x9: {  	s4 =	sand.u32 $0x1, s4;
	s8 =	smul.u32 $0x4800, s11;
	s14 =	sshll.u32 s11, $0xB  }
0xa: {  	_ =	strace $0x8000004A;
	s1 =	sadd.s32 s1, s0;
	s13 =	sadd.s32 s5, s0  }
0xb: {  	s25 =	ssub.s32 $0x2, s4;
	s0 =	sadd.s32 $0x54A00, s0;
	p0 =	seq.s32 s4, $0x1  }
0xc: {  	s7 =	sshrl.u32 s25, $0x1;
	s6 =	sshrl.u32 s6, $0x3;
	s4 =	sadd.s32 $0x53800, s1  }
0xd: {  	s5 =	sadd.s32 s0, s8;
	s16 =	ssub.s32 s25, s7;
	s26 =	sadd.s32 s0, s6  }
.Ltmp0:
0xe: {  	s0 =	sadd.s32 s14, s0;
	s14 =	sadd.s32 $0x54800, s13;
	(pc) =	sbr.rel .LBB2_1-.Ltmp0, $4  }
0xf: {  	s25 =	simm.s32 $0x180;
	s6 =	sadd.s32 $0x800, s26;
	s7 =	sadd.s32 $0x1000, s26  }
0x10: {  	s8 =	sadd.s32 $0x1800, s26;
	s9 =	sadd.s32 $0x2000, s26;
	s10 =	sadd.s32 $0x2800, s26  }
0x11: {  	s11 =	sadd.s32 $0x3000, s26;
	s12 =	sadd.s32 $0x3800, s26;
	s1 =	sadd.s32 $0x4000, s26  }
0x12: {  	s15 =	sadd.s32 $0x48000, s0;
	s16 =	smax.u32 s16, $0x1;
	s26 =	simm.s32 $0x200  }
.LBB2_3:
0x13: {  	[tilespmem:s17], [sflag:$0x3] =	stream.linear.gather [hbm4b:s14+s3], $0x80, $0x38;
	[tilespmem:$0x8880] =	vst v63  }
0x14: {  	_ =	swait.ge [sflag:s18], $0x80  }
0x15: {  	[sflag:s18] =	ssyncset.done $0x0  }
0x16: {  	s0 =	simm.s32 $0x1;
	s13 =	smov.u32 s15;
	[sflag:s18] =	ssyncadd.s32 $0xFFFFFF80  }
0x17: {  	[tilespmem:s20], [sflag:$0x1] =	stream.indirect.gather [hbm4b:s2+s19], $0x80, s17, s19, $0xb8;
	[tilespmem:$0x8880] =	vst v63  }
.LBB2_4:
0x18: {  	_ =	swait.ge [sflag:s0], $0x4000;
	s16 =	sadd.s32 $0xFFFFFFFF, s16  }
0x19: {  	[sflag:s0] =	ssyncset.done $0x0;
	p1 =	sne.s32 s16, $0x0  }
.Ltmp1:
0x1a: {  	[sflag:s0] =	ssyncadd.s32 $0xFFFFC000;
	(pc) =	sbr.rel @!p1 .LBB2_5-.Ltmp1, $4  }
0x1b: {  	[hbm4b:s13+s3] =	stream.linear.scatter [tilespmem:s20], [sflag:$0x2], $0x4000, $0x38;
	[tilespmem:$0x8880] =	vst v63  }
0x1c: {  	_ =	swait.ge [sflag:s21], $0x4000  }
0x1d: {  	[sflag:s21] =	ssyncset.done $0x0  }
0x1e: {  	[sflag:s21] =	ssyncadd.s32 $0xFFFFC000  }
.LBB2_1:
.Ltmp2:
0x1f: {  	(pc) =	sbr.rel @p0 .LBB2_3-.Ltmp2, $1  }
0x20: {  	_ =	sdelay $0x3  }
0x21: {  	[tilespmem:s3], [sflag:$0x3] =	stream.linear.gather [hbm4b:s4+s3], $0x480, $0x38;
	[tilespmem:$0x8880] =	vst v63  }
0x22: {  	_ =	swait.ge [sflag:s18], $0x480  }
0x23: {  	[sflag:s18] =	ssyncset.done $0x0  }
0x24: {  	[sflag:s18] =	ssyncadd.s32 $0xFFFFFB80  }
0x25: {  	[tilespmem:s20], [sflag:$0x1] =	stream.indirect.gather [hbm4b:s2+s19], $0x80, s3, s19, $0xb8;
	[tilespmem:$0x8880] =	vst v63  }
0x26: {  	_ =	swait.ge [sflag:s22], $0x4000  }
0x27: {  	[sflag:s22] =	ssyncset.done $0x0  }
0x28: {  	[sflag:s22] =	ssyncadd.s32 $0xFFFFC000  }
0x29: {  	[tilespmem:s23], [sflag:$0x1] =	stream.indirect.gather [hbm4b:s2+s19], $0x80, s19, s19, $0xb8;
	[tilespmem:$0x8880] =	vst v63  }
0x2a: {  	_ = 	snop  }
0x2b: {  	[hbm4b:s5+s3] =	stream.linear.scatter [tilespmem:s20], [sflag:$0x2], $0x4000, $0x38;
	[tilespmem:$0x8880] =	vst v63  }
0x2c: {  	_ =	swait.ge [sflag:s22], $0x4000  }
0x2d: {  	[sflag:s22] =	ssyncset.done $0x0  }
0x2e: {  	s0 =	simm.s32 $0x2;
	[sflag:s22] =	ssyncadd.s32 $0xFFFFC000  }
0x2f: {  	_ =	swait.ge [sflag:s0], $0x4000  }
0x30: {  	[sflag:s0] =	ssyncset.done $0x0  }
0x31: {  	[sflag:s0] =	ssyncadd.s32 $0xFFFFC000  }
0x32: {  	[tilespmem:s20], [sflag:$0x1] =	stream.indirect.gather [hbm4b:s2+s19], $0x80, s24, s19, $0xb8;
	[tilespmem:$0x8880] =	vst v63  }
0x33: {  	_ = 	snop  }
0x34: {  	[hbm4b:s6+s3] =	stream.linear.scatter [tilespmem:s23], [sflag:$0x2], $0x4000, $0x38;
	[tilespmem:$0x8880] =	vst v63  }
0x35: {  	_ =	swait.ge [sflag:s22], $0x4000  }
0x36: {  	[sflag:s22] =	ssyncset.done $0x0  }
0x37: {  	[sflag:s22] =	ssyncadd.s32 $0xFFFFC000  }
0x38: {  	_ =	swait.ge [sflag:s0], $0x4000  }
0x39: {  	[sflag:s0] =	ssyncset.done $0x0  }
0x3a: {  	[sflag:s0] =	ssyncadd.s32 $0xFFFFC000  }
0x3b: {  	[tilespmem:s23], [sflag:$0x1] =	stream.indirect.gather [hbm4b:s2+s19], $0x80, s25, s19, $0xb8;
	[tilespmem:$0x8880] =	vst v63  }
0x3c: {  	_ = 	snop  }
0x3d: {  	[hbm4b:s7+s3] =	stream.linear.scatter [tilespmem:s20], [sflag:$0x2], $0x4000, $0x38;
	[tilespmem:$0x8880] =	vst v63  }
0x3e: {  	_ =	swait.ge [sflag:s22], $0x4000  }
0x3f: {  	[sflag:s22] =	ssyncset.done $0x0  }
0x40: {  	[sflag:s22] =	ssyncadd.s32 $0xFFFFC000  }
0x41: {  	_ =	swait.ge [sflag:s0], $0x4000  }
0x42: {  	[sflag:s0] =	ssyncset.done $0x0  }
0x43: {  	[sflag:s0] =	ssyncadd.s32 $0xFFFFC000  }
0x44: {  	[tilespmem:s20], [sflag:$0x1] =	stream.indirect.gather [hbm4b:s2+s19], $0x80, s26, s19, $0xb8;
	[tilespmem:$0x8880] =	vst v63  }
0x45: {  	_ = 	snop  }
0x46: {  	[hbm4b:s8+s3] =	stream.linear.scatter [tilespmem:s23], [sflag:$0x2], $0x4000, $0x38;
	[tilespmem:$0x8880] =	vst v63  }
0x47: {  	_ =	swait.ge [sflag:s22], $0x4000  }
0x48: {  	[sflag:s22] =	ssyncset.done $0x0  }
0x49: {  	[sflag:s22] =	ssyncadd.s32 $0xFFFFC000  }
0x4a: {  	_ =	swait.ge [sflag:s0], $0x4000  }
0x4b: {  	[sflag:s0] =	ssyncset.done $0x0  }
0x4c: {  	[sflag:s0] =	ssyncadd.s32 $0xFFFFC000  }
0x4d: {  	[tilespmem:s23], [sflag:$0x1] =	stream.indirect.gather [hbm4b:s2+s19], $0x80, s28, s19, $0xb8;
	[tilespmem:$0x8880] =	vst v63  }
0x4e: {  	_ = 	snop  }
0x4f: {  	[hbm4b:s9+s3] =	stream.linear.scatter [tilespmem:s20], [sflag:$0x2], $0x4000, $0x38;
	[tilespmem:$0x8880] =	vst v63  }
0x50: {  	_ =	swait.ge [sflag:s22], $0x4000  }
0x51: {  	[sflag:s22] =	ssyncset.done $0x0  }
0x52: {  	[sflag:s22] =	ssyncadd.s32 $0xFFFFC000  }
0x53: {  	_ =	swait.ge [sflag:s0], $0x4000  }
0x54: {  	[sflag:s0] =	ssyncset.done $0x0  }
0x55: {  	[sflag:s0] =	ssyncadd.s32 $0xFFFFC000  }
0x56: {  	[tilespmem:s20], [sflag:$0x1] =	stream.indirect.gather [hbm4b:s2+s19], $0x80, s29, s19, $0xb8;
	[tilespmem:$0x8880] =	vst v63  }
0x57: {  	_ = 	snop  }
0x58: {  	[hbm4b:s10+s3] =	stream.linear.scatter [tilespmem:s23], [sflag:$0x2], $0x4000, $0x38;
	[tilespmem:$0x8880] =	vst v63  }
0x59: {  	_ =	swait.ge [sflag:s22], $0x4000  }
0x5a: {  	[sflag:s22] =	ssyncset.done $0x0  }
0x5b: {  	[sflag:s22] =	ssyncadd.s32 $0xFFFFC000  }
0x5c: {  	_ =	swait.ge [sflag:s0], $0x4000  }
0x5d: {  	[sflag:s0] =	ssyncset.done $0x0  }
0x5e: {  	[sflag:s0] =	ssyncadd.s32 $0xFFFFC000  }
0x5f: {  	[tilespmem:s23], [sflag:$0x1] =	stream.indirect.gather [hbm4b:s2+s19], $0x80, s30, s19, $0xb8;
	[tilespmem:$0x8880] =	vst v63  }
0x60: {  	_ = 	snop  }
0x61: {  	[hbm4b:s11+s3] =	stream.linear.scatter [tilespmem:s20], [sflag:$0x2], $0x4000, $0x38;
	[tilespmem:$0x8880] =	vst v63  }
0x62: {  	_ =	swait.ge [sflag:s22], $0x4000  }
0x63: {  	[sflag:s22] =	ssyncset.done $0x0  }
0x64: {  	[sflag:s22] =	ssyncadd.s32 $0xFFFFC000  }
0x65: {  	_ =	swait.ge [sflag:s0], $0x4000  }
0x66: {  	[sflag:s0] =	ssyncset.done $0x0  }
0x67: {  	[sflag:s0] =	ssyncadd.s32 $0xFFFFC000  }
0x68: {  	[tilespmem:s20], [sflag:$0x1] =	stream.indirect.gather [hbm4b:s2+s19], $0x80, s31, s19, $0xb8;
	[tilespmem:$0x8880] =	vst v63  }
.Ltmp3:
0x69: {  	_ = 	snop;
	(pc) =	sbr.rel .LBB2_4-.Ltmp3, $4  }
0x6a: {  	[hbm4b:s12+s3] =	stream.linear.scatter [tilespmem:s23], [sflag:$0x2], $0x4000, $0x38;
	[tilespmem:$0x8880] =	vst v63  }
0x6b: {  	_ =	swait.ge [sflag:s22], $0x4000  }
0x6c: {  	[sflag:s22] =	ssyncset.done $0x0  }
0x6d: {  	s13 =	smov.u32 s1;
	[sflag:s22] =	ssyncadd.s32 $0xFFFFC000  }
.LBB2_5:
0x6e: {  	_ =	sfence.sel $0x180000  }
0x6f: {  	[bflag:$0x0] =	sbarrier.arrive $0xFFFF  }
0x70: {  	_ =	strace $0x9000004A  }
0x71: {  	s0 =	stileid.u32;
	[bflag:$0x2] =	sbarrier.arrive $0xFFFF  }
0x72: {  	p0 =	sne.s32 s0, $0x0;
	s0 =	rddreg [dreg:$0x2]  }
0x73: {  	s0 =	sadd.s32 @!p0 $0x100000, s0  }
0x74: {  	[sflag:s0] =	ssyncadd.tile.s32 @!p0 $0x1;
	_ =	shalt  }
.Lfunc_end2:
_tile_overlayer_lowered:
.L_overlay_start_2:
0x75: {  	(tag) =	ssettag $0x2  }
0x76: {  	s0 =	rddreg [dreg:$0x0];
	s2 =	stileid.u32  }
0x77: {  	s1 =	rddreg [dreg:$0x1];
	p0 =	sne.s32 s2, $0x0  }
0x78: {  	s3 =	rddreg [dreg:$0x2];
	[bflag:$0x3] =	sbarrier.arrive $0xFFFF;
	s2 =	simm.s32 @!p0 $0x1C03  }
0x79: {  	[timem:s3], [sflag:s2] =	dma.local @!p0 [hbm:s0], s1  }
0x7a: {  	s0 =	simm.s32 @!p0 $0x3  }
0x7b: {  	_ =	swait.ge @!p0 [sflag:s0], s1  }
0x7c: {  	s1 =	ssub.s32 @!p0 $0x0, s1;
	[sflag:s0] =	ssyncset.done @!p0 $0x0  }
0x7d: {  	[sflag:s0] =	ssyncadd.s32 @!p0 s1  }
0x7e: {  	[bflag:$0x3] =	sbarrier.arrive $0xFFFF  }
0x7f: {  	_ =	shalt  }

// kernel: kernel.15.cloned.1.call-start
scs
__scs_entry_jumppad:
0x0: {  	(pc) =	sbr.rel $0x88, $3  }
0x1: {  	(tag) =	ssettag $0x0;
	lr =	simm.s32 $0x1  }
0x2: {  	[smem:$0x3F96] =	sst lr;
	_ =	strace $0xD0000000  }
0x3: {  	_ = 	snop  }
0x4: {  	_ = 	snop  }
0x5: {  	_ = 	snop  }
0x6: {  	_ = 	snop  }
0x7: {  	_ = 	snop  }
__scs_overlays_trampoline_lowered:
0x8: {  	[smem:$0x3FA5] =	sst s0  }
0x9: {  	[smem:$0x3FA6] =	sst s1  }
0xa: {  	[smem:$0x3FA7] =	sst s2  }
0xb: {  	[smem:$0x3FA8] =	sst s3  }
0xc: {  	[smem:$0x3FA9] =	sst s4  }
0xd: {  	[smem:$0x3FAA] =	sst s5  }
0xe: {  	[smem:$0x3FAB] =	sst s6  }
0xf: {  	[smem:$0x3FAC] =	sst s7  }
0x10: {  	[smem:$0x3FAD] =	sst s8  }
0x11: {  	[smem:$0x3FAE] =	sst s9;
	s0 =	simm.s32 @!p0 $0x0  }
0x12: {  	s1 =	sld [smem:$0x3F94];
	s0 =	simm.s32 @p0 $0x1  }
0x13: {  	[smem:$0x3FAF] =	sst s0;
	s0 =	simm.s32 @!p1 $0x0  }
0x14: {  	s2 =	sld [smem:$0x3F93];
	s0 =	simm.s32 @p1 $0x1  }
0x15: {  	[smem:$0x3FB0] =	sst s0;
	s0 =	simm.s32 @!p2 $0x0  }
0x16: {  	s3 =	sld [smem:$0x3FDB];
	s0 =	simm.s32 @p2 $0x1  }
0x17: {  	s4 =	simm.s32 $0x1BF5;
	[smem:$0x3FB2] =	sst s0  }
0x18: {  	s0 =	sld [smem:$0x3F95];
	_ =	swait.ge [sflag:s4], $0x0  }
0x19: {  	s7 =	sld [smem:$0x3F96]  }
0x1a: {  	s8 =	sadd.s32 $0xFFFFE003, lr  }
0x1b: {  	s9 =	sadd.s32 $0xFFFFFEF7, lr;
	s5 =	simm.s32 $0xFFFFFFFF;
	p2 =	slt.u32 s8, $0xFFFFF086  }
0x1c: {  	p1 =	slt.u32 s9, $0xF7A;
	s5 =	simm.s32 @!p2 $0x0  }
0x1d: {  	s5 =	simm.s32 @p1 $0x1;
	p0 =	seq.s32 s7, s2  }
0x1e: {  	s7 =	smul.u32 @!p0 $0xF7A, s2;
	p2 =	seq.s32 @!p0 s5, $0x0  }
0x1f: {  	s9 =	smul.u32 $0xF7A, s1;
	s8 =	simm.s32 @!p0 $0x1BF5;
	p2 =	por !p2, p0  }
0x20: {  	[sflag:s8] =	ssyncset.s32 @!p0 $0xFFFFF086;
	s6 =	sadd.s32 @!p0 s3, s7;
	s7 =	simm.s32 @!p0 $0x108  }
0x21: {  	s3 =	sadd.s32 s3, s9;
	s6 =	sadd.s32 @!p0 $0x88, s6;
	s7 =	simm.s32 @p2 $0x1082  }
0x22: {  	[simem:s7], [sflag:s8] =	dma.local @!p0 [hbm:s6], $0xF7A  }
0x23: {  	s9 =	sor.u32 $0xD0000000, s2;
	s6 =	simm.s32 $0x108;
	_ =	swait.ge @!p0 [sflag:s8], $0x0  }
0x24: {  	s3 =	sadd.s32 $0x88, s3;
	s6 =	simm.s32 @!p1 $0x1082;
	[sflag:s4] =	ssyncset.s32 $0xFFFFF086  }
0x25: {  	[simem:s6], [sflag:s4] =	dma.local [hbm:s3], $0xF7A  }
0x26: {  	[smem:$0x3F96] =	sst s1;
	(tag) =	ssettag s2;
	_ =	strace s9  }
0x27: {  	s1 =	sld [smem:$0x3FA6]  }
0x28: {  	s2 =	sld [smem:$0x3FA7]  }
0x29: {  	s4 =	sld [smem:$0x3FA9]  }
0x2a: {  	p0 =	seq.s32 s5, $0x0;
	s5 =	sld [smem:$0x3FAA]  }
0x2b: {  	s6 =	sld [smem:$0x3FAB]  }
0x2c: {  	s7 =	sld [smem:$0x3FAC]  }
0x2d: {  	s3 =	simm.s32 $0x108;
	s8 =	sld [smem:$0x3FAD]  }
0x2e: {  	s3 =	simm.s32 @!p0 $0x1082;
	s9 =	sld [smem:$0x3FAE]  }
0x2f: {  	lr =	sadd.s32 s0, s3;
	s0 =	sld [smem:$0x3FA5]  }
0x30: {  	s3 =	sld [smem:$0x3FA8]  }
0x31: {  	[smem:$0x3FB1] =	sst s10  }
0x32: {  	s10 =	sld [smem:$0x3FAF];
	_ =	sdelay $0x3  }
0x33: {  	p0 =	seq.s32 s10, $0x1;
	s10 =	sld [smem:$0x3FB1];
	_ =	sdelay $0x3  }
0x34: {  	[smem:$0x3FB1] =	sst s10  }
0x35: {  	s10 =	sld [smem:$0x3FB0];
	_ =	sdelay $0x3  }
0x36: {  	p1 =	seq.s32 s10, $0x1;
	s10 =	sld [smem:$0x3FB1];
	_ =	sdelay $0x3  }
0x37: {  	[smem:$0x3FB1] =	sst s10  }
0x38: {  	s10 =	sld [smem:$0x3FB2]  }
0x39: {  	_ = 	snop;
	(pc) =	sbr.ind lr, $3  }
0x3a: {  	_ = 	snop  }
0x3b: {  	_ = 	snop  }
0x3c: {  	p2 =	seq.s32 s10, $0x1;
	s10 =	sld [smem:$0x3FB1]  }
0x3d: {  	_ =	shalt  }
0x3e: {  	_ =	shalt  }
0x3f: {  	_ =	shalt  }
0x40: {  	_ =	shalt  }
0x41: {  	_ =	shalt  }
0x42: {  	_ =	shalt  }
0x43: {  	_ =	shalt  }
0x44: {  	_ =	shalt  }
0x45: {  	_ =	shalt  }
0x46: {  	_ =	shalt  }
0x47: {  	_ =	shalt  }
0x48: {  	_ =	shalt  }
0x49: {  	_ =	shalt  }
0x4a: {  	_ =	shalt  }
0x4b: {  	_ =	shalt  }
0x4c: {  	_ =	shalt  }
0x4d: {  	_ =	shalt  }
0x4e: {  	_ =	shalt  }
0x4f: {  	_ =	shalt  }
0x50: {  	_ =	shalt  }
0x51: {  	_ =	shalt  }
0x52: {  	_ =	shalt  }
0x53: {  	_ =	shalt  }
0x54: {  	_ =	shalt  }
0x55: {  	_ =	shalt  }
0x56: {  	_ =	shalt  }
0x57: {  	_ =	shalt  }
0x58: {  	_ =	shalt  }
0x59: {  	_ =	shalt  }
0x5a: {  	_ =	shalt  }
0x5b: {  	_ =	shalt  }
0x5c: {  	_ =	shalt  }
0x5d: {  	_ =	shalt  }
0x5e: {  	_ =	shalt  }
0x5f: {  	_ =	shalt  }
0x60: {  	_ =	shalt  }
0x61: {  	_ =	shalt  }
0x62: {  	_ =	shalt  }
0x63: {  	_ =	shalt  }
0x64: {  	_ =	shalt  }
0x65: {  	_ =	shalt  }
0x66: {  	_ =	shalt  }
0x67: {  	_ =	shalt  }
0x68: {  	_ =	shalt  }
0x69: {  	_ =	shalt  }
0x6a: {  	_ =	shalt  }
0x6b: {  	_ =	shalt  }
0x6c: {  	_ =	shalt  }
0x6d: {  	_ =	shalt  }
0x6e: {  	_ =	shalt  }
0x6f: {  	_ =	shalt  }
0x70: {  	_ =	shalt  }
0x71: {  	_ =	shalt  }
0x72: {  	_ =	shalt  }
0x73: {  	_ =	shalt  }
0x74: {  	_ =	shalt  }
0x75: {  	_ =	shalt  }
0x76: {  	_ =	shalt  }
0x77: {  	_ =	shalt  }
0x78: {  	_ =	shalt  }
0x79: {  	_ =	shalt  }
0x7a: {  	_ =	shalt  }
0x7b: {  	_ =	shalt  }
0x7c: {  	_ =	shalt  }
0x7d: {  	_ =	shalt  }
0x7e: {  	_ =	shalt  }
0x7f: {  	_ =	shalt  }
0x80: {  	_ =	shalt  }
0x81: {  	_ =	shalt  }
0x82: {  	_ =	shalt  }
0x83: {  	_ =	shalt  }
0x84: {  	_ =	shalt  }
0x85: {  	_ =	shalt  }
0x86: {  	_ =	shalt  }
0x87: {  	_ =	shalt  }
.Lfunc_end0:
.L_simem_size_0:
called_computation.2_lowered:
.L_overlay_start_0:
0x88: {  	s2 =	sld [smem:$0x3FD9]  }
0x89: {  	s3 =	sld [smem:$0x3FFE];
	_ =	sdelay $0x1  }
0x8a: {  	s1 =	srdreg.scid  }
0x8b: {  	s0 =	sand.u32 $0x1, s1  }
0x8c: {  	s17 =	sshll.u32 s0, $0xA;
	s2 =	sadd.s32 s3, s2  }
0x8d: {  	s2 =	sadd.s32 s2, s17  }
0x8e: {  	[smem:$0x3FBD] =	sst s2  }
0x8f: {  	_ = 	snop  }
0x90: {  	s18 =	sld [smem:$0x3FD0];
	(tm) =	ssettm $0x1  }
0x91: {  	s19 =	sld [smem:$0x3FFB];
	_ =	sdelay $0x3  }
0x92: {  	_ =	strace s19  }
0x93: {  	s2 =	sld [smem:$0x3FFC];
	_ =	sdelay $0x3  }
0x94: {  	_ =	strace s2  }
0x95: {  	s2 =	sld [smem:$0x3FFD];
	_ =	sdelay $0x3  }
0x96: {  	_ =	strace s2  }
0x97: {  	_ =	strace $0x8FFFFFFF  }
0x98: {  	s20 =	sld [smem:$0x3FDB];
	_ =	sdelay $0x1  }
0x99: {  	s4 =	simm.s32 $_scs_section_size  }
0x9a: {  	s5 =	simm.s32 $_size__tile_overlayer_lowered;
	s6 =	simm.s32 $_tile_overlayer_lowered  }
0x9b: {  	s7 =	simm.s32 $0x1BFF;
	s21 =	sshll.u32 s6, $0x1;
	s4 =	sadd.s32 s4, s20  }
0x9c: {  	s22 =	simm.s32 $0x0;
	s5 =	sshll.u32 s5, $0x1;
	s6 =	sadd.s32 s21, s4  }
0x9d: {  	[timem:s22], [sflag:s7] =	dma.local [hbm:s6], s5  }
0x9e: {  	_ =	swait.ge [sflag:s7], s5  }
0x9f: {  	s5 =	ssub.s32 $0x0, s5;
	[sflag:s7] =	ssyncset.done $0x0  }
0xa0: {  	[sflag:s7] =	ssyncadd.s32 s5;
	_ =	sdelay $0x1  }
0xa1: {  	s23 =	simm.s32 $0x1B8B  }
0xa2: {  	_ =	swait.ge [sflag:s23], $0x1  }
0xa3: {  	[sflag:s23] =	ssyncset.done $0x0  }
0xa4: {  	[sflag:s23] =	ssyncadd.s32 $0xFFFFFFFF  }
0xa5: {  	s5 =	sld [smem:$0x0]  }
0xa6: {  	s6 =	sand.u32 $0xFFFFFFFE, s1  }
0xa7: {  	p0 =	sne.s32 s1, s6  }
0xa8: {  	s6 =	sshll.u32 @p0 s6, $0xE  }
0xa9: {  	s6 =	sadd.s32 @p0 $0x11B8D, s6;
	s7 =	sshll.u32 @p0 s5, $0x11  }
0xaa: {  	s6 =	sor.u32 @p0 s7, s6  }
0xab: {  	[sflag:s6] =	ssyncadd.remote.s32 @p0 $0x1;
	_ =	sdelay $0x1  }
0xac: {  	s6 =	simm.s32 @p0 $0x1B8D  }
0xad: {  	_ =	swait.eq @p0 [sflag:s6], $0x1  }
0xae: {  	[sflag:s6] =	ssyncadd.s32 @p0 $0xFFFFFFFF  }
0xaf: {  	s7 =	sshll.u32 @!p0 s1, $0xE  }
0xb0: {  	s7 =	sor.u32 @!p0 $0x4000, s7;
	s6 =	simm.s32 @!p0 $0x1B8D  }
0xb1: {  	s5 =	sshll.u32 @!p0 s5, $0x11;
	s7 =	sadd.s32 @!p0 $0x11B8D, s7;
	_ =	swait.eq @!p0 [sflag:s6], $0x1  }
0xb2: {  	s5 =	sor.u32 @!p0 s5, s7;
	[sflag:s6] =	ssyncadd.s32 @!p0 $0xFFFFFFFF  }
0xb3: {  	s25 =	simm.s32 $0x1B8E;
	s24 =	sld [smem:$0x3FFE];
	[sflag:s5] =	ssyncadd.remote.s32 @!p0 $0x1  }
0xb4: {  	s26 =	simm.s32 $execute0_lowered;
	[smem:$0x3FD2] =	sst s25  }
0xb5: {  	s6 =	sshll.u32 s26, $0x1;
	_ =	strace $0x8000004C;
	[dreg:$0x1] =	wrdreg $0xFFFFFFFF  }
0xb6: {  	s28 =	simm.s32 $_size_execute0_lowered;
	s4 =	sadd.s32 s4, s6;
	[dreg:$0x0] =	wrdreg $0x0  }
0xb7: {  	s6 =	sshll.u32 s28, $0x1;
	[dreg:$0x2] =	wrdreg s4  }
0xb8: {  	[dreg:$0x3] =	wrdreg s6  }
0xb9: {  	[dreg:$0x4] =	wrdreg $0xC0  }
0xba: {  	_ =	task [dreg:s22], $0x5FFFF  }
0xbb: {  	[dreg:$0x1] =	wrdreg $0xFFFFFFFF  }
0xbc: {  	[dreg:$0x0] =	wrdreg $0x60  }
0xbd: {  	[dreg:$0x2] =	wrdreg s18  }
0xbe: {  	[dreg:$0x3] =	wrdreg s24  }
0xbf: {  	[dreg:$0x4] =	wrdreg $0x84000  }
0xc0: {  	[dreg:$0x5] =	wrdreg $0xA  }
0xc1: {  	_ =	task.clear_ibuf [dreg:s22], $0x6FFFF;
	_ =	strace $0x9000004C  }
0xc2: {  	s29 =	simm.s32 $0xA;
	_ =	strace $0x8000004E  }
0xc3: {  	_ =	swait.ge [sflag:s29], $0x1  }
0xc4: {  	[sflag:s29] =	ssyncadd.s32 $0xFFFFFFFF  }
0xc5: {  	_ =	strace $0x9000004E  }
0xc6: {  	_ =	sfence  }
0xc7: {  	s30 =	sld [smem:$0x0];
	_ =	sdelay $0x2  }
0xc8: {  	s31 =	sshll.u32 s1, $0xD;
	s1 =	sshrl.u32 s1, $0x2  }
0xc9: {  	s4 =	sand.u32 $0x4000, s31;
	s1 =	sadd.s32 s1, s30  }
0xca: {  	s0 =	sor.u32 s4, s0;
	s1 =	sshll.u32 s1, $0x11  }
0xcb: {  	s0 =	sor.u32 s1, s0  }
0xcc: {  	s0 =	sadd.s32 $0x8F2B, s0  }
0xcd: {  	[sflag:s0] =	ssyncadd.remote.s32 $0x1  }
0xce: {  	_ =	sfence.sel $0xFFFF  }
0xcf: {  	[dreg:$0x0] =	wrdreg $0xFFFFFFFF;
	(pc) =	sbr.abs _section_cstart, $3  }
0xd0: {  	[dreg:$0x1] =	wrdreg $0xFFFFFFFF  }
0xd1: {  	_ =	task.clear_ibuf [dreg:s22], $0x2FFFF;
	_ =	strace $0x9FFFFFFF  }
0xd2: {  	(tm) =	ssettm $0x7FFFFFFF  }
0xd3: {  	_ =	shalt  }
tec
execute0_lowered:
.L_overlay_start_1:
0x0: {  	(tag) =	ssettag $0x1  }
0x1: {  	s10 =	rddreg [dreg:$0x0]  }
0x2: {  	s0 =	stileid.u32;
	s22 =	rddreg [dreg:$0x1]  }
0x3: {  	s1 =	srdreg.scid;
	s2 =	rddreg [dreg:$0x2]  }
0x4: {  	s3 =	simm.s32 $0x0;
	s23 =	sand.u32 $0x1, s1;
	s21 =	smul.u32 $0x2780, s0  }
0x5: {  	s29 =	sshll.u32 s0, $0x1;
	s1 =	rddreg [dreg:$0x3];
	s5 =	smul.u32 $0x4F000, s0  }
0x6: {  	[smem:$0x7FF] =	sst s3;
	s12 =	sadd.s32 $0xA4A00, s22;
	s7 =	sshll.u32 s0, $0x6  }
0x7: {  	s11 =	sor.u32 s23, s29;
	_ =	strace $0x8000004D;
	s5 =	sshrl.u32 s5, $0x2  }
0x8: {  	s4 =	smul.u32 $0x2800, s11;
	s6 =	sadd.s32 s21, s22;
	s8 =	sadd.s32 s5, s2  }
0x9: {  	s5 =	sadd.s32 $0x2600, s6;
	s6 =	sor.u32 $0x1C02, s7;
	s7 =	simm.s32 $0x400  }
0xa: {  	s4 =	sadd.s32 s12, s4;
	s9 =	sshrl.u32 s8, $0x3;
	s8 =	simm.s32 $0x2  }
0xb: {  	[tilespmem:s7], [sflag:$0x1] =	stream.linear.gather [hbm4b:s4+s3], $0x4000, $0x38;
	[tilespmem:$0x1C000] =	vst v63  }
0xc: {  	[spmem:s9], [sflag:s6] =	dma.local [hbm:s5], $0x2780  }
0xd: {  	_ =	swait.ge [sflag:s8], $0x2780  }
0xe: {  	s13 =	sshll.u32 s11, $0x7;
	[sflag:s8] =	ssyncset.done $0x0  }
0xf: {  	s10 =	sadd.s32 s10, s13;
	[sflag:s8] =	ssyncadd.s32 $0xFFFFD880  }
0x10: {  	[tilespmem:s3], [sflag:$0x2] =	stream.linear.gather [hbm4b:s10+s3], $0x280, $0x38;
	[tilespmem:$0x1C000] =	vst v63  }
0x11: {  	_ =	swait.ge [sflag:s8], $0x280  }
0x12: {  	[sflag:s8] =	ssyncset.done $0x0  }
0x13: {  	s30 =	smul.u32 $0x14000, s11;
	[sflag:s8] =	ssyncadd.s32 $0xFFFFFD80  }
0x14: {  	s11 =	simm.s32 $0x1;
	[bflag:$0x0] =	sbarrier.arrive $0xFFFF  }
0x15: {  	s13 =	sshrl.u32 s30, $0x3;
	_ =	swait.ge [sflag:s11], $0x4000  }
0x16: {  	s18 =	sadd.s32 s12, s13;
	[sflag:s11] =	ssyncset.done $0x0  }
0x17: {  	s13 =	simm.s32 $0x4400;
	s12 =	sadd.s32 $0x800, s18;
	[sflag:s11] =	ssyncadd.s32 $0xFFFFC000  }
0x18: {  	[tilespmem:s13], [sflag:$0x1] =	stream.linear.gather [hbm4b:s12+s3], $0x4000, $0x38;
	[tilespmem:$0x1C000] =	vst v63  }
0x19: {  	s14 =	simm.s32 $0x80  }
0x1a: {  	[spmem:s2] =	stream.indirect.scatter.add.f32 [tilespmem:s7], [sflag:$0x2], $0x80, s3, s14, $0xb8;
	[tilespmem:$0x1C000] =	vst v63  }
0x1b: {  	_ =	swait.ge [sflag:s8], $0x4000  }
0x1c: {  	[sflag:s8] =	ssyncset.done $0x0  }
0x1d: {  	[sflag:s8] =	ssyncadd.s32 $0xFFFFC000  }
0x1e: {  	_ =	swait.ge [sflag:s11], $0x4000  }
0x1f: {  	[sflag:s11] =	ssyncset.done $0x0  }
0x20: {  	s15 =	sadd.s32 $0x1000, s18;
	[sflag:s11] =	ssyncadd.s32 $0xFFFFC000  }
0x21: {  	[tilespmem:s7], [sflag:$0x1] =	stream.linear.gather [hbm4b:s15+s3], $0x4000, $0x38;
	[tilespmem:$0x1C000] =	vst v63  }
0x22: {  	_ = 	snop  }
0x23: {  	[spmem:s2] =	stream.indirect.scatter.add.f32 [tilespmem:s13], [sflag:$0x2], $0x80, s14, s14, $0xb8;
	[tilespmem:$0x1C000] =	vst v63  }
0x24: {  	_ =	swait.ge [sflag:s8], $0x4000  }
0x25: {  	[sflag:s8] =	ssyncset.done $0x0  }
0x26: {  	[sflag:s8] =	ssyncadd.s32 $0xFFFFC000  }
0x27: {  	_ =	swait.ge [sflag:s11], $0x4000  }
0x28: {  	[sflag:s11] =	ssyncset.done $0x0  }
0x29: {  	s16 =	sadd.s32 $0x1800, s18;
	[sflag:s11] =	ssyncadd.s32 $0xFFFFC000  }
0x2a: {  	[tilespmem:s13], [sflag:$0x1] =	stream.linear.gather [hbm4b:s16+s3], $0x4000, $0x38;
	[tilespmem:$0x1C000] =	vst v63  }
0x2b: {  	s17 =	simm.s32 $0x100  }
0x2c: {  	[spmem:s2] =	stream.indirect.scatter.add.f32 [tilespmem:s7], [sflag:$0x2], $0x80, s17, s14, $0xb8;
	[tilespmem:$0x1C000] =	vst v63  }
0x2d: {  	_ =	swait.ge [sflag:s8], $0x4000  }
0x2e: {  	[sflag:s8] =	ssyncset.done $0x0  }
0x2f: {  	[sflag:s8] =	ssyncadd.s32 $0xFFFFC000  }
0x30: {  	_ =	swait.ge [sflag:s11], $0x4000  }
0x31: {  	[sflag:s11] =	ssyncset.done $0x0  }
0x32: {  	s18 =	sadd.s32 $0x2000, s18;
	[sflag:s11] =	ssyncadd.s32 $0xFFFFC000  }
0x33: {  	[tilespmem:s7], [sflag:$0x1] =	stream.linear.gather [hbm4b:s18+s3], $0x4000, $0x38;
	[tilespmem:$0x1C000] =	vst v63  }
0x34: {  	s19 =	simm.s32 $0x180  }
0x35: {  	[spmem:s2] =	stream.indirect.scatter.add.f32 [tilespmem:s13], [sflag:$0x2], $0x80, s19, s14, $0xb8;
	[tilespmem:$0x1C000] =	vst v63  }
0x36: {  	_ =	swait.ge [sflag:s8], $0x4000  }
0x37: {  	[sflag:s8] =	ssyncset.done $0x0  }
0x38: {  	[sflag:s8] =	ssyncadd.s32 $0xFFFFC000  }
0x39: {  	s24 =	smul.u32 $0x27800, s23;
	s23 =	ssub.s32 $0x2, s23;
	_ =	swait.ge [sflag:s11], $0x4000  }
0x3a: {  	s31 =	sshrl.u32 s23, $0x1;
	[sflag:s11] =	ssyncset.done $0x0  }
0x3b: {  	s20 =	simm.s32 $0x200;
	s23 =	ssub.s32 s23, s31;
	[sflag:s11] =	ssyncadd.s32 $0xFFFFC000  }
0x3c: {  	[spmem:s2] =	stream.indirect.scatter.add.f32 [tilespmem:s7], [sflag:$0x2], $0x80, s20, s14, $0xb8;
	[tilespmem:$0x1C000] =	vst v63  }
0x3d: {  	s23 =	smax.u32 s23, $0x1;
	_ =	swait.ge [sflag:s8], $0x4000  }
0x3e: {  	s22 =	sadd.s32 s24, s22;
	p0 =	sne.s32 s23, $0x1;
	[sflag:s8] =	ssyncset.done $0x0  }
.Ltmp0:
0x3f: {  	s22 =	sadd.s32 $0x144A00, s22;
	[sflag:s8] =	ssyncadd.s32 $0xFFFFC000;
	(pc) =	sbr.rel @!p0 .LBB2_2-.Ltmp0, $4  }
0x40: {  	s21 =	sadd.s32 s21, s22;
	[bflag:$0x0] =	sbarrier.arrive $0xFFFF  }
0x41: {  	[hbm:s21], [sflag:s6] =	dma.local [spmem:s9], $0x2780  }
0x42: {  	_ =	swait.ge [sflag:s8], $0x2780  }
0x43: {  	s22 =	sadd.s32 $0xFFFFFFFF, s23;
	[sflag:s8] =	ssyncset.done $0x0  }
.LBB2_1:
0x44: {  	p0 =	sne.s32 s22, $0x1;
	s22 =	sadd.s32 $0xFFFFFFFF, s22;
	[sflag:s8] =	ssyncadd.s32 $0xFFFFD880  }
0x45: {  	[tilespmem:s7], [sflag:$0x1] =	stream.linear.gather [hbm4b:s4+s3], $0x4000, $0x38;
	[tilespmem:$0x1C000] =	vst v63  }
0x46: {  	[spmem:s9], [sflag:s6] =	dma.local [hbm:s5], $0x2780  }
0x47: {  	_ =	swait.ge [sflag:s8], $0x2780  }
0x48: {  	[sflag:s8] =	ssyncset.done $0x0  }
0x49: {  	[sflag:s8] =	ssyncadd.s32 $0xFFFFD880  }
0x4a: {  	[tilespmem:s3], [sflag:$0x2] =	stream.linear.gather [hbm4b:s10+s3], $0x280, $0x38;
	[tilespmem:$0x1C000] =	vst v63  }
0x4b: {  	_ =	swait.ge [sflag:s8], $0x280  }
0x4c: {  	[sflag:s8] =	ssyncset.done $0x0  }
0x4d: {  	[sflag:s8] =	ssyncadd.s32 $0xFFFFFD80  }
0x4e: {  	[bflag:$0x0] =	sbarrier.arrive $0xFFFF  }
0x4f: {  	_ =	swait.ge [sflag:s11], $0x4000  }
0x50: {  	[sflag:s11] =	ssyncset.done $0x0  }
0x51: {  	[sflag:s11] =	ssyncadd.s32 $0xFFFFC000  }
0x52: {  	[tilespmem:s13], [sflag:$0x1] =	stream.linear.gather [hbm4b:s12+s3], $0x4000, $0x38;
	[tilespmem:$0x1C000] =	vst v63  }
0x53: {  	_ = 	snop  }
0x54: {  	[spmem:s2] =	stream.indirect.scatter.add.f32 [tilespmem:s7], [sflag:$0x2], $0x80, s3, s14, $0xb8;
	[tilespmem:$0x1C000] =	vst v63  }
0x55: {  	_ =	swait.ge [sflag:s8], $0x4000  }
0x56: {  	[sflag:s8] =	ssyncset.done $0x0  }
0x57: {  	[sflag:s8] =	ssyncadd.s32 $0xFFFFC000  }
0x58: {  	_ =	swait.ge [sflag:s11], $0x4000  }
0x59: {  	[sflag:s11] =	ssyncset.done $0x0  }
0x5a: {  	[sflag:s11] =	ssyncadd.s32 $0xFFFFC000  }
0x5b: {  	[tilespmem:s7], [sflag:$0x1] =	stream.linear.gather [hbm4b:s15+s3], $0x4000, $0x38;
	[tilespmem:$0x1C000] =	vst v63  }
0x5c: {  	_ = 	snop  }
0x5d: {  	[spmem:s2] =	stream.indirect.scatter.add.f32 [tilespmem:s13], [sflag:$0x2], $0x80, s14, s14, $0xb8;
	[tilespmem:$0x1C000] =	vst v63  }
0x5e: {  	_ =	swait.ge [sflag:s8], $0x4000  }
0x5f: {  	[sflag:s8] =	ssyncset.done $0x0  }
0x60: {  	[sflag:s8] =	ssyncadd.s32 $0xFFFFC000  }
0x61: {  	_ =	swait.ge [sflag:s11], $0x4000  }
0x62: {  	[sflag:s11] =	ssyncset.done $0x0  }
0x63: {  	[sflag:s11] =	ssyncadd.s32 $0xFFFFC000  }
0x64: {  	[tilespmem:s13], [sflag:$0x1] =	stream.linear.gather [hbm4b:s16+s3], $0x4000, $0x38;
	[tilespmem:$0x1C000] =	vst v63  }
0x65: {  	_ = 	snop  }
0x66: {  	[spmem:s2] =	stream.indirect.scatter.add.f32 [tilespmem:s7], [sflag:$0x2], $0x80, s17, s14, $0xb8;
	[tilespmem:$0x1C000] =	vst v63  }
0x67: {  	_ =	swait.ge [sflag:s8], $0x4000  }
0x68: {  	[sflag:s8] =	ssyncset.done $0x0  }
0x69: {  	[sflag:s8] =	ssyncadd.s32 $0xFFFFC000  }
0x6a: {  	_ =	swait.ge [sflag:s11], $0x4000  }
0x6b: {  	[sflag:s11] =	ssyncset.done $0x0  }
0x6c: {  	[sflag:s11] =	ssyncadd.s32 $0xFFFFC000  }
0x6d: {  	[tilespmem:s7], [sflag:$0x1] =	stream.linear.gather [hbm4b:s18+s3], $0x4000, $0x38;
	[tilespmem:$0x1C000] =	vst v63  }
0x6e: {  	_ = 	snop  }
0x6f: {  	[spmem:s2] =	stream.indirect.scatter.add.f32 [tilespmem:s13], [sflag:$0x2], $0x80, s19, s14, $0xb8;
	[tilespmem:$0x1C000] =	vst v63  }
0x70: {  	_ =	swait.ge [sflag:s8], $0x4000  }
0x71: {  	[sflag:s8] =	ssyncset.done $0x0  }
0x72: {  	[sflag:s8] =	ssyncadd.s32 $0xFFFFC000  }
0x73: {  	_ =	swait.ge [sflag:s11], $0x4000  }
0x74: {  	[sflag:s11] =	ssyncset.done $0x0  }
0x75: {  	[sflag:s11] =	ssyncadd.s32 $0xFFFFC000  }
0x76: {  	[spmem:s2] =	stream.indirect.scatter.add.f32 [tilespmem:s7], [sflag:$0x2], $0x80, s20, s14, $0xb8;
	[tilespmem:$0x1C000] =	vst v63  }
0x77: {  	_ =	swait.ge [sflag:s8], $0x4000  }
0x78: {  	[sflag:s8] =	ssyncset.done $0x0  }
.Ltmp1:
0x79: {  	[sflag:s8] =	ssyncadd.s32 $0xFFFFC000;
	(pc) =	sbr.rel @p0 .LBB2_1-.Ltmp1, $4  }
0x7a: {  	[bflag:$0x0] =	sbarrier.arrive $0xFFFF  }
0x7b: {  	[hbm:s21], [sflag:s6] =	dma.local [spmem:s9], $0x2780  }
0x7c: {  	_ =	swait.ge [sflag:s8], $0x2780  }
0x7d: {  	[sflag:s8] =	ssyncset.done $0x0  }
.LBB2_2:
0x7e: {  	[sflag:s8] =	ssyncadd.s32 $0xFFFFD880  }
0x7f: {  	_ =	sfence.sel $0x180000  }
0x80: {  	[bflag:$0x0] =	sbarrier.arrive $0xFFFF  }
0x81: {  	p0 =	sne.s32 s0, $0x0;
	_ =	strace $0x9000004D  }
0x82: {  	s0 =	sadd.s32 @!p0 $0x100000, s1;
	[bflag:$0x2] =	sbarrier.arrive $0xFFFF  }
0x83: {  	[sflag:s0] =	ssyncadd.tile.s32 @!p0 $0x1;
	_ =	shalt  }
.Lfunc_end2:
_tile_overlayer_lowered:
.L_overlay_start_2:
0x84: {  	(tag) =	ssettag $0x2  }
0x85: {  	s0 =	rddreg [dreg:$0x0];
	s2 =	stileid.u32  }
0x86: {  	s1 =	rddreg [dreg:$0x1];
	p0 =	sne.s32 s2, $0x0  }
0x87: {  	s3 =	rddreg [dreg:$0x2];
	[bflag:$0x3] =	sbarrier.arrive $0xFFFF;
	s2 =	simm.s32 @!p0 $0x1C02  }
0x88: {  	[timem:s3], [sflag:s2] =	dma.local @!p0 [hbm:s0], s1  }
0x89: {  	s0 =	simm.s32 @!p0 $0x2  }
0x8a: {  	_ =	swait.ge @!p0 [sflag:s0], s1  }
0x8b: {  	s1 =	ssub.s32 @!p0 $0x0, s1;
	[sflag:s0] =	ssyncset.done @!p0 $0x0  }
0x8c: {  	[sflag:s0] =	ssyncadd.s32 @!p0 s1  }
0x8d: {  	[bflag:$0x3] =	sbarrier.arrive $0xFFFF  }
0x8e: {  	_ =	shalt  }

// kernel: kernel.18.cloned.1.call-start
scs
__scs_entry_jumppad:
0x0: {  	(pc) =	sbr.rel $0x88, $3  }
0x1: {  	(tag) =	ssettag $0x0;
	lr =	simm.s32 $0x1  }
0x2: {  	[smem:$0x3F96] =	sst lr;
	_ =	strace $0xD0000000  }
0x3: {  	_ = 	snop  }
0x4: {  	_ = 	snop  }
0x5: {  	_ = 	snop  }
0x6: {  	_ = 	snop  }
0x7: {  	_ = 	snop  }
__scs_overlays_trampoline_lowered:
0x8: {  	[smem:$0x3FA5] =	sst s0  }
0x9: {  	[smem:$0x3FA6] =	sst s1  }
0xa: {  	[smem:$0x3FA7] =	sst s2  }
0xb: {  	[smem:$0x3FA8] =	sst s3  }
0xc: {  	[smem:$0x3FA9] =	sst s4  }
0xd: {  	[smem:$0x3FAA] =	sst s5  }
0xe: {  	[smem:$0x3FAB] =	sst s6  }
0xf: {  	[smem:$0x3FAC] =	sst s7  }
0x10: {  	[smem:$0x3FAD] =	sst s8  }
0x11: {  	[smem:$0x3FAE] =	sst s9;
	s0 =	simm.s32 @!p0 $0x0  }
0x12: {  	s1 =	sld [smem:$0x3F94];
	s0 =	simm.s32 @p0 $0x1  }
0x13: {  	[smem:$0x3FAF] =	sst s0;
	s0 =	simm.s32 @!p1 $0x0  }
0x14: {  	s2 =	sld [smem:$0x3F93];
	s0 =	simm.s32 @p1 $0x1  }
0x15: {  	[smem:$0x3FB0] =	sst s0;
	s0 =	simm.s32 @!p2 $0x0  }
0x16: {  	s3 =	sld [smem:$0x3FDB];
	s0 =	simm.s32 @p2 $0x1  }
0x17: {  	s4 =	simm.s32 $0x1BF5;
	[smem:$0x3FB2] =	sst s0  }
0x18: {  	s0 =	sld [smem:$0x3F95];
	_ =	swait.ge [sflag:s4], $0x0  }
0x19: {  	s7 =	sld [smem:$0x3F96]  }
0x1a: {  	s8 =	sadd.s32 $0xFFFFE003, lr  }
0x1b: {  	s9 =	sadd.s32 $0xFFFFFEF7, lr;
	s5 =	simm.s32 $0xFFFFFFFF;
	p2 =	slt.u32 s8, $0xFFFFF086  }
0x1c: {  	p1 =	slt.u32 s9, $0xF7A;
	s5 =	simm.s32 @!p2 $0x0  }
0x1d: {  	s5 =	simm.s32 @p1 $0x1;
	p0 =	seq.s32 s7, s2  }
0x1e: {  	s7 =	smul.u32 @!p0 $0xF7A, s2;
	p2 =	seq.s32 @!p0 s5, $0x0  }
0x1f: {  	s9 =	smul.u32 $0xF7A, s1;
	s8 =	simm.s32 @!p0 $0x1BF5;
	p2 =	por !p2, p0  }
0x20: {  	[sflag:s8] =	ssyncset.s32 @!p0 $0xFFFFF086;
	s6 =	sadd.s32 @!p0 s3, s7;
	s7 =	simm.s32 @!p0 $0x108  }
0x21: {  	s3 =	sadd.s32 s3, s9;
	s6 =	sadd.s32 @!p0 $0x88, s6;
	s7 =	simm.s32 @p2 $0x1082  }
0x22: {  	[simem:s7], [sflag:s8] =	dma.local @!p0 [hbm:s6], $0xF7A  }
0x23: {  	s9 =	sor.u32 $0xD0000000, s2;
	s6 =	simm.s32 $0x108;
	_ =	swait.ge @!p0 [sflag:s8], $0x0  }
0x24: {  	s3 =	sadd.s32 $0x88, s3;
	s6 =	simm.s32 @!p1 $0x1082;
	[sflag:s4] =	ssyncset.s32 $0xFFFFF086  }
0x25: {  	[simem:s6], [sflag:s4] =	dma.local [hbm:s3], $0xF7A  }
0x26: {  	[smem:$0x3F96] =	sst s1;
	(tag) =	ssettag s2;
	_ =	strace s9  }
0x27: {  	s1 =	sld [smem:$0x3FA6]  }
0x28: {  	s2 =	sld [smem:$0x3FA7]  }
0x29: {  	s4 =	sld [smem:$0x3FA9]  }
0x2a: {  	p0 =	seq.s32 s5, $0x0;
	s5 =	sld [smem:$0x3FAA]  }
0x2b: {  	s6 =	sld [smem:$0x3FAB]  }
0x2c: {  	s7 =	sld [smem:$0x3FAC]  }
0x2d: {  	s3 =	simm.s32 $0x108;
	s8 =	sld [smem:$0x3FAD]  }
0x2e: {  	s3 =	simm.s32 @!p0 $0x1082;
	s9 =	sld [smem:$0x3FAE]  }
0x2f: {  	lr =	sadd.s32 s0, s3;
	s0 =	sld [smem:$0x3FA5]  }
0x30: {  	s3 =	sld [smem:$0x3FA8]  }
0x31: {  	[smem:$0x3FB1] =	sst s10  }
0x32: {  	s10 =	sld [smem:$0x3FAF];
	_ =	sdelay $0x3  }
0x33: {  	p0 =	seq.s32 s10, $0x1;
	s10 =	sld [smem:$0x3FB1];
	_ =	sdelay $0x3  }
0x34: {  	[smem:$0x3FB1] =	sst s10  }
0x35: {  	s10 =	sld [smem:$0x3FB0];
	_ =	sdelay $0x3  }
0x36: {  	p1 =	seq.s32 s10, $0x1;
	s10 =	sld [smem:$0x3FB1];
	_ =	sdelay $0x3  }
0x37: {  	[smem:$0x3FB1] =	sst s10  }
0x38: {  	s10 =	sld [smem:$0x3FB2]  }
0x39: {  	_ = 	snop;
	(pc) =	sbr.ind lr, $3  }
0x3a: {  	_ = 	snop  }
0x3b: {  	_ = 	snop  }
0x3c: {  	p2 =	seq.s32 s10, $0x1;
	s10 =	sld [smem:$0x3FB1]  }
0x3d: {  	_ =	shalt  }
0x3e: {  	_ =	shalt  }
0x3f: {  	_ =	shalt  }
0x40: {  	_ =	shalt  }
0x41: {  	_ =	shalt  }
0x42: {  	_ =	shalt  }
0x43: {  	_ =	shalt  }
0x44: {  	_ =	shalt  }
0x45: {  	_ =	shalt  }
0x46: {  	_ =	shalt  }
0x47: {  	_ =	shalt  }
0x48: {  	_ =	shalt  }
0x49: {  	_ =	shalt  }
0x4a: {  	_ =	shalt  }
0x4b: {  	_ =	shalt  }
0x4c: {  	_ =	shalt  }
0x4d: {  	_ =	shalt  }
0x4e: {  	_ =	shalt  }
0x4f: {  	_ =	shalt  }
0x50: {  	_ =	shalt  }
0x51: {  	_ =	shalt  }
0x52: {  	_ =	shalt  }
0x53: {  	_ =	shalt  }
0x54: {  	_ =	shalt  }
0x55: {  	_ =	shalt  }
0x56: {  	_ =	shalt  }
0x57: {  	_ =	shalt  }
0x58: {  	_ =	shalt  }
0x59: {  	_ =	shalt  }
0x5a: {  	_ =	shalt  }
0x5b: {  	_ =	shalt  }
0x5c: {  	_ =	shalt  }
0x5d: {  	_ =	shalt  }
0x5e: {  	_ =	shalt  }
0x5f: {  	_ =	shalt  }
0x60: {  	_ =	shalt  }
0x61: {  	_ =	shalt  }
0x62: {  	_ =	shalt  }
0x63: {  	_ =	shalt  }
0x64: {  	_ =	shalt  }
0x65: {  	_ =	shalt  }
0x66: {  	_ =	shalt  }
0x67: {  	_ =	shalt  }
0x68: {  	_ =	shalt  }
0x69: {  	_ =	shalt  }
0x6a: {  	_ =	shalt  }
0x6b: {  	_ =	shalt  }
0x6c: {  	_ =	shalt  }
0x6d: {  	_ =	shalt  }
0x6e: {  	_ =	shalt  }
0x6f: {  	_ =	shalt  }
0x70: {  	_ =	shalt  }
0x71: {  	_ =	shalt  }
0x72: {  	_ =	shalt  }
0x73: {  	_ =	shalt  }
0x74: {  	_ =	shalt  }
0x75: {  	_ =	shalt  }
0x76: {  	_ =	shalt  }
0x77: {  	_ =	shalt  }
0x78: {  	_ =	shalt  }
0x79: {  	_ =	shalt  }
0x7a: {  	_ =	shalt  }
0x7b: {  	_ =	shalt  }
0x7c: {  	_ =	shalt  }
0x7d: {  	_ =	shalt  }
0x7e: {  	_ =	shalt  }
0x7f: {  	_ =	shalt  }
0x80: {  	_ =	shalt  }
0x81: {  	_ =	shalt  }
0x82: {  	_ =	shalt  }
0x83: {  	_ =	shalt  }
0x84: {  	_ =	shalt  }
0x85: {  	_ =	shalt  }
0x86: {  	_ =	shalt  }
0x87: {  	_ =	shalt  }
.Lfunc_end0:
.L_simem_size_0:
called_computation.3_lowered:
.L_overlay_start_0:
0x88: {  	s2 =	sld [smem:$0x3FD9]  }
0x89: {  	s3 =	sld [smem:$0x3FFE];
	_ =	sdelay $0x1  }
0x8a: {  	s1 =	srdreg.scid  }
0x8b: {  	s0 =	sand.u32 $0x1, s1  }
0x8c: {  	s17 =	sshll.u32 s0, $0xA;
	s2 =	sadd.s32 s3, s2  }
0x8d: {  	s2 =	sadd.s32 s2, s17  }
0x8e: {  	[smem:$0x3FBD] =	sst s2  }
0x8f: {  	_ = 	snop  }
0x90: {  	(tm) =	ssettm $0x1  }
0x91: {  	s18 =	sld [smem:$0x3FFB];
	_ =	sdelay $0x3  }
0x92: {  	_ =	strace s18  }
0x93: {  	s2 =	sld [smem:$0x3FFC];
	_ =	sdelay $0x3  }
0x94: {  	_ =	strace s2  }
0x95: {  	s2 =	sld [smem:$0x3FFD];
	_ =	sdelay $0x3  }
0x96: {  	_ =	strace s2  }
0x97: {  	_ =	strace $0x8FFFFFFF  }
0x98: {  	s19 =	sld [smem:$0x3FDB];
	_ =	sdelay $0x1  }
0x99: {  	s20 =	simm.s32 $_scs_section_size  }
0x9a: {  	s4 =	simm.s32 $_size__tile_overlayer_lowered;
	s5 =	simm.s32 $_tile_overlayer_lowered  }
0x9b: {  	s6 =	simm.s32 $0x1BFF;
	s21 =	sshll.u32 s5, $0x1;
	s3 =	sadd.s32 s20, s19  }
0x9c: {  	s22 =	simm.s32 $0x0;
	s4 =	sshll.u32 s4, $0x1;
	s5 =	sadd.s32 s21, s3  }
0x9d: {  	[timem:s22], [sflag:s6] =	dma.local [hbm:s5], s4  }
0x9e: {  	_ =	swait.ge [sflag:s6], s4  }
0x9f: {  	s4 =	ssub.s32 $0x0, s4;
	[sflag:s6] =	ssyncset.done $0x0  }
0xa0: {  	[sflag:s6] =	ssyncadd.s32 s4;
	_ =	sdelay $0x1  }
0xa1: {  	s23 =	simm.s32 $0x1B8B  }
0xa2: {  	_ =	swait.ge [sflag:s23], $0x1  }
0xa3: {  	[sflag:s23] =	ssyncset.done $0x0  }
0xa4: {  	[sflag:s23] =	ssyncadd.s32 $0xFFFFFFFF  }
0xa5: {  	s4 =	sld [smem:$0x0]  }
0xa6: {  	s5 =	sand.u32 $0xFFFFFFFE, s1  }
0xa7: {  	p0 =	sne.s32 s1, s5  }
0xa8: {  	s5 =	sshll.u32 @p0 s5, $0xE  }
0xa9: {  	s5 =	sadd.s32 @p0 $0x11B8D, s5;
	s6 =	sshll.u32 @p0 s4, $0x11  }
0xaa: {  	s5 =	sor.u32 @p0 s6, s5  }
0xab: {  	[sflag:s5] =	ssyncadd.remote.s32 @p0 $0x1;
	_ =	sdelay $0x1  }
0xac: {  	s5 =	simm.s32 @p0 $0x1B8D  }
0xad: {  	_ =	swait.eq @p0 [sflag:s5], $0x1  }
0xae: {  	[sflag:s5] =	ssyncadd.s32 @p0 $0xFFFFFFFF  }
0xaf: {  	s6 =	sshll.u32 @!p0 s1, $0xE  }
0xb0: {  	s6 =	sor.u32 @!p0 $0x4000, s6;
	s5 =	simm.s32 @!p0 $0x1B8D  }
0xb1: {  	s4 =	sshll.u32 @!p0 s4, $0x11;
	s6 =	sadd.s32 @!p0 $0x11B8D, s6;
	_ =	swait.eq @!p0 [sflag:s5], $0x1  }
0xb2: {  	s4 =	sor.u32 @!p0 s4, s6;
	[sflag:s5] =	ssyncadd.s32 @!p0 $0xFFFFFFFF  }
0xb3: {  	s25 =	simm.s32 $0x1B8E;
	s24 =	sld [smem:$0x3FFE];
	[sflag:s4] =	ssyncadd.remote.s32 @!p0 $0x1  }
0xb4: {  	s26 =	simm.s32 $execute0_lowered;
	[smem:$0x3FD2] =	sst s25  }
0xb5: {  	s5 =	sshll.u32 s26, $0x1;
	_ =	strace $0x8000004F;
	[dreg:$0x1] =	wrdreg $0xFFFFFFFF  }
0xb6: {  	s28 =	simm.s32 $_size_execute0_lowered;
	s3 =	sadd.s32 s3, s5;
	[dreg:$0x0] =	wrdreg $0x0  }
0xb7: {  	s5 =	sshll.u32 s28, $0x1;
	[dreg:$0x2] =	wrdreg s3  }
0xb8: {  	[dreg:$0x3] =	wrdreg s5  }
0xb9: {  	[dreg:$0x4] =	wrdreg $0xC0  }
0xba: {  	_ =	task [dreg:s22], $0x5FFFF  }
0xbb: {  	[dreg:$0x1] =	wrdreg $0xFFFFFFFF  }
0xbc: {  	[dreg:$0x0] =	wrdreg $0x60  }
0xbd: {  	[dreg:$0x2] =	wrdreg s24  }
0xbe: {  	[dreg:$0x3] =	wrdreg $0x84000  }
0xbf: {  	[dreg:$0x4] =	wrdreg $0x9  }
0xc0: {  	_ =	task.clear_ibuf [dreg:s22], $0x5FFFF;
	_ =	strace $0x9000004F  }
0xc1: {  	s29 =	simm.s32 $0x9;
	_ =	strace $0x80000051  }
0xc2: {  	_ =	swait.ge [sflag:s29], $0x1  }
0xc3: {  	[sflag:s29] =	ssyncadd.s32 $0xFFFFFFFF  }
0xc4: {  	_ =	strace $0x90000051  }
0xc5: {  	_ =	sfence  }
0xc6: {  	s30 =	sld [smem:$0x0];
	_ =	sdelay $0x2  }
0xc7: {  	s31 =	sshll.u32 s1, $0xD;
	s1 =	sshrl.u32 s1, $0x2  }
0xc8: {  	s4 =	sand.u32 $0x4000, s31;
	s1 =	sadd.s32 s1, s30  }
0xc9: {  	s0 =	sor.u32 s4, s0;
	s1 =	sshll.u32 s1, $0x11  }
0xca: {  	s0 =	sor.u32 s1, s0  }
0xcb: {  	s0 =	sadd.s32 $0x8F2B, s0  }
0xcc: {  	[sflag:s0] =	ssyncadd.remote.s32 $0x1  }
0xcd: {  	_ =	sfence.sel $0xFFFF  }
0xce: {  	[dreg:$0x0] =	wrdreg $0xFFFFFFFF;
	(pc) =	sbr.abs _section_cstart, $3  }
0xcf: {  	[dreg:$0x1] =	wrdreg $0xFFFFFFFF  }
0xd0: {  	_ =	task.clear_ibuf [dreg:s22], $0x2FFFF;
	_ =	strace $0x9FFFFFFF  }
0xd1: {  	(tm) =	ssettm $0x7FFFFFFF  }
tec
execute0_lowered:
.L_overlay_start_1:
0x0: {  	(tag) =	ssettag $0x1  }
0x1: {  	s1 =	srdreg.scid;
	s22 =	rddreg [dreg:$0x0]  }
0x2: {  	s0 =	stileid.u32;
	s2 =	rddreg [dreg:$0x1]  }
0x3: {  	s3 =	simm.s32 $0x0;
	s23 =	sand.u32 $0x1, s1;
	s21 =	smul.u32 $0x2780, s0  }
0x4: {  	s30 =	sshll.u32 s0, $0x1;
	s1 =	rddreg [dreg:$0x2];
	s5 =	smul.u32 $0x4F000, s0  }
0x5: {  	[smem:$0x7FF] =	sst s3;
	s12 =	sadd.s32 $0xF4A00, s22;
	s7 =	sshll.u32 s0, $0x6  }
0x6: {  	s11 =	sor.u32 s23, s30;
	_ =	strace $0x80000050;
	s5 =	sshrl.u32 s5, $0x2  }
0x7: {  	s4 =	smul.u32 $0x2800, s11;
	s6 =	sadd.s32 s21, s22;
	s8 =	sadd.s32 s5, s2  }
0x8: {  	s5 =	sadd.s32 $0x2600, s6;
	s6 =	sor.u32 $0x1C02, s7;
	s7 =	simm.s32 $0x400  }
0x9: {  	s4 =	sadd.s32 s12, s4;
	s9 =	sshrl.u32 s8, $0x3;
	s8 =	simm.s32 $0x2  }
0xa: {  	[tilespmem:s7], [sflag:$0x1] =	stream.linear.gather [hbm4b:s4+s3], $0x4000, $0x38;
	[tilespmem:$0x1C000] =	vst v63  }
0xb: {  	[spmem:s9], [sflag:s6] =	dma.local [hbm:s5], $0x2780  }
0xc: {  	s10 =	sshll.u32 s11, $0x7;
	_ =	swait.ge [sflag:s8], $0x2780  }
0xd: {  	s10 =	sadd.s32 s10, s22;
	[sflag:s8] =	ssyncset.done $0x0  }
0xe: {  	s10 =	sadd.s32 $0x29E00, s10;
	[sflag:s8] =	ssyncadd.s32 $0xFFFFD880  }
0xf: {  	[tilespmem:s3], [sflag:$0x2] =	stream.linear.gather [hbm4b:s10+s3], $0x280, $0x38;
	[tilespmem:$0x1C000] =	vst v63  }
0x10: {  	_ =	swait.ge [sflag:s8], $0x280  }
0x11: {  	[sflag:s8] =	ssyncset.done $0x0  }
0x12: {  	s13 =	smul.u32 $0x14000, s11;
	[sflag:s8] =	ssyncadd.s32 $0xFFFFFD80  }
0x13: {  	s11 =	simm.s32 $0x1;
	[bflag:$0x0] =	sbarrier.arrive $0xFFFF  }
0x14: {  	s13 =	sshrl.u32 s13, $0x3;
	_ =	swait.ge [sflag:s11], $0x4000  }
0x15: {  	s18 =	sadd.s32 s12, s13;
	[sflag:s11] =	ssyncset.done $0x0  }
0x16: {  	s13 =	simm.s32 $0x4400;
	s12 =	sadd.s32 $0x800, s18;
	[sflag:s11] =	ssyncadd.s32 $0xFFFFC000  }
0x17: {  	[tilespmem:s13], [sflag:$0x1] =	stream.linear.gather [hbm4b:s12+s3], $0x4000, $0x38;
	[tilespmem:$0x1C000] =	vst v63  }
0x18: {  	s14 =	simm.s32 $0x80  }
0x19: {  	[spmem:s2] =	stream.indirect.scatter.add.f32 [tilespmem:s7], [sflag:$0x2], $0x80, s3, s14, $0xb8;
	[tilespmem:$0x1C000] =	vst v63  }
0x1a: {  	_ =	swait.ge [sflag:s8], $0x4000  }
0x1b: {  	[sflag:s8] =	ssyncset.done $0x0  }
0x1c: {  	[sflag:s8] =	ssyncadd.s32 $0xFFFFC000  }
0x1d: {  	_ =	swait.ge [sflag:s11], $0x4000  }
0x1e: {  	[sflag:s11] =	ssyncset.done $0x0  }
0x1f: {  	s15 =	sadd.s32 $0x1000, s18;
	[sflag:s11] =	ssyncadd.s32 $0xFFFFC000  }
0x20: {  	[tilespmem:s7], [sflag:$0x1] =	stream.linear.gather [hbm4b:s15+s3], $0x4000, $0x38;
	[tilespmem:$0x1C000] =	vst v63  }
0x21: {  	_ = 	snop  }
0x22: {  	[spmem:s2] =	stream.indirect.scatter.add.f32 [tilespmem:s13], [sflag:$0x2], $0x80, s14, s14, $0xb8;
	[tilespmem:$0x1C000] =	vst v63  }
0x23: {  	_ =	swait.ge [sflag:s8], $0x4000  }
0x24: {  	[sflag:s8] =	ssyncset.done $0x0  }
0x25: {  	[sflag:s8] =	ssyncadd.s32 $0xFFFFC000  }
0x26: {  	_ =	swait.ge [sflag:s11], $0x4000  }
0x27: {  	[sflag:s11] =	ssyncset.done $0x0  }
0x28: {  	s16 =	sadd.s32 $0x1800, s18;
	[sflag:s11] =	ssyncadd.s32 $0xFFFFC000  }
0x29: {  	[tilespmem:s13], [sflag:$0x1] =	stream.linear.gather [hbm4b:s16+s3], $0x4000, $0x38;
	[tilespmem:$0x1C000] =	vst v63  }
0x2a: {  	s17 =	simm.s32 $0x100  }
0x2b: {  	[spmem:s2] =	stream.indirect.scatter.add.f32 [tilespmem:s7], [sflag:$0x2], $0x80, s17, s14, $0xb8;
	[tilespmem:$0x1C000] =	vst v63  }
0x2c: {  	_ =	swait.ge [sflag:s8], $0x4000  }
0x2d: {  	[sflag:s8] =	ssyncset.done $0x0  }
0x2e: {  	[sflag:s8] =	ssyncadd.s32 $0xFFFFC000  }
0x2f: {  	_ =	swait.ge [sflag:s11], $0x4000  }
0x30: {  	[sflag:s11] =	ssyncset.done $0x0  }
0x31: {  	s18 =	sadd.s32 $0x2000, s18;
	[sflag:s11] =	ssyncadd.s32 $0xFFFFC000  }
0x32: {  	[tilespmem:s7], [sflag:$0x1] =	stream.linear.gather [hbm4b:s18+s3], $0x4000, $0x38;
	[tilespmem:$0x1C000] =	vst v63  }
0x33: {  	s19 =	simm.s32 $0x180  }
0x34: {  	[spmem:s2] =	stream.indirect.scatter.add.f32 [tilespmem:s13], [sflag:$0x2], $0x80, s19, s14, $0xb8;
	[tilespmem:$0x1C000] =	vst v63  }
0x35: {  	_ =	swait.ge [sflag:s8], $0x4000  }
0x36: {  	[sflag:s8] =	ssyncset.done $0x0  }
0x37: {  	[sflag:s8] =	ssyncadd.s32 $0xFFFFC000  }
0x38: {  	s24 =	smul.u32 $0x27800, s23;
	s23 =	ssub.s32 $0x2, s23;
	_ =	swait.ge [sflag:s11], $0x4000  }
0x39: {  	s31 =	sshrl.u32 s23, $0x1;
	[sflag:s11] =	ssyncset.done $0x0  }
0x3a: {  	s20 =	simm.s32 $0x200;
	s23 =	ssub.s32 s23, s31;
	[sflag:s11] =	ssyncadd.s32 $0xFFFFC000  }
0x3b: {  	[spmem:s2] =	stream.indirect.scatter.add.f32 [tilespmem:s7], [sflag:$0x2], $0x80, s20, s14, $0xb8;
	[tilespmem:$0x1C000] =	vst v63  }
0x3c: {  	s23 =	smax.u32 s23, $0x1;
	_ =	swait.ge [sflag:s8], $0x4000  }
0x3d: {  	s22 =	sadd.s32 s24, s22;
	p0 =	sne.s32 s23, $0x1;
	[sflag:s8] =	ssyncset.done $0x0  }
.Ltmp0:
0x3e: {  	s22 =	sadd.s32 $0x2AE00, s22;
	[sflag:s8] =	ssyncadd.s32 $0xFFFFC000;
	(pc) =	sbr.rel @!p0 .LBB2_2-.Ltmp0, $4  }
0x3f: {  	s21 =	sadd.s32 s21, s22;
	[bflag:$0x0] =	sbarrier.arrive $0xFFFF  }
0x40: {  	[hbm:s21], [sflag:s6] =	dma.local [spmem:s9], $0x2780  }
0x41: {  	_ =	swait.ge [sflag:s8], $0x2780  }
0x42: {  	s22 =	sadd.s32 $0xFFFFFFFF, s23;
	[sflag:s8] =	ssyncset.done $0x0  }
.LBB2_1:
0x43: {  	p0 =	sne.s32 s22, $0x1;
	s22 =	sadd.s32 $0xFFFFFFFF, s22;
	[sflag:s8] =	ssyncadd.s32 $0xFFFFD880  }
0x44: {  	[tilespmem:s7], [sflag:$0x1] =	stream.linear.gather [hbm4b:s4+s3], $0x4000, $0x38;
	[tilespmem:$0x1C000] =	vst v63  }
0x45: {  	[spmem:s9], [sflag:s6] =	dma.local [hbm:s5], $0x2780  }
0x46: {  	_ =	swait.ge [sflag:s8], $0x2780  }
0x47: {  	[sflag:s8] =	ssyncset.done $0x0  }
0x48: {  	[sflag:s8] =	ssyncadd.s32 $0xFFFFD880  }
0x49: {  	[tilespmem:s3], [sflag:$0x2] =	stream.linear.gather [hbm4b:s10+s3], $0x280, $0x38;
	[tilespmem:$0x1C000] =	vst v63  }
0x4a: {  	_ =	swait.ge [sflag:s8], $0x280  }
0x4b: {  	[sflag:s8] =	ssyncset.done $0x0  }
0x4c: {  	[sflag:s8] =	ssyncadd.s32 $0xFFFFFD80  }
0x4d: {  	[bflag:$0x0] =	sbarrier.arrive $0xFFFF  }
0x4e: {  	_ =	swait.ge [sflag:s11], $0x4000  }
0x4f: {  	[sflag:s11] =	ssyncset.done $0x0  }
0x50: {  	[sflag:s11] =	ssyncadd.s32 $0xFFFFC000  }
0x51: {  	[tilespmem:s13], [sflag:$0x1] =	stream.linear.gather [hbm4b:s12+s3], $0x4000, $0x38;
	[tilespmem:$0x1C000] =	vst v63  }
0x52: {  	_ = 	snop  }
0x53: {  	[spmem:s2] =	stream.indirect.scatter.add.f32 [tilespmem:s7], [sflag:$0x2], $0x80, s3, s14, $0xb8;
	[tilespmem:$0x1C000] =	vst v63  }
0x54: {  	_ =	swait.ge [sflag:s8], $0x4000  }
0x55: {  	[sflag:s8] =	ssyncset.done $0x0  }
0x56: {  	[sflag:s8] =	ssyncadd.s32 $0xFFFFC000  }
0x57: {  	_ =	swait.ge [sflag:s11], $0x4000  }
0x58: {  	[sflag:s11] =	ssyncset.done $0x0  }
0x59: {  	[sflag:s11] =	ssyncadd.s32 $0xFFFFC000  }
0x5a: {  	[tilespmem:s7], [sflag:$0x1] =	stream.linear.gather [hbm4b:s15+s3], $0x4000, $0x38;
	[tilespmem:$0x1C000] =	vst v63  }
0x5b: {  	_ = 	snop  }
0x5c: {  	[spmem:s2] =	stream.indirect.scatter.add.f32 [tilespmem:s13], [sflag:$0x2], $0x80, s14, s14, $0xb8;
	[tilespmem:$0x1C000] =	vst v63  }
0x5d: {  	_ =	swait.ge [sflag:s8], $0x4000  }
0x5e: {  	[sflag:s8] =	ssyncset.done $0x0  }
0x5f: {  	[sflag:s8] =	ssyncadd.s32 $0xFFFFC000  }
0x60: {  	_ =	swait.ge [sflag:s11], $0x4000  }
0x61: {  	[sflag:s11] =	ssyncset.done $0x0  }
0x62: {  	[sflag:s11] =	ssyncadd.s32 $0xFFFFC000  }
0x63: {  	[tilespmem:s13], [sflag:$0x1] =	stream.linear.gather [hbm4b:s16+s3], $0x4000, $0x38;
	[tilespmem:$0x1C000] =	vst v63  }
0x64: {  	_ = 	snop  }
0x65: {  	[spmem:s2] =	stream.indirect.scatter.add.f32 [tilespmem:s7], [sflag:$0x2], $0x80, s17, s14, $0xb8;
	[tilespmem:$0x1C000] =	vst v63  }
0x66: {  	_ =	swait.ge [sflag:s8], $0x4000  }
0x67: {  	[sflag:s8] =	ssyncset.done $0x0  }
0x68: {  	[sflag:s8] =	ssyncadd.s32 $0xFFFFC000  }
0x69: {  	_ =	swait.ge [sflag:s11], $0x4000  }
0x6a: {  	[sflag:s11] =	ssyncset.done $0x0  }
0x6b: {  	[sflag:s11] =	ssyncadd.s32 $0xFFFFC000  }
0x6c: {  	[tilespmem:s7], [sflag:$0x1] =	stream.linear.gather [hbm4b:s18+s3], $0x4000, $0x38;
	[tilespmem:$0x1C000] =	vst v63  }
0x6d: {  	_ = 	snop  }
0x6e: {  	[spmem:s2] =	stream.indirect.scatter.add.f32 [tilespmem:s13], [sflag:$0x2], $0x80, s19, s14, $0xb8;
	[tilespmem:$0x1C000] =	vst v63  }
0x6f: {  	_ =	swait.ge [sflag:s8], $0x4000  }
0x70: {  	[sflag:s8] =	ssyncset.done $0x0  }
0x71: {  	[sflag:s8] =	ssyncadd.s32 $0xFFFFC000  }
0x72: {  	_ =	swait.ge [sflag:s11], $0x4000  }
0x73: {  	[sflag:s11] =	ssyncset.done $0x0  }
0x74: {  	[sflag:s11] =	ssyncadd.s32 $0xFFFFC000  }
0x75: {  	[spmem:s2] =	stream.indirect.scatter.add.f32 [tilespmem:s7], [sflag:$0x2], $0x80, s20, s14, $0xb8;
	[tilespmem:$0x1C000] =	vst v63  }
0x76: {  	_ =	swait.ge [sflag:s8], $0x4000  }
0x77: {  	[sflag:s8] =	ssyncset.done $0x0  }
.Ltmp1:
0x78: {  	[sflag:s8] =	ssyncadd.s32 $0xFFFFC000;
	(pc) =	sbr.rel @p0 .LBB2_1-.Ltmp1, $4  }
0x79: {  	[bflag:$0x0] =	sbarrier.arrive $0xFFFF  }
0x7a: {  	[hbm:s21], [sflag:s6] =	dma.local [spmem:s9], $0x2780  }
0x7b: {  	_ =	swait.ge [sflag:s8], $0x2780  }
0x7c: {  	[sflag:s8] =	ssyncset.done $0x0  }
.LBB2_2:
0x7d: {  	[sflag:s8] =	ssyncadd.s32 $0xFFFFD880  }
0x7e: {  	_ =	sfence.sel $0x180000  }
0x7f: {  	[bflag:$0x0] =	sbarrier.arrive $0xFFFF  }
0x80: {  	p0 =	sne.s32 s0, $0x0;
	_ =	strace $0x90000050  }
0x81: {  	s0 =	sadd.s32 @!p0 $0x100000, s1;
	[bflag:$0x2] =	sbarrier.arrive $0xFFFF  }
0x82: {  	[sflag:s0] =	ssyncadd.tile.s32 @!p0 $0x1;
	_ =	shalt  }
.Lfunc_end2:
_tile_overlayer_lowered:
.L_overlay_start_2:
0x83: {  	(tag) =	ssettag $0x2  }
0x84: {  	s0 =	rddreg [dreg:$0x0];
	s2 =	stileid.u32  }
0x85: {  	s1 =	rddreg [dreg:$0x1];
	p0 =	sne.s32 s2, $0x0  }
0x86: {  	s3 =	rddreg [dreg:$0x2];
	[bflag:$0x3] =	sbarrier.arrive $0xFFFF;
	s2 =	simm.s32 @!p0 $0x1C02  }
0x87: {  	[timem:s3], [sflag:s2] =	dma.local @!p0 [hbm:s0], s1  }
0x88: {  	s0 =	simm.s32 @!p0 $0x2  }
0x89: {  	_ =	swait.ge @!p0 [sflag:s0], s1  }
0x8a: {  	s1 =	ssub.s32 @!p0 $0x0, s1;
	[sflag:s0] =	ssyncset.done @!p0 $0x0  }
0x8b: {  	[sflag:s0] =	ssyncadd.s32 @!p0 s1  }
0x8c: {  	[bflag:$0x3] =	sbarrier.arrive $0xFFFF  }
0x8d: {  	_ =	shalt  }

// kernel: kernel.9.cloned.1.call-start
scs
__scs_entry_jumppad:
0x0: {  	(pc) =	sbr.rel $0x88, $3  }
0x1: {  	(tag) =	ssettag $0x0;
	lr =	simm.s32 $0x1  }
0x2: {  	[smem:$0x3F96] =	sst lr;
	_ =	strace $0xD0000000  }
0x3: {  	_ = 	snop  }
0x4: {  	_ = 	snop  }
0x5: {  	_ = 	snop  }
0x6: {  	_ = 	snop  }
0x7: {  	_ = 	snop  }
__scs_overlays_trampoline_lowered:
0x8: {  	[smem:$0x3FA5] =	sst s0  }
0x9: {  	[smem:$0x3FA6] =	sst s1  }
0xa: {  	[smem:$0x3FA7] =	sst s2  }
0xb: {  	[smem:$0x3FA8] =	sst s3  }
0xc: {  	[smem:$0x3FA9] =	sst s4  }
0xd: {  	[smem:$0x3FAA] =	sst s5  }
0xe: {  	[smem:$0x3FAB] =	sst s6  }
0xf: {  	[smem:$0x3FAC] =	sst s7  }
0x10: {  	[smem:$0x3FAD] =	sst s8  }
0x11: {  	[smem:$0x3FAE] =	sst s9;
	s0 =	simm.s32 @!p0 $0x0  }
0x12: {  	s1 =	sld [smem:$0x3F94];
	s0 =	simm.s32 @p0 $0x1  }
0x13: {  	[smem:$0x3FAF] =	sst s0;
	s0 =	simm.s32 @!p1 $0x0  }
0x14: {  	s2 =	sld [smem:$0x3F93];
	s0 =	simm.s32 @p1 $0x1  }
0x15: {  	[smem:$0x3FB0] =	sst s0;
	s0 =	simm.s32 @!p2 $0x0  }
0x16: {  	s3 =	sld [smem:$0x3FDB];
	s0 =	simm.s32 @p2 $0x1  }
0x17: {  	s4 =	simm.s32 $0x1BF5;
	[smem:$0x3FB2] =	sst s0  }
0x18: {  	s0 =	sld [smem:$0x3F95];
	_ =	swait.ge [sflag:s4], $0x0  }
0x19: {  	s7 =	sld [smem:$0x3F96]  }
0x1a: {  	s8 =	sadd.s32 $0xFFFFE003, lr  }
0x1b: {  	s9 =	sadd.s32 $0xFFFFFEF7, lr;
	s5 =	simm.s32 $0xFFFFFFFF;
	p2 =	slt.u32 s8, $0xFFFFF086  }
0x1c: {  	p1 =	slt.u32 s9, $0xF7A;
	s5 =	simm.s32 @!p2 $0x0  }
0x1d: {  	s5 =	simm.s32 @p1 $0x1;
	p0 =	seq.s32 s7, s2  }
0x1e: {  	s7 =	smul.u32 @!p0 $0xF7A, s2;
	p2 =	seq.s32 @!p0 s5, $0x0  }
0x1f: {  	s9 =	smul.u32 $0xF7A, s1;
	s8 =	simm.s32 @!p0 $0x1BF5;
	p2 =	por !p2, p0  }
0x20: {  	[sflag:s8] =	ssyncset.s32 @!p0 $0xFFFFF086;
	s6 =	sadd.s32 @!p0 s3, s7;
	s7 =	simm.s32 @!p0 $0x108  }
0x21: {  	s3 =	sadd.s32 s3, s9;
	s6 =	sadd.s32 @!p0 $0x88, s6;
	s7 =	simm.s32 @p2 $0x1082  }
0x22: {  	[simem:s7], [sflag:s8] =	dma.local @!p0 [hbm:s6], $0xF7A  }
0x23: {  	s9 =	sor.u32 $0xD0000000, s2;
	s6 =	simm.s32 $0x108;
	_ =	swait.ge @!p0 [sflag:s8], $0x0  }
0x24: {  	s3 =	sadd.s32 $0x88, s3;
	s6 =	simm.s32 @!p1 $0x1082;
	[sflag:s4] =	ssyncset.s32 $0xFFFFF086  }
0x25: {  	[simem:s6], [sflag:s4] =	dma.local [hbm:s3], $0xF7A  }
0x26: {  	[smem:$0x3F96] =	sst s1;
	(tag) =	ssettag s2;
	_ =	strace s9  }
0x27: {  	s1 =	sld [smem:$0x3FA6]  }
0x28: {  	s2 =	sld [smem:$0x3FA7]  }
0x29: {  	s4 =	sld [smem:$0x3FA9]  }
0x2a: {  	p0 =	seq.s32 s5, $0x0;
	s5 =	sld [smem:$0x3FAA]  }
0x2b: {  	s6 =	sld [smem:$0x3FAB]  }
0x2c: {  	s7 =	sld [smem:$0x3FAC]  }
0x2d: {  	s3 =	simm.s32 $0x108;
	s8 =	sld [smem:$0x3FAD]  }
0x2e: {  	s3 =	simm.s32 @!p0 $0x1082;
	s9 =	sld [smem:$0x3FAE]  }
0x2f: {  	lr =	sadd.s32 s0, s3;
	s0 =	sld [smem:$0x3FA5]  }
0x30: {  	s3 =	sld [smem:$0x3FA8]  }
0x31: {  	[smem:$0x3FB1] =	sst s10  }
0x32: {  	s10 =	sld [smem:$0x3FAF];
	_ =	sdelay $0x3  }
0x33: {  	p0 =	seq.s32 s10, $0x1;
	s10 =	sld [smem:$0x3FB1];
	_ =	sdelay $0x3  }
0x34: {  	[smem:$0x3FB1] =	sst s10  }
0x35: {  	s10 =	sld [smem:$0x3FB0];
	_ =	sdelay $0x3  }
0x36: {  	p1 =	seq.s32 s10, $0x1;
	s10 =	sld [smem:$0x3FB1];
	_ =	sdelay $0x3  }
0x37: {  	[smem:$0x3FB1] =	sst s10  }
0x38: {  	s10 =	sld [smem:$0x3FB2]  }
0x39: {  	_ = 	snop;
	(pc) =	sbr.ind lr, $3  }
0x3a: {  	_ = 	snop  }
0x3b: {  	_ = 	snop  }
0x3c: {  	p2 =	seq.s32 s10, $0x1;
	s10 =	sld [smem:$0x3FB1]  }
0x3d: {  	_ =	shalt  }
0x3e: {  	_ =	shalt  }
0x3f: {  	_ =	shalt  }
0x40: {  	_ =	shalt  }
0x41: {  	_ =	shalt  }
0x42: {  	_ =	shalt  }
0x43: {  	_ =	shalt  }
0x44: {  	_ =	shalt  }
0x45: {  	_ =	shalt  }
0x46: {  	_ =	shalt  }
0x47: {  	_ =	shalt  }
0x48: {  	_ =	shalt  }
0x49: {  	_ =	shalt  }
0x4a: {  	_ =	shalt  }
0x4b: {  	_ =	shalt  }
0x4c: {  	_ =	shalt  }
0x4d: {  	_ =	shalt  }
0x4e: {  	_ =	shalt  }
0x4f: {  	_ =	shalt  }
0x50: {  	_ =	shalt  }
0x51: {  	_ =	shalt  }
0x52: {  	_ =	shalt  }
0x53: {  	_ =	shalt  }
0x54: {  	_ =	shalt  }
0x55: {  	_ =	shalt  }
0x56: {  	_ =	shalt  }
0x57: {  	_ =	shalt  }
0x58: {  	_ =	shalt  }
0x59: {  	_ =	shalt  }
0x5a: {  	_ =	shalt  }
0x5b: {  	_ =	shalt  }
0x5c: {  	_ =	shalt  }
0x5d: {  	_ =	shalt  }
0x5e: {  	_ =	shalt  }
0x5f: {  	_ =	shalt  }
0x60: {  	_ =	shalt  }
0x61: {  	_ =	shalt  }
0x62: {  	_ =	shalt  }
0x63: {  	_ =	shalt  }
0x64: {  	_ =	shalt  }
0x65: {  	_ =	shalt  }
0x66: {  	_ =	shalt  }
0x67: {  	_ =	shalt  }
0x68: {  	_ =	shalt  }
0x69: {  	_ =	shalt  }
0x6a: {  	_ =	shalt  }
0x6b: {  	_ =	shalt  }
0x6c: {  	_ =	shalt  }
0x6d: {  	_ =	shalt  }
0x6e: {  	_ =	shalt  }
0x6f: {  	_ =	shalt  }
0x70: {  	_ =	shalt  }
0x71: {  	_ =	shalt  }
0x72: {  	_ =	shalt  }
0x73: {  	_ =	shalt  }
0x74: {  	_ =	shalt  }
0x75: {  	_ =	shalt  }
0x76: {  	_ =	shalt  }
0x77: {  	_ =	shalt  }
0x78: {  	_ =	shalt  }
0x79: {  	_ =	shalt  }
0x7a: {  	_ =	shalt  }
0x7b: {  	_ =	shalt  }
0x7c: {  	_ =	shalt  }
0x7d: {  	_ =	shalt  }
0x7e: {  	_ =	shalt  }
0x7f: {  	_ =	shalt  }
0x80: {  	_ =	shalt  }
0x81: {  	_ =	shalt  }
0x82: {  	_ =	shalt  }
0x83: {  	_ =	shalt  }
0x84: {  	_ =	shalt  }
0x85: {  	_ =	shalt  }
0x86: {  	_ =	shalt  }
0x87: {  	_ =	shalt  }
.Lfunc_end0:
.L_simem_size_0:
called_computation_lowered:
.L_overlay_start_0:
0x88: {  	s2 =	sld [smem:$0x3FD9]  }
0x89: {  	s3 =	sld [smem:$0x3FFE];
	_ =	sdelay $0x1  }
0x8a: {  	s1 =	srdreg.scid  }
0x8b: {  	s0 =	sand.u32 $0x1, s1  }
0x8c: {  	s17 =	sshll.u32 s0, $0xA;
	s2 =	sadd.s32 s3, s2  }
0x8d: {  	s2 =	sadd.s32 s2, s17  }
0x8e: {  	[smem:$0x3FBD] =	sst s2  }
0x8f: {  	_ = 	snop  }
0x90: {  	s2 =	sld [smem:$0x3FC9];
	(tm) =	ssettm $0x1  }
0x91: {  	s18 =	sld [smem:$0x3FFB];
	_ =	sdelay $0x3  }
0x92: {  	_ =	strace s18  }
0x93: {  	s3 =	sld [smem:$0x3FFC];
	_ =	sdelay $0x3  }
0x94: {  	_ =	strace s3  }
0x95: {  	s3 =	sld [smem:$0x3FFD];
	_ =	sdelay $0x3  }
0x96: {  	_ =	strace s3  }
0x97: {  	_ =	strace $0x8FFFFFFF  }
0x98: {  	s19 =	sld [smem:$0x3FDB];
	_ =	sdelay $0x1  }
0x99: {  	s4 =	simm.s32 $_scs_section_size  }
0x9a: {  	s5 =	simm.s32 $_size__tile_overlayer_lowered;
	s6 =	simm.s32 $_tile_overlayer_lowered  }
0x9b: {  	s22 =	simm.s32 $0x1BFF;
	s21 =	sshll.u32 s6, $0x1;
	s3 =	sadd.s32 s4, s19  }
0x9c: {  	s7 =	simm.s32 $0x0;
	s20 =	sshll.u32 s5, $0x1;
	s5 =	sadd.s32 s21, s3  }
0x9d: {  	[timem:s7], [sflag:s22] =	dma.local [hbm:s5], s20  }
0x9e: {  	_ =	swait.ge [sflag:s22], s20  }
0x9f: {  	s4 =	ssub.s32 $0x0, s20;
	[sflag:s22] =	ssyncset.done $0x0  }
0xa0: {  	[sflag:s22] =	ssyncadd.s32 s4;
	_ =	sdelay $0x1  }
0xa1: {  	s23 =	simm.s32 $0x1B8B  }
0xa2: {  	_ =	swait.ge [sflag:s23], $0x1  }
0xa3: {  	[sflag:s23] =	ssyncset.done $0x0  }
0xa4: {  	s25 =	simm.s32 $0x1B8E;
	s24 =	sld [smem:$0x3FFE];
	[sflag:s23] =	ssyncadd.s32 $0xFFFFFFFF  }
0xa5: {  	s26 =	simm.s32 $execute0_lowered;
	[smem:$0x3FD2] =	sst s25  }
0xa6: {  	s5 =	sshll.u32 s26, $0x1;
	_ =	strace $0x80000046;
	[dreg:$0x1] =	wrdreg $0xFFFFFFFF  }
0xa7: {  	s28 =	simm.s32 $_size_execute0_lowered;
	s3 =	sadd.s32 s3, s5;
	[dreg:$0x0] =	wrdreg $0x0  }
0xa8: {  	s5 =	sshll.u32 s28, $0x1;
	[dreg:$0x2] =	wrdreg s3  }
0xa9: {  	[dreg:$0x3] =	wrdreg s5  }
0xaa: {  	[dreg:$0x4] =	wrdreg $0xC0  }
0xab: {  	_ =	task [dreg:s7], $0x5FFFF  }
0xac: {  	[dreg:$0x1] =	wrdreg $0xFFFFFFFF  }
0xad: {  	[dreg:$0x0] =	wrdreg $0x60  }
0xae: {  	[dreg:$0x2] =	wrdreg s24  }
0xaf: {  	[dreg:$0x3] =	wrdreg s2  }
0xb0: {  	[dreg:$0x4] =	wrdreg $0xA  }
0xb1: {  	_ =	task.clear_ibuf [dreg:s7], $0x5FFFF;
	_ =	strace $0x90000046  }
0xb2: {  	s29 =	simm.s32 $0xA;
	_ =	strace $0x80000048  }
0xb3: {  	_ =	swait.ge [sflag:s29], $0x1  }
0xb4: {  	[sflag:s29] =	ssyncadd.s32 $0xFFFFFFFF  }
0xb5: {  	_ =	strace $0x90000048  }
0xb6: {  	_ =	sfence  }
0xb7: {  	s30 =	sld [smem:$0x0];
	_ =	sdelay $0x2  }
0xb8: {  	s31 =	sshll.u32 s1, $0xD;
	s1 =	sshrl.u32 s1, $0x2  }
0xb9: {  	s3 =	sand.u32 $0x4000, s31;
	s1 =	sadd.s32 s1, s30  }
0xba: {  	s0 =	sor.u32 s3, s0;
	s1 =	sshll.u32 s1, $0x11  }
0xbb: {  	s0 =	sor.u32 s1, s0  }
0xbc: {  	s0 =	sadd.s32 $0x8F2B, s0  }
0xbd: {  	[sflag:s0] =	ssyncadd.remote.s32 $0x1  }
0xbe: {  	_ =	sfence.sel $0xFFFF  }
0xbf: {  	[dreg:$0x0] =	wrdreg $0xFFFFFFFF;
	(pc) =	sbr.abs _section_cstart, $3  }
0xc0: {  	[dreg:$0x1] =	wrdreg $0xFFFFFFFF  }
0xc1: {  	_ =	task.clear_ibuf [dreg:s7], $0x2FFFF;
	_ =	strace $0x9FFFFFFF  }
0xc2: {  	(tm) =	ssettm $0x7FFFFFFF  }
0xc3: {  	_ =	shalt  }
tec
execute0_lowered:
.L_overlay_start_1:
0x0: {  	(tag) =	ssettag $0x1  }
0x1: {  	s0 =	rddreg [dreg:$0x0]  }
0x2: {  	s2 =	rddreg [dreg:$0x1];
	s3 =	simm.s32 $0x0  }
0x3: {  	s11 =	stileid.u32;
	s4 =	srdreg.scid;
	s17 =	simm.s32 $0x800  }
0x4: {  	s18 =	simm.s32 $0x3;
	s19 =	simm.s32 $0x80;
	s20 =	simm.s32 $0x880  }
0x5: {  	s21 =	simm.s32 $0x2;
	s22 =	simm.s32 $0x1;
	s23 =	simm.s32 $0x4880  }
0x6: {  	s24 =	simm.s32 $0x100;
	s28 =	simm.s32 $0x280;
	s29 =	simm.s32 $0x300  }
0x7: {  	s30 =	simm.s32 $0x380;
	s31 =	simm.s32 $0x400;
	[smem:$0x7FF] =	sst s3  }
0x8: {  	s1 =	sshll.u32 s11, $0x8;
	s5 =	sshll.u32 s11, $0x4;
	s6 =	smul.u32 $0x24000, s11  }
0x9: {  	s4 =	sand.u32 $0x1, s4;
	s8 =	smul.u32 $0x4800, s11;
	s14 =	sshll.u32 s11, $0xB  }
0xa: {  	_ =	strace $0x80000047;
	s1 =	sadd.s32 s1, s0;
	s13 =	sadd.s32 s5, s0  }
0xb: {  	s25 =	ssub.s32 $0x2, s4;
	s0 =	sadd.s32 $0x3800, s0;
	p0 =	seq.s32 s4, $0x1  }
0xc: {  	s7 =	sshrl.u32 s25, $0x1;
	s6 =	sshrl.u32 s6, $0x3;
	s4 =	sadd.s32 $0x2600, s1  }
0xd: {  	s5 =	sadd.s32 s0, s8;
	s16 =	ssub.s32 s25, s7;
	s26 =	sadd.s32 s0, s6  }
.Ltmp0:
0xe: {  	s0 =	sadd.s32 s14, s0;
	s14 =	sadd.s32 $0x3600, s13;
	(pc) =	sbr.rel .LBB2_1-.Ltmp0, $4  }
0xf: {  	s25 =	simm.s32 $0x180;
	s6 =	sadd.s32 $0x800, s26;
	s7 =	sadd.s32 $0x1000, s26  }
0x10: {  	s8 =	sadd.s32 $0x1800, s26;
	s9 =	sadd.s32 $0x2000, s26;
	s10 =	sadd.s32 $0x2800, s26  }
0x11: {  	s11 =	sadd.s32 $0x3000, s26;
	s12 =	sadd.s32 $0x3800, s26;
	s1 =	sadd.s32 $0x4000, s26  }
0x12: {  	s15 =	sadd.s32 $0x48000, s0;
	s16 =	smax.u32 s16, $0x1;
	s26 =	simm.s32 $0x200  }
.LBB2_3:
0x13: {  	[tilespmem:s17], [sflag:$0x3] =	stream.linear.gather [hbm4b:s14+s3], $0x80, $0x38;
	[tilespmem:$0x8880] =	vst v63  }
0x14: {  	_ =	swait.ge [sflag:s18], $0x80  }
0x15: {  	[sflag:s18] =	ssyncset.done $0x0  }
0x16: {  	s0 =	simm.s32 $0x1;
	s13 =	smov.u32 s15;
	[sflag:s18] =	ssyncadd.s32 $0xFFFFFF80  }
0x17: {  	[tilespmem:s20], [sflag:$0x1] =	stream.indirect.gather [hbm4b:s2+s19], $0x80, s17, s19, $0xb8;
	[tilespmem:$0x8880] =	vst v63  }
.LBB2_4:
0x18: {  	_ =	swait.ge [sflag:s0], $0x4000;
	s16 =	sadd.s32 $0xFFFFFFFF, s16  }
0x19: {  	[sflag:s0] =	ssyncset.done $0x0;
	p1 =	sne.s32 s16, $0x0  }
.Ltmp1:
0x1a: {  	[sflag:s0] =	ssyncadd.s32 $0xFFFFC000;
	(pc) =	sbr.rel @!p1 .LBB2_5-.Ltmp1, $4  }
0x1b: {  	[hbm4b:s13+s3] =	stream.linear.scatter [tilespmem:s20], [sflag:$0x2], $0x4000, $0x38;
	[tilespmem:$0x8880] =	vst v63  }
0x1c: {  	_ =	swait.ge [sflag:s21], $0x4000  }
0x1d: {  	[sflag:s21] =	ssyncset.done $0x0  }
0x1e: {  	[sflag:s21] =	ssyncadd.s32 $0xFFFFC000  }
.LBB2_1:
.Ltmp2:
0x1f: {  	(pc) =	sbr.rel @p0 .LBB2_3-.Ltmp2, $1  }
0x20: {  	_ =	sdelay $0x3  }
0x21: {  	[tilespmem:s3], [sflag:$0x3] =	stream.linear.gather [hbm4b:s4+s3], $0x480, $0x38;
	[tilespmem:$0x8880] =	vst v63  }
0x22: {  	_ =	swait.ge [sflag:s18], $0x480  }
0x23: {  	[sflag:s18] =	ssyncset.done $0x0  }
0x24: {  	[sflag:s18] =	ssyncadd.s32 $0xFFFFFB80  }
0x25: {  	[tilespmem:s20], [sflag:$0x1] =	stream.indirect.gather [hbm4b:s2+s19], $0x80, s3, s19, $0xb8;
	[tilespmem:$0x8880] =	vst v63  }
0x26: {  	_ =	swait.ge [sflag:s22], $0x4000  }
0x27: {  	[sflag:s22] =	ssyncset.done $0x0  }
0x28: {  	[sflag:s22] =	ssyncadd.s32 $0xFFFFC000  }
0x29: {  	[tilespmem:s23], [sflag:$0x1] =	stream.indirect.gather [hbm4b:s2+s19], $0x80, s19, s19, $0xb8;
	[tilespmem:$0x8880] =	vst v63  }
0x2a: {  	_ = 	snop  }
0x2b: {  	[hbm4b:s5+s3] =	stream.linear.scatter [tilespmem:s20], [sflag:$0x2], $0x4000, $0x38;
	[tilespmem:$0x8880] =	vst v63  }
0x2c: {  	_ =	swait.ge [sflag:s22], $0x4000  }
0x2d: {  	[sflag:s22] =	ssyncset.done $0x0  }
0x2e: {  	s0 =	simm.s32 $0x2;
	[sflag:s22] =	ssyncadd.s32 $0xFFFFC000  }
0x2f: {  	_ =	swait.ge [sflag:s0], $0x4000  }
0x30: {  	[sflag:s0] =	ssyncset.done $0x0  }
0x31: {  	[sflag:s0] =	ssyncadd.s32 $0xFFFFC000  }
0x32: {  	[tilespmem:s20], [sflag:$0x1] =	stream.indirect.gather [hbm4b:s2+s19], $0x80, s24, s19, $0xb8;
	[tilespmem:$0x8880] =	vst v63  }
0x33: {  	_ = 	snop  }
0x34: {  	[hbm4b:s6+s3] =	stream.linear.scatter [tilespmem:s23], [sflag:$0x2], $0x4000, $0x38;
	[tilespmem:$0x8880] =	vst v63  }
0x35: {  	_ =	swait.ge [sflag:s22], $0x4000  }
0x36: {  	[sflag:s22] =	ssyncset.done $0x0  }
0x37: {  	[sflag:s22] =	ssyncadd.s32 $0xFFFFC000  }
0x38: {  	_ =	swait.ge [sflag:s0], $0x4000  }
0x39: {  	[sflag:s0] =	ssyncset.done $0x0  }
0x3a: {  	[sflag:s0] =	ssyncadd.s32 $0xFFFFC000  }
0x3b: {  	[tilespmem:s23], [sflag:$0x1] =	stream.indirect.gather [hbm4b:s2+s19], $0x80, s25, s19, $0xb8;
	[tilespmem:$0x8880] =	vst v63  }
0x3c: {  	_ = 	snop  }
0x3d: {  	[hbm4b:s7+s3] =	stream.linear.scatter [tilespmem:s20], [sflag:$0x2], $0x4000, $0x38;
	[tilespmem:$0x8880] =	vst v63  }
0x3e: {  	_ =	swait.ge [sflag:s22], $0x4000  }
0x3f: {  	[sflag:s22] =	ssyncset.done $0x0  }
0x40: {  	[sflag:s22] =	ssyncadd.s32 $0xFFFFC000  }
0x41: {  	_ =	swait.ge [sflag:s0], $0x4000  }
0x42: {  	[sflag:s0] =	ssyncset.done $0x0  }
0x43: {  	[sflag:s0] =	ssyncadd.s32 $0xFFFFC000  }
0x44: {  	[tilespmem:s20], [sflag:$0x1] =	stream.indirect.gather [hbm4b:s2+s19], $0x80, s26, s19, $0xb8;
	[tilespmem:$0x8880] =	vst v63  }
0x45: {  	_ = 	snop  }
0x46: {  	[hbm4b:s8+s3] =	stream.linear.scatter [tilespmem:s23], [sflag:$0x2], $0x4000, $0x38;
	[tilespmem:$0x8880] =	vst v63  }
0x47: {  	_ =	swait.ge [sflag:s22], $0x4000  }
0x48: {  	[sflag:s22] =	ssyncset.done $0x0  }
0x49: {  	[sflag:s22] =	ssyncadd.s32 $0xFFFFC000  }
0x4a: {  	_ =	swait.ge [sflag:s0], $0x4000  }
0x4b: {  	[sflag:s0] =	ssyncset.done $0x0  }
0x4c: {  	[sflag:s0] =	ssyncadd.s32 $0xFFFFC000  }
0x4d: {  	[tilespmem:s23], [sflag:$0x1] =	stream.indirect.gather [hbm4b:s2+s19], $0x80, s28, s19, $0xb8;
	[tilespmem:$0x8880] =	vst v63  }
0x4e: {  	_ = 	snop  }
0x4f: {  	[hbm4b:s9+s3] =	stream.linear.scatter [tilespmem:s20], [sflag:$0x2], $0x4000, $0x38;
	[tilespmem:$0x8880] =	vst v63  }
0x50: {  	_ =	swait.ge [sflag:s22], $0x4000  }
0x51: {  	[sflag:s22] =	ssyncset.done $0x0  }
0x52: {  	[sflag:s22] =	ssyncadd.s32 $0xFFFFC000  }
0x53: {  	_ =	swait.ge [sflag:s0], $0x4000  }
0x54: {  	[sflag:s0] =	ssyncset.done $0x0  }
0x55: {  	[sflag:s0] =	ssyncadd.s32 $0xFFFFC000  }
0x56: {  	[tilespmem:s20], [sflag:$0x1] =	stream.indirect.gather [hbm4b:s2+s19], $0x80, s29, s19, $0xb8;
	[tilespmem:$0x8880] =	vst v63  }
0x57: {  	_ = 	snop  }
0x58: {  	[hbm4b:s10+s3] =	stream.linear.scatter [tilespmem:s23], [sflag:$0x2], $0x4000, $0x38;
	[tilespmem:$0x8880] =	vst v63  }
0x59: {  	_ =	swait.ge [sflag:s22], $0x4000  }
0x5a: {  	[sflag:s22] =	ssyncset.done $0x0  }
0x5b: {  	[sflag:s22] =	ssyncadd.s32 $0xFFFFC000  }
0x5c: {  	_ =	swait.ge [sflag:s0], $0x4000  }
0x5d: {  	[sflag:s0] =	ssyncset.done $0x0  }
0x5e: {  	[sflag:s0] =	ssyncadd.s32 $0xFFFFC000  }
0x5f: {  	[tilespmem:s23], [sflag:$0x1] =	stream.indirect.gather [hbm4b:s2+s19], $0x80, s30, s19, $0xb8;
	[tilespmem:$0x8880] =	vst v63  }
0x60: {  	_ = 	snop  }
0x61: {  	[hbm4b:s11+s3] =	stream.linear.scatter [tilespmem:s20], [sflag:$0x2], $0x4000, $0x38;
	[tilespmem:$0x8880] =	vst v63  }
0x62: {  	_ =	swait.ge [sflag:s22], $0x4000  }
0x63: {  	[sflag:s22] =	ssyncset.done $0x0  }
0x64: {  	[sflag:s22] =	ssyncadd.s32 $0xFFFFC000  }
0x65: {  	_ =	swait.ge [sflag:s0], $0x4000  }
0x66: {  	[sflag:s0] =	ssyncset.done $0x0  }
0x67: {  	[sflag:s0] =	ssyncadd.s32 $0xFFFFC000  }
0x68: {  	[tilespmem:s20], [sflag:$0x1] =	stream.indirect.gather [hbm4b:s2+s19], $0x80, s31, s19, $0xb8;
	[tilespmem:$0x8880] =	vst v63  }
.Ltmp3:
0x69: {  	_ = 	snop;
	(pc) =	sbr.rel .LBB2_4-.Ltmp3, $4  }
0x6a: {  	[hbm4b:s12+s3] =	stream.linear.scatter [tilespmem:s23], [sflag:$0x2], $0x4000, $0x38;
	[tilespmem:$0x8880] =	vst v63  }
0x6b: {  	_ =	swait.ge [sflag:s22], $0x4000  }
0x6c: {  	[sflag:s22] =	ssyncset.done $0x0  }
0x6d: {  	s13 =	smov.u32 s1;
	[sflag:s22] =	ssyncadd.s32 $0xFFFFC000  }
.LBB2_5:
0x6e: {  	_ =	sfence.sel $0x180000  }
0x6f: {  	[bflag:$0x0] =	sbarrier.arrive $0xFFFF  }
0x70: {  	_ =	strace $0x90000047  }
0x71: {  	s0 =	stileid.u32;
	[bflag:$0x2] =	sbarrier.arrive $0xFFFF  }
0x72: {  	p0 =	sne.s32 s0, $0x0;
	s0 =	rddreg [dreg:$0x2]  }
0x73: {  	s0 =	sadd.s32 @!p0 $0x100000, s0  }
0x74: {  	[sflag:s0] =	ssyncadd.tile.s32 @!p0 $0x1;
	_ =	shalt  }
.Lfunc_end2:
_tile_overlayer_lowered:
.L_overlay_start_2:
0x75: {  	(tag) =	ssettag $0x2  }
0x76: {  	s0 =	rddreg [dreg:$0x0];
	s2 =	stileid.u32  }
0x77: {  	s1 =	rddreg [dreg:$0x1];
	p0 =	sne.s32 s2, $0x0  }
0x78: {  	s3 =	rddreg [dreg:$0x2];
	[bflag:$0x3] =	sbarrier.arrive $0xFFFF;
	s2 =	simm.s32 @!p0 $0x1C03  }
0x79: {  	[timem:s3], [sflag:s2] =	dma.local @!p0 [hbm:s0], s1  }
0x7a: {  	s0 =	simm.s32 @!p0 $0x3  }
0x7b: {  	_ =	swait.ge @!p0 [sflag:s0], s1  }
0x7c: {  	s1 =	ssub.s32 @!p0 $0x0, s1;
	[sflag:s0] =	ssyncset.done @!p0 $0x0  }
0x7d: {  	[sflag:s0] =	ssyncadd.s32 @!p0 s1  }
0x7e: {  	[bflag:$0x3] =	sbarrier.arrive $0xFFFF  }
0x7f: {  	_ =	shalt  }

</sc_bundles>
